<compile_context>
chip_gen: v7x
topology: tpu7x:2x2x1
jax: 0.10.2.dev20260603
libtpu: 0.0.44.dev20260713+nightly
codegen_flags: <defaults>
</compile_context>

<pallas_src>
import functools

import jax
import jax.numpy as jnp
from jax import lax
from jax.experimental import pallas as pl
from jax.experimental.pallas import tpu as pltpu
from jax.experimental.pallas import tpu_sc as plsc

N_NODES = 10000
D = 128
E = 320000

NC = 2
NS = 16
NW = NC * NS
CHUNK = 256
ZCHUNK = 128
ROWS_PER_TILE = 640
NP = NS * ROWS_PER_TILE
NCHUNK = (E // NW + CHUNK - 1) // CHUNK
EPW = NCHUNK * CHUNK
EP = EPW * NW

_MESH = plsc.VectorSubcoreMesh(core_axis_name="c", subcore_axis_name="s",
                               num_cores=NC, num_subcores=NS)


def _sc_agg_body(x_hbm, src_hbm, dst_hbm, zrows_hbm, agg_hbm,
                 sidx_v, didx_v, rows_v, acc_sh, sem):
    c = lax.axis_index("c")
    s = lax.axis_index("s")
    wid = c * NS + s
    row0 = s * ROWS_PER_TILE

    pltpu.sync_copy(zrows_hbm, rows_v.at[pl.ds(0, ZCHUNK)])
    for k in range(ROWS_PER_TILE // ZCHUNK):
        pltpu.sync_copy(rows_v.at[pl.ds(0, ZCHUNK)],
                        acc_sh.at[pl.ds(row0 + k * ZCHUNK, ZCHUNK)])
    plsc.subcore_barrier()

    ebase = wid * EPW

    def step(j, carry):
        off = ebase + j * CHUNK
        pltpu.sync_copy(src_hbm.at[pl.ds(off, CHUNK)], sidx_v)
        pltpu.sync_copy(dst_hbm.at[pl.ds(off, CHUNK)], didx_v)
        pltpu.async_copy(x_hbm.at[sidx_v], rows_v, sem).wait()
        pltpu.sync_copy(rows_v, acc_sh.at[didx_v], add=True)
        return carry

    lax.fori_loop(0, NCHUNK, step, 0)
    plsc.subcore_barrier()

    for k in range(ROWS_PER_TILE // ZCHUNK):
        r = row0 + k * ZCHUNK
        pltpu.sync_copy(acc_sh.at[pl.ds(r, ZCHUNK)], rows_v.at[pl.ds(0, ZCHUNK)])
        pltpu.sync_copy(rows_v.at[pl.ds(0, ZCHUNK)], agg_hbm.at[c, pl.ds(r, ZCHUNK)])


_sc_agg = pl.kernel(
    _sc_agg_body,
    out_type=jax.ShapeDtypeStruct((NC, NP, D), jnp.float32),
    mesh=_MESH,
    scratch_types=[
        pltpu.VMEM((CHUNK,), jnp.int32),
        pltpu.VMEM((CHUNK,), jnp.int32),
        pltpu.VMEM((CHUNK, D), jnp.float32),
        pltpu.VMEM_SHARED((NP, D), jnp.float32),
        pltpu.SemaphoreType.DMA,
    ],
)


def _tc_dense_body(relu, x_ref, a0_ref, a1_ref, d0_ref, d1_ref,
                   ws_ref, wn_ref, b_ref, o_ref):
    a = a0_ref[0] + a1_ref[0]
    dsum = d0_ref[0, :, 0:1] + d1_ref[0, :, 0:1]
    mean = a * (1.0 / jnp.maximum(dsum, 1.0))
    out = (jnp.dot(x_ref[...], ws_ref[...], preferred_element_type=jnp.float32)
           + jnp.dot(mean, wn_ref[...], preferred_element_type=jnp.float32)
           + b_ref[...])
    if relu:
        out = jnp.maximum(out, 0.0)
    o_ref[...] = out


def _tc_dense(x, agg, deg, ws, wn, b, relu):
    BR = 1280
    grid = (NP // BR,)
    return pl.pallas_call(
        functools.partial(_tc_dense_body, relu),
        grid=grid,
        in_specs=[
            pl.BlockSpec((BR, D), lambda i: (i, 0)),
            pl.BlockSpec((1, BR, D), lambda i: (0, i, 0)),
            pl.BlockSpec((1, BR, D), lambda i: (1, i, 0)),
            pl.BlockSpec((1, BR, D), lambda i: (0, i, 0)),
            pl.BlockSpec((1, BR, D), lambda i: (1, i, 0)),
            pl.BlockSpec((D, D), lambda i: (0, 0)),
            pl.BlockSpec((D, D), lambda i: (0, 0)),
            pl.BlockSpec((1, D), lambda i: (0, 0)),
        ],
        out_specs=pl.BlockSpec((BR, D), lambda i: (i, 0)),
        out_shape=jax.ShapeDtypeStruct((NP, D), jnp.float32),
    )(x, agg, agg, deg, deg, ws, wn, b)


def kernel(features, edge_index, W1s, W1n, b1, W2s, W2n, b2, W3s, W3n, b3):
    src = edge_index[0].astype(jnp.int32)
    dst = edge_index[1].astype(jnp.int32)
    src = jnp.pad(src, (0, EP - E))
    dst = jnp.pad(dst, (0, EP - E), constant_values=N_NODES)
    x0 = jnp.pad(features, ((0, NP - N_NODES), (0, 0)))

    zrows = jnp.zeros((ZCHUNK, D), jnp.float32)
    ones_tab = jnp.ones((NP, D), jnp.float32)

    deg = _sc_agg(ones_tab, src, dst, zrows)
    agg1 = _sc_agg(x0, src, dst, zrows)
    x1 = _tc_dense(x0, agg1, deg, W1s, W1n, b1.reshape(1, D), relu=True)
    agg2 = _sc_agg(x1, src, dst, zrows)
    x2 = _tc_dense(x1, agg2, deg, W2s, W2n, b2.reshape(1, D), relu=True)
    agg3 = _sc_agg(x2, src, dst, zrows)
    x3 = _tc_dense(x2, agg3, deg, W3s, W3n, b3.reshape(1, D), relu=False)
    return x3[:N_NODES]

# --- scband reference (transcript-rebuilt; emitter-appended) ---
"""Pipeline reference for scband-embedding-network-34514357191319 (READ-ONLY COPY).

The authoritative reference and input builder live on the scoring server;
editing this copy changes nothing except your own understanding.
"""

import jax, jax.numpy as jnp
import numpy as np

N_NODES = 10000
N_EDGES = 320000
D_IN = 128
D_HID = 128
D_OUT = 128


def setup_inputs(seed: int = 0) -> dict:
    key = jax.random.key(seed)
    ks = jax.random.split(key, 12)
    features = jax.random.normal(ks[0], (N_NODES, D_IN), dtype=jnp.float32)
    edge_index = jax.random.randint(ks[1], (2, N_EDGES), 0, N_NODES, dtype=jnp.int64)
    def lin(k, fan_in, fan_out):
        s = 1.0 / np.sqrt(fan_in)
        return jax.random.uniform(k, (fan_in, fan_out), dtype=jnp.float32, minval=-s, maxval=s)
    W1s = lin(ks[2], D_IN, D_HID)
    W1n = lin(ks[3], D_IN, D_HID)
    b1 = jnp.zeros((D_HID,), dtype=jnp.float32)
    W2s = lin(ks[4], D_HID, D_HID)
    W2n = lin(ks[5], D_HID, D_HID)
    b2 = jnp.zeros((D_HID,), dtype=jnp.float32)
    W3s = lin(ks[6], D_HID, D_OUT)
    W3n = lin(ks[7], D_HID, D_OUT)
    b3 = jnp.zeros((D_OUT,), dtype=jnp.float32)
    return {"features": features, "edge_index": edge_index,
            "W1s": W1s, "W1n": W1n, "b1": b1,
            "W2s": W2s, "W2n": W2n, "b2": b2,
            "W3s": W3s, "W3n": W3n, "b3": b3}


def _sage_conv(x, src, dst, Wself, Wneigh, b):
    # DGL SAGEConv with aggregator_type='mean':
    # h = fc_self(x) + fc_neigh(mean_{u in N(v)} x_u) + bias
    msg = jnp.take(x, src, axis=0)                                  # gather [E, d]
    agg = jax.ops.segment_sum(msg, dst, num_segments=N_NODES)       # scatter-add [N, d]
    deg = jax.ops.segment_sum(jnp.ones((src.shape[0],), dtype=x.dtype), dst,
                              num_segments=N_NODES)
    mean_neigh = agg / jnp.maximum(deg, 1.0)[:, None]
    return x @ Wself + mean_neigh @ Wneigh + b


def reference(features, edge_index, W1s, W1n, b1, W2s, W2n, b2, W3s, W3n, b3):
    src = edge_index[0]
    dst = edge_index[1]
    x = features.reshape(features.shape[0], -1)   # nn.Flatten (no-op for 2D)
    x = jax.nn.relu(_sage_conv(x, src, dst, W1s, W1n, b1))
    x = jax.nn.relu(_sage_conv(x, src, dst, W2s, W2n, b2))
    x = _sage_conv(x, src, dst, W3s, W3n, b3)
    return x

if __name__ == "__main__":
    import jax
    _d = setup_inputs()
    print(jax.jit(kernel)(*tuple(_d.values())))

</pallas_src>

<mosaic_0001>
#map = affine_map<(d0, d1) -> (0, 0)>
#map1 = affine_map<(d0, d1) -> (0)>
#map2 = affine_map<(d0, d1) -> (0, 0, 0)>
module attributes {stable_mosaic.version = 14 : i64} {
  func.func @_sc_agg_body(%arg0: i32, %arg1: i32, %arg2: memref<10240x128xf32, #tpu.memory_space<hbm>>, %arg3: memref<327680xi32, #tpu.memory_space<hbm>>, %arg4: memref<327680xi32, #tpu.memory_space<hbm>>, %arg5: memref<128x128xf32, #tpu.memory_space<hbm>>, %arg6: memref<2x10240x128xf32, #tpu.memory_space<hbm>>, %arg7: memref<256xi32, #tpu.memory_space<vmem>>, %arg8: memref<256xi32, #tpu.memory_space<vmem>>, %arg9: memref<256x128xf32, #tpu.memory_space<vmem>>, %arg10: memref<10240x128xf32, #tpu.memory_space<vmem_shared>>, %arg11: memref<!tpu.dma_semaphore, #tpu.memory_space<semaphore_mem>>) attributes {dimension_semantics = [#tpu.dimension_semantics<core_parallel>, #tpu.dimension_semantics<subcore_parallel>], iteration_bounds = array<i64: 2, 16>, scalar_prefetch = 0 : i64, scratch_operands = 5 : i64, tpu.core_type = #tpu.core_type<sc_vector_subcore>, window_params = [{transform_indices = #map}, {transform_indices = #map1}, {transform_indices = #map1}, {transform_indices = #map}, {transform_indices = #map2}]} {
    %mul3A = arith.constant 16 : i32
    %mul3A_0 = arith.muli %arg0, %mul3A : i32
    %add3A = arith.addi %mul3A_0, %arg1 : i32
    %mul3A_1 = arith.constant 640 : i32
    %mul3A_2 = arith.muli %arg1, %mul3A_1 : i32
    "tpu.region"() ({
      %run_scoped3A = tpu.sem_alloc : memref<!tpu.dma_semaphore, #tpu.memory_space<semaphore_mem>>
      %dma_start3A = arith.constant 0 : i32
      %dma_start3A_31 = arith.constant 0 : i32
      %dma_start3A_32 = tpu.memref_slice %arg9[%dma_start3A, %dma_start3A_31] : memref<256x128xf32, #tpu.memory_space<vmem>> -> memref<128x128xf32, #tpu.memory_space<vmem>>
      %dma_start3A_33 = arith.constant 0 : i32
      %dma_start3A_34 = arith.constant 0 : i32
      %dma_start3A_35 = tpu.memref_slice %arg9[%dma_start3A_33, %dma_start3A_34] : memref<256x128xf32, #tpu.memory_space<vmem>> -> memref<128x128xf32, #tpu.memory_space<vmem>>
      tpu.enqueue_dma source(%arg5 : memref<128x128xf32, #tpu.memory_space<hbm>>) target(%dma_start3A_35 : memref<128x128xf32, #tpu.memory_space<vmem>>) target_semaphore(%run_scoped3A : memref<!tpu.dma_semaphore, #tpu.memory_space<semaphore_mem>>)
      %dma_wait3A = arith.constant 0 : i32
      %dma_wait3A_36 = arith.constant 0 : i32
      %dma_wait3A_37 = tpu.memref_slice %arg9[%dma_wait3A, %dma_wait3A_36] : memref<256x128xf32, #tpu.memory_space<vmem>> -> memref<128x128xf32, #tpu.memory_space<vmem>>
      %dma_wait3A_38 = arith.constant 0 : i32
      %dma_wait3A_39 = arith.constant 0 : i32
      %dma_wait3A_40 = tpu.memref_slice %arg9[%dma_wait3A_38, %dma_wait3A_39] : memref<256x128xf32, #tpu.memory_space<vmem>> -> memref<128x128xf32, #tpu.memory_space<vmem>>
      tpu.wait_dma2 semaphore(%run_scoped3A : memref<!tpu.dma_semaphore, #tpu.memory_space<semaphore_mem>>) src(%arg5 : memref<128x128xf32, #tpu.memory_space<hbm>>) dst(%dma_wait3A_40 : memref<128x128xf32, #tpu.memory_space<vmem>>)
      tpu.yield
    }) : () -> ()
    %add3A_3 = arith.constant 0 : i32
    %add3A_4 = arith.addi %mul3A_2, %add3A_3 : i32
    "tpu.region"() ({
      %run_scoped3A = tpu.sem_alloc : memref<!tpu.dma_semaphore, #tpu.memory_space<semaphore_mem>>
      %dma_start3A = arith.constant 0 : i32
      %dma_start3A_31 = arith.constant 0 : i32
      %dma_start3A_32 = tpu.memref_slice %arg9[%dma_start3A, %dma_start3A_31] : memref<256x128xf32, #tpu.memory_space<vmem>> -> memref<128x128xf32, #tpu.memory_space<vmem>>
      %dma_start3A_33 = arith.constant 0 : i32
      %dma_start3A_34 = tpu.memref_slice %arg10[%add3A_4, %dma_start3A_33] : memref<10240x128xf32, #tpu.memory_space<vmem_shared>> -> memref<128x128xf32, #tpu.memory_space<vmem_shared>>
      %dma_start3A_35 = arith.constant 0 : i32
      %dma_start3A_36 = tpu.memref_slice %arg10[%add3A_4, %dma_start3A_35] : memref<10240x128xf32, #tpu.memory_space<vmem_shared>> -> memref<128x128xf32, #tpu.memory_space<vmem_shared>>
      %dma_start3A_37 = arith.constant 0 : i32
      %dma_start3A_38 = arith.constant 0 : i32
      %dma_start3A_39 = tpu.memref_slice %arg9[%dma_start3A_37, %dma_start3A_38] : memref<256x128xf32, #tpu.memory_space<vmem>> -> memref<128x128xf32, #tpu.memory_space<vmem>>
      tpu.enqueue_dma source(%dma_start3A_39 : memref<128x128xf32, #tpu.memory_space<vmem>>) target(%dma_start3A_36 : memref<128x128xf32, #tpu.memory_space<vmem_shared>>) target_semaphore(%run_scoped3A : memref<!tpu.dma_semaphore, #tpu.memory_space<semaphore_mem>>)
      %dma_wait3A = arith.constant 0 : i32
      %dma_wait3A_40 = arith.constant 0 : i32
      %dma_wait3A_41 = tpu.memref_slice %arg9[%dma_wait3A, %dma_wait3A_40] : memref<256x128xf32, #tpu.memory_space<vmem>> -> memref<128x128xf32, #tpu.memory_space<vmem>>
      %dma_wait3A_42 = arith.constant 0 : i32
      %dma_wait3A_43 = tpu.memref_slice %arg10[%add3A_4, %dma_wait3A_42] : memref<10240x128xf32, #tpu.memory_space<vmem_shared>> -> memref<128x128xf32, #tpu.memory_space<vmem_shared>>
      %dma_wait3A_44 = arith.constant 0 : i32
      %dma_wait3A_45 = tpu.memref_slice %arg10[%add3A_4, %dma_wait3A_44] : memref<10240x128xf32, #tpu.memory_space<vmem_shared>> -> memref<128x128xf32, #tpu.memory_space<vmem_shared>>
      %dma_wait3A_46 = arith.constant 0 : i32
      %dma_wait3A_47 = arith.constant 0 : i32
      %dma_wait3A_48 = tpu.memref_slice %arg9[%dma_wait3A_46, %dma_wait3A_47] : memref<256x128xf32, #tpu.memory_space<vmem>> -> memref<128x128xf32, #tpu.memory_space<vmem>>
      tpu.wait_dma2 semaphore(%run_scoped3A : memref<!tpu.dma_semaphore, #tpu.memory_space<semaphore_mem>>) src(%dma_wait3A_48 : memref<128x128xf32, #tpu.memory_space<vmem>>) dst(%dma_wait3A_45 : memref<128x128xf32, #tpu.memory_space<vmem_shared>>)
      tpu.yield
    }) : () -> ()
    %add3A_5 = arith.constant 128 : i32
    %add3A_6 = arith.addi %mul3A_2, %add3A_5 : i32
    "tpu.region"() ({
      %run_scoped3A = tpu.sem_alloc : memref<!tpu.dma_semaphore, #tpu.memory_space<semaphore_mem>>
      %dma_start3A = arith.constant 0 : i32
      %dma_start3A_31 = arith.constant 0 : i32
      %dma_start3A_32 = tpu.memref_slice %arg9[%dma_start3A, %dma_start3A_31] : memref<256x128xf32, #tpu.memory_space<vmem>> -> memref<128x128xf32, #tpu.memory_space<vmem>>
      %dma_start3A_33 = arith.constant 0 : i32
      %dma_start3A_34 = tpu.memref_slice %arg10[%add3A_6, %dma_start3A_33] : memref<10240x128xf32, #tpu.memory_space<vmem_shared>> -> memref<128x128xf32, #tpu.memory_space<vmem_shared>>
      %dma_start3A_35 = arith.constant 0 : i32
      %dma_start3A_36 = tpu.memref_slice %arg10[%add3A_6, %dma_start3A_35] : memref<10240x128xf32, #tpu.memory_space<vmem_shared>> -> memref<128x128xf32, #tpu.memory_space<vmem_shared>>
      %dma_start3A_37 = arith.constant 0 : i32
      %dma_start3A_38 = arith.constant 0 : i32
      %dma_start3A_39 = tpu.memref_slice %arg9[%dma_start3A_37, %dma_start3A_38] : memref<256x128xf32, #tpu.memory_space<vmem>> -> memref<128x128xf32, #tpu.memory_space<vmem>>
      tpu.enqueue_dma source(%dma_start3A_39 : memref<128x128xf32, #tpu.memory_space<vmem>>) target(%dma_start3A_36 : memref<128x128xf32, #tpu.memory_space<vmem_shared>>) target_semaphore(%run_scoped3A : memref<!tpu.dma_semaphore, #tpu.memory_space<semaphore_mem>>)
      %dma_wait3A = arith.constant 0 : i32
      %dma_wait3A_40 = arith.constant 0 : i32
      %dma_wait3A_41 = tpu.memref_slice %arg9[%dma_wait3A, %dma_wait3A_40] : memref<256x128xf32, #tpu.memory_space<vmem>> -> memref<128x128xf32, #tpu.memory_space<vmem>>
      %dma_wait3A_42 = arith.constant 0 : i32
      %dma_wait3A_43 = tpu.memref_slice %arg10[%add3A_6, %dma_wait3A_42] : memref<10240x128xf32, #tpu.memory_space<vmem_shared>> -> memref<128x128xf32, #tpu.memory_space<vmem_shared>>
      %dma_wait3A_44 = arith.constant 0 : i32
      %dma_wait3A_45 = tpu.memref_slice %arg10[%add3A_6, %dma_wait3A_44] : memref<10240x128xf32, #tpu.memory_space<vmem_shared>> -> memref<128x128xf32, #tpu.memory_space<vmem_shared>>
      %dma_wait3A_46 = arith.constant 0 : i32
      %dma_wait3A_47 = arith.constant 0 : i32
      %dma_wait3A_48 = tpu.memref_slice %arg9[%dma_wait3A_46, %dma_wait3A_47] : memref<256x128xf32, #tpu.memory_space<vmem>> -> memref<128x128xf32, #tpu.memory_space<vmem>>
      tpu.wait_dma2 semaphore(%run_scoped3A : memref<!tpu.dma_semaphore, #tpu.memory_space<semaphore_mem>>) src(%dma_wait3A_48 : memref<128x128xf32, #tpu.memory_space<vmem>>) dst(%dma_wait3A_45 : memref<128x128xf32, #tpu.memory_space<vmem_shared>>)
      tpu.yield
    }) : () -> ()
    %add3A_7 = arith.constant 256 : i32
    %add3A_8 = arith.addi %mul3A_2, %add3A_7 : i32
    "tpu.region"() ({
      %run_scoped3A = tpu.sem_alloc : memref<!tpu.dma_semaphore, #tpu.memory_space<semaphore_mem>>
      %dma_start3A = arith.constant 0 : i32
      %dma_start3A_31 = arith.constant 0 : i32
      %dma_start3A_32 = tpu.memref_slice %arg9[%dma_start3A, %dma_start3A_31] : memref<256x128xf32, #tpu.memory_space<vmem>> -> memref<128x128xf32, #tpu.memory_space<vmem>>
      %dma_start3A_33 = arith.constant 0 : i32
      %dma_start3A_34 = tpu.memref_slice %arg10[%add3A_8, %dma_start3A_33] : memref<10240x128xf32, #tpu.memory_space<vmem_shared>> -> memref<128x128xf32, #tpu.memory_space<vmem_shared>>
      %dma_start3A_35 = arith.constant 0 : i32
      %dma_start3A_36 = tpu.memref_slice %arg10[%add3A_8, %dma_start3A_35] : memref<10240x128xf32, #tpu.memory_space<vmem_shared>> -> memref<128x128xf32, #tpu.memory_space<vmem_shared>>
      %dma_start3A_37 = arith.constant 0 : i32
      %dma_start3A_38 = arith.constant 0 : i32
      %dma_start3A_39 = tpu.memref_slice %arg9[%dma_start3A_37, %dma_start3A_38] : memref<256x128xf32, #tpu.memory_space<vmem>> -> memref<128x128xf32, #tpu.memory_space<vmem>>
      tpu.enqueue_dma source(%dma_start3A_39 : memref<128x128xf32, #tpu.memory_space<vmem>>) target(%dma_start3A_36 : memref<128x128xf32, #tpu.memory_space<vmem_shared>>) target_semaphore(%run_scoped3A : memref<!tpu.dma_semaphore, #tpu.memory_space<semaphore_mem>>)
      %dma_wait3A = arith.constant 0 : i32
      %dma_wait3A_40 = arith.constant 0 : i32
      %dma_wait3A_41 = tpu.memref_slice %arg9[%dma_wait3A, %dma_wait3A_40] : memref<256x128xf32, #tpu.memory_space<vmem>> -> memref<128x128xf32, #tpu.memory_space<vmem>>
      %dma_wait3A_42 = arith.constant 0 : i32
      %dma_wait3A_43 = tpu.memref_slice %arg10[%add3A_8, %dma_wait3A_42] : memref<10240x128xf32, #tpu.memory_space<vmem_shared>> -> memref<128x128xf32, #tpu.memory_space<vmem_shared>>
      %dma_wait3A_44 = arith.constant 0 : i32
      %dma_wait3A_45 = tpu.memref_slice %arg10[%add3A_8, %dma_wait3A_44] : memref<10240x128xf32, #tpu.memory_space<vmem_shared>> -> memref<128x128xf32, #tpu.memory_space<vmem_shared>>
      %dma_wait3A_46 = arith.constant 0 : i32
      %dma_wait3A_47 = arith.constant 0 : i32
      %dma_wait3A_48 = tpu.memref_slice %arg9[%dma_wait3A_46, %dma_wait3A_47] : memref<256x128xf32, #tpu.memory_space<vmem>> -> memref<128x128xf32, #tpu.memory_space<vmem>>
      tpu.wait_dma2 semaphore(%run_scoped3A : memref<!tpu.dma_semaphore, #tpu.memory_space<semaphore_mem>>) src(%dma_wait3A_48 : memref<128x128xf32, #tpu.memory_space<vmem>>) dst(%dma_wait3A_45 : memref<128x128xf32, #tpu.memory_space<vmem_shared>>)
      tpu.yield
    }) : () -> ()
    %add3A_9 = arith.constant 384 : i32
    %add3A_10 = arith.addi %mul3A_2, %add3A_9 : i32
    "tpu.region"() ({
      %run_scoped3A = tpu.sem_alloc : memref<!tpu.dma_semaphore, #tpu.memory_space<semaphore_mem>>
      %dma_start3A = arith.constant 0 : i32
      %dma_start3A_31 = arith.constant 0 : i32
      %dma_start3A_32 = tpu.memref_slice %arg9[%dma_start3A, %dma_start3A_31] : memref<256x128xf32, #tpu.memory_space<vmem>> -> memref<128x128xf32, #tpu.memory_space<vmem>>
      %dma_start3A_33 = arith.constant 0 : i32
      %dma_start3A_34 = tpu.memref_slice %arg10[%add3A_10, %dma_start3A_33] : memref<10240x128xf32, #tpu.memory_space<vmem_shared>> -> memref<128x128xf32, #tpu.memory_space<vmem_shared>>
      %dma_start3A_35 = arith.constant 0 : i32
      %dma_start3A_36 = tpu.memref_slice %arg10[%add3A_10, %dma_start3A_35] : memref<10240x128xf32, #tpu.memory_space<vmem_shared>> -> memref<128x128xf32, #tpu.memory_space<vmem_shared>>
      %dma_start3A_37 = arith.constant 0 : i32
      %dma_start3A_38 = arith.constant 0 : i32
      %dma_start3A_39 = tpu.memref_slice %arg9[%dma_start3A_37, %dma_start3A_38] : memref<256x128xf32, #tpu.memory_space<vmem>> -> memref<128x128xf32, #tpu.memory_space<vmem>>
      tpu.enqueue_dma source(%dma_start3A_39 : memref<128x128xf32, #tpu.memory_space<vmem>>) target(%dma_start3A_36 : memref<128x128xf32, #tpu.memory_space<vmem_shared>>) target_semaphore(%run_scoped3A : memref<!tpu.dma_semaphore, #tpu.memory_space<semaphore_mem>>)
      %dma_wait3A = arith.constant 0 : i32
      %dma_wait3A_40 = arith.constant 0 : i32
      %dma_wait3A_41 = tpu.memref_slice %arg9[%dma_wait3A, %dma_wait3A_40] : memref<256x128xf32, #tpu.memory_space<vmem>> -> memref<128x128xf32, #tpu.memory_space<vmem>>
      %dma_wait3A_42 = arith.constant 0 : i32
      %dma_wait3A_43 = tpu.memref_slice %arg10[%add3A_10, %dma_wait3A_42] : memref<10240x128xf32, #tpu.memory_space<vmem_shared>> -> memref<128x128xf32, #tpu.memory_space<vmem_shared>>
      %dma_wait3A_44 = arith.constant 0 : i32
      %dma_wait3A_45 = tpu.memref_slice %arg10[%add3A_10, %dma_wait3A_44] : memref<10240x128xf32, #tpu.memory_space<vmem_shared>> -> memref<128x128xf32, #tpu.memory_space<vmem_shared>>
      %dma_wait3A_46 = arith.constant 0 : i32
      %dma_wait3A_47 = arith.constant 0 : i32
      %dma_wait3A_48 = tpu.memref_slice %arg9[%dma_wait3A_46, %dma_wait3A_47] : memref<256x128xf32, #tpu.memory_space<vmem>> -> memref<128x128xf32, #tpu.memory_space<vmem>>
      tpu.wait_dma2 semaphore(%run_scoped3A : memref<!tpu.dma_semaphore, #tpu.memory_space<semaphore_mem>>) src(%dma_wait3A_48 : memref<128x128xf32, #tpu.memory_space<vmem>>) dst(%dma_wait3A_45 : memref<128x128xf32, #tpu.memory_space<vmem_shared>>)
      tpu.yield
    }) : () -> ()
    %add3A_11 = arith.constant 512 : i32
    %add3A_12 = arith.addi %mul3A_2, %add3A_11 : i32
    "tpu.region"() ({
      %run_scoped3A = tpu.sem_alloc : memref<!tpu.dma_semaphore, #tpu.memory_space<semaphore_mem>>
      %dma_start3A = arith.constant 0 : i32
      %dma_start3A_31 = arith.constant 0 : i32
      %dma_start3A_32 = tpu.memref_slice %arg9[%dma_start3A, %dma_start3A_31] : memref<256x128xf32, #tpu.memory_space<vmem>> -> memref<128x128xf32, #tpu.memory_space<vmem>>
      %dma_start3A_33 = arith.constant 0 : i32
      %dma_start3A_34 = tpu.memref_slice %arg10[%add3A_12, %dma_start3A_33] : memref<10240x128xf32, #tpu.memory_space<vmem_shared>> -> memref<128x128xf32, #tpu.memory_space<vmem_shared>>
      %dma_start3A_35 = arith.constant 0 : i32
      %dma_start3A_36 = tpu.memref_slice %arg10[%add3A_12, %dma_start3A_35] : memref<10240x128xf32, #tpu.memory_space<vmem_shared>> -> memref<128x128xf32, #tpu.memory_space<vmem_shared>>
      %dma_start3A_37 = arith.constant 0 : i32
      %dma_start3A_38 = arith.constant 0 : i32
      %dma_start3A_39 = tpu.memref_slice %arg9[%dma_start3A_37, %dma_start3A_38] : memref<256x128xf32, #tpu.memory_space<vmem>> -> memref<128x128xf32, #tpu.memory_space<vmem>>
      tpu.enqueue_dma source(%dma_start3A_39 : memref<128x128xf32, #tpu.memory_space<vmem>>) target(%dma_start3A_36 : memref<128x128xf32, #tpu.memory_space<vmem_shared>>) target_semaphore(%run_scoped3A : memref<!tpu.dma_semaphore, #tpu.memory_space<semaphore_mem>>)
      %dma_wait3A = arith.constant 0 : i32
      %dma_wait3A_40 = arith.constant 0 : i32
      %dma_wait3A_41 = tpu.memref_slice %arg9[%dma_wait3A, %dma_wait3A_40] : memref<256x128xf32, #tpu.memory_space<vmem>> -> memref<128x128xf32, #tpu.memory_space<vmem>>
      %dma_wait3A_42 = arith.constant 0 : i32
      %dma_wait3A_43 = tpu.memref_slice %arg10[%add3A_12, %dma_wait3A_42] : memref<10240x128xf32, #tpu.memory_space<vmem_shared>> -> memref<128x128xf32, #tpu.memory_space<vmem_shared>>
      %dma_wait3A_44 = arith.constant 0 : i32
      %dma_wait3A_45 = tpu.memref_slice %arg10[%add3A_12, %dma_wait3A_44] : memref<10240x128xf32, #tpu.memory_space<vmem_shared>> -> memref<128x128xf32, #tpu.memory_space<vmem_shared>>
      %dma_wait3A_46 = arith.constant 0 : i32
      %dma_wait3A_47 = arith.constant 0 : i32
      %dma_wait3A_48 = tpu.memref_slice %arg9[%dma_wait3A_46, %dma_wait3A_47] : memref<256x128xf32, #tpu.memory_space<vmem>> -> memref<128x128xf32, #tpu.memory_space<vmem>>
      tpu.wait_dma2 semaphore(%run_scoped3A : memref<!tpu.dma_semaphore, #tpu.memory_space<semaphore_mem>>) src(%dma_wait3A_48 : memref<128x128xf32, #tpu.memory_space<vmem>>) dst(%dma_wait3A_45 : memref<128x128xf32, #tpu.memory_space<vmem_shared>>)
      tpu.yield
    }) : () -> ()
    %barrier3A = arith.constant 0 : index
    tpu.barrier barrier_id(%barrier3A)
    %mul3A_13 = arith.constant 10240 : i32
    %mul3A_14 = arith.muli %add3A, %mul3A_13 : i32
    %scan3A = arith.constant 0 : i32
    %scan3A_15 = arith.constant 0 : i32
    %scan3A_16 = arith.constant 40 : i32
    %scan3A_17 = arith.addi %scan3A_15, %scan3A_16 : i32
    %scan3A_18 = arith.constant 1 : i32
    scf.for %scan3A_31 = %scan3A_15 to %scan3A_17 step %scan3A_18  : i32 {
      %mul3A_32 = arith.constant 256 : i32
      %mul3A_33 = arith.muli %scan3A_31, %mul3A_32 : i32
      %add3A_34 = arith.addi %mul3A_14, %mul3A_33 : i32
      "tpu.region"() ({
        %run_scoped3A = tpu.sem_alloc : memref<!tpu.dma_semaphore, #tpu.memory_space<semaphore_mem>>
        %dma_start3A_39 = tpu.memref_slice %arg3[%add3A_34] : memref<327680xi32, #tpu.memory_space<hbm>> -> memref<256xi32, #tpu.memory_space<hbm>>
        %dma_start3A_40 = tpu.memref_slice %arg3[%add3A_34] : memref<327680xi32, #tpu.memory_space<hbm>> -> memref<256xi32, #tpu.memory_space<hbm>>
        tpu.enqueue_dma source(%dma_start3A_40 : memref<256xi32, #tpu.memory_space<hbm>>) target(%arg7 : memref<256xi32, #tpu.memory_space<vmem>>) target_semaphore(%run_scoped3A : memref<!tpu.dma_semaphore, #tpu.memory_space<semaphore_mem>>)
        %dma_wait3A_41 = tpu.memref_slice %arg3[%add3A_34] : memref<327680xi32, #tpu.memory_space<hbm>> -> memref<256xi32, #tpu.memory_space<hbm>>
        %dma_wait3A_42 = tpu.memref_slice %arg3[%add3A_34] : memref<327680xi32, #tpu.memory_space<hbm>> -> memref<256xi32, #tpu.memory_space<hbm>>
        tpu.wait_dma2 semaphore(%run_scoped3A : memref<!tpu.dma_semaphore, #tpu.memory_space<semaphore_mem>>) src(%dma_wait3A_42 : memref<256xi32, #tpu.memory_space<hbm>>) dst(%arg7 : memref<256xi32, #tpu.memory_space<vmem>>)
        tpu.yield
      }) : () -> ()
      "tpu.region"() ({
        %run_scoped3A = tpu.sem_alloc : memref<!tpu.dma_semaphore, #tpu.memory_space<semaphore_mem>>
        %dma_start3A_39 = tpu.memref_slice %arg4[%add3A_34] : memref<327680xi32, #tpu.memory_space<hbm>> -> memref<256xi32, #tpu.memory_space<hbm>>
        %dma_start3A_40 = tpu.memref_slice %arg4[%add3A_34] : memref<327680xi32, #tpu.memory_space<hbm>> -> memref<256xi32, #tpu.memory_space<hbm>>
        tpu.enqueue_dma source(%dma_start3A_40 : memref<256xi32, #tpu.memory_space<hbm>>) target(%arg8 : memref<256xi32, #tpu.memory_space<vmem>>) target_semaphore(%run_scoped3A : memref<!tpu.dma_semaphore, #tpu.memory_space<semaphore_mem>>)
        %dma_wait3A_41 = tpu.memref_slice %arg4[%add3A_34] : memref<327680xi32, #tpu.memory_space<hbm>> -> memref<256xi32, #tpu.memory_space<hbm>>
        %dma_wait3A_42 = tpu.memref_slice %arg4[%add3A_34] : memref<327680xi32, #tpu.memory_space<hbm>> -> memref<256xi32, #tpu.memory_space<hbm>>
        tpu.wait_dma2 semaphore(%run_scoped3A : memref<!tpu.dma_semaphore, #tpu.memory_space<semaphore_mem>>) src(%dma_wait3A_42 : memref<256xi32, #tpu.memory_space<hbm>>) dst(%arg8 : memref<256xi32, #tpu.memory_space<vmem>>)
        tpu.yield
      }) : () -> ()
      %dma_start3A = arith.constant 0 : i32
      %dma_start3A_35 = arith.constant 0 : i32
      %dma_start3A_36 = tpu.memref_slice %arg2[%dma_start3A, %dma_start3A_35] : memref<10240x128xf32, #tpu.memory_space<hbm>> -> memref<10240x128xf32, #tpu.memory_space<hbm>>
      tpu.enqueue_indirect_dma source(%dma_start3A_36 : memref<10240x128xf32, #tpu.memory_space<hbm>>) target(%arg9 : memref<256x128xf32, #tpu.memory_space<vmem>>) offsets(%arg7 : memref<256xi32, #tpu.memory_space<vmem>>) semaphore(%arg11 : memref<!tpu.dma_semaphore, #tpu.memory_space<semaphore_mem>>)
      %dma_wait3A = arith.constant 0 : i32
      %dma_wait3A_37 = arith.constant 0 : i32
      %dma_wait3A_38 = tpu.memref_slice %arg2[%dma_wait3A, %dma_wait3A_37] : memref<10240x128xf32, #tpu.memory_space<hbm>> -> memref<10240x128xf32, #tpu.memory_space<hbm>>
      tpu.wait_indirect_dma semaphore(%arg11 : memref<!tpu.dma_semaphore, #tpu.memory_space<semaphore_mem>>) src(%dma_wait3A_38 : memref<10240x128xf32, #tpu.memory_space<hbm>>) dst(%arg9 : memref<256x128xf32, #tpu.memory_space<vmem>>)
      "tpu.region"() ({
        %run_scoped3A = tpu.sem_alloc : memref<!tpu.dma_semaphore, #tpu.memory_space<semaphore_mem>>
        %dma_start3A_39 = arith.constant 0 : i32
        %dma_start3A_40 = arith.constant 0 : i32
        %dma_start3A_41 = tpu.memref_slice %arg10[%dma_start3A_39, %dma_start3A_40] : memref<10240x128xf32, #tpu.memory_space<vmem_shared>> -> memref<10240x128xf32, #tpu.memory_space<vmem_shared>>
        tpu.enqueue_indirect_dma source(%arg9 : memref<256x128xf32, #tpu.memory_space<vmem>>) target(%dma_start3A_41 : memref<10240x128xf32, #tpu.memory_space<vmem_shared>>) offsets(%arg8 : memref<256xi32, #tpu.memory_space<vmem>>) semaphore(%run_scoped3A : memref<!tpu.dma_semaphore, #tpu.memory_space<semaphore_mem>>) {add = true}
        %dma_wait3A_42 = arith.constant 0 : i32
        %dma_wait3A_43 = arith.constant 0 : i32
        %dma_wait3A_44 = tpu.memref_slice %arg10[%dma_wait3A_42, %dma_wait3A_43] : memref<10240x128xf32, #tpu.memory_space<vmem_shared>> -> memref<10240x128xf32, #tpu.memory_space<vmem_shared>>
        tpu.wait_indirect_dma semaphore(%run_scoped3A : memref<!tpu.dma_semaphore, #tpu.memory_space<semaphore_mem>>) src(%arg9 : memref<256x128xf32, #tpu.memory_space<vmem>>) dst(%dma_wait3A_44 : memref<10240x128xf32, #tpu.memory_space<vmem_shared>>)
        tpu.yield
      }) : () -> ()
    }
    %scan3A_19 = arith.constant 40 : i32
    %barrier3A_20 = arith.constant 0 : index
    tpu.barrier barrier_id(%barrier3A_20)
    %add3A_21 = arith.constant 0 : i32
    %add3A_22 = arith.addi %mul3A_2, %add3A_21 : i32
    "tpu.region"() ({
      %run_scoped3A = tpu.sem_alloc : memref<!tpu.dma_semaphore, #tpu.memory_space<semaphore_mem>>
      %dma_start3A = arith.constant 0 : i32
      %dma_start3A_31 = arith.constant 0 : i32
      %dma_start3A_32 = tpu.memref_slice %arg9[%dma_start3A, %dma_start3A_31] : memref<256x128xf32, #tpu.memory_space<vmem>> -> memref<128x128xf32, #tpu.memory_space<vmem>>
      %dma_start3A_33 = arith.constant 0 : i32
      %dma_start3A_34 = tpu.memref_slice %arg10[%add3A_22, %dma_start3A_33] : memref<10240x128xf32, #tpu.memory_space<vmem_shared>> -> memref<128x128xf32, #tpu.memory_space<vmem_shared>>
      %dma_start3A_35 = arith.constant 0 : i32
      %dma_start3A_36 = arith.constant 0 : i32
      %dma_start3A_37 = tpu.memref_slice %arg9[%dma_start3A_35, %dma_start3A_36] : memref<256x128xf32, #tpu.memory_space<vmem>> -> memref<128x128xf32, #tpu.memory_space<vmem>>
      %dma_start3A_38 = arith.constant 0 : i32
      %dma_start3A_39 = tpu.memref_slice %arg10[%add3A_22, %dma_start3A_38] : memref<10240x128xf32, #tpu.memory_space<vmem_shared>> -> memref<128x128xf32, #tpu.memory_space<vmem_shared>>
      tpu.enqueue_dma source(%dma_start3A_39 : memref<128x128xf32, #tpu.memory_space<vmem_shared>>) target(%dma_start3A_37 : memref<128x128xf32, #tpu.memory_space<vmem>>) target_semaphore(%run_scoped3A : memref<!tpu.dma_semaphore, #tpu.memory_space<semaphore_mem>>)
      %dma_wait3A = arith.constant 0 : i32
      %dma_wait3A_40 = arith.constant 0 : i32
      %dma_wait3A_41 = tpu.memref_slice %arg9[%dma_wait3A, %dma_wait3A_40] : memref<256x128xf32, #tpu.memory_space<vmem>> -> memref<128x128xf32, #tpu.memory_space<vmem>>
      %dma_wait3A_42 = arith.constant 0 : i32
      %dma_wait3A_43 = tpu.memref_slice %arg10[%add3A_22, %dma_wait3A_42] : memref<10240x128xf32, #tpu.memory_space<vmem_shared>> -> memref<128x128xf32, #tpu.memory_space<vmem_shared>>
      %dma_wait3A_44 = arith.constant 0 : i32
      %dma_wait3A_45 = arith.constant 0 : i32
      %dma_wait3A_46 = tpu.memref_slice %arg9[%dma_wait3A_44, %dma_wait3A_45] : memref<256x128xf32, #tpu.memory_space<vmem>> -> memref<128x128xf32, #tpu.memory_space<vmem>>
      %dma_wait3A_47 = arith.constant 0 : i32
      %dma_wait3A_48 = tpu.memref_slice %arg10[%add3A_22, %dma_wait3A_47] : memref<10240x128xf32, #tpu.memory_space<vmem_shared>> -> memref<128x128xf32, #tpu.memory_space<vmem_shared>>
      tpu.wait_dma2 semaphore(%run_scoped3A : memref<!tpu.dma_semaphore, #tpu.memory_space<semaphore_mem>>) src(%dma_wait3A_48 : memref<128x128xf32, #tpu.memory_space<vmem_shared>>) dst(%dma_wait3A_46 : memref<128x128xf32, #tpu.memory_space<vmem>>)
      tpu.yield
    }) : () -> ()
    "tpu.region"() ({
      %run_scoped3A = tpu.sem_alloc : memref<!tpu.dma_semaphore, #tpu.memory_space<semaphore_mem>>
      %dma_start3A = arith.constant 0 : i32
      %dma_start3A_31 = arith.constant 0 : i32
      %dma_start3A_32 = tpu.memref_slice %arg9[%dma_start3A, %dma_start3A_31] : memref<256x128xf32, #tpu.memory_space<vmem>> -> memref<128x128xf32, #tpu.memory_space<vmem>>
      %dma_start3A_33 = arith.constant 0 : i32
      %dma_start3A_34 = tpu.memref_slice %arg6[%arg0, %add3A_22, %dma_start3A_33] : memref<2x10240x128xf32, #tpu.memory_space<hbm>> -> memref<1x128x128xf32, #tpu.memory_space<hbm>>
      %dma_start3A_35 = tpu.memref_squeeze %dma_start3A_34 : memref<1x128x128xf32, #tpu.memory_space<hbm>> -> memref<128x128xf32, #tpu.memory_space<hbm>>
      %dma_start3A_36 = arith.constant 0 : i32
      %dma_start3A_37 = tpu.memref_slice %arg6[%arg0, %add3A_22, %dma_start3A_36] : memref<2x10240x128xf32, #tpu.memory_space<hbm>> -> memref<1x128x128xf32, #tpu.memory_space<hbm>>
      %dma_start3A_38 = tpu.memref_squeeze %dma_start3A_37 : memref<1x128x128xf32, #tpu.memory_space<hbm>> -> memref<128x128xf32, #tpu.memory_space<hbm>>
      %dma_start3A_39 = arith.constant 0 : i32
      %dma_start3A_40 = arith.constant 0 : i32
      %dma_start3A_41 = tpu.memref_slice %arg9[%dma_start3A_39, %dma_start3A_40] : memref<256x128xf32, #tpu.memory_space<vmem>> -> memref<128x128xf32, #tpu.memory_space<vmem>>
      tpu.enqueue_dma source(%dma_start3A_41 : memref<128x128xf32, #tpu.memory_space<vmem>>) target(%dma_start3A_38 : memref<128x128xf32, #tpu.memory_space<hbm>>) target_semaphore(%run_scoped3A : memref<!tpu.dma_semaphore, #tpu.memory_space<semaphore_mem>>)
      %dma_wait3A = arith.constant 0 : i32
      %dma_wait3A_42 = arith.constant 0 : i32
      %dma_wait3A_43 = tpu.memref_slice %arg9[%dma_wait3A, %dma_wait3A_42] : memref<256x128xf32, #tpu.memory_space<vmem>> -> memref<128x128xf32, #tpu.memory_space<vmem>>
      %dma_wait3A_44 = arith.constant 0 : i32
      %dma_wait3A_45 = tpu.memref_slice %arg6[%arg0, %add3A_22, %dma_wait3A_44] : memref<2x10240x128xf32, #tpu.memory_space<hbm>> -> memref<1x128x128xf32, #tpu.memory_space<hbm>>
      %dma_wait3A_46 = tpu.memref_squeeze %dma_wait3A_45 : memref<1x128x128xf32, #tpu.memory_space<hbm>> -> memref<128x128xf32, #tpu.memory_space<hbm>>
      %dma_wait3A_47 = arith.constant 0 : i32
      %dma_wait3A_48 = tpu.memref_slice %arg6[%arg0, %add3A_22, %dma_wait3A_47] : memref<2x10240x128xf32, #tpu.memory_space<hbm>> -> memref<1x128x128xf32, #tpu.memory_space<hbm>>
      %dma_wait3A_49 = tpu.memref_squeeze %dma_wait3A_48 : memref<1x128x128xf32, #tpu.memory_space<hbm>> -> memref<128x128xf32, #tpu.memory_space<hbm>>
      %dma_wait3A_50 = arith.constant 0 : i32
      %dma_wait3A_51 = arith.constant 0 : i32
      %dma_wait3A_52 = tpu.memref_slice %arg9[%dma_wait3A_50, %dma_wait3A_51] : memref<256x128xf32, #tpu.memory_space<vmem>> -> memref<128x128xf32, #tpu.memory_space<vmem>>
      tpu.wait_dma2 semaphore(%run_scoped3A : memref<!tpu.dma_semaphore, #tpu.memory_space<semaphore_mem>>) src(%dma_wait3A_52 : memref<128x128xf32, #tpu.memory_space<vmem>>) dst(%dma_wait3A_49 : memref<128x128xf32, #tpu.memory_space<hbm>>)
      tpu.yield
    }) : () -> ()
    %add3A_23 = arith.constant 128 : i32
    %add3A_24 = arith.addi %mul3A_2, %add3A_23 : i32
    "tpu.region"() ({
      %run_scoped3A = tpu.sem_alloc : memref<!tpu.dma_semaphore, #tpu.memory_space<semaphore_mem>>
      %dma_start3A = arith.constant 0 : i32
      %dma_start3A_31 = arith.constant 0 : i32
      %dma_start3A_32 = tpu.memref_slice %arg9[%dma_start3A, %dma_start3A_31] : memref<256x128xf32, #tpu.memory_space<vmem>> -> memref<128x128xf32, #tpu.memory_space<vmem>>
      %dma_start3A_33 = arith.constant 0 : i32
      %dma_start3A_34 = tpu.memref_slice %arg10[%add3A_24, %dma_start3A_33] : memref<10240x128xf32, #tpu.memory_space<vmem_shared>> -> memref<128x128xf32, #tpu.memory_space<vmem_shared>>
      %dma_start3A_35 = arith.constant 0 : i32
      %dma_start3A_36 = arith.constant 0 : i32
      %dma_start3A_37 = tpu.memref_slice %arg9[%dma_start3A_35, %dma_start3A_36] : memref<256x128xf32, #tpu.memory_space<vmem>> -> memref<128x128xf32, #tpu.memory_space<vmem>>
      %dma_start3A_38 = arith.constant 0 : i32
      %dma_start3A_39 = tpu.memref_slice %arg10[%add3A_24, %dma_start3A_38] : memref<10240x128xf32, #tpu.memory_space<vmem_shared>> -> memref<128x128xf32, #tpu.memory_space<vmem_shared>>
      tpu.enqueue_dma source(%dma_start3A_39 : memref<128x128xf32, #tpu.memory_space<vmem_shared>>) target(%dma_start3A_37 : memref<128x128xf32, #tpu.memory_space<vmem>>) target_semaphore(%run_scoped3A : memref<!tpu.dma_semaphore, #tpu.memory_space<semaphore_mem>>)
      %dma_wait3A = arith.constant 0 : i32
      %dma_wait3A_40 = arith.constant 0 : i32
      %dma_wait3A_41 = tpu.memref_slice %arg9[%dma_wait3A, %dma_wait3A_40] : memref<256x128xf32, #tpu.memory_space<vmem>> -> memref<128x128xf32, #tpu.memory_space<vmem>>
      %dma_wait3A_42 = arith.constant 0 : i32
      %dma_wait3A_43 = tpu.memref_slice %arg10[%add3A_24, %dma_wait3A_42] : memref<10240x128xf32, #tpu.memory_space<vmem_shared>> -> memref<128x128xf32, #tpu.memory_space<vmem_shared>>
      %dma_wait3A_44 = arith.constant 0 : i32
      %dma_wait3A_45 = arith.constant 0 : i32
      %dma_wait3A_46 = tpu.memref_slice %arg9[%dma_wait3A_44, %dma_wait3A_45] : memref<256x128xf32, #tpu.memory_space<vmem>> -> memref<128x128xf32, #tpu.memory_space<vmem>>
      %dma_wait3A_47 = arith.constant 0 : i32
      %dma_wait3A_48 = tpu.memref_slice %arg10[%add3A_24, %dma_wait3A_47] : memref<10240x128xf32, #tpu.memory_space<vmem_shared>> -> memref<128x128xf32, #tpu.memory_space<vmem_shared>>
      tpu.wait_dma2 semaphore(%run_scoped3A : memref<!tpu.dma_semaphore, #tpu.memory_space<semaphore_mem>>) src(%dma_wait3A_48 : memref<128x128xf32, #tpu.memory_space<vmem_shared>>) dst(%dma_wait3A_46 : memref<128x128xf32, #tpu.memory_space<vmem>>)
      tpu.yield
    }) : () -> ()
    "tpu.region"() ({
      %run_scoped3A = tpu.sem_alloc : memref<!tpu.dma_semaphore, #tpu.memory_space<semaphore_mem>>
      %dma_start3A = arith.constant 0 : i32
      %dma_start3A_31 = arith.constant 0 : i32
      %dma_start3A_32 = tpu.memref_slice %arg9[%dma_start3A, %dma_start3A_31] : memref<256x128xf32, #tpu.memory_space<vmem>> -> memref<128x128xf32, #tpu.memory_space<vmem>>
      %dma_start3A_33 = arith.constant 0 : i32
      %dma_start3A_34 = tpu.memref_slice %arg6[%arg0, %add3A_24, %dma_start3A_33] : memref<2x10240x128xf32, #tpu.memory_space<hbm>> -> memref<1x128x128xf32, #tpu.memory_space<hbm>>
      %dma_start3A_35 = tpu.memref_squeeze %dma_start3A_34 : memref<1x128x128xf32, #tpu.memory_space<hbm>> -> memref<128x128xf32, #tpu.memory_space<hbm>>
      %dma_start3A_36 = arith.constant 0 : i32
      %dma_start3A_37 = tpu.memref_slice %arg6[%arg0, %add3A_24, %dma_start3A_36] : memref<2x10240x128xf32, #tpu.memory_space<hbm>> -> memref<1x128x128xf32, #tpu.memory_space<hbm>>
      %dma_start3A_38 = tpu.memref_squeeze %dma_start3A_37 : memref<1x128x128xf32, #tpu.memory_space<hbm>> -> memref<128x128xf32, #tpu.memory_space<hbm>>
      %dma_start3A_39 = arith.constant 0 : i32
      %dma_start3A_40 = arith.constant 0 : i32
      %dma_start3A_41 = tpu.memref_slice %arg9[%dma_start3A_39, %dma_start3A_40] : memref<256x128xf32, #tpu.memory_space<vmem>> -> memref<128x128xf32, #tpu.memory_space<vmem>>
      tpu.enqueue_dma source(%dma_start3A_41 : memref<128x128xf32, #tpu.memory_space<vmem>>) target(%dma_start3A_38 : memref<128x128xf32, #tpu.memory_space<hbm>>) target_semaphore(%run_scoped3A : memref<!tpu.dma_semaphore, #tpu.memory_space<semaphore_mem>>)
      %dma_wait3A = arith.constant 0 : i32
      %dma_wait3A_42 = arith.constant 0 : i32
      %dma_wait3A_43 = tpu.memref_slice %arg9[%dma_wait3A, %dma_wait3A_42] : memref<256x128xf32, #tpu.memory_space<vmem>> -> memref<128x128xf32, #tpu.memory_space<vmem>>
      %dma_wait3A_44 = arith.constant 0 : i32
      %dma_wait3A_45 = tpu.memref_slice %arg6[%arg0, %add3A_24, %dma_wait3A_44] : memref<2x10240x128xf32, #tpu.memory_space<hbm>> -> memref<1x128x128xf32, #tpu.memory_space<hbm>>
      %dma_wait3A_46 = tpu.memref_squeeze %dma_wait3A_45 : memref<1x128x128xf32, #tpu.memory_space<hbm>> -> memref<128x128xf32, #tpu.memory_space<hbm>>
      %dma_wait3A_47 = arith.constant 0 : i32
      %dma_wait3A_48 = tpu.memref_slice %arg6[%arg0, %add3A_24, %dma_wait3A_47] : memref<2x10240x128xf32, #tpu.memory_space<hbm>> -> memref<1x128x128xf32, #tpu.memory_space<hbm>>
      %dma_wait3A_49 = tpu.memref_squeeze %dma_wait3A_48 : memref<1x128x128xf32, #tpu.memory_space<hbm>> -> memref<128x128xf32, #tpu.memory_space<hbm>>
      %dma_wait3A_50 = arith.constant 0 : i32
      %dma_wait3A_51 = arith.constant 0 : i32
      %dma_wait3A_52 = tpu.memref_slice %arg9[%dma_wait3A_50, %dma_wait3A_51] : memref<256x128xf32, #tpu.memory_space<vmem>> -> memref<128x128xf32, #tpu.memory_space<vmem>>
      tpu.wait_dma2 semaphore(%run_scoped3A : memref<!tpu.dma_semaphore, #tpu.memory_space<semaphore_mem>>) src(%dma_wait3A_52 : memref<128x128xf32, #tpu.memory_space<vmem>>) dst(%dma_wait3A_49 : memref<128x128xf32, #tpu.memory_space<hbm>>)
      tpu.yield
    }) : () -> ()
    %add3A_25 = arith.constant 256 : i32
    %add3A_26 = arith.addi %mul3A_2, %add3A_25 : i32
    "tpu.region"() ({
      %run_scoped3A = tpu.sem_alloc : memref<!tpu.dma_semaphore, #tpu.memory_space<semaphore_mem>>
      %dma_start3A = arith.constant 0 : i32
      %dma_start3A_31 = arith.constant 0 : i32
      %dma_start3A_32 = tpu.memref_slice %arg9[%dma_start3A, %dma_start3A_31] : memref<256x128xf32, #tpu.memory_space<vmem>> -> memref<128x128xf32, #tpu.memory_space<vmem>>
      %dma_start3A_33 = arith.constant 0 : i32
      %dma_start3A_34 = tpu.memref_slice %arg10[%add3A_26, %dma_start3A_33] : memref<10240x128xf32, #tpu.memory_space<vmem_shared>> -> memref<128x128xf32, #tpu.memory_space<vmem_shared>>
      %dma_start3A_35 = arith.constant 0 : i32
      %dma_start3A_36 = arith.constant 0 : i32
      %dma_start3A_37 = tpu.memref_slice %arg9[%dma_start3A_35, %dma_start3A_36] : memref<256x128xf32, #tpu.memory_space<vmem>> -> memref<128x128xf32, #tpu.memory_space<vmem>>
      %dma_start3A_38 = arith.constant 0 : i32
      %dma_start3A_39 = tpu.memref_slice %arg10[%add3A_26, %dma_start3A_38] : memref<10240x128xf32, #tpu.memory_space<vmem_shared>> -> memref<128x128xf32, #tpu.memory_space<vmem_shared>>
      tpu.enqueue_dma source(%dma_start3A_39 : memref<128x128xf32, #tpu.memory_space<vmem_shared>>) target(%dma_start3A_37 : memref<128x128xf32, #tpu.memory_space<vmem>>) target_semaphore(%run_scoped3A : memref<!tpu.dma_semaphore, #tpu.memory_space<semaphore_mem>>)
      %dma_wait3A = arith.constant 0 : i32
      %dma_wait3A_40 = arith.constant 0 : i32
      %dma_wait3A_41 = tpu.memref_slice %arg9[%dma_wait3A, %dma_wait3A_40] : memref<256x128xf32, #tpu.memory_space<vmem>> -> memref<128x128xf32, #tpu.memory_space<vmem>>
      %dma_wait3A_42 = arith.constant 0 : i32
      %dma_wait3A_43 = tpu.memref_slice %arg10[%add3A_26, %dma_wait3A_42] : memref<10240x128xf32, #tpu.memory_space<vmem_shared>> -> memref<128x128xf32, #tpu.memory_space<vmem_shared>>
      %dma_wait3A_44 = arith.constant 0 : i32
      %dma_wait3A_45 = arith.constant 0 : i32
      %dma_wait3A_46 = tpu.memref_slice %arg9[%dma_wait3A_44, %dma_wait3A_45] : memref<256x128xf32, #tpu.memory_space<vmem>> -> memref<128x128xf32, #tpu.memory_space<vmem>>
      %dma_wait3A_47 = arith.constant 0 : i32
      %dma_wait3A_48 = tpu.memref_slice %arg10[%add3A_26, %dma_wait3A_47] : memref<10240x128xf32, #tpu.memory_space<vmem_shared>> -> memref<128x128xf32, #tpu.memory_space<vmem_shared>>
      tpu.wait_dma2 semaphore(%run_scoped3A : memref<!tpu.dma_semaphore, #tpu.memory_space<semaphore_mem>>) src(%dma_wait3A_48 : memref<128x128xf32, #tpu.memory_space<vmem_shared>>) dst(%dma_wait3A_46 : memref<128x128xf32, #tpu.memory_space<vmem>>)
      tpu.yield
    }) : () -> ()
    "tpu.region"() ({
      %run_scoped3A = tpu.sem_alloc : memref<!tpu.dma_semaphore, #tpu.memory_space<semaphore_mem>>
      %dma_start3A = arith.constant 0 : i32
      %dma_start3A_31 = arith.constant 0 : i32
      %dma_start3A_32 = tpu.memref_slice %arg9[%dma_start3A, %dma_start3A_31] : memref<256x128xf32, #tpu.memory_space<vmem>> -> memref<128x128xf32, #tpu.memory_space<vmem>>
      %dma_start3A_33 = arith.constant 0 : i32
      %dma_start3A_34 = tpu.memref_slice %arg6[%arg0, %add3A_26, %dma_start3A_33] : memref<2x10240x128xf32, #tpu.memory_space<hbm>> -> memref<1x128x128xf32, #tpu.memory_space<hbm>>
      %dma_start3A_35 = tpu.memref_squeeze %dma_start3A_34 : memref<1x128x128xf32, #tpu.memory_space<hbm>> -> memref<128x128xf32, #tpu.memory_space<hbm>>
      %dma_start3A_36 = arith.constant 0 : i32
      %dma_start3A_37 = tpu.memref_slice %arg6[%arg0, %add3A_26, %dma_start3A_36] : memref<2x10240x128xf32, #tpu.memory_space<hbm>> -> memref<1x128x128xf32, #tpu.memory_space<hbm>>
      %dma_start3A_38 = tpu.memref_squeeze %dma_start3A_37 : memref<1x128x128xf32, #tpu.memory_space<hbm>> -> memref<128x128xf32, #tpu.memory_space<hbm>>
      %dma_start3A_39 = arith.constant 0 : i32
      %dma_start3A_40 = arith.constant 0 : i32
      %dma_start3A_41 = tpu.memref_slice %arg9[%dma_start3A_39, %dma_start3A_40] : memref<256x128xf32, #tpu.memory_space<vmem>> -> memref<128x128xf32, #tpu.memory_space<vmem>>
      tpu.enqueue_dma source(%dma_start3A_41 : memref<128x128xf32, #tpu.memory_space<vmem>>) target(%dma_start3A_38 : memref<128x128xf32, #tpu.memory_space<hbm>>) target_semaphore(%run_scoped3A : memref<!tpu.dma_semaphore, #tpu.memory_space<semaphore_mem>>)
      %dma_wait3A = arith.constant 0 : i32
      %dma_wait3A_42 = arith.constant 0 : i32
      %dma_wait3A_43 = tpu.memref_slice %arg9[%dma_wait3A, %dma_wait3A_42] : memref<256x128xf32, #tpu.memory_space<vmem>> -> memref<128x128xf32, #tpu.memory_space<vmem>>
      %dma_wait3A_44 = arith.constant 0 : i32
      %dma_wait3A_45 = tpu.memref_slice %arg6[%arg0, %add3A_26, %dma_wait3A_44] : memref<2x10240x128xf32, #tpu.memory_space<hbm>> -> memref<1x128x128xf32, #tpu.memory_space<hbm>>
      %dma_wait3A_46 = tpu.memref_squeeze %dma_wait3A_45 : memref<1x128x128xf32, #tpu.memory_space<hbm>> -> memref<128x128xf32, #tpu.memory_space<hbm>>
      %dma_wait3A_47 = arith.constant 0 : i32
      %dma_wait3A_48 = tpu.memref_slice %arg6[%arg0, %add3A_26, %dma_wait3A_47] : memref<2x10240x128xf32, #tpu.memory_space<hbm>> -> memref<1x128x128xf32, #tpu.memory_space<hbm>>
      %dma_wait3A_49 = tpu.memref_squeeze %dma_wait3A_48 : memref<1x128x128xf32, #tpu.memory_space<hbm>> -> memref<128x128xf32, #tpu.memory_space<hbm>>
      %dma_wait3A_50 = arith.constant 0 : i32
      %dma_wait3A_51 = arith.constant 0 : i32
      %dma_wait3A_52 = tpu.memref_slice %arg9[%dma_wait3A_50, %dma_wait3A_51] : memref<256x128xf32, #tpu.memory_space<vmem>> -> memref<128x128xf32, #tpu.memory_space<vmem>>
      tpu.wait_dma2 semaphore(%run_scoped3A : memref<!tpu.dma_semaphore, #tpu.memory_space<semaphore_mem>>) src(%dma_wait3A_52 : memref<128x128xf32, #tpu.memory_space<vmem>>) dst(%dma_wait3A_49 : memref<128x128xf32, #tpu.memory_space<hbm>>)
      tpu.yield
    }) : () -> ()
    %add3A_27 = arith.constant 384 : i32
    %add3A_28 = arith.addi %mul3A_2, %add3A_27 : i32
    "tpu.region"() ({
      %run_scoped3A = tpu.sem_alloc : memref<!tpu.dma_semaphore, #tpu.memory_space<semaphore_mem>>
      %dma_start3A = arith.constant 0 : i32
      %dma_start3A_31 = arith.constant 0 : i32
      %dma_start3A_32 = tpu.memref_slice %arg9[%dma_start3A, %dma_start3A_31] : memref<256x128xf32, #tpu.memory_space<vmem>> -> memref<128x128xf32, #tpu.memory_space<vmem>>
      %dma_start3A_33 = arith.constant 0 : i32
      %dma_start3A_34 = tpu.memref_slice %arg10[%add3A_28, %dma_start3A_33] : memref<10240x128xf32, #tpu.memory_space<vmem_shared>> -> memref<128x128xf32, #tpu.memory_space<vmem_shared>>
      %dma_start3A_35 = arith.constant 0 : i32
      %dma_start3A_36 = arith.constant 0 : i32
      %dma_start3A_37 = tpu.memref_slice %arg9[%dma_start3A_35, %dma_start3A_36] : memref<256x128xf32, #tpu.memory_space<vmem>> -> memref<128x128xf32, #tpu.memory_space<vmem>>
      %dma_start3A_38 = arith.constant 0 : i32
      %dma_start3A_39 = tpu.memref_slice %arg10[%add3A_28, %dma_start3A_38] : memref<10240x128xf32, #tpu.memory_space<vmem_shared>> -> memref<128x128xf32, #tpu.memory_space<vmem_shared>>
      tpu.enqueue_dma source(%dma_start3A_39 : memref<128x128xf32, #tpu.memory_space<vmem_shared>>) target(%dma_start3A_37 : memref<128x128xf32, #tpu.memory_space<vmem>>) target_semaphore(%run_scoped3A : memref<!tpu.dma_semaphore, #tpu.memory_space<semaphore_mem>>)
      %dma_wait3A = arith.constant 0 : i32
      %dma_wait3A_40 = arith.constant 0 : i32
      %dma_wait3A_41 = tpu.memref_slice %arg9[%dma_wait3A, %dma_wait3A_40] : memref<256x128xf32, #tpu.memory_space<vmem>> -> memref<128x128xf32, #tpu.memory_space<vmem>>
      %dma_wait3A_42 = arith.constant 0 : i32
      %dma_wait3A_43 = tpu.memref_slice %arg10[%add3A_28, %dma_wait3A_42] : memref<10240x128xf32, #tpu.memory_space<vmem_shared>> -> memref<128x128xf32, #tpu.memory_space<vmem_shared>>
      %dma_wait3A_44 = arith.constant 0 : i32
      %dma_wait3A_45 = arith.constant 0 : i32
      %dma_wait3A_46 = tpu.memref_slice %arg9[%dma_wait3A_44, %dma_wait3A_45] : memref<256x128xf32, #tpu.memory_space<vmem>> -> memref<128x128xf32, #tpu.memory_space<vmem>>
      %dma_wait3A_47 = arith.constant 0 : i32
      %dma_wait3A_48 = tpu.memref_slice %arg10[%add3A_28, %dma_wait3A_47] : memref<10240x128xf32, #tpu.memory_space<vmem_shared>> -> memref<128x128xf32, #tpu.memory_space<vmem_shared>>
      tpu.wait_dma2 semaphore(%run_scoped3A : memref<!tpu.dma_semaphore, #tpu.memory_space<semaphore_mem>>) src(%dma_wait3A_48 : memref<128x128xf32, #tpu.memory_space<vmem_shared>>) dst(%dma_wait3A_46 : memref<128x128xf32, #tpu.memory_space<vmem>>)
      tpu.yield
    }) : () -> ()
    "tpu.region"() ({
      %run_scoped3A = tpu.sem_alloc : memref<!tpu.dma_semaphore, #tpu.memory_space<semaphore_mem>>
      %dma_start3A = arith.constant 0 : i32
      %dma_start3A_31 = arith.constant 0 : i32
      %dma_start3A_32 = tpu.memref_slice %arg9[%dma_start3A, %dma_start3A_31] : memref<256x128xf32, #tpu.memory_space<vmem>> -> memref<128x128xf32, #tpu.memory_space<vmem>>
      %dma_start3A_33 = arith.constant 0 : i32
      %dma_start3A_34 = tpu.memref_slice %arg6[%arg0, %add3A_28, %dma_start3A_33] : memref<2x10240x128xf32, #tpu.memory_space<hbm>> -> memref<1x128x128xf32, #tpu.memory_space<hbm>>
      %dma_start3A_35 = tpu.memref_squeeze %dma_start3A_34 : memref<1x128x128xf32, #tpu.memory_space<hbm>> -> memref<128x128xf32, #tpu.memory_space<hbm>>
      %dma_start3A_36 = arith.constant 0 : i32
      %dma_start3A_37 = tpu.memref_slice %arg6[%arg0, %add3A_28, %dma_start3A_36] : memref<2x10240x128xf32, #tpu.memory_space<hbm>> -> memref<1x128x128xf32, #tpu.memory_space<hbm>>
      %dma_start3A_38 = tpu.memref_squeeze %dma_start3A_37 : memref<1x128x128xf32, #tpu.memory_space<hbm>> -> memref<128x128xf32, #tpu.memory_space<hbm>>
      %dma_start3A_39 = arith.constant 0 : i32
      %dma_start3A_40 = arith.constant 0 : i32
      %dma_start3A_41 = tpu.memref_slice %arg9[%dma_start3A_39, %dma_start3A_40] : memref<256x128xf32, #tpu.memory_space<vmem>> -> memref<128x128xf32, #tpu.memory_space<vmem>>
      tpu.enqueue_dma source(%dma_start3A_41 : memref<128x128xf32, #tpu.memory_space<vmem>>) target(%dma_start3A_38 : memref<128x128xf32, #tpu.memory_space<hbm>>) target_semaphore(%run_scoped3A : memref<!tpu.dma_semaphore, #tpu.memory_space<semaphore_mem>>)
      %dma_wait3A = arith.constant 0 : i32
      %dma_wait3A_42 = arith.constant 0 : i32
      %dma_wait3A_43 = tpu.memref_slice %arg9[%dma_wait3A, %dma_wait3A_42] : memref<256x128xf32, #tpu.memory_space<vmem>> -> memref<128x128xf32, #tpu.memory_space<vmem>>
      %dma_wait3A_44 = arith.constant 0 : i32
      %dma_wait3A_45 = tpu.memref_slice %arg6[%arg0, %add3A_28, %dma_wait3A_44] : memref<2x10240x128xf32, #tpu.memory_space<hbm>> -> memref<1x128x128xf32, #tpu.memory_space<hbm>>
      %dma_wait3A_46 = tpu.memref_squeeze %dma_wait3A_45 : memref<1x128x128xf32, #tpu.memory_space<hbm>> -> memref<128x128xf32, #tpu.memory_space<hbm>>
      %dma_wait3A_47 = arith.constant 0 : i32
      %dma_wait3A_48 = tpu.memref_slice %arg6[%arg0, %add3A_28, %dma_wait3A_47] : memref<2x10240x128xf32, #tpu.memory_space<hbm>> -> memref<1x128x128xf32, #tpu.memory_space<hbm>>
      %dma_wait3A_49 = tpu.memref_squeeze %dma_wait3A_48 : memref<1x128x128xf32, #tpu.memory_space<hbm>> -> memref<128x128xf32, #tpu.memory_space<hbm>>
      %dma_wait3A_50 = arith.constant 0 : i32
      %dma_wait3A_51 = arith.constant 0 : i32
      %dma_wait3A_52 = tpu.memref_slice %arg9[%dma_wait3A_50, %dma_wait3A_51] : memref<256x128xf32, #tpu.memory_space<vmem>> -> memref<128x128xf32, #tpu.memory_space<vmem>>
      tpu.wait_dma2 semaphore(%run_scoped3A : memref<!tpu.dma_semaphore, #tpu.memory_space<semaphore_mem>>) src(%dma_wait3A_52 : memref<128x128xf32, #tpu.memory_space<vmem>>) dst(%dma_wait3A_49 : memref<128x128xf32, #tpu.memory_space<hbm>>)
      tpu.yield
    }) : () -> ()
    %add3A_29 = arith.constant 512 : i32
    %add3A_30 = arith.addi %mul3A_2, %add3A_29 : i32
    "tpu.region"() ({
      %run_scoped3A = tpu.sem_alloc : memref<!tpu.dma_semaphore, #tpu.memory_space<semaphore_mem>>
      %dma_start3A = arith.constant 0 : i32
      %dma_start3A_31 = arith.constant 0 : i32
      %dma_start3A_32 = tpu.memref_slice %arg9[%dma_start3A, %dma_start3A_31] : memref<256x128xf32, #tpu.memory_space<vmem>> -> memref<128x128xf32, #tpu.memory_space<vmem>>
      %dma_start3A_33 = arith.constant 0 : i32
      %dma_start3A_34 = tpu.memref_slice %arg10[%add3A_30, %dma_start3A_33] : memref<10240x128xf32, #tpu.memory_space<vmem_shared>> -> memref<128x128xf32, #tpu.memory_space<vmem_shared>>
      %dma_start3A_35 = arith.constant 0 : i32
      %dma_start3A_36 = arith.constant 0 : i32
      %dma_start3A_37 = tpu.memref_slice %arg9[%dma_start3A_35, %dma_start3A_36] : memref<256x128xf32, #tpu.memory_space<vmem>> -> memref<128x128xf32, #tpu.memory_space<vmem>>
      %dma_start3A_38 = arith.constant 0 : i32
      %dma_start3A_39 = tpu.memref_slice %arg10[%add3A_30, %dma_start3A_38] : memref<10240x128xf32, #tpu.memory_space<vmem_shared>> -> memref<128x128xf32, #tpu.memory_space<vmem_shared>>
      tpu.enqueue_dma source(%dma_start3A_39 : memref<128x128xf32, #tpu.memory_space<vmem_shared>>) target(%dma_start3A_37 : memref<128x128xf32, #tpu.memory_space<vmem>>) target_semaphore(%run_scoped3A : memref<!tpu.dma_semaphore, #tpu.memory_space<semaphore_mem>>)
      %dma_wait3A = arith.constant 0 : i32
      %dma_wait3A_40 = arith.constant 0 : i32
      %dma_wait3A_41 = tpu.memref_slice %arg9[%dma_wait3A, %dma_wait3A_40] : memref<256x128xf32, #tpu.memory_space<vmem>> -> memref<128x128xf32, #tpu.memory_space<vmem>>
      %dma_wait3A_42 = arith.constant 0 : i32
      %dma_wait3A_43 = tpu.memref_slice %arg10[%add3A_30, %dma_wait3A_42] : memref<10240x128xf32, #tpu.memory_space<vmem_shared>> -> memref<128x128xf32, #tpu.memory_space<vmem_shared>>
      %dma_wait3A_44 = arith.constant 0 : i32
      %dma_wait3A_45 = arith.constant 0 : i32
      %dma_wait3A_46 = tpu.memref_slice %arg9[%dma_wait3A_44, %dma_wait3A_45] : memref<256x128xf32, #tpu.memory_space<vmem>> -> memref<128x128xf32, #tpu.memory_space<vmem>>
      %dma_wait3A_47 = arith.constant 0 : i32
      %dma_wait3A_48 = tpu.memref_slice %arg10[%add3A_30, %dma_wait3A_47] : memref<10240x128xf32, #tpu.memory_space<vmem_shared>> -> memref<128x128xf32, #tpu.memory_space<vmem_shared>>
      tpu.wait_dma2 semaphore(%run_scoped3A : memref<!tpu.dma_semaphore, #tpu.memory_space<semaphore_mem>>) src(%dma_wait3A_48 : memref<128x128xf32, #tpu.memory_space<vmem_shared>>) dst(%dma_wait3A_46 : memref<128x128xf32, #tpu.memory_space<vmem>>)
      tpu.yield
    }) : () -> ()
    "tpu.region"() ({
      %run_scoped3A = tpu.sem_alloc : memref<!tpu.dma_semaphore, #tpu.memory_space<semaphore_mem>>
      %dma_start3A = arith.constant 0 : i32
      %dma_start3A_31 = arith.constant 0 : i32
      %dma_start3A_32 = tpu.memref_slice %arg9[%dma_start3A, %dma_start3A_31] : memref<256x128xf32, #tpu.memory_space<vmem>> -> memref<128x128xf32, #tpu.memory_space<vmem>>
      %dma_start3A_33 = arith.constant 0 : i32
      %dma_start3A_34 = tpu.memref_slice %arg6[%arg0, %add3A_30, %dma_start3A_33] : memref<2x10240x128xf32, #tpu.memory_space<hbm>> -> memref<1x128x128xf32, #tpu.memory_space<hbm>>
      %dma_start3A_35 = tpu.memref_squeeze %dma_start3A_34 : memref<1x128x128xf32, #tpu.memory_space<hbm>> -> memref<128x128xf32, #tpu.memory_space<hbm>>
      %dma_start3A_36 = arith.constant 0 : i32
      %dma_start3A_37 = tpu.memref_slice %arg6[%arg0, %add3A_30, %dma_start3A_36] : memref<2x10240x128xf32, #tpu.memory_space<hbm>> -> memref<1x128x128xf32, #tpu.memory_space<hbm>>
      %dma_start3A_38 = tpu.memref_squeeze %dma_start3A_37 : memref<1x128x128xf32, #tpu.memory_space<hbm>> -> memref<128x128xf32, #tpu.memory_space<hbm>>
      %dma_start3A_39 = arith.constant 0 : i32
      %dma_start3A_40 = arith.constant 0 : i32
      %dma_start3A_41 = tpu.memref_slice %arg9[%dma_start3A_39, %dma_start3A_40] : memref<256x128xf32, #tpu.memory_space<vmem>> -> memref<128x128xf32, #tpu.memory_space<vmem>>
      tpu.enqueue_dma source(%dma_start3A_41 : memref<128x128xf32, #tpu.memory_space<vmem>>) target(%dma_start3A_38 : memref<128x128xf32, #tpu.memory_space<hbm>>) target_semaphore(%run_scoped3A : memref<!tpu.dma_semaphore, #tpu.memory_space<semaphore_mem>>)
      %dma_wait3A = arith.constant 0 : i32
      %dma_wait3A_42 = arith.constant 0 : i32
      %dma_wait3A_43 = tpu.memref_slice %arg9[%dma_wait3A, %dma_wait3A_42] : memref<256x128xf32, #tpu.memory_space<vmem>> -> memref<128x128xf32, #tpu.memory_space<vmem>>
      %dma_wait3A_44 = arith.constant 0 : i32
      %dma_wait3A_45 = tpu.memref_slice %arg6[%arg0, %add3A_30, %dma_wait3A_44] : memref<2x10240x128xf32, #tpu.memory_space<hbm>> -> memref<1x128x128xf32, #tpu.memory_space<hbm>>
      %dma_wait3A_46 = tpu.memref_squeeze %dma_wait3A_45 : memref<1x128x128xf32, #tpu.memory_space<hbm>> -> memref<128x128xf32, #tpu.memory_space<hbm>>
      %dma_wait3A_47 = arith.constant 0 : i32
      %dma_wait3A_48 = tpu.memref_slice %arg6[%arg0, %add3A_30, %dma_wait3A_47] : memref<2x10240x128xf32, #tpu.memory_space<hbm>> -> memref<1x128x128xf32, #tpu.memory_space<hbm>>
      %dma_wait3A_49 = tpu.memref_squeeze %dma_wait3A_48 : memref<1x128x128xf32, #tpu.memory_space<hbm>> -> memref<128x128xf32, #tpu.memory_space<hbm>>
      %dma_wait3A_50 = arith.constant 0 : i32
      %dma_wait3A_51 = arith.constant 0 : i32
      %dma_wait3A_52 = tpu.memref_slice %arg9[%dma_wait3A_50, %dma_wait3A_51] : memref<256x128xf32, #tpu.memory_space<vmem>> -> memref<128x128xf32, #tpu.memory_space<vmem>>
      tpu.wait_dma2 semaphore(%run_scoped3A : memref<!tpu.dma_semaphore, #tpu.memory_space<semaphore_mem>>) src(%dma_wait3A_52 : memref<128x128xf32, #tpu.memory_space<vmem>>) dst(%dma_wait3A_49 : memref<128x128xf32, #tpu.memory_space<hbm>>)
      tpu.yield
    }) : () -> ()
    return
  }
}

#map = affine_map<(d0, d1) -> (0, 0)>
#map1 = affine_map<(d0, d1) -> (0)>
#map2 = affine_map<(d0, d1) -> (0, 0, 0)>
module attributes {stable_mosaic.version = 14 : i64} {
  func.func @_sc_agg_body(%arg0: i32, %arg1: i32, %arg2: memref<10240x128xf32, #tpu.memory_space<hbm>>, %arg3: memref<327680xi32, #tpu.memory_space<hbm>>, %arg4: memref<327680xi32, #tpu.memory_space<hbm>>, %arg5: memref<128x128xf32, #tpu.memory_space<hbm>>, %arg6: memref<2x10240x128xf32, #tpu.memory_space<hbm>>, %arg7: memref<256xi32, #tpu.memory_space<vmem>>, %arg8: memref<256xi32, #tpu.memory_space<vmem>>, %arg9: memref<256x128xf32, #tpu.memory_space<vmem>>, %arg10: memref<10240x128xf32, #tpu.memory_space<vmem_shared>>, %arg11: memref<!tpu.dma_semaphore, #tpu.memory_space<semaphore_mem>>) attributes {dimension_semantics = [#tpu.dimension_semantics<core_parallel>, #tpu.dimension_semantics<subcore_parallel>], iteration_bounds = array<i64: 2, 16>, scalar_prefetch = 0 : i64, scratch_operands = 5 : i64, tpu.core_type = #tpu.core_type<sc_vector_subcore>, window_params = [{transform_indices = #map}, {transform_indices = #map1}, {transform_indices = #map1}, {transform_indices = #map}, {transform_indices = #map2}]} {
    %mul3A = arith.constant 16 : i32
    %mul3A_0 = arith.muli %arg0, %mul3A : i32
    %add3A = arith.addi %mul3A_0, %arg1 : i32
    %mul3A_1 = arith.constant 640 : i32
    %mul3A_2 = arith.muli %arg1, %mul3A_1 : i32
    "tpu.region"() ({
      %run_scoped3A = tpu.sem_alloc : memref<!tpu.dma_semaphore, #tpu.memory_space<semaphore_mem>>
      %dma_start3A = arith.constant 0 : i32
      %dma_start3A_31 = arith.constant 0 : i32
      %dma_start3A_32 = tpu.memref_slice %arg9[%dma_start3A, %dma_start3A_31] : memref<256x128xf32, #tpu.memory_space<vmem>> -> memref<128x128xf32, #tpu.memory_space<vmem>>
      %dma_start3A_33 = arith.constant 0 : i32
      %dma_start3A_34 = arith.constant 0 : i32
      %dma_start3A_35 = tpu.memref_slice %arg9[%dma_start3A_33, %dma_start3A_34] : memref<256x128xf32, #tpu.memory_space<vmem>> -> memref<128x128xf32, #tpu.memory_space<vmem>>
      tpu.enqueue_dma source(%arg5 : memref<128x128xf32, #tpu.memory_space<hbm>>) target(%dma_start3A_35 : memref<128x128xf32, #tpu.memory_space<vmem>>) target_semaphore(%run_scoped3A : memref<!tpu.dma_semaphore, #tpu.memory_space<semaphore_mem>>)
      %dma_wait3A = arith.constant 0 : i32
      %dma_wait3A_36 = arith.constant 0 : i32
      %dma_wait3A_37 = tpu.memref_slice %arg9[%dma_wait3A, %dma_wait3A_36] : memref<256x128xf32, #tpu.memory_space<vmem>> -> memref<128x128xf32, #tpu.memory_space<vmem>>
      %dma_wait3A_38 = arith.constant 0 : i32
      %dma_wait3A_39 = arith.constant 0 : i32
      %dma_wait3A_40 = tpu.memref_slice %arg9[%dma_wait3A_38, %dma_wait3A_39] : memref<256x128xf32, #tpu.memory_space<vmem>> -> memref<128x128xf32, #tpu.memory_space<vmem>>
      tpu.wait_dma2 semaphore(%run_scoped3A : memref<!tpu.dma_semaphore, #tpu.memory_space<semaphore_mem>>) src(%arg5 : memref<128x128xf32, #tpu.memory_space<hbm>>) dst(%dma_wait3A_40 : memref<128x128xf32, #tpu.memory_space<vmem>>)
      tpu.yield
    }) : () -> ()
    %add3A_3 = arith.constant 0 : i32
    %add3A_4 = arith.addi %mul3A_2, %add3A_3 : i32
    "tpu.region"() ({
      %run_scoped3A = tpu.sem_alloc : memref<!tpu.dma_semaphore, #tpu.memory_space<semaphore_mem>>
      %dma_start3A = arith.constant 0 : i32
      %dma_start3A_31 = arith.constant 0 : i32
      %dma_start3A_32 = tpu.memref_slice %arg9[%dma_start3A, %dma_start3A_31] : memref<256x128xf32, #tpu.memory_space<vmem>> -> memref<128x128xf32, #tpu.memory_space<vmem>>
      %dma_start3A_33 = arith.constant 0 : i32
      %dma_start3A_34 = tpu.memref_slice %arg10[%add3A_4, %dma_start3A_33] : memref<10240x128xf32, #tpu.memory_space<vmem_shared>> -> memref<128x128xf32, #tpu.memory_space<vmem_shared>>
      %dma_start3A_35 = arith.constant 0 : i32
      %dma_start3A_36 = tpu.memref_slice %arg10[%add3A_4, %dma_start3A_35] : memref<10240x128xf32, #tpu.memory_space<vmem_shared>> -> memref<128x128xf32, #tpu.memory_space<vmem_shared>>
      %dma_start3A_37 = arith.constant 0 : i32
      %dma_start3A_38 = arith.constant 0 : i32
      %dma_start3A_39 = tpu.memref_slice %arg9[%dma_start3A_37, %dma_start3A_38] : memref<256x128xf32, #tpu.memory_space<vmem>> -> memref<128x128xf32, #tpu.memory_space<vmem>>
      tpu.enqueue_dma source(%dma_start3A_39 : memref<128x128xf32, #tpu.memory_space<vmem>>) target(%dma_start3A_36 : memref<128x128xf32, #tpu.memory_space<vmem_shared>>) target_semaphore(%run_scoped3A : memref<!tpu.dma_semaphore, #tpu.memory_space<semaphore_mem>>)
      %dma_wait3A = arith.constant 0 : i32
      %dma_wait3A_40 = arith.constant 0 : i32
      %dma_wait3A_41 = tpu.memref_slice %arg9[%dma_wait3A, %dma_wait3A_40] : memref<256x128xf32, #tpu.memory_space<vmem>> -> memref<128x128xf32, #tpu.memory_space<vmem>>
      %dma_wait3A_42 = arith.constant 0 : i32
      %dma_wait3A_43 = tpu.memref_slice %arg10[%add3A_4, %dma_wait3A_42] : memref<10240x128xf32, #tpu.memory_space<vmem_shared>> -> memref<128x128xf32, #tpu.memory_space<vmem_shared>>
      %dma_wait3A_44 = arith.constant 0 : i32
      %dma_wait3A_45 = tpu.memref_slice %arg10[%add3A_4, %dma_wait3A_44] : memref<10240x128xf32, #tpu.memory_space<vmem_shared>> -> memref<128x128xf32, #tpu.memory_space<vmem_shared>>
      %dma_wait3A_46 = arith.constant 0 : i32
      %dma_wait3A_47 = arith.constant 0 : i32
      %dma_wait3A_48 = tpu.memref_slice %arg9[%dma_wait3A_46, %dma_wait3A_47] : memref<256x128xf32, #tpu.memory_space<vmem>> -> memref<128x128xf32, #tpu.memory_space<vmem>>
      tpu.wait_dma2 semaphore(%run_scoped3A : memref<!tpu.dma_semaphore, #tpu.memory_space<semaphore_mem>>) src(%dma_wait3A_48 : memref<128x128xf32, #tpu.memory_space<vmem>>) dst(%dma_wait3A_45 : memref<128x128xf32, #tpu.memory_space<vmem_shared>>)
      tpu.yield
    }) : () -> ()
    %add3A_5 = arith.constant 128 : i32
    %add3A_6 = arith.addi %mul3A_2, %add3A_5 : i32
    "tpu.region"() ({
      %run_scoped3A = tpu.sem_alloc : memref<!tpu.dma_semaphore, #tpu.memory_space<semaphore_mem>>
      %dma_start3A = arith.constant 0 : i32
      %dma_start3A_31 = arith.constant 0 : i32
      %dma_start3A_32 = tpu.memref_slice %arg9[%dma_start3A, %dma_start3A_31] : memref<256x128xf32, #tpu.memory_space<vmem>> -> memref<128x128xf32, #tpu.memory_space<vmem>>
      %dma_start3A_33 = arith.constant 0 : i32
      %dma_start3A_34 = tpu.memref_slice %arg10[%add3A_6, %dma_start3A_33] : memref<10240x128xf32, #tpu.memory_space<vmem_shared>> -> memref<128x128xf32, #tpu.memory_space<vmem_shared>>
      %dma_start3A_35 = arith.constant 0 : i32
      %dma_start3A_36 = tpu.memref_slice %arg10[%add3A_6, %dma_start3A_35] : memref<10240x128xf32, #tpu.memory_space<vmem_shared>> -> memref<128x128xf32, #tpu.memory_space<vmem_shared>>
      %dma_start3A_37 = arith.constant 0 : i32
      %dma_start3A_38 = arith.constant 0 : i32
      %dma_start3A_39 = tpu.memref_slice %arg9[%dma_start3A_37, %dma_start3A_38] : memref<256x128xf32, #tpu.memory_space<vmem>> -> memref<128x128xf32, #tpu.memory_space<vmem>>
      tpu.enqueue_dma source(%dma_start3A_39 : memref<128x128xf32, #tpu.memory_space<vmem>>) target(%dma_start3A_36 : memref<128x128xf32, #tpu.memory_space<vmem_shared>>) target_semaphore(%run_scoped3A : memref<!tpu.dma_semaphore, #tpu.memory_space<semaphore_mem>>)
      %dma_wait3A = arith.constant 0 : i32
      %dma_wait3A_40 = arith.constant 0 : i32
      %dma_wait3A_41 = tpu.memref_slice %arg9[%dma_wait3A, %dma_wait3A_40] : memref<256x128xf32, #tpu.memory_space<vmem>> -> memref<128x128xf32, #tpu.memory_space<vmem>>
      %dma_wait3A_42 = arith.constant 0 : i32
      %dma_wait3A_43 = tpu.memref_slice %arg10[%add3A_6, %dma_wait3A_42] : memref<10240x128xf32, #tpu.memory_space<vmem_shared>> -> memref<128x128xf32, #tpu.memory_space<vmem_shared>>
      %dma_wait3A_44 = arith.constant 0 : i32
      %dma_wait3A_45 = tpu.memref_slice %arg10[%add3A_6, %dma_wait3A_44] : memref<10240x128xf32, #tpu.memory_space<vmem_shared>> -> memref<128x128xf32, #tpu.memory_space<vmem_shared>>
      %dma_wait3A_46 = arith.constant 0 : i32
      %dma_wait3A_47 = arith.constant 0 : i32
      %dma_wait3A_48 = tpu.memref_slice %arg9[%dma_wait3A_46, %dma_wait3A_47] : memref<256x128xf32, #tpu.memory_space<vmem>> -> memref<128x128xf32, #tpu.memory_space<vmem>>
      tpu.wait_dma2 semaphore(%run_scoped3A : memref<!tpu.dma_semaphore, #tpu.memory_space<semaphore_mem>>) src(%dma_wait3A_48 : memref<128x128xf32, #tpu.memory_space<vmem>>) dst(%dma_wait3A_45 : memref<128x128xf32, #tpu.memory_space<vmem_shared>>)
      tpu.yield
    }) : () -> ()
    %add3A_7 = arith.constant 256 : i32
    %add3A_8 = arith.addi %mul3A_2, %add3A_7 : i32
    "tpu.region"() ({
      %run_scoped3A = tpu.sem_alloc : memref<!tpu.dma_semaphore, #tpu.memory_space<semaphore_mem>>
      %dma_start3A = arith.constant 0 : i32
      %dma_start3A_31 = arith.constant 0 : i32
      %dma_start3A_32 = tpu.memref_slice %arg9[%dma_start3A, %dma_start3A_31] : memref<256x128xf32, #tpu.memory_space<vmem>> -> memref<128x128xf32, #tpu.memory_space<vmem>>
      %dma_start3A_33 = arith.constant 0 : i32
      %dma_start3A_34 = tpu.memref_slice %arg10[%add3A_8, %dma_start3A_33] : memref<10240x128xf32, #tpu.memory_space<vmem_shared>> -> memref<128x128xf32, #tpu.memory_space<vmem_shared>>
      %dma_start3A_35 = arith.constant 0 : i32
      %dma_start3A_36 = tpu.memref_slice %arg10[%add3A_8, %dma_start3A_35] : memref<10240x128xf32, #tpu.memory_space<vmem_shared>> -> memref<128x128xf32, #tpu.memory_space<vmem_shared>>
      %dma_start3A_37 = arith.constant 0 : i32
      %dma_start3A_38 = arith.constant 0 : i32
      %dma_start3A_39 = tpu.memref_slice %arg9[%dma_start3A_37, %dma_start3A_38] : memref<256x128xf32, #tpu.memory_space<vmem>> -> memref<128x128xf32, #tpu.memory_space<vmem>>
      tpu.enqueue_dma source(%dma_start3A_39 : memref<128x128xf32, #tpu.memory_space<vmem>>) target(%dma_start3A_36 : memref<128x128xf32, #tpu.memory_space<vmem_shared>>) target_semaphore(%run_scoped3A : memref<!tpu.dma_semaphore, #tpu.memory_space<semaphore_mem>>)
      %dma_wait3A = arith.constant 0 : i32
      %dma_wait3A_40 = arith.constant 0 : i32
      %dma_wait3A_41 = tpu.memref_slice %arg9[%dma_wait3A, %dma_wait3A_40] : memref<256x128xf32, #tpu.memory_space<vmem>> -> memref<128x128xf32, #tpu.memory_space<vmem>>
      %dma_wait3A_42 = arith.constant 0 : i32
      %dma_wait3A_43 = tpu.memref_slice %arg10[%add3A_8, %dma_wait3A_42] : memref<10240x128xf32, #tpu.memory_space<vmem_shared>> -> memref<128x128xf32, #tpu.memory_space<vmem_shared>>
      %dma_wait3A_44 = arith.constant 0 : i32
      %dma_wait3A_45 = tpu.memref_slice %arg10[%add3A_8, %dma_wait3A_44] : memref<10240x128xf32, #tpu.memory_space<vmem_shared>> -> memref<128x128xf32, #tpu.memory_space<vmem_shared>>
      %dma_wait3A_46 = arith.constant 0 : i32
      %dma_wait3A_47 = arith.constant 0 : i32
      %dma_wait3A_48 = tpu.memref_slice %arg9[%dma_wait3A_46, %dma_wait3A_47] : memref<256x128xf32, #tpu.memory_space<vmem>> -> memref<128x128xf32, #tpu.memory_space<vmem>>
      tpu.wait_dma2 semaphore(%run_scoped3A : memref<!tpu.dma_semaphore, #tpu.memory_space<semaphore_mem>>) src(%dma_wait3A_48 : memref<128x128xf32, #tpu.memory_space<vmem>>) dst(%dma_wait3A_45 : memref<128x128xf32, #tpu.memory_space<vmem_shared>>)
      tpu.yield
    }) : () -> ()
    %add3A_9 = arith.constant 384 : i32
    %add3A_10 = arith.addi %mul3A_2, %add3A_9 : i32
    "tpu.region"() ({
      %run_scoped3A = tpu.sem_alloc : memref<!tpu.dma_semaphore, #tpu.memory_space<semaphore_mem>>
      %dma_start3A = arith.constant 0 : i32
      %dma_start3A_31 = arith.constant 0 : i32
      %dma_start3A_32 = tpu.memref_slice %arg9[%dma_start3A, %dma_start3A_31] : memref<256x128xf32, #tpu.memory_space<vmem>> -> memref<128x128xf32, #tpu.memory_space<vmem>>
      %dma_start3A_33 = arith.constant 0 : i32
      %dma_start3A_34 = tpu.memref_slice %arg10[%add3A_10, %dma_start3A_33] : memref<10240x128xf32, #tpu.memory_space<vmem_shared>> -> memref<128x128xf32, #tpu.memory_space<vmem_shared>>
      %dma_start3A_35 = arith.constant 0 : i32
      %dma_start3A_36 = tpu.memref_slice %arg10[%add3A_10, %dma_start3A_35] : memref<10240x128xf32, #tpu.memory_space<vmem_shared>> -> memref<128x128xf32, #tpu.memory_space<vmem_shared>>
      %dma_start3A_37 = arith.constant 0 : i32
      %dma_start3A_38 = arith.constant 0 : i32
      %dma_start3A_39 = tpu.memref_slice %arg9[%dma_start3A_37, %dma_start3A_38] : memref<256x128xf32, #tpu.memory_space<vmem>> -> memref<128x128xf32, #tpu.memory_space<vmem>>
      tpu.enqueue_dma source(%dma_start3A_39 : memref<128x128xf32, #tpu.memory_space<vmem>>) target(%dma_start3A_36 : memref<128x128xf32, #tpu.memory_space<vmem_shared>>) target_semaphore(%run_scoped3A : memref<!tpu.dma_semaphore, #tpu.memory_space<semaphore_mem>>)
      %dma_wait3A = arith.constant 0 : i32
      %dma_wait3A_40 = arith.constant 0 : i32
      %dma_wait3A_41 = tpu.memref_slice %arg9[%dma_wait3A, %dma_wait3A_40] : memref<256x128xf32, #tpu.memory_space<vmem>> -> memref<128x128xf32, #tpu.memory_space<vmem>>
      %dma_wait3A_42 = arith.constant 0 : i32
      %dma_wait3A_43 = tpu.memref_slice %arg10[%add3A_10, %dma_wait3A_42] : memref<10240x128xf32, #tpu.memory_space<vmem_shared>> -> memref<128x128xf32, #tpu.memory_space<vmem_shared>>
      %dma_wait3A_44 = arith.constant 0 : i32
      %dma_wait3A_45 = tpu.memref_slice %arg10[%add3A_10, %dma_wait3A_44] : memref<10240x128xf32, #tpu.memory_space<vmem_shared>> -> memref<128x128xf32, #tpu.memory_space<vmem_shared>>
      %dma_wait3A_46 = arith.constant 0 : i32
      %dma_wait3A_47 = arith.constant 0 : i32
      %dma_wait3A_48 = tpu.memref_slice %arg9[%dma_wait3A_46, %dma_wait3A_47] : memref<256x128xf32, #tpu.memory_space<vmem>> -> memref<128x128xf32, #tpu.memory_space<vmem>>
      tpu.wait_dma2 semaphore(%run_scoped3A : memref<!tpu.dma_semaphore, #tpu.memory_space<semaphore_mem>>) src(%dma_wait3A_48 : memref<128x128xf32, #tpu.memory_space<vmem>>) dst(%dma_wait3A_45 : memref<128x128xf32, #tpu.memory_space<vmem_shared>>)
      tpu.yield
    }) : () -> ()
    %add3A_11 = arith.constant 512 : i32
    %add3A_12 = arith.addi %mul3A_2, %add3A_11 : i32
    "tpu.region"() ({
      %run_scoped3A = tpu.sem_alloc : memref<!tpu.dma_semaphore, #tpu.memory_space<semaphore_mem>>
      %dma_start3A = arith.constant 0 : i32
      %dma_start3A_31 = arith.constant 0 : i32
      %dma_start3A_32 = tpu.memref_slice %arg9[%dma_start3A, %dma_start3A_31] : memref<256x128xf32, #tpu.memory_space<vmem>> -> memref<128x128xf32, #tpu.memory_space<vmem>>
      %dma_start3A_33 = arith.constant 0 : i32
      %dma_start3A_34 = tpu.memref_slice %arg10[%add3A_12, %dma_start3A_33] : memref<10240x128xf32, #tpu.memory_space<vmem_shared>> -> memref<128x128xf32, #tpu.memory_space<vmem_shared>>
      %dma_start3A_35 = arith.constant 0 : i32
      %dma_start3A_36 = tpu.memref_slice %arg10[%add3A_12, %dma_start3A_35] : memref<10240x128xf32, #tpu.memory_space<vmem_shared>> -> memref<128x128xf32, #tpu.memory_space<vmem_shared>>
      %dma_start3A_37 = arith.constant 0 : i32
      %dma_start3A_38 = arith.constant 0 : i32
      %dma_start3A_39 = tpu.memref_slice %arg9[%dma_start3A_37, %dma_start3A_38] : memref<256x128xf32, #tpu.memory_space<vmem>> -> memref<128x128xf32, #tpu.memory_space<vmem>>
      tpu.enqueue_dma source(%dma_start3A_39 : memref<128x128xf32, #tpu.memory_space<vmem>>) target(%dma_start3A_36 : memref<128x128xf32, #tpu.memory_space<vmem_shared>>) target_semaphore(%run_scoped3A : memref<!tpu.dma_semaphore, #tpu.memory_space<semaphore_mem>>)
      %dma_wait3A = arith.constant 0 : i32
      %dma_wait3A_40 = arith.constant 0 : i32
      %dma_wait3A_41 = tpu.memref_slice %arg9[%dma_wait3A, %dma_wait3A_40] : memref<256x128xf32, #tpu.memory_space<vmem>> -> memref<128x128xf32, #tpu.memory_space<vmem>>
      %dma_wait3A_42 = arith.constant 0 : i32
      %dma_wait3A_43 = tpu.memref_slice %arg10[%add3A_12, %dma_wait3A_42] : memref<10240x128xf32, #tpu.memory_space<vmem_shared>> -> memref<128x128xf32, #tpu.memory_space<vmem_shared>>
      %dma_wait3A_44 = arith.constant 0 : i32
      %dma_wait3A_45 = tpu.memref_slice %arg10[%add3A_12, %dma_wait3A_44] : memref<10240x128xf32, #tpu.memory_space<vmem_shared>> -> memref<128x128xf32, #tpu.memory_space<vmem_shared>>
      %dma_wait3A_46 = arith.constant 0 : i32
      %dma_wait3A_47 = arith.constant 0 : i32
      %dma_wait3A_48 = tpu.memref_slice %arg9[%dma_wait3A_46, %dma_wait3A_47] : memref<256x128xf32, #tpu.memory_space<vmem>> -> memref<128x128xf32, #tpu.memory_space<vmem>>
      tpu.wait_dma2 semaphore(%run_scoped3A : memref<!tpu.dma_semaphore, #tpu.memory_space<semaphore_mem>>) src(%dma_wait3A_48 : memref<128x128xf32, #tpu.memory_space<vmem>>) dst(%dma_wait3A_45 : memref<128x128xf32, #tpu.memory_space<vmem_shared>>)
      tpu.yield
    }) : () -> ()
    %barrier3A = arith.constant 0 : index
    tpu.barrier barrier_id(%barrier3A)
    %mul3A_13 = arith.constant 10240 : i32
    %mul3A_14 = arith.muli %add3A, %mul3A_13 : i32
    %scan3A = arith.constant 0 : i32
    %scan3A_15 = arith.constant 0 : i32
    %scan3A_16 = arith.constant 40 : i32
    %scan3A_17 = arith.addi %scan3A_15, %scan3A_16 : i32
    %scan3A_18 = arith.constant 1 : i32
    scf.for %scan3A_31 = %scan3A_15 to %scan3A_17 step %scan3A_18  : i32 {
      %mul3A_32 = arith.constant 256 : i32
      %mul3A_33 = arith.muli %scan3A_31, %mul3A_32 : i32
      %add3A_34 = arith.addi %mul3A_14, %mul3A_33 : i32
      "tpu.region"() ({
        %run_scoped3A = tpu.sem_alloc : memref<!tpu.dma_semaphore, #tpu.memory_space<semaphore_mem>>
        %dma_start3A_39 = tpu.memref_slice %arg3[%add3A_34] : memref<327680xi32, #tpu.memory_space<hbm>> -> memref<256xi32, #tpu.memory_space<hbm>>
        %dma_start3A_40 = tpu.memref_slice %arg3[%add3A_34] : memref<327680xi32, #tpu.memory_space<hbm>> -> memref<256xi32, #tpu.memory_space<hbm>>
        tpu.enqueue_dma source(%dma_start3A_40 : memref<256xi32, #tpu.memory_space<hbm>>) target(%arg7 : memref<256xi32, #tpu.memory_space<vmem>>) target_semaphore(%run_scoped3A : memref<!tpu.dma_semaphore, #tpu.memory_space<semaphore_mem>>)
        %dma_wait3A_41 = tpu.memref_slice %arg3[%add3A_34] : memref<327680xi32, #tpu.memory_space<hbm>> -> memref<256xi32, #tpu.memory_space<hbm>>
        %dma_wait3A_42 = tpu.memref_slice %arg3[%add3A_34] : memref<327680xi32, #tpu.memory_space<hbm>> -> memref<256xi32, #tpu.memory_space<hbm>>
        tpu.wait_dma2 semaphore(%run_scoped3A : memref<!tpu.dma_semaphore, #tpu.memory_space<semaphore_mem>>) src(%dma_wait3A_42 : memref<256xi32, #tpu.memory_space<hbm>>) dst(%arg7 : memref<256xi32, #tpu.memory_space<vmem>>)
        tpu.yield
      }) : () -> ()
      "tpu.region"() ({
        %run_scoped3A = tpu.sem_alloc : memref<!tpu.dma_semaphore, #tpu.memory_space<semaphore_mem>>
        %dma_start3A_39 = tpu.memref_slice %arg4[%add3A_34] : memref<327680xi32, #tpu.memory_space<hbm>> -> memref<256xi32, #tpu.memory_space<hbm>>
        %dma_start3A_40 = tpu.memref_slice %arg4[%add3A_34] : memref<327680xi32, #tpu.memory_space<hbm>> -> memref<256xi32, #tpu.memory_space<hbm>>
        tpu.enqueue_dma source(%dma_start3A_40 : memref<256xi32, #tpu.memory_space<hbm>>) target(%arg8 : memref<256xi32, #tpu.memory_space<vmem>>) target_semaphore(%run_scoped3A : memref<!tpu.dma_semaphore, #tpu.memory_space<semaphore_mem>>)
        %dma_wait3A_41 = tpu.memref_slice %arg4[%add3A_34] : memref<327680xi32, #tpu.memory_space<hbm>> -> memref<256xi32, #tpu.memory_space<hbm>>
        %dma_wait3A_42 = tpu.memref_slice %arg4[%add3A_34] : memref<327680xi32, #tpu.memory_space<hbm>> -> memref<256xi32, #tpu.memory_space<hbm>>
        tpu.wait_dma2 semaphore(%run_scoped3A : memref<!tpu.dma_semaphore, #tpu.memory_space<semaphore_mem>>) src(%dma_wait3A_42 : memref<256xi32, #tpu.memory_space<hbm>>) dst(%arg8 : memref<256xi32, #tpu.memory_space<vmem>>)
        tpu.yield
      }) : () -> ()
      %dma_start3A = arith.constant 0 : i32
      %dma_start3A_35 = arith.constant 0 : i32
      %dma_start3A_36 = tpu.memref_slice %arg2[%dma_start3A, %dma_start3A_35] : memref<10240x128xf32, #tpu.memory_space<hbm>> -> memref<10240x128xf32, #tpu.memory_space<hbm>>
      tpu.enqueue_indirect_dma source(%dma_start3A_36 : memref<10240x128xf32, #tpu.memory_space<hbm>>) target(%arg9 : memref<256x128xf32, #tpu.memory_space<vmem>>) offsets(%arg7 : memref<256xi32, #tpu.memory_space<vmem>>) semaphore(%arg11 : memref<!tpu.dma_semaphore, #tpu.memory_space<semaphore_mem>>)
      %dma_wait3A = arith.constant 0 : i32
      %dma_wait3A_37 = arith.constant 0 : i32
      %dma_wait3A_38 = tpu.memref_slice %arg2[%dma_wait3A, %dma_wait3A_37] : memref<10240x128xf32, #tpu.memory_space<hbm>> -> memref<10240x128xf32, #tpu.memory_space<hbm>>
      tpu.wait_indirect_dma semaphore(%arg11 : memref<!tpu.dma_semaphore, #tpu.memory_space<semaphore_mem>>) src(%dma_wait3A_38 : memref<10240x128xf32, #tpu.memory_space<hbm>>) dst(%arg9 : memref<256x128xf32, #tpu.memory_space<vmem>>)
      "tpu.region"() ({
        %run_scoped3A = tpu.sem_alloc : memref<!tpu.dma_semaphore, #tpu.memory_space<semaphore_mem>>
        %dma_start3A_39 = arith.constant 0 : i32
        %dma_start3A_40 = arith.constant 0 : i32
        %dma_start3A_41 = tpu.memref_slice %arg10[%dma_start3A_39, %dma_start3A_40] : memref<10240x128xf32, #tpu.memory_space<vmem_shared>> -> memref<10240x128xf32, #tpu.memory_space<vmem_shared>>
        tpu.enqueue_indirect_dma source(%arg9 : memref<256x128xf32, #tpu.memory_space<vmem>>) target(%dma_start3A_41 : memref<10240x128xf32, #tpu.memory_space<vmem_shared>>) offsets(%arg8 : memref<256xi32, #tpu.memory_space<vmem>>) semaphore(%run_scoped3A : memref<!tpu.dma_semaphore, #tpu.memory_space<semaphore_mem>>) {add = true}
        %dma_wait3A_42 = arith.constant 0 : i32
        %dma_wait3A_43 = arith.constant 0 : i32
        %dma_wait3A_44 = tpu.memref_slice %arg10[%dma_wait3A_42, %dma_wait3A_43] : memref<10240x128xf32, #tpu.memory_space<vmem_shared>> -> memref<10240x128xf32, #tpu.memory_space<vmem_shared>>
        tpu.wait_indirect_dma semaphore(%run_scoped3A : memref<!tpu.dma_semaphore, #tpu.memory_space<semaphore_mem>>) src(%arg9 : memref<256x128xf32, #tpu.memory_space<vmem>>) dst(%dma_wait3A_44 : memref<10240x128xf32, #tpu.memory_space<vmem_shared>>)
        tpu.yield
      }) : () -> ()
    }
    %scan3A_19 = arith.constant 40 : i32
    %barrier3A_20 = arith.constant 0 : index
    tpu.barrier barrier_id(%barrier3A_20)
    %add3A_21 = arith.constant 0 : i32
    %add3A_22 = arith.addi %mul3A_2, %add3A_21 : i32
    "tpu.region"() ({
      %run_scoped3A = tpu.sem_alloc : memref<!tpu.dma_semaphore, #tpu.memory_space<semaphore_mem>>
      %dma_start3A = arith.constant 0 : i32
      %dma_start3A_31 = arith.constant 0 : i32
      %dma_start3A_32 = tpu.memref_slice %arg9[%dma_start3A, %dma_start3A_31] : memref<256x128xf32, #tpu.memory_space<vmem>> -> memref<128x128xf32, #tpu.memory_space<vmem>>
      %dma_start3A_33 = arith.constant 0 : i32
      %dma_start3A_34 = tpu.memref_slice %arg10[%add3A_22, %dma_start3A_33] : memref<10240x128xf32, #tpu.memory_space<vmem_shared>> -> memref<128x128xf32, #tpu.memory_space<vmem_shared>>
      %dma_start3A_35 = arith.constant 0 : i32
      %dma_start3A_36 = arith.constant 0 : i32
      %dma_start3A_37 = tpu.memref_slice %arg9[%dma_start3A_35, %dma_start3A_36] : memref<256x128xf32, #tpu.memory_space<vmem>> -> memref<128x128xf32, #tpu.memory_space<vmem>>
      %dma_start3A_38 = arith.constant 0 : i32
      %dma_start3A_39 = tpu.memref_slice %arg10[%add3A_22, %dma_start3A_38] : memref<10240x128xf32, #tpu.memory_space<vmem_shared>> -> memref<128x128xf32, #tpu.memory_space<vmem_shared>>
      tpu.enqueue_dma source(%dma_start3A_39 : memref<128x128xf32, #tpu.memory_space<vmem_shared>>) target(%dma_start3A_37 : memref<128x128xf32, #tpu.memory_space<vmem>>) target_semaphore(%run_scoped3A : memref<!tpu.dma_semaphore, #tpu.memory_space<semaphore_mem>>)
      %dma_wait3A = arith.constant 0 : i32
      %dma_wait3A_40 = arith.constant 0 : i32
      %dma_wait3A_41 = tpu.memref_slice %arg9[%dma_wait3A, %dma_wait3A_40] : memref<256x128xf32, #tpu.memory_space<vmem>> -> memref<128x128xf32, #tpu.memory_space<vmem>>
      %dma_wait3A_42 = arith.constant 0 : i32
      %dma_wait3A_43 = tpu.memref_slice %arg10[%add3A_22, %dma_wait3A_42] : memref<10240x128xf32, #tpu.memory_space<vmem_shared>> -> memref<128x128xf32, #tpu.memory_space<vmem_shared>>
      %dma_wait3A_44 = arith.constant 0 : i32
      %dma_wait3A_45 = arith.constant 0 : i32
      %dma_wait3A_46 = tpu.memref_slice %arg9[%dma_wait3A_44, %dma_wait3A_45] : memref<256x128xf32, #tpu.memory_space<vmem>> -> memref<128x128xf32, #tpu.memory_space<vmem>>
      %dma_wait3A_47 = arith.constant 0 : i32
      %dma_wait3A_48 = tpu.memref_slice %arg10[%add3A_22, %dma_wait3A_47] : memref<10240x128xf32, #tpu.memory_space<vmem_shared>> -> memref<128x128xf32, #tpu.memory_space<vmem_shared>>
      tpu.wait_dma2 semaphore(%run_scoped3A : memref<!tpu.dma_semaphore, #tpu.memory_space<semaphore_mem>>) src(%dma_wait3A_48 : memref<128x128xf32, #tpu.memory_space<vmem_shared>>) dst(%dma_wait3A_46 : memref<128x128xf32, #tpu.memory_space<vmem>>)
      tpu.yield
    }) : () -> ()
    "tpu.region"() ({
      %run_scoped3A = tpu.sem_alloc : memref<!tpu.dma_semaphore, #tpu.memory_space<semaphore_mem>>
      %dma_start3A = arith.constant 0 : i32
      %dma_start3A_31 = arith.constant 0 : i32
      %dma_start3A_32 = tpu.memref_slice %arg9[%dma_start3A, %dma_start3A_31] : memref<256x128xf32, #tpu.memory_space<vmem>> -> memref<128x128xf32, #tpu.memory_space<vmem>>
      %dma_start3A_33 = arith.constant 0 : i32
      %dma_start3A_34 = tpu.memref_slice %arg6[%arg0, %add3A_22, %dma_start3A_33] : memref<2x10240x128xf32, #tpu.memory_space<hbm>> -> memref<1x128x128xf32, #tpu.memory_space<hbm>>
      %dma_start3A_35 = tpu.memref_squeeze %dma_start3A_34 : memref<1x128x128xf32, #tpu.memory_space<hbm>> -> memref<128x128xf32, #tpu.memory_space<hbm>>
      %dma_start3A_36 = arith.constant 0 : i32
      %dma_start3A_37 = tpu.memref_slice %arg6[%arg0, %add3A_22, %dma_start3A_36] : memref<2x10240x128xf32, #tpu.memory_space<hbm>> -> memref<1x128x128xf32, #tpu.memory_space<hbm>>
      %dma_start3A_38 = tpu.memref_squeeze %dma_start3A_37 : memref<1x128x128xf32, #tpu.memory_space<hbm>> -> memref<128x128xf32, #tpu.memory_space<hbm>>
      %dma_start3A_39 = arith.constant 0 : i32
      %dma_start3A_40 = arith.constant 0 : i32
      %dma_start3A_41 = tpu.memref_slice %arg9[%dma_start3A_39, %dma_start3A_40] : memref<256x128xf32, #tpu.memory_space<vmem>> -> memref<128x128xf32, #tpu.memory_space<vmem>>
      tpu.enqueue_dma source(%dma_start3A_41 : memref<128x128xf32, #tpu.memory_space<vmem>>) target(%dma_start3A_38 : memref<128x128xf32, #tpu.memory_space<hbm>>) target_semaphore(%run_scoped3A : memref<!tpu.dma_semaphore, #tpu.memory_space<semaphore_mem>>)
      %dma_wait3A = arith.constant 0 : i32
      %dma_wait3A_42 = arith.constant 0 : i32
      %dma_wait3A_43 = tpu.memref_slice %arg9[%dma_wait3A, %dma_wait3A_42] : memref<256x128xf32, #tpu.memory_space<vmem>> -> memref<128x128xf32, #tpu.memory_space<vmem>>
      %dma_wait3A_44 = arith.constant 0 : i32
      %dma_wait3A_45 = tpu.memref_slice %arg6[%arg0, %add3A_22, %dma_wait3A_44] : memref<2x10240x128xf32, #tpu.memory_space<hbm>> -> memref<1x128x128xf32, #tpu.memory_space<hbm>>
      %dma_wait3A_46 = tpu.memref_squeeze %dma_wait3A_45 : memref<1x128x128xf32, #tpu.memory_space<hbm>> -> memref<128x128xf32, #tpu.memory_space<hbm>>
      %dma_wait3A_47 = arith.constant 0 : i32
      %dma_wait3A_48 = tpu.memref_slice %arg6[%arg0, %add3A_22, %dma_wait3A_47] : memref<2x10240x128xf32, #tpu.memory_space<hbm>> -> memref<1x128x128xf32, #tpu.memory_space<hbm>>
      %dma_wait3A_49 = tpu.memref_squeeze %dma_wait3A_48 : memref<1x128x128xf32, #tpu.memory_space<hbm>> -> memref<128x128xf32, #tpu.memory_space<hbm>>
      %dma_wait3A_50 = arith.constant 0 : i32
      %dma_wait3A_51 = arith.constant 0 : i32
      %dma_wait3A_52 = tpu.memref_slice %arg9[%dma_wait3A_50, %dma_wait3A_51] : memref<256x128xf32, #tpu.memory_space<vmem>> -> memref<128x128xf32, #tpu.memory_space<vmem>>
      tpu.wait_dma2 semaphore(%run_scoped3A : memref<!tpu.dma_semaphore, #tpu.memory_space<semaphore_mem>>) src(%dma_wait3A_52 : memref<128x128xf32, #tpu.memory_space<vmem>>) dst(%dma_wait3A_49 : memref<128x128xf32, #tpu.memory_space<hbm>>)
      tpu.yield
    }) : () -> ()
    %add3A_23 = arith.constant 128 : i32
    %add3A_24 = arith.addi %mul3A_2, %add3A_23 : i32
    "tpu.region"() ({
      %run_scoped3A = tpu.sem_alloc : memref<!tpu.dma_semaphore, #tpu.memory_space<semaphore_mem>>
      %dma_start3A = arith.constant 0 : i32
      %dma_start3A_31 = arith.constant 0 : i32
      %dma_start3A_32 = tpu.memref_slice %arg9[%dma_start3A, %dma_start3A_31] : memref<256x128xf32, #tpu.memory_space<vmem>> -> memref<128x128xf32, #tpu.memory_space<vmem>>
      %dma_start3A_33 = arith.constant 0 : i32
      %dma_start3A_34 = tpu.memref_slice %arg10[%add3A_24, %dma_start3A_33] : memref<10240x128xf32, #tpu.memory_space<vmem_shared>> -> memref<128x128xf32, #tpu.memory_space<vmem_shared>>
      %dma_start3A_35 = arith.constant 0 : i32
      %dma_start3A_36 = arith.constant 0 : i32
      %dma_start3A_37 = tpu.memref_slice %arg9[%dma_start3A_35, %dma_start3A_36] : memref<256x128xf32, #tpu.memory_space<vmem>> -> memref<128x128xf32, #tpu.memory_space<vmem>>
      %dma_start3A_38 = arith.constant 0 : i32
      %dma_start3A_39 = tpu.memref_slice %arg10[%add3A_24, %dma_start3A_38] : memref<10240x128xf32, #tpu.memory_space<vmem_shared>> -> memref<128x128xf32, #tpu.memory_space<vmem_shared>>
      tpu.enqueue_dma source(%dma_start3A_39 : memref<128x128xf32, #tpu.memory_space<vmem_shared>>) target(%dma_start3A_37 : memref<128x128xf32, #tpu.memory_space<vmem>>) target_semaphore(%run_scoped3A : memref<!tpu.dma_semaphore, #tpu.memory_space<semaphore_mem>>)
      %dma_wait3A = arith.constant 0 : i32
      %dma_wait3A_40 = arith.constant 0 : i32
      %dma_wait3A_41 = tpu.memref_slice %arg9[%dma_wait3A, %dma_wait3A_40] : memref<256x128xf32, #tpu.memory_space<vmem>> -> memref<128x128xf32, #tpu.memory_space<vmem>>
      %dma_wait3A_42 = arith.constant 0 : i32
      %dma_wait3A_43 = tpu.memref_slice %arg10[%add3A_24, %dma_wait3A_42] : memref<10240x128xf32, #tpu.memory_space<vmem_shared>> -> memref<128x128xf32, #tpu.memory_space<vmem_shared>>
      %dma_wait3A_44 = arith.constant 0 : i32
      %dma_wait3A_45 = arith.constant 0 : i32
      %dma_wait3A_46 = tpu.memref_slice %arg9[%dma_wait3A_44, %dma_wait3A_45] : memref<256x128xf32, #tpu.memory_space<vmem>> -> memref<128x128xf32, #tpu.memory_space<vmem>>
      %dma_wait3A_47 = arith.constant 0 : i32
      %dma_wait3A_48 = tpu.memref_slice %arg10[%add3A_24, %dma_wait3A_47] : memref<10240x128xf32, #tpu.memory_space<vmem_shared>> -> memref<128x128xf32, #tpu.memory_space<vmem_shared>>
      tpu.wait_dma2 semaphore(%run_scoped3A : memref<!tpu.dma_semaphore, #tpu.memory_space<semaphore_mem>>) src(%dma_wait3A_48 : memref<128x128xf32, #tpu.memory_space<vmem_shared>>) dst(%dma_wait3A_46 : memref<128x128xf32, #tpu.memory_space<vmem>>)
      tpu.yield
    }) : () -> ()
    "tpu.region"() ({
      %run_scoped3A = tpu.sem_alloc : memref<!tpu.dma_semaphore, #tpu.memory_space<semaphore_mem>>
      %dma_start3A = arith.constant 0 : i32
      %dma_start3A_31 = arith.constant 0 : i32
      %dma_start3A_32 = tpu.memref_slice %arg9[%dma_start3A, %dma_start3A_31] : memref<256x128xf32, #tpu.memory_space<vmem>> -> memref<128x128xf32, #tpu.memory_space<vmem>>
      %dma_start3A_33 = arith.constant 0 : i32
      %dma_start3A_34 = tpu.memref_slice %arg6[%arg0, %add3A_24, %dma_start3A_33] : memref<2x10240x128xf32, #tpu.memory_space<hbm>> -> memref<1x128x128xf32, #tpu.memory_space<hbm>>
      %dma_start3A_35 = tpu.memref_squeeze %dma_start3A_34 : memref<1x128x128xf32, #tpu.memory_space<hbm>> -> memref<128x128xf32, #tpu.memory_space<hbm>>
      %dma_start3A_36 = arith.constant 0 : i32
      %dma_start3A_37 = tpu.memref_slice %arg6[%arg0, %add3A_24, %dma_start3A_36] : memref<2x10240x128xf32, #tpu.memory_space<hbm>> -> memref<1x128x128xf32, #tpu.memory_space<hbm>>
      %dma_start3A_38 = tpu.memref_squeeze %dma_start3A_37 : memref<1x128x128xf32, #tpu.memory_space<hbm>> -> memref<128x128xf32, #tpu.memory_space<hbm>>
      %dma_start3A_39 = arith.constant 0 : i32
      %dma_start3A_40 = arith.constant 0 : i32
      %dma_start3A_41 = tpu.memref_slice %arg9[%dma_start3A_39, %dma_start3A_40] : memref<256x128xf32, #tpu.memory_space<vmem>> -> memref<128x128xf32, #tpu.memory_space<vmem>>
      tpu.enqueue_dma source(%dma_start3A_41 : memref<128x128xf32, #tpu.memory_space<vmem>>) target(%dma_start3A_38 : memref<128x128xf32, #tpu.memory_space<hbm>>) target_semaphore(%run_scoped3A : memref<!tpu.dma_semaphore, #tpu.memory_space<semaphore_mem>>)
      %dma_wait3A = arith.constant 0 : i32
      %dma_wait3A_42 = arith.constant 0 : i32
      %dma_wait3A_43 = tpu.memref_slice %arg9[%dma_wait3A, %dma_wait3A_42] : memref<256x128xf32, #tpu.memory_space<vmem>> -> memref<128x128xf32, #tpu.memory_space<vmem>>
      %dma_wait3A_44 = arith.constant 0 : i32
      %dma_wait3A_45 = tpu.memref_slice %arg6[%arg0, %add3A_24, %dma_wait3A_44] : memref<2x10240x128xf32, #tpu.memory_space<hbm>> -> memref<1x128x128xf32, #tpu.memory_space<hbm>>
      %dma_wait3A_46 = tpu.memref_squeeze %dma_wait3A_45 : memref<1x128x128xf32, #tpu.memory_space<hbm>> -> memref<128x128xf32, #tpu.memory_space<hbm>>
      %dma_wait3A_47 = arith.constant 0 : i32
      %dma_wait3A_48 = tpu.memref_slice %arg6[%arg0, %add3A_24, %dma_wait3A_47] : memref<2x10240x128xf32, #tpu.memory_space<hbm>> -> memref<1x128x128xf32, #tpu.memory_space<hbm>>
      %dma_wait3A_49 = tpu.memref_squeeze %dma_wait3A_48 : memref<1x128x128xf32, #tpu.memory_space<hbm>> -> memref<128x128xf32, #tpu.memory_space<hbm>>
      %dma_wait3A_50 = arith.constant 0 : i32
      %dma_wait3A_51 = arith.constant 0 : i32
      %dma_wait3A_52 = tpu.memref_slice %arg9[%dma_wait3A_50, %dma_wait3A_51] : memref<256x128xf32, #tpu.memory_space<vmem>> -> memref<128x128xf32, #tpu.memory_space<vmem>>
      tpu.wait_dma2 semaphore(%run_scoped3A : memref<!tpu.dma_semaphore, #tpu.memory_space<semaphore_mem>>) src(%dma_wait3A_52 : memref<128x128xf32, #tpu.memory_space<vmem>>) dst(%dma_wait3A_49 : memref<128x128xf32, #tpu.memory_space<hbm>>)
      tpu.yield
    }) : () -> ()
    %add3A_25 = arith.constant 256 : i32
    %add3A_26 = arith.addi %mul3A_2, %add3A_25 : i32
    "tpu.region"() ({
      %run_scoped3A = tpu.sem_alloc : memref<!tpu.dma_semaphore, #tpu.memory_space<semaphore_mem>>
      %dma_start3A = arith.constant 0 : i32
      %dma_start3A_31 = arith.constant 0 : i32
      %dma_start3A_32 = tpu.memref_slice %arg9[%dma_start3A, %dma_start3A_31] : memref<256x128xf32, #tpu.memory_space<vmem>> -> memref<128x128xf32, #tpu.memory_space<vmem>>
      %dma_start3A_33 = arith.constant 0 : i32
      %dma_start3A_34 = tpu.memref_slice %arg10[%add3A_26, %dma_start3A_33] : memref<10240x128xf32, #tpu.memory_space<vmem_shared>> -> memref<128x128xf32, #tpu.memory_space<vmem_shared>>
      %dma_start3A_35 = arith.constant 0 : i32
      %dma_start3A_36 = arith.constant 0 : i32
      %dma_start3A_37 = tpu.memref_slice %arg9[%dma_start3A_35, %dma_start3A_36] : memref<256x128xf32, #tpu.memory_space<vmem>> -> memref<128x128xf32, #tpu.memory_space<vmem>>
      %dma_start3A_38 = arith.constant 0 : i32
      %dma_start3A_39 = tpu.memref_slice %arg10[%add3A_26, %dma_start3A_38] : memref<10240x128xf32, #tpu.memory_space<vmem_shared>> -> memref<128x128xf32, #tpu.memory_space<vmem_shared>>
      tpu.enqueue_dma source(%dma_start3A_39 : memref<128x128xf32, #tpu.memory_space<vmem_shared>>) target(%dma_start3A_37 : memref<128x128xf32, #tpu.memory_space<vmem>>) target_semaphore(%run_scoped3A : memref<!tpu.dma_semaphore, #tpu.memory_space<semaphore_mem>>)
      %dma_wait3A = arith.constant 0 : i32
      %dma_wait3A_40 = arith.constant 0 : i32
      %dma_wait3A_41 = tpu.memref_slice %arg9[%dma_wait3A, %dma_wait3A_40] : memref<256x128xf32, #tpu.memory_space<vmem>> -> memref<128x128xf32, #tpu.memory_space<vmem>>
      %dma_wait3A_42 = arith.constant 0 : i32
      %dma_wait3A_43 = tpu.memref_slice %arg10[%add3A_26, %dma_wait3A_42] : memref<10240x128xf32, #tpu.memory_space<vmem_shared>> -> memref<128x128xf32, #tpu.memory_space<vmem_shared>>
      %dma_wait3A_44 = arith.constant 0 : i32
      %dma_wait3A_45 = arith.constant 0 : i32
      %dma_wait3A_46 = tpu.memref_slice %arg9[%dma_wait3A_44, %dma_wait3A_45] : memref<256x128xf32, #tpu.memory_space<vmem>> -> memref<128x128xf32, #tpu.memory_space<vmem>>
      %dma_wait3A_47 = arith.constant 0 : i32
      %dma_wait3A_48 = tpu.memref_slice %arg10[%add3A_26, %dma_wait3A_47] : memref<10240x128xf32, #tpu.memory_space<vmem_shared>> -> memref<128x128xf32, #tpu.memory_space<vmem_shared>>
      tpu.wait_dma2 semaphore(%run_scoped3A : memref<!tpu.dma_semaphore, #tpu.memory_space<semaphore_mem>>) src(%dma_wait3A_48 : memref<128x128xf32, #tpu.memory_space<vmem_shared>>) dst(%dma_wait3A_46 : memref<128x128xf32, #tpu.memory_space<vmem>>)
      tpu.yield
    }) : () -> ()
    "tpu.region"() ({
      %run_scoped3A = tpu.sem_alloc : memref<!tpu.dma_semaphore, #tpu.memory_space<semaphore_mem>>
      %dma_start3A = arith.constant 0 : i32
      %dma_start3A_31 = arith.constant 0 : i32
      %dma_start3A_32 = tpu.memref_slice %arg9[%dma_start3A, %dma_start3A_31] : memref<256x128xf32, #tpu.memory_space<vmem>> -> memref<128x128xf32, #tpu.memory_space<vmem>>
      %dma_start3A_33 = arith.constant 0 : i32
      %dma_start3A_34 = tpu.memref_slice %arg6[%arg0, %add3A_26, %dma_start3A_33] : memref<2x10240x128xf32, #tpu.memory_space<hbm>> -> memref<1x128x128xf32, #tpu.memory_space<hbm>>
      %dma_start3A_35 = tpu.memref_squeeze %dma_start3A_34 : memref<1x128x128xf32, #tpu.memory_space<hbm>> -> memref<128x128xf32, #tpu.memory_space<hbm>>
      %dma_start3A_36 = arith.constant 0 : i32
      %dma_start3A_37 = tpu.memref_slice %arg6[%arg0, %add3A_26, %dma_start3A_36] : memref<2x10240x128xf32, #tpu.memory_space<hbm>> -> memref<1x128x128xf32, #tpu.memory_space<hbm>>
      %dma_start3A_38 = tpu.memref_squeeze %dma_start3A_37 : memref<1x128x128xf32, #tpu.memory_space<hbm>> -> memref<128x128xf32, #tpu.memory_space<hbm>>
      %dma_start3A_39 = arith.constant 0 : i32
      %dma_start3A_40 = arith.constant 0 : i32
      %dma_start3A_41 = tpu.memref_slice %arg9[%dma_start3A_39, %dma_start3A_40] : memref<256x128xf32, #tpu.memory_space<vmem>> -> memref<128x128xf32, #tpu.memory_space<vmem>>
      tpu.enqueue_dma source(%dma_start3A_41 : memref<128x128xf32, #tpu.memory_space<vmem>>) target(%dma_start3A_38 : memref<128x128xf32, #tpu.memory_space<hbm>>) target_semaphore(%run_scoped3A : memref<!tpu.dma_semaphore, #tpu.memory_space<semaphore_mem>>)
      %dma_wait3A = arith.constant 0 : i32
      %dma_wait3A_42 = arith.constant 0 : i32
      %dma_wait3A_43 = tpu.memref_slice %arg9[%dma_wait3A, %dma_wait3A_42] : memref<256x128xf32, #tpu.memory_space<vmem>> -> memref<128x128xf32, #tpu.memory_space<vmem>>
      %dma_wait3A_44 = arith.constant 0 : i32
      %dma_wait3A_45 = tpu.memref_slice %arg6[%arg0, %add3A_26, %dma_wait3A_44] : memref<2x10240x128xf32, #tpu.memory_space<hbm>> -> memref<1x128x128xf32, #tpu.memory_space<hbm>>
      %dma_wait3A_46 = tpu.memref_squeeze %dma_wait3A_45 : memref<1x128x128xf32, #tpu.memory_space<hbm>> -> memref<128x128xf32, #tpu.memory_space<hbm>>
      %dma_wait3A_47 = arith.constant 0 : i32
      %dma_wait3A_48 = tpu.memref_slice %arg6[%arg0, %add3A_26, %dma_wait3A_47] : memref<2x10240x128xf32, #tpu.memory_space<hbm>> -> memref<1x128x128xf32, #tpu.memory_space<hbm>>
      %dma_wait3A_49 = tpu.memref_squeeze %dma_wait3A_48 : memref<1x128x128xf32, #tpu.memory_space<hbm>> -> memref<128x128xf32, #tpu.memory_space<hbm>>
      %dma_wait3A_50 = arith.constant 0 : i32
      %dma_wait3A_51 = arith.constant 0 : i32
      %dma_wait3A_52 = tpu.memref_slice %arg9[%dma_wait3A_50, %dma_wait3A_51] : memref<256x128xf32, #tpu.memory_space<vmem>> -> memref<128x128xf32, #tpu.memory_space<vmem>>
      tpu.wait_dma2 semaphore(%run_scoped3A : memref<!tpu.dma_semaphore, #tpu.memory_space<semaphore_mem>>) src(%dma_wait3A_52 : memref<128x128xf32, #tpu.memory_space<vmem>>) dst(%dma_wait3A_49 : memref<128x128xf32, #tpu.memory_space<hbm>>)
      tpu.yield
    }) : () -> ()
    %add3A_27 = arith.constant 384 : i32
    %add3A_28 = arith.addi %mul3A_2, %add3A_27 : i32
    "tpu.region"() ({
      %run_scoped3A = tpu.sem_alloc : memref<!tpu.dma_semaphore, #tpu.memory_space<semaphore_mem>>
      %dma_start3A = arith.constant 0 : i32
      %dma_start3A_31 = arith.constant 0 : i32
      %dma_start3A_32 = tpu.memref_slice %arg9[%dma_start3A, %dma_start3A_31] : memref<256x128xf32, #tpu.memory_space<vmem>> -> memref<128x128xf32, #tpu.memory_space<vmem>>
      %dma_start3A_33 = arith.constant 0 : i32
      %dma_start3A_34 = tpu.memref_slice %arg10[%add3A_28, %dma_start3A_33] : memref<10240x128xf32, #tpu.memory_space<vmem_shared>> -> memref<128x128xf32, #tpu.memory_space<vmem_shared>>
      %dma_start3A_35 = arith.constant 0 : i32
      %dma_start3A_36 = arith.constant 0 : i32
      %dma_start3A_37 = tpu.memref_slice %arg9[%dma_start3A_35, %dma_start3A_36] : memref<256x128xf32, #tpu.memory_space<vmem>> -> memref<128x128xf32, #tpu.memory_space<vmem>>
      %dma_start3A_38 = arith.constant 0 : i32
      %dma_start3A_39 = tpu.memref_slice %arg10[%add3A_28, %dma_start3A_38] : memref<10240x128xf32, #tpu.memory_space<vmem_shared>> -> memref<128x128xf32, #tpu.memory_space<vmem_shared>>
      tpu.enqueue_dma source(%dma_start3A_39 : memref<128x128xf32, #tpu.memory_space<vmem_shared>>) target(%dma_start3A_37 : memref<128x128xf32, #tpu.memory_space<vmem>>) target_semaphore(%run_scoped3A : memref<!tpu.dma_semaphore, #tpu.memory_space<semaphore_mem>>)
      %dma_wait3A = arith.constant 0 : i32
      %dma_wait3A_40 = arith.constant 0 : i32
      %dma_wait3A_41 = tpu.memref_slice %arg9[%dma_wait3A, %dma_wait3A_40] : memref<256x128xf32, #tpu.memory_space<vmem>> -> memref<128x128xf32, #tpu.memory_space<vmem>>
      %dma_wait3A_42 = arith.constant 0 : i32
      %dma_wait3A_43 = tpu.memref_slice %arg10[%add3A_28, %dma_wait3A_42] : memref<10240x128xf32, #tpu.memory_space<vmem_shared>> -> memref<128x128xf32, #tpu.memory_space<vmem_shared>>
      %dma_wait3A_44 = arith.constant 0 : i32
      %dma_wait3A_45 = arith.constant 0 : i32
      %dma_wait3A_46 = tpu.memref_slice %arg9[%dma_wait3A_44, %dma_wait3A_45] : memref<256x128xf32, #tpu.memory_space<vmem>> -> memref<128x128xf32, #tpu.memory_space<vmem>>
      %dma_wait3A_47 = arith.constant 0 : i32
      %dma_wait3A_48 = tpu.memref_slice %arg10[%add3A_28, %dma_wait3A_47] : memref<10240x128xf32, #tpu.memory_space<vmem_shared>> -> memref<128x128xf32, #tpu.memory_space<vmem_shared>>
      tpu.wait_dma2 semaphore(%run_scoped3A : memref<!tpu.dma_semaphore, #tpu.memory_space<semaphore_mem>>) src(%dma_wait3A_48 : memref<128x128xf32, #tpu.memory_space<vmem_shared>>) dst(%dma_wait3A_46 : memref<128x128xf32, #tpu.memory_space<vmem>>)
      tpu.yield
    }) : () -> ()
    "tpu.region"() ({
      %run_scoped3A = tpu.sem_alloc : memref<!tpu.dma_semaphore, #tpu.memory_space<semaphore_mem>>
      %dma_start3A = arith.constant 0 : i32
      %dma_start3A_31 = arith.constant 0 : i32
      %dma_start3A_32 = tpu.memref_slice %arg9[%dma_start3A, %dma_start3A_31] : memref<256x128xf32, #tpu.memory_space<vmem>> -> memref<128x128xf32, #tpu.memory_space<vmem>>
      %dma_start3A_33 = arith.constant 0 : i32
      %dma_start3A_34 = tpu.memref_slice %arg6[%arg0, %add3A_28, %dma_start3A_33] : memref<2x10240x128xf32, #tpu.memory_space<hbm>> -> memref<1x128x128xf32, #tpu.memory_space<hbm>>
      %dma_start3A_35 = tpu.memref_squeeze %dma_start3A_34 : memref<1x128x128xf32, #tpu.memory_space<hbm>> -> memref<128x128xf32, #tpu.memory_space<hbm>>
      %dma_start3A_36 = arith.constant 0 : i32
      %dma_start3A_37 = tpu.memref_slice %arg6[%arg0, %add3A_28, %dma_start3A_36] : memref<2x10240x128xf32, #tpu.memory_space<hbm>> -> memref<1x128x128xf32, #tpu.memory_space<hbm>>
      %dma_start3A_38 = tpu.memref_squeeze %dma_start3A_37 : memref<1x128x128xf32, #tpu.memory_space<hbm>> -> memref<128x128xf32, #tpu.memory_space<hbm>>
      %dma_start3A_39 = arith.constant 0 : i32
      %dma_start3A_40 = arith.constant 0 : i32
      %dma_start3A_41 = tpu.memref_slice %arg9[%dma_start3A_39, %dma_start3A_40] : memref<256x128xf32, #tpu.memory_space<vmem>> -> memref<128x128xf32, #tpu.memory_space<vmem>>
      tpu.enqueue_dma source(%dma_start3A_41 : memref<128x128xf32, #tpu.memory_space<vmem>>) target(%dma_start3A_38 : memref<128x128xf32, #tpu.memory_space<hbm>>) target_semaphore(%run_scoped3A : memref<!tpu.dma_semaphore, #tpu.memory_space<semaphore_mem>>)
      %dma_wait3A = arith.constant 0 : i32
      %dma_wait3A_42 = arith.constant 0 : i32
      %dma_wait3A_43 = tpu.memref_slice %arg9[%dma_wait3A, %dma_wait3A_42] : memref<256x128xf32, #tpu.memory_space<vmem>> -> memref<128x128xf32, #tpu.memory_space<vmem>>
      %dma_wait3A_44 = arith.constant 0 : i32
      %dma_wait3A_45 = tpu.memref_slice %arg6[%arg0, %add3A_28, %dma_wait3A_44] : memref<2x10240x128xf32, #tpu.memory_space<hbm>> -> memref<1x128x128xf32, #tpu.memory_space<hbm>>
      %dma_wait3A_46 = tpu.memref_squeeze %dma_wait3A_45 : memref<1x128x128xf32, #tpu.memory_space<hbm>> -> memref<128x128xf32, #tpu.memory_space<hbm>>
      %dma_wait3A_47 = arith.constant 0 : i32
      %dma_wait3A_48 = tpu.memref_slice %arg6[%arg0, %add3A_28, %dma_wait3A_47] : memref<2x10240x128xf32, #tpu.memory_space<hbm>> -> memref<1x128x128xf32, #tpu.memory_space<hbm>>
      %dma_wait3A_49 = tpu.memref_squeeze %dma_wait3A_48 : memref<1x128x128xf32, #tpu.memory_space<hbm>> -> memref<128x128xf32, #tpu.memory_space<hbm>>
      %dma_wait3A_50 = arith.constant 0 : i32
      %dma_wait3A_51 = arith.constant 0 : i32
      %dma_wait3A_52 = tpu.memref_slice %arg9[%dma_wait3A_50, %dma_wait3A_51] : memref<256x128xf32, #tpu.memory_space<vmem>> -> memref<128x128xf32, #tpu.memory_space<vmem>>
      tpu.wait_dma2 semaphore(%run_scoped3A : memref<!tpu.dma_semaphore, #tpu.memory_space<semaphore_mem>>) src(%dma_wait3A_52 : memref<128x128xf32, #tpu.memory_space<vmem>>) dst(%dma_wait3A_49 : memref<128x128xf32, #tpu.memory_space<hbm>>)
      tpu.yield
    }) : () -> ()
    %add3A_29 = arith.constant 512 : i32
    %add3A_30 = arith.addi %mul3A_2, %add3A_29 : i32
    "tpu.region"() ({
      %run_scoped3A = tpu.sem_alloc : memref<!tpu.dma_semaphore, #tpu.memory_space<semaphore_mem>>
      %dma_start3A = arith.constant 0 : i32
      %dma_start3A_31 = arith.constant 0 : i32
      %dma_start3A_32 = tpu.memref_slice %arg9[%dma_start3A, %dma_start3A_31] : memref<256x128xf32, #tpu.memory_space<vmem>> -> memref<128x128xf32, #tpu.memory_space<vmem>>
      %dma_start3A_33 = arith.constant 0 : i32
      %dma_start3A_34 = tpu.memref_slice %arg10[%add3A_30, %dma_start3A_33] : memref<10240x128xf32, #tpu.memory_space<vmem_shared>> -> memref<128x128xf32, #tpu.memory_space<vmem_shared>>
      %dma_start3A_35 = arith.constant 0 : i32
      %dma_start3A_36 = arith.constant 0 : i32
      %dma_start3A_37 = tpu.memref_slice %arg9[%dma_start3A_35, %dma_start3A_36] : memref<256x128xf32, #tpu.memory_space<vmem>> -> memref<128x128xf32, #tpu.memory_space<vmem>>
      %dma_start3A_38 = arith.constant 0 : i32
      %dma_start3A_39 = tpu.memref_slice %arg10[%add3A_30, %dma_start3A_38] : memref<10240x128xf32, #tpu.memory_space<vmem_shared>> -> memref<128x128xf32, #tpu.memory_space<vmem_shared>>
      tpu.enqueue_dma source(%dma_start3A_39 : memref<128x128xf32, #tpu.memory_space<vmem_shared>>) target(%dma_start3A_37 : memref<128x128xf32, #tpu.memory_space<vmem>>) target_semaphore(%run_scoped3A : memref<!tpu.dma_semaphore, #tpu.memory_space<semaphore_mem>>)
      %dma_wait3A = arith.constant 0 : i32
      %dma_wait3A_40 = arith.constant 0 : i32
      %dma_wait3A_41 = tpu.memref_slice %arg9[%dma_wait3A, %dma_wait3A_40] : memref<256x128xf32, #tpu.memory_space<vmem>> -> memref<128x128xf32, #tpu.memory_space<vmem>>
      %dma_wait3A_42 = arith.constant 0 : i32
      %dma_wait3A_43 = tpu.memref_slice %arg10[%add3A_30, %dma_wait3A_42] : memref<10240x128xf32, #tpu.memory_space<vmem_shared>> -> memref<128x128xf32, #tpu.memory_space<vmem_shared>>
      %dma_wait3A_44 = arith.constant 0 : i32
      %dma_wait3A_45 = arith.constant 0 : i32
      %dma_wait3A_46 = tpu.memref_slice %arg9[%dma_wait3A_44, %dma_wait3A_45] : memref<256x128xf32, #tpu.memory_space<vmem>> -> memref<128x128xf32, #tpu.memory_space<vmem>>
      %dma_wait3A_47 = arith.constant 0 : i32
      %dma_wait3A_48 = tpu.memref_slice %arg10[%add3A_30, %dma_wait3A_47] : memref<10240x128xf32, #tpu.memory_space<vmem_shared>> -> memref<128x128xf32, #tpu.memory_space<vmem_shared>>
      tpu.wait_dma2 semaphore(%run_scoped3A : memref<!tpu.dma_semaphore, #tpu.memory_space<semaphore_mem>>) src(%dma_wait3A_48 : memref<128x128xf32, #tpu.memory_space<vmem_shared>>) dst(%dma_wait3A_46 : memref<128x128xf32, #tpu.memory_space<vmem>>)
      tpu.yield
    }) : () -> ()
    "tpu.region"() ({
      %run_scoped3A = tpu.sem_alloc : memref<!tpu.dma_semaphore, #tpu.memory_space<semaphore_mem>>
      %dma_start3A = arith.constant 0 : i32
      %dma_start3A_31 = arith.constant 0 : i32
      %dma_start3A_32 = tpu.memref_slice %arg9[%dma_start3A, %dma_start3A_31] : memref<256x128xf32, #tpu.memory_space<vmem>> -> memref<128x128xf32, #tpu.memory_space<vmem>>
      %dma_start3A_33 = arith.constant 0 : i32
      %dma_start3A_34 = tpu.memref_slice %arg6[%arg0, %add3A_30, %dma_start3A_33] : memref<2x10240x128xf32, #tpu.memory_space<hbm>> -> memref<1x128x128xf32, #tpu.memory_space<hbm>>
      %dma_start3A_35 = tpu.memref_squeeze %dma_start3A_34 : memref<1x128x128xf32, #tpu.memory_space<hbm>> -> memref<128x128xf32, #tpu.memory_space<hbm>>
      %dma_start3A_36 = arith.constant 0 : i32
      %dma_start3A_37 = tpu.memref_slice %arg6[%arg0, %add3A_30, %dma_start3A_36] : memref<2x10240x128xf32, #tpu.memory_space<hbm>> -> memref<1x128x128xf32, #tpu.memory_space<hbm>>
      %dma_start3A_38 = tpu.memref_squeeze %dma_start3A_37 : memref<1x128x128xf32, #tpu.memory_space<hbm>> -> memref<128x128xf32, #tpu.memory_space<hbm>>
      %dma_start3A_39 = arith.constant 0 : i32
      %dma_start3A_40 = arith.constant 0 : i32
      %dma_start3A_41 = tpu.memref_slice %arg9[%dma_start3A_39, %dma_start3A_40] : memref<256x128xf32, #tpu.memory_space<vmem>> -> memref<128x128xf32, #tpu.memory_space<vmem>>
      tpu.enqueue_dma source(%dma_start3A_41 : memref<128x128xf32, #tpu.memory_space<vmem>>) target(%dma_start3A_38 : memref<128x128xf32, #tpu.memory_space<hbm>>) target_semaphore(%run_scoped3A : memref<!tpu.dma_semaphore, #tpu.memory_space<semaphore_mem>>)
      %dma_wait3A = arith.constant 0 : i32
      %dma_wait3A_42 = arith.constant 0 : i32
      %dma_wait3A_43 = tpu.memref_slice %arg9[%dma_wait3A, %dma_wait3A_42] : memref<256x128xf32, #tpu.memory_space<vmem>> -> memref<128x128xf32, #tpu.memory_space<vmem>>
      %dma_wait3A_44 = arith.constant 0 : i32
      %dma_wait3A_45 = tpu.memref_slice %arg6[%arg0, %add3A_30, %dma_wait3A_44] : memref<2x10240x128xf32, #tpu.memory_space<hbm>> -> memref<1x128x128xf32, #tpu.memory_space<hbm>>
      %dma_wait3A_46 = tpu.memref_squeeze %dma_wait3A_45 : memref<1x128x128xf32, #tpu.memory_space<hbm>> -> memref<128x128xf32, #tpu.memory_space<hbm>>
      %dma_wait3A_47 = arith.constant 0 : i32
      %dma_wait3A_48 = tpu.memref_slice %arg6[%arg0, %add3A_30, %dma_wait3A_47] : memref<2x10240x128xf32, #tpu.memory_space<hbm>> -> memref<1x128x128xf32, #tpu.memory_space<hbm>>
      %dma_wait3A_49 = tpu.memref_squeeze %dma_wait3A_48 : memref<1x128x128xf32, #tpu.memory_space<hbm>> -> memref<128x128xf32, #tpu.memory_space<hbm>>
      %dma_wait3A_50 = arith.constant 0 : i32
      %dma_wait3A_51 = arith.constant 0 : i32
      %dma_wait3A_52 = tpu.memref_slice %arg9[%dma_wait3A_50, %dma_wait3A_51] : memref<256x128xf32, #tpu.memory_space<vmem>> -> memref<128x128xf32, #tpu.memory_space<vmem>>
      tpu.wait_dma2 semaphore(%run_scoped3A : memref<!tpu.dma_semaphore, #tpu.memory_space<semaphore_mem>>) src(%dma_wait3A_52 : memref<128x128xf32, #tpu.memory_space<vmem>>) dst(%dma_wait3A_49 : memref<128x128xf32, #tpu.memory_space<hbm>>)
      tpu.yield
    }) : () -> ()
    return
  }
}

#map = affine_map<(d0, d1) -> (0, 0)>
#map1 = affine_map<(d0, d1) -> (0)>
#map2 = affine_map<(d0, d1) -> (0, 0, 0)>
module attributes {stable_mosaic.version = 14 : i64} {
  func.func @_sc_agg_body(%arg0: i32, %arg1: i32, %arg2: memref<10240x128xf32, #tpu.memory_space<hbm>>, %arg3: memref<327680xi32, #tpu.memory_space<hbm>>, %arg4: memref<327680xi32, #tpu.memory_space<hbm>>, %arg5: memref<128x128xf32, #tpu.memory_space<hbm>>, %arg6: memref<2x10240x128xf32, #tpu.memory_space<hbm>>, %arg7: memref<256xi32, #tpu.memory_space<vmem>>, %arg8: memref<256xi32, #tpu.memory_space<vmem>>, %arg9: memref<256x128xf32, #tpu.memory_space<vmem>>, %arg10: memref<10240x128xf32, #tpu.memory_space<vmem_shared>>, %arg11: memref<!tpu.dma_semaphore, #tpu.memory_space<semaphore_mem>>) attributes {dimension_semantics = [#tpu.dimension_semantics<core_parallel>, #tpu.dimension_semantics<subcore_parallel>], iteration_bounds = array<i64: 2, 16>, scalar_prefetch = 0 : i64, scratch_operands = 5 : i64, tpu.core_type = #tpu.core_type<sc_vector_subcore>, window_params = [{transform_indices = #map}, {transform_indices = #map1}, {transform_indices = #map1}, {transform_indices = #map}, {transform_indices = #map2}]} {
    %mul3A = arith.constant 16 : i32
    %mul3A_0 = arith.muli %arg0, %mul3A : i32
    %add3A = arith.addi %mul3A_0, %arg1 : i32
    %mul3A_1 = arith.constant 640 : i32
    %mul3A_2 = arith.muli %arg1, %mul3A_1 : i32
    "tpu.region"() ({
      %run_scoped3A = tpu.sem_alloc : memref<!tpu.dma_semaphore, #tpu.memory_space<semaphore_mem>>
      %dma_start3A = arith.constant 0 : i32
      %dma_start3A_31 = arith.constant 0 : i32
      %dma_start3A_32 = tpu.memref_slice %arg9[%dma_start3A, %dma_start3A_31] : memref<256x128xf32, #tpu.memory_space<vmem>> -> memref<128x128xf32, #tpu.memory_space<vmem>>
      %dma_start3A_33 = arith.constant 0 : i32
      %dma_start3A_34 = arith.constant 0 : i32
      %dma_start3A_35 = tpu.memref_slice %arg9[%dma_start3A_33, %dma_start3A_34] : memref<256x128xf32, #tpu.memory_space<vmem>> -> memref<128x128xf32, #tpu.memory_space<vmem>>
      tpu.enqueue_dma source(%arg5 : memref<128x128xf32, #tpu.memory_space<hbm>>) target(%dma_start3A_35 : memref<128x128xf32, #tpu.memory_space<vmem>>) target_semaphore(%run_scoped3A : memref<!tpu.dma_semaphore, #tpu.memory_space<semaphore_mem>>)
      %dma_wait3A = arith.constant 0 : i32
      %dma_wait3A_36 = arith.constant 0 : i32
      %dma_wait3A_37 = tpu.memref_slice %arg9[%dma_wait3A, %dma_wait3A_36] : memref<256x128xf32, #tpu.memory_space<vmem>> -> memref<128x128xf32, #tpu.memory_space<vmem>>
      %dma_wait3A_38 = arith.constant 0 : i32
      %dma_wait3A_39 = arith.constant 0 : i32
      %dma_wait3A_40 = tpu.memref_slice %arg9[%dma_wait3A_38, %dma_wait3A_39] : memref<256x128xf32, #tpu.memory_space<vmem>> -> memref<128x128xf32, #tpu.memory_space<vmem>>
      tpu.wait_dma2 semaphore(%run_scoped3A : memref<!tpu.dma_semaphore, #tpu.memory_space<semaphore_mem>>) src(%arg5 : memref<128x128xf32, #tpu.memory_space<hbm>>) dst(%dma_wait3A_40 : memref<128x128xf32, #tpu.memory_space<vmem>>)
      tpu.yield
    }) : () -> ()
    %add3A_3 = arith.constant 0 : i32
    %add3A_4 = arith.addi %mul3A_2, %add3A_3 : i32
    "tpu.region"() ({
      %run_scoped3A = tpu.sem_alloc : memref<!tpu.dma_semaphore, #tpu.memory_space<semaphore_mem>>
      %dma_start3A = arith.constant 0 : i32
      %dma_start3A_31 = arith.constant 0 : i32
      %dma_start3A_32 = tpu.memref_slice %arg9[%dma_start3A, %dma_start3A_31] : memref<256x128xf32, #tpu.memory_space<vmem>> -> memref<128x128xf32, #tpu.memory_space<vmem>>
      %dma_start3A_33 = arith.constant 0 : i32
      %dma_start3A_34 = tpu.memref_slice %arg10[%add3A_4, %dma_start3A_33] : memref<10240x128xf32, #tpu.memory_space<vmem_shared>> -> memref<128x128xf32, #tpu.memory_space<vmem_shared>>
      %dma_start3A_35 = arith.constant 0 : i32
      %dma_start3A_36 = tpu.memref_slice %arg10[%add3A_4, %dma_start3A_35] : memref<10240x128xf32, #tpu.memory_space<vmem_shared>> -> memref<128x128xf32, #tpu.memory_space<vmem_shared>>
      %dma_start3A_37 = arith.constant 0 : i32
      %dma_start3A_38 = arith.constant 0 : i32
      %dma_start3A_39 = tpu.memref_slice %arg9[%dma_start3A_37, %dma_start3A_38] : memref<256x128xf32, #tpu.memory_space<vmem>> -> memref<128x128xf32, #tpu.memory_space<vmem>>
      tpu.enqueue_dma source(%dma_start3A_39 : memref<128x128xf32, #tpu.memory_space<vmem>>) target(%dma_start3A_36 : memref<128x128xf32, #tpu.memory_space<vmem_shared>>) target_semaphore(%run_scoped3A : memref<!tpu.dma_semaphore, #tpu.memory_space<semaphore_mem>>)
      %dma_wait3A = arith.constant 0 : i32
      %dma_wait3A_40 = arith.constant 0 : i32
      %dma_wait3A_41 = tpu.memref_slice %arg9[%dma_wait3A, %dma_wait3A_40] : memref<256x128xf32, #tpu.memory_space<vmem>> -> memref<128x128xf32, #tpu.memory_space<vmem>>
      %dma_wait3A_42 = arith.constant 0 : i32
      %dma_wait3A_43 = tpu.memref_slice %arg10[%add3A_4, %dma_wait3A_42] : memref<10240x128xf32, #tpu.memory_space<vmem_shared>> -> memref<128x128xf32, #tpu.memory_space<vmem_shared>>
      %dma_wait3A_44 = arith.constant 0 : i32
      %dma_wait3A_45 = tpu.memref_slice %arg10[%add3A_4, %dma_wait3A_44] : memref<10240x128xf32, #tpu.memory_space<vmem_shared>> -> memref<128x128xf32, #tpu.memory_space<vmem_shared>>
      %dma_wait3A_46 = arith.constant 0 : i32
      %dma_wait3A_47 = arith.constant 0 : i32
      %dma_wait3A_48 = tpu.memref_slice %arg9[%dma_wait3A_46, %dma_wait3A_47] : memref<256x128xf32, #tpu.memory_space<vmem>> -> memref<128x128xf32, #tpu.memory_space<vmem>>
      tpu.wait_dma2 semaphore(%run_scoped3A : memref<!tpu.dma_semaphore, #tpu.memory_space<semaphore_mem>>) src(%dma_wait3A_48 : memref<128x128xf32, #tpu.memory_space<vmem>>) dst(%dma_wait3A_45 : memref<128x128xf32, #tpu.memory_space<vmem_shared>>)
      tpu.yield
    }) : () -> ()
    %add3A_5 = arith.constant 128 : i32
    %add3A_6 = arith.addi %mul3A_2, %add3A_5 : i32
    "tpu.region"() ({
      %run_scoped3A = tpu.sem_alloc : memref<!tpu.dma_semaphore, #tpu.memory_space<semaphore_mem>>
      %dma_start3A = arith.constant 0 : i32
      %dma_start3A_31 = arith.constant 0 : i32
      %dma_start3A_32 = tpu.memref_slice %arg9[%dma_start3A, %dma_start3A_31] : memref<256x128xf32, #tpu.memory_space<vmem>> -> memref<128x128xf32, #tpu.memory_space<vmem>>
      %dma_start3A_33 = arith.constant 0 : i32
      %dma_start3A_34 = tpu.memref_slice %arg10[%add3A_6, %dma_start3A_33] : memref<10240x128xf32, #tpu.memory_space<vmem_shared>> -> memref<128x128xf32, #tpu.memory_space<vmem_shared>>
      %dma_start3A_35 = arith.constant 0 : i32
      %dma_start3A_36 = tpu.memref_slice %arg10[%add3A_6, %dma_start3A_35] : memref<10240x128xf32, #tpu.memory_space<vmem_shared>> -> memref<128x128xf32, #tpu.memory_space<vmem_shared>>
      %dma_start3A_37 = arith.constant 0 : i32
      %dma_start3A_38 = arith.constant 0 : i32
      %dma_start3A_39 = tpu.memref_slice %arg9[%dma_start3A_37, %dma_start3A_38] : memref<256x128xf32, #tpu.memory_space<vmem>> -> memref<128x128xf32, #tpu.memory_space<vmem>>
      tpu.enqueue_dma source(%dma_start3A_39 : memref<128x128xf32, #tpu.memory_space<vmem>>) target(%dma_start3A_36 : memref<128x128xf32, #tpu.memory_space<vmem_shared>>) target_semaphore(%run_scoped3A : memref<!tpu.dma_semaphore, #tpu.memory_space<semaphore_mem>>)
      %dma_wait3A = arith.constant 0 : i32
      %dma_wait3A_40 = arith.constant 0 : i32
      %dma_wait3A_41 = tpu.memref_slice %arg9[%dma_wait3A, %dma_wait3A_40] : memref<256x128xf32, #tpu.memory_space<vmem>> -> memref<128x128xf32, #tpu.memory_space<vmem>>
      %dma_wait3A_42 = arith.constant 0 : i32
      %dma_wait3A_43 = tpu.memref_slice %arg10[%add3A_6, %dma_wait3A_42] : memref<10240x128xf32, #tpu.memory_space<vmem_shared>> -> memref<128x128xf32, #tpu.memory_space<vmem_shared>>
      %dma_wait3A_44 = arith.constant 0 : i32
      %dma_wait3A_45 = tpu.memref_slice %arg10[%add3A_6, %dma_wait3A_44] : memref<10240x128xf32, #tpu.memory_space<vmem_shared>> -> memref<128x128xf32, #tpu.memory_space<vmem_shared>>
      %dma_wait3A_46 = arith.constant 0 : i32
      %dma_wait3A_47 = arith.constant 0 : i32
      %dma_wait3A_48 = tpu.memref_slice %arg9[%dma_wait3A_46, %dma_wait3A_47] : memref<256x128xf32, #tpu.memory_space<vmem>> -> memref<128x128xf32, #tpu.memory_space<vmem>>
      tpu.wait_dma2 semaphore(%run_scoped3A : memref<!tpu.dma_semaphore, #tpu.memory_space<semaphore_mem>>) src(%dma_wait3A_48 : memref<128x128xf32, #tpu.memory_space<vmem>>) dst(%dma_wait3A_45 : memref<128x128xf32, #tpu.memory_space<vmem_shared>>)
      tpu.yield
    }) : () -> ()
    %add3A_7 = arith.constant 256 : i32
    %add3A_8 = arith.addi %mul3A_2, %add3A_7 : i32
    "tpu.region"() ({
      %run_scoped3A = tpu.sem_alloc : memref<!tpu.dma_semaphore, #tpu.memory_space<semaphore_mem>>
      %dma_start3A = arith.constant 0 : i32
      %dma_start3A_31 = arith.constant 0 : i32
      %dma_start3A_32 = tpu.memref_slice %arg9[%dma_start3A, %dma_start3A_31] : memref<256x128xf32, #tpu.memory_space<vmem>> -> memref<128x128xf32, #tpu.memory_space<vmem>>
      %dma_start3A_33 = arith.constant 0 : i32
      %dma_start3A_34 = tpu.memref_slice %arg10[%add3A_8, %dma_start3A_33] : memref<10240x128xf32, #tpu.memory_space<vmem_shared>> -> memref<128x128xf32, #tpu.memory_space<vmem_shared>>
      %dma_start3A_35 = arith.constant 0 : i32
      %dma_start3A_36 = tpu.memref_slice %arg10[%add3A_8, %dma_start3A_35] : memref<10240x128xf32, #tpu.memory_space<vmem_shared>> -> memref<128x128xf32, #tpu.memory_space<vmem_shared>>
      %dma_start3A_37 = arith.constant 0 : i32
      %dma_start3A_38 = arith.constant 0 : i32
      %dma_start3A_39 = tpu.memref_slice %arg9[%dma_start3A_37, %dma_start3A_38] : memref<256x128xf32, #tpu.memory_space<vmem>> -> memref<128x128xf32, #tpu.memory_space<vmem>>
      tpu.enqueue_dma source(%dma_start3A_39 : memref<128x128xf32, #tpu.memory_space<vmem>>) target(%dma_start3A_36 : memref<128x128xf32, #tpu.memory_space<vmem_shared>>) target_semaphore(%run_scoped3A : memref<!tpu.dma_semaphore, #tpu.memory_space<semaphore_mem>>)
      %dma_wait3A = arith.constant 0 : i32
      %dma_wait3A_40 = arith.constant 0 : i32
      %dma_wait3A_41 = tpu.memref_slice %arg9[%dma_wait3A, %dma_wait3A_40] : memref<256x128xf32, #tpu.memory_space<vmem>> -> memref<128x128xf32, #tpu.memory_space<vmem>>
      %dma_wait3A_42 = arith.constant 0 : i32
      %dma_wait3A_43 = tpu.memref_slice %arg10[%add3A_8, %dma_wait3A_42] : memref<10240x128xf32, #tpu.memory_space<vmem_shared>> -> memref<128x128xf32, #tpu.memory_space<vmem_shared>>
      %dma_wait3A_44 = arith.constant 0 : i32
      %dma_wait3A_45 = tpu.memref_slice %arg10[%add3A_8, %dma_wait3A_44] : memref<10240x128xf32, #tpu.memory_space<vmem_shared>> -> memref<128x128xf32, #tpu.memory_space<vmem_shared>>
      %dma_wait3A_46 = arith.constant 0 : i32
      %dma_wait3A_47 = arith.constant 0 : i32
      %dma_wait3A_48 = tpu.memref_slice %arg9[%dma_wait3A_46, %dma_wait3A_47] : memref<256x128xf32, #tpu.memory_space<vmem>> -> memref<128x128xf32, #tpu.memory_space<vmem>>
      tpu.wait_dma2 semaphore(%run_scoped3A : memref<!tpu.dma_semaphore, #tpu.memory_space<semaphore_mem>>) src(%dma_wait3A_48 : memref<128x128xf32, #tpu.memory_space<vmem>>) dst(%dma_wait3A_45 : memref<128x128xf32, #tpu.memory_space<vmem_shared>>)
      tpu.yield
    }) : () -> ()
    %add3A_9 = arith.constant 384 : i32
    %add3A_10 = arith.addi %mul3A_2, %add3A_9 : i32
    "tpu.region"() ({
      %run_scoped3A = tpu.sem_alloc : memref<!tpu.dma_semaphore, #tpu.memory_space<semaphore_mem>>
      %dma_start3A = arith.constant 0 : i32
      %dma_start3A_31 = arith.constant 0 : i32
      %dma_start3A_32 = tpu.memref_slice %arg9[%dma_start3A, %dma_start3A_31] : memref<256x128xf32, #tpu.memory_space<vmem>> -> memref<128x128xf32, #tpu.memory_space<vmem>>
      %dma_start3A_33 = arith.constant 0 : i32
      %dma_start3A_34 = tpu.memref_slice %arg10[%add3A_10, %dma_start3A_33] : memref<10240x128xf32, #tpu.memory_space<vmem_shared>> -> memref<128x128xf32, #tpu.memory_space<vmem_shared>>
      %dma_start3A_35 = arith.constant 0 : i32
      %dma_start3A_36 = tpu.memref_slice %arg10[%add3A_10, %dma_start3A_35] : memref<10240x128xf32, #tpu.memory_space<vmem_shared>> -> memref<128x128xf32, #tpu.memory_space<vmem_shared>>
      %dma_start3A_37 = arith.constant 0 : i32
      %dma_start3A_38 = arith.constant 0 : i32
      %dma_start3A_39 = tpu.memref_slice %arg9[%dma_start3A_37, %dma_start3A_38] : memref<256x128xf32, #tpu.memory_space<vmem>> -> memref<128x128xf32, #tpu.memory_space<vmem>>
      tpu.enqueue_dma source(%dma_start3A_39 : memref<128x128xf32, #tpu.memory_space<vmem>>) target(%dma_start3A_36 : memref<128x128xf32, #tpu.memory_space<vmem_shared>>) target_semaphore(%run_scoped3A : memref<!tpu.dma_semaphore, #tpu.memory_space<semaphore_mem>>)
      %dma_wait3A = arith.constant 0 : i32
      %dma_wait3A_40 = arith.constant 0 : i32
      %dma_wait3A_41 = tpu.memref_slice %arg9[%dma_wait3A, %dma_wait3A_40] : memref<256x128xf32, #tpu.memory_space<vmem>> -> memref<128x128xf32, #tpu.memory_space<vmem>>
      %dma_wait3A_42 = arith.constant 0 : i32
      %dma_wait3A_43 = tpu.memref_slice %arg10[%add3A_10, %dma_wait3A_42] : memref<10240x128xf32, #tpu.memory_space<vmem_shared>> -> memref<128x128xf32, #tpu.memory_space<vmem_shared>>
      %dma_wait3A_44 = arith.constant 0 : i32
      %dma_wait3A_45 = tpu.memref_slice %arg10[%add3A_10, %dma_wait3A_44] : memref<10240x128xf32, #tpu.memory_space<vmem_shared>> -> memref<128x128xf32, #tpu.memory_space<vmem_shared>>
      %dma_wait3A_46 = arith.constant 0 : i32
      %dma_wait3A_47 = arith.constant 0 : i32
      %dma_wait3A_48 = tpu.memref_slice %arg9[%dma_wait3A_46, %dma_wait3A_47] : memref<256x128xf32, #tpu.memory_space<vmem>> -> memref<128x128xf32, #tpu.memory_space<vmem>>
      tpu.wait_dma2 semaphore(%run_scoped3A : memref<!tpu.dma_semaphore, #tpu.memory_space<semaphore_mem>>) src(%dma_wait3A_48 : memref<128x128xf32, #tpu.memory_space<vmem>>) dst(%dma_wait3A_45 : memref<128x128xf32, #tpu.memory_space<vmem_shared>>)
      tpu.yield
    }) : () -> ()
    %add3A_11 = arith.constant 512 : i32
    %add3A_12 = arith.addi %mul3A_2, %add3A_11 : i32
    "tpu.region"() ({
      %run_scoped3A = tpu.sem_alloc : memref<!tpu.dma_semaphore, #tpu.memory_space<semaphore_mem>>
      %dma_start3A = arith.constant 0 : i32
      %dma_start3A_31 = arith.constant 0 : i32
      %dma_start3A_32 = tpu.memref_slice %arg9[%dma_start3A, %dma_start3A_31] : memref<256x128xf32, #tpu.memory_space<vmem>> -> memref<128x128xf32, #tpu.memory_space<vmem>>
      %dma_start3A_33 = arith.constant 0 : i32
      %dma_start3A_34 = tpu.memref_slice %arg10[%add3A_12, %dma_start3A_33] : memref<10240x128xf32, #tpu.memory_space<vmem_shared>> -> memref<128x128xf32, #tpu.memory_space<vmem_shared>>
      %dma_start3A_35 = arith.constant 0 : i32
      %dma_start3A_36 = tpu.memref_slice %arg10[%add3A_12, %dma_start3A_35] : memref<10240x128xf32, #tpu.memory_space<vmem_shared>> -> memref<128x128xf32, #tpu.memory_space<vmem_shared>>
      %dma_start3A_37 = arith.constant 0 : i32
      %dma_start3A_38 = arith.constant 0 : i32
      %dma_start3A_39 = tpu.memref_slice %arg9[%dma_start3A_37, %dma_start3A_38] : memref<256x128xf32, #tpu.memory_space<vmem>> -> memref<128x128xf32, #tpu.memory_space<vmem>>
      tpu.enqueue_dma source(%dma_start3A_39 : memref<128x128xf32, #tpu.memory_space<vmem>>) target(%dma_start3A_36 : memref<128x128xf32, #tpu.memory_space<vmem_shared>>) target_semaphore(%run_scoped3A : memref<!tpu.dma_semaphore, #tpu.memory_space<semaphore_mem>>)
      %dma_wait3A = arith.constant 0 : i32
      %dma_wait3A_40 = arith.constant 0 : i32
      %dma_wait3A_41 = tpu.memref_slice %arg9[%dma_wait3A, %dma_wait3A_40] : memref<256x128xf32, #tpu.memory_space<vmem>> -> memref<128x128xf32, #tpu.memory_space<vmem>>
      %dma_wait3A_42 = arith.constant 0 : i32
      %dma_wait3A_43 = tpu.memref_slice %arg10[%add3A_12, %dma_wait3A_42] : memref<10240x128xf32, #tpu.memory_space<vmem_shared>> -> memref<128x128xf32, #tpu.memory_space<vmem_shared>>
      %dma_wait3A_44 = arith.constant 0 : i32
      %dma_wait3A_45 = tpu.memref_slice %arg10[%add3A_12, %dma_wait3A_44] : memref<10240x128xf32, #tpu.memory_space<vmem_shared>> -> memref<128x128xf32, #tpu.memory_space<vmem_shared>>
      %dma_wait3A_46 = arith.constant 0 : i32
      %dma_wait3A_47 = arith.constant 0 : i32
      %dma_wait3A_48 = tpu.memref_slice %arg9[%dma_wait3A_46, %dma_wait3A_47] : memref<256x128xf32, #tpu.memory_space<vmem>> -> memref<128x128xf32, #tpu.memory_space<vmem>>
      tpu.wait_dma2 semaphore(%run_scoped3A : memref<!tpu.dma_semaphore, #tpu.memory_space<semaphore_mem>>) src(%dma_wait3A_48 : memref<128x128xf32, #tpu.memory_space<vmem>>) dst(%dma_wait3A_45 : memref<128x128xf32, #tpu.memory_space<vmem_shared>>)
      tpu.yield
    }) : () -> ()
    %barrier3A = arith.constant 0 : index
    tpu.barrier barrier_id(%barrier3A)
    %mul3A_13 = arith.constant 10240 : i32
    %mul3A_14 = arith.muli %add3A, %mul3A_13 : i32
    %scan3A = arith.constant 0 : i32
    %scan3A_15 = arith.constant 0 : i32
    %scan3A_16 = arith.constant 40 : i32
    %scan3A_17 = arith.addi %scan3A_15, %scan3A_16 : i32
    %scan3A_18 = arith.constant 1 : i32
    scf.for %scan3A_31 = %scan3A_15 to %scan3A_17 step %scan3A_18  : i32 {
      %mul3A_32 = arith.constant 256 : i32
      %mul3A_33 = arith.muli %scan3A_31, %mul3A_32 : i32
      %add3A_34 = arith.addi %mul3A_14, %mul3A_33 : i32
      "tpu.region"() ({
        %run_scoped3A = tpu.sem_alloc : memref<!tpu.dma_semaphore, #tpu.memory_space<semaphore_mem>>
        %dma_start3A_39 = tpu.memref_slice %arg3[%add3A_34] : memref<327680xi32, #tpu.memory_space<hbm>> -> memref<256xi32, #tpu.memory_space<hbm>>
        %dma_start3A_40 = tpu.memref_slice %arg3[%add3A_34] : memref<327680xi32, #tpu.memory_space<hbm>> -> memref<256xi32, #tpu.memory_space<hbm>>
        tpu.enqueue_dma source(%dma_start3A_40 : memref<256xi32, #tpu.memory_space<hbm>>) target(%arg7 : memref<256xi32, #tpu.memory_space<vmem>>) target_semaphore(%run_scoped3A : memref<!tpu.dma_semaphore, #tpu.memory_space<semaphore_mem>>)
        %dma_wait3A_41 = tpu.memref_slice %arg3[%add3A_34] : memref<327680xi32, #tpu.memory_space<hbm>> -> memref<256xi32, #tpu.memory_space<hbm>>
        %dma_wait3A_42 = tpu.memref_slice %arg3[%add3A_34] : memref<327680xi32, #tpu.memory_space<hbm>> -> memref<256xi32, #tpu.memory_space<hbm>>
        tpu.wait_dma2 semaphore(%run_scoped3A : memref<!tpu.dma_semaphore, #tpu.memory_space<semaphore_mem>>) src(%dma_wait3A_42 : memref<256xi32, #tpu.memory_space<hbm>>) dst(%arg7 : memref<256xi32, #tpu.memory_space<vmem>>)
        tpu.yield
      }) : () -> ()
      "tpu.region"() ({
        %run_scoped3A = tpu.sem_alloc : memref<!tpu.dma_semaphore, #tpu.memory_space<semaphore_mem>>
        %dma_start3A_39 = tpu.memref_slice %arg4[%add3A_34] : memref<327680xi32, #tpu.memory_space<hbm>> -> memref<256xi32, #tpu.memory_space<hbm>>
        %dma_start3A_40 = tpu.memref_slice %arg4[%add3A_34] : memref<327680xi32, #tpu.memory_space<hbm>> -> memref<256xi32, #tpu.memory_space<hbm>>
        tpu.enqueue_dma source(%dma_start3A_40 : memref<256xi32, #tpu.memory_space<hbm>>) target(%arg8 : memref<256xi32, #tpu.memory_space<vmem>>) target_semaphore(%run_scoped3A : memref<!tpu.dma_semaphore, #tpu.memory_space<semaphore_mem>>)
        %dma_wait3A_41 = tpu.memref_slice %arg4[%add3A_34] : memref<327680xi32, #tpu.memory_space<hbm>> -> memref<256xi32, #tpu.memory_space<hbm>>
        %dma_wait3A_42 = tpu.memref_slice %arg4[%add3A_34] : memref<327680xi32, #tpu.memory_space<hbm>> -> memref<256xi32, #tpu.memory_space<hbm>>
        tpu.wait_dma2 semaphore(%run_scoped3A : memref<!tpu.dma_semaphore, #tpu.memory_space<semaphore_mem>>) src(%dma_wait3A_42 : memref<256xi32, #tpu.memory_space<hbm>>) dst(%arg8 : memref<256xi32, #tpu.memory_space<vmem>>)
        tpu.yield
      }) : () -> ()
      %dma_start3A = arith.constant 0 : i32
      %dma_start3A_35 = arith.constant 0 : i32
      %dma_start3A_36 = tpu.memref_slice %arg2[%dma_start3A, %dma_start3A_35] : memref<10240x128xf32, #tpu.memory_space<hbm>> -> memref<10240x128xf32, #tpu.memory_space<hbm>>
      tpu.enqueue_indirect_dma source(%dma_start3A_36 : memref<10240x128xf32, #tpu.memory_space<hbm>>) target(%arg9 : memref<256x128xf32, #tpu.memory_space<vmem>>) offsets(%arg7 : memref<256xi32, #tpu.memory_space<vmem>>) semaphore(%arg11 : memref<!tpu.dma_semaphore, #tpu.memory_space<semaphore_mem>>)
      %dma_wait3A = arith.constant 0 : i32
      %dma_wait3A_37 = arith.constant 0 : i32
      %dma_wait3A_38 = tpu.memref_slice %arg2[%dma_wait3A, %dma_wait3A_37] : memref<10240x128xf32, #tpu.memory_space<hbm>> -> memref<10240x128xf32, #tpu.memory_space<hbm>>
      tpu.wait_indirect_dma semaphore(%arg11 : memref<!tpu.dma_semaphore, #tpu.memory_space<semaphore_mem>>) src(%dma_wait3A_38 : memref<10240x128xf32, #tpu.memory_space<hbm>>) dst(%arg9 : memref<256x128xf32, #tpu.memory_space<vmem>>)
      "tpu.region"() ({
        %run_scoped3A = tpu.sem_alloc : memref<!tpu.dma_semaphore, #tpu.memory_space<semaphore_mem>>
        %dma_start3A_39 = arith.constant 0 : i32
        %dma_start3A_40 = arith.constant 0 : i32
        %dma_start3A_41 = tpu.memref_slice %arg10[%dma_start3A_39, %dma_start3A_40] : memref<10240x128xf32, #tpu.memory_space<vmem_shared>> -> memref<10240x128xf32, #tpu.memory_space<vmem_shared>>
        tpu.enqueue_indirect_dma source(%arg9 : memref<256x128xf32, #tpu.memory_space<vmem>>) target(%dma_start3A_41 : memref<10240x128xf32, #tpu.memory_space<vmem_shared>>) offsets(%arg8 : memref<256xi32, #tpu.memory_space<vmem>>) semaphore(%run_scoped3A : memref<!tpu.dma_semaphore, #tpu.memory_space<semaphore_mem>>) {add = true}
        %dma_wait3A_42 = arith.constant 0 : i32
        %dma_wait3A_43 = arith.constant 0 : i32
        %dma_wait3A_44 = tpu.memref_slice %arg10[%dma_wait3A_42, %dma_wait3A_43] : memref<10240x128xf32, #tpu.memory_space<vmem_shared>> -> memref<10240x128xf32, #tpu.memory_space<vmem_shared>>
        tpu.wait_indirect_dma semaphore(%run_scoped3A : memref<!tpu.dma_semaphore, #tpu.memory_space<semaphore_mem>>) src(%arg9 : memref<256x128xf32, #tpu.memory_space<vmem>>) dst(%dma_wait3A_44 : memref<10240x128xf32, #tpu.memory_space<vmem_shared>>)
        tpu.yield
      }) : () -> ()
    }
    %scan3A_19 = arith.constant 40 : i32
    %barrier3A_20 = arith.constant 0 : index
    tpu.barrier barrier_id(%barrier3A_20)
    %add3A_21 = arith.constant 0 : i32
    %add3A_22 = arith.addi %mul3A_2, %add3A_21 : i32
    "tpu.region"() ({
      %run_scoped3A = tpu.sem_alloc : memref<!tpu.dma_semaphore, #tpu.memory_space<semaphore_mem>>
      %dma_start3A = arith.constant 0 : i32
      %dma_start3A_31 = arith.constant 0 : i32
      %dma_start3A_32 = tpu.memref_slice %arg9[%dma_start3A, %dma_start3A_31] : memref<256x128xf32, #tpu.memory_space<vmem>> -> memref<128x128xf32, #tpu.memory_space<vmem>>
      %dma_start3A_33 = arith.constant 0 : i32
      %dma_start3A_34 = tpu.memref_slice %arg10[%add3A_22, %dma_start3A_33] : memref<10240x128xf32, #tpu.memory_space<vmem_shared>> -> memref<128x128xf32, #tpu.memory_space<vmem_shared>>
      %dma_start3A_35 = arith.constant 0 : i32
      %dma_start3A_36 = arith.constant 0 : i32
      %dma_start3A_37 = tpu.memref_slice %arg9[%dma_start3A_35, %dma_start3A_36] : memref<256x128xf32, #tpu.memory_space<vmem>> -> memref<128x128xf32, #tpu.memory_space<vmem>>
      %dma_start3A_38 = arith.constant 0 : i32
      %dma_start3A_39 = tpu.memref_slice %arg10[%add3A_22, %dma_start3A_38] : memref<10240x128xf32, #tpu.memory_space<vmem_shared>> -> memref<128x128xf32, #tpu.memory_space<vmem_shared>>
      tpu.enqueue_dma source(%dma_start3A_39 : memref<128x128xf32, #tpu.memory_space<vmem_shared>>) target(%dma_start3A_37 : memref<128x128xf32, #tpu.memory_space<vmem>>) target_semaphore(%run_scoped3A : memref<!tpu.dma_semaphore, #tpu.memory_space<semaphore_mem>>)
      %dma_wait3A = arith.constant 0 : i32
      %dma_wait3A_40 = arith.constant 0 : i32
      %dma_wait3A_41 = tpu.memref_slice %arg9[%dma_wait3A, %dma_wait3A_40] : memref<256x128xf32, #tpu.memory_space<vmem>> -> memref<128x128xf32, #tpu.memory_space<vmem>>
      %dma_wait3A_42 = arith.constant 0 : i32
      %dma_wait3A_43 = tpu.memref_slice %arg10[%add3A_22, %dma_wait3A_42] : memref<10240x128xf32, #tpu.memory_space<vmem_shared>> -> memref<128x128xf32, #tpu.memory_space<vmem_shared>>
      %dma_wait3A_44 = arith.constant 0 : i32
      %dma_wait3A_45 = arith.constant 0 : i32
      %dma_wait3A_46 = tpu.memref_slice %arg9[%dma_wait3A_44, %dma_wait3A_45] : memref<256x128xf32, #tpu.memory_space<vmem>> -> memref<128x128xf32, #tpu.memory_space<vmem>>
      %dma_wait3A_47 = arith.constant 0 : i32
      %dma_wait3A_48 = tpu.memref_slice %arg10[%add3A_22, %dma_wait3A_47] : memref<10240x128xf32, #tpu.memory_space<vmem_shared>> -> memref<128x128xf32, #tpu.memory_space<vmem_shared>>
      tpu.wait_dma2 semaphore(%run_scoped3A : memref<!tpu.dma_semaphore, #tpu.memory_space<semaphore_mem>>) src(%dma_wait3A_48 : memref<128x128xf32, #tpu.memory_space<vmem_shared>>) dst(%dma_wait3A_46 : memref<128x128xf32, #tpu.memory_space<vmem>>)
      tpu.yield
    }) : () -> ()
    "tpu.region"() ({
      %run_scoped3A = tpu.sem_alloc : memref<!tpu.dma_semaphore, #tpu.memory_space<semaphore_mem>>
      %dma_start3A = arith.constant 0 : i32
      %dma_start3A_31 = arith.constant 0 : i32
      %dma_start3A_32 = tpu.memref_slice %arg9[%dma_start3A, %dma_start3A_31] : memref<256x128xf32, #tpu.memory_space<vmem>> -> memref<128x128xf32, #tpu.memory_space<vmem>>
      %dma_start3A_33 = arith.constant 0 : i32
      %dma_start3A_34 = tpu.memref_slice %arg6[%arg0, %add3A_22, %dma_start3A_33] : memref<2x10240x128xf32, #tpu.memory_space<hbm>> -> memref<1x128x128xf32, #tpu.memory_space<hbm>>
      %dma_start3A_35 = tpu.memref_squeeze %dma_start3A_34 : memref<1x128x128xf32, #tpu.memory_space<hbm>> -> memref<128x128xf32, #tpu.memory_space<hbm>>
      %dma_start3A_36 = arith.constant 0 : i32
      %dma_start3A_37 = tpu.memref_slice %arg6[%arg0, %add3A_22, %dma_start3A_36] : memref<2x10240x128xf32, #tpu.memory_space<hbm>> -> memref<1x128x128xf32, #tpu.memory_space<hbm>>
      %dma_start3A_38 = tpu.memref_squeeze %dma_start3A_37 : memref<1x128x128xf32, #tpu.memory_space<hbm>> -> memref<128x128xf32, #tpu.memory_space<hbm>>
      %dma_start3A_39 = arith.constant 0 : i32
      %dma_start3A_40 = arith.constant 0 : i32
      %dma_start3A_41 = tpu.memref_slice %arg9[%dma_start3A_39, %dma_start3A_40] : memref<256x128xf32, #tpu.memory_space<vmem>> -> memref<128x128xf32, #tpu.memory_space<vmem>>
      tpu.enqueue_dma source(%dma_start3A_41 : memref<128x128xf32, #tpu.memory_space<vmem>>) target(%dma_start3A_38 : memref<128x128xf32, #tpu.memory_space<hbm>>) target_semaphore(%run_scoped3A : memref<!tpu.dma_semaphore, #tpu.memory_space<semaphore_mem>>)
      %dma_wait3A = arith.constant 0 : i32
      %dma_wait3A_42 = arith.constant 0 : i32
      %dma_wait3A_43 = tpu.memref_slice %arg9[%dma_wait3A, %dma_wait3A_42] : memref<256x128xf32, #tpu.memory_space<vmem>> -> memref<128x128xf32, #tpu.memory_space<vmem>>
      %dma_wait3A_44 = arith.constant 0 : i32
      %dma_wait3A_45 = tpu.memref_slice %arg6[%arg0, %add3A_22, %dma_wait3A_44] : memref<2x10240x128xf32, #tpu.memory_space<hbm>> -> memref<1x128x128xf32, #tpu.memory_space<hbm>>
      %dma_wait3A_46 = tpu.memref_squeeze %dma_wait3A_45 : memref<1x128x128xf32, #tpu.memory_space<hbm>> -> memref<128x128xf32, #tpu.memory_space<hbm>>
      %dma_wait3A_47 = arith.constant 0 : i32
      %dma_wait3A_48 = tpu.memref_slice %arg6[%arg0, %add3A_22, %dma_wait3A_47] : memref<2x10240x128xf32, #tpu.memory_space<hbm>> -> memref<1x128x128xf32, #tpu.memory_space<hbm>>
      %dma_wait3A_49 = tpu.memref_squeeze %dma_wait3A_48 : memref<1x128x128xf32, #tpu.memory_space<hbm>> -> memref<128x128xf32, #tpu.memory_space<hbm>>
      %dma_wait3A_50 = arith.constant 0 : i32
      %dma_wait3A_51 = arith.constant 0 : i32
      %dma_wait3A_52 = tpu.memref_slice %arg9[%dma_wait3A_50, %dma_wait3A_51] : memref<256x128xf32, #tpu.memory_space<vmem>> -> memref<128x128xf32, #tpu.memory_space<vmem>>
      tpu.wait_dma2 semaphore(%run_scoped3A : memref<!tpu.dma_semaphore, #tpu.memory_space<semaphore_mem>>) src(%dma_wait3A_52 : memref<128x128xf32, #tpu.memory_space<vmem>>) dst(%dma_wait3A_49 : memref<128x128xf32, #tpu.memory_space<hbm>>)
      tpu.yield
    }) : () -> ()
    %add3A_23 = arith.constant 128 : i32
    %add3A_24 = arith.addi %mul3A_2, %add3A_23 : i32
    "tpu.region"() ({
      %run_scoped3A = tpu.sem_alloc : memref<!tpu.dma_semaphore, #tpu.memory_space<semaphore_mem>>
      %dma_start3A = arith.constant 0 : i32
      %dma_start3A_31 = arith.constant 0 : i32
      %dma_start3A_32 = tpu.memref_slice %arg9[%dma_start3A, %dma_start3A_31] : memref<256x128xf32, #tpu.memory_space<vmem>> -> memref<128x128xf32, #tpu.memory_space<vmem>>
      %dma_start3A_33 = arith.constant 0 : i32
      %dma_start3A_34 = tpu.memref_slice %arg10[%add3A_24, %dma_start3A_33] : memref<10240x128xf32, #tpu.memory_space<vmem_shared>> -> memref<128x128xf32, #tpu.memory_space<vmem_shared>>
      %dma_start3A_35 = arith.constant 0 : i32
      %dma_start3A_36 = arith.constant 0 : i32
      %dma_start3A_37 = tpu.memref_slice %arg9[%dma_start3A_35, %dma_start3A_36] : memref<256x128xf32, #tpu.memory_space<vmem>> -> memref<128x128xf32, #tpu.memory_space<vmem>>
      %dma_start3A_38 = arith.constant 0 : i32
      %dma_start3A_39 = tpu.memref_slice %arg10[%add3A_24, %dma_start3A_38] : memref<10240x128xf32, #tpu.memory_space<vmem_shared>> -> memref<128x128xf32, #tpu.memory_space<vmem_shared>>
      tpu.enqueue_dma source(%dma_start3A_39 : memref<128x128xf32, #tpu.memory_space<vmem_shared>>) target(%dma_start3A_37 : memref<128x128xf32, #tpu.memory_space<vmem>>) target_semaphore(%run_scoped3A : memref<!tpu.dma_semaphore, #tpu.memory_space<semaphore_mem>>)
      %dma_wait3A = arith.constant 0 : i32
      %dma_wait3A_40 = arith.constant 0 : i32
      %dma_wait3A_41 = tpu.memref_slice %arg9[%dma_wait3A, %dma_wait3A_40] : memref<256x128xf32, #tpu.memory_space<vmem>> -> memref<128x128xf32, #tpu.memory_space<vmem>>
      %dma_wait3A_42 = arith.constant 0 : i32
      %dma_wait3A_43 = tpu.memref_slice %arg10[%add3A_24, %dma_wait3A_42] : memref<10240x128xf32, #tpu.memory_space<vmem_shared>> -> memref<128x128xf32, #tpu.memory_space<vmem_shared>>
      %dma_wait3A_44 = arith.constant 0 : i32
      %dma_wait3A_45 = arith.constant 0 : i32
      %dma_wait3A_46 = tpu.memref_slice %arg9[%dma_wait3A_44, %dma_wait3A_45] : memref<256x128xf32, #tpu.memory_space<vmem>> -> memref<128x128xf32, #tpu.memory_space<vmem>>
      %dma_wait3A_47 = arith.constant 0 : i32
      %dma_wait3A_48 = tpu.memref_slice %arg10[%add3A_24, %dma_wait3A_47] : memref<10240x128xf32, #tpu.memory_space<vmem_shared>> -> memref<128x128xf32, #tpu.memory_space<vmem_shared>>
      tpu.wait_dma2 semaphore(%run_scoped3A : memref<!tpu.dma_semaphore, #tpu.memory_space<semaphore_mem>>) src(%dma_wait3A_48 : memref<128x128xf32, #tpu.memory_space<vmem_shared>>) dst(%dma_wait3A_46 : memref<128x128xf32, #tpu.memory_space<vmem>>)
      tpu.yield
    }) : () -> ()
    "tpu.region"() ({
      %run_scoped3A = tpu.sem_alloc : memref<!tpu.dma_semaphore, #tpu.memory_space<semaphore_mem>>
      %dma_start3A = arith.constant 0 : i32
      %dma_start3A_31 = arith.constant 0 : i32
      %dma_start3A_32 = tpu.memref_slice %arg9[%dma_start3A, %dma_start3A_31] : memref<256x128xf32, #tpu.memory_space<vmem>> -> memref<128x128xf32, #tpu.memory_space<vmem>>
      %dma_start3A_33 = arith.constant 0 : i32
      %dma_start3A_34 = tpu.memref_slice %arg6[%arg0, %add3A_24, %dma_start3A_33] : memref<2x10240x128xf32, #tpu.memory_space<hbm>> -> memref<1x128x128xf32, #tpu.memory_space<hbm>>
      %dma_start3A_35 = tpu.memref_squeeze %dma_start3A_34 : memref<1x128x128xf32, #tpu.memory_space<hbm>> -> memref<128x128xf32, #tpu.memory_space<hbm>>
      %dma_start3A_36 = arith.constant 0 : i32
      %dma_start3A_37 = tpu.memref_slice %arg6[%arg0, %add3A_24, %dma_start3A_36] : memref<2x10240x128xf32, #tpu.memory_space<hbm>> -> memref<1x128x128xf32, #tpu.memory_space<hbm>>
      %dma_start3A_38 = tpu.memref_squeeze %dma_start3A_37 : memref<1x128x128xf32, #tpu.memory_space<hbm>> -> memref<128x128xf32, #tpu.memory_space<hbm>>
      %dma_start3A_39 = arith.constant 0 : i32
      %dma_start3A_40 = arith.constant 0 : i32
      %dma_start3A_41 = tpu.memref_slice %arg9[%dma_start3A_39, %dma_start3A_40] : memref<256x128xf32, #tpu.memory_space<vmem>> -> memref<128x128xf32, #tpu.memory_space<vmem>>
      tpu.enqueue_dma source(%dma_start3A_41 : memref<128x128xf32, #tpu.memory_space<vmem>>) target(%dma_start3A_38 : memref<128x128xf32, #tpu.memory_space<hbm>>) target_semaphore(%run_scoped3A : memref<!tpu.dma_semaphore, #tpu.memory_space<semaphore_mem>>)
      %dma_wait3A = arith.constant 0 : i32
      %dma_wait3A_42 = arith.constant 0 : i32
      %dma_wait3A_43 = tpu.memref_slice %arg9[%dma_wait3A, %dma_wait3A_42] : memref<256x128xf32, #tpu.memory_space<vmem>> -> memref<128x128xf32, #tpu.memory_space<vmem>>
      %dma_wait3A_44 = arith.constant 0 : i32
      %dma_wait3A_45 = tpu.memref_slice %arg6[%arg0, %add3A_24, %dma_wait3A_44] : memref<2x10240x128xf32, #tpu.memory_space<hbm>> -> memref<1x128x128xf32, #tpu.memory_space<hbm>>
      %dma_wait3A_46 = tpu.memref_squeeze %dma_wait3A_45 : memref<1x128x128xf32, #tpu.memory_space<hbm>> -> memref<128x128xf32, #tpu.memory_space<hbm>>
      %dma_wait3A_47 = arith.constant 0 : i32
      %dma_wait3A_48 = tpu.memref_slice %arg6[%arg0, %add3A_24, %dma_wait3A_47] : memref<2x10240x128xf32, #tpu.memory_space<hbm>> -> memref<1x128x128xf32, #tpu.memory_space<hbm>>
      %dma_wait3A_49 = tpu.memref_squeeze %dma_wait3A_48 : memref<1x128x128xf32, #tpu.memory_space<hbm>> -> memref<128x128xf32, #tpu.memory_space<hbm>>
      %dma_wait3A_50 = arith.constant 0 : i32
      %dma_wait3A_51 = arith.constant 0 : i32
      %dma_wait3A_52 = tpu.memref_slice %arg9[%dma_wait3A_50, %dma_wait3A_51] : memref<256x128xf32, #tpu.memory_space<vmem>> -> memref<128x128xf32, #tpu.memory_space<vmem>>
      tpu.wait_dma2 semaphore(%run_scoped3A : memref<!tpu.dma_semaphore, #tpu.memory_space<semaphore_mem>>) src(%dma_wait3A_52 : memref<128x128xf32, #tpu.memory_space<vmem>>) dst(%dma_wait3A_49 : memref<128x128xf32, #tpu.memory_space<hbm>>)
      tpu.yield
    }) : () -> ()
    %add3A_25 = arith.constant 256 : i32
    %add3A_26 = arith.addi %mul3A_2, %add3A_25 : i32
    "tpu.region"() ({
      %run_scoped3A = tpu.sem_alloc : memref<!tpu.dma_semaphore, #tpu.memory_space<semaphore_mem>>
      %dma_start3A = arith.constant 0 : i32
      %dma_start3A_31 = arith.constant 0 : i32
      %dma_start3A_32 = tpu.memref_slice %arg9[%dma_start3A, %dma_start3A_31] : memref<256x128xf32, #tpu.memory_space<vmem>> -> memref<128x128xf32, #tpu.memory_space<vmem>>
      %dma_start3A_33 = arith.constant 0 : i32
      %dma_start3A_34 = tpu.memref_slice %arg10[%add3A_26, %dma_start3A_33] : memref<10240x128xf32, #tpu.memory_space<vmem_shared>> -> memref<128x128xf32, #tpu.memory_space<vmem_shared>>
      %dma_start3A_35 = arith.constant 0 : i32
      %dma_start3A_36 = arith.constant 0 : i32
      %dma_start3A_37 = tpu.memref_slice %arg9[%dma_start3A_35, %dma_start3A_36] : memref<256x128xf32, #tpu.memory_space<vmem>> -> memref<128x128xf32, #tpu.memory_space<vmem>>
      %dma_start3A_38 = arith.constant 0 : i32
      %dma_start3A_39 = tpu.memref_slice %arg10[%add3A_26, %dma_start3A_38] : memref<10240x128xf32, #tpu.memory_space<vmem_shared>> -> memref<128x128xf32, #tpu.memory_space<vmem_shared>>
      tpu.enqueue_dma source(%dma_start3A_39 : memref<128x128xf32, #tpu.memory_space<vmem_shared>>) target(%dma_start3A_37 : memref<128x128xf32, #tpu.memory_space<vmem>>) target_semaphore(%run_scoped3A : memref<!tpu.dma_semaphore, #tpu.memory_space<semaphore_mem>>)
      %dma_wait3A = arith.constant 0 : i32
      %dma_wait3A_40 = arith.constant 0 : i32
      %dma_wait3A_41 = tpu.memref_slice %arg9[%dma_wait3A, %dma_wait3A_40] : memref<256x128xf32, #tpu.memory_space<vmem>> -> memref<128x128xf32, #tpu.memory_space<vmem>>
      %dma_wait3A_42 = arith.constant 0 : i32
      %dma_wait3A_43 = tpu.memref_slice %arg10[%add3A_26, %dma_wait3A_42] : memref<10240x128xf32, #tpu.memory_space<vmem_shared>> -> memref<128x128xf32, #tpu.memory_space<vmem_shared>>
      %dma_wait3A_44 = arith.constant 0 : i32
      %dma_wait3A_45 = arith.constant 0 : i32
      %dma_wait3A_46 = tpu.memref_slice %arg9[%dma_wait3A_44, %dma_wait3A_45] : memref<256x128xf32, #tpu.memory_space<vmem>> -> memref<128x128xf32, #tpu.memory_space<vmem>>
      %dma_wait3A_47 = arith.constant 0 : i32
      %dma_wait3A_48 = tpu.memref_slice %arg10[%add3A_26, %dma_wait3A_47] : memref<10240x128xf32, #tpu.memory_space<vmem_shared>> -> memref<128x128xf32, #tpu.memory_space<vmem_shared>>
      tpu.wait_dma2 semaphore(%run_scoped3A : memref<!tpu.dma_semaphore, #tpu.memory_space<semaphore_mem>>) src(%dma_wait3A_48 : memref<128x128xf32, #tpu.memory_space<vmem_shared>>) dst(%dma_wait3A_46 : memref<128x128xf32, #tpu.memory_space<vmem>>)
      tpu.yield
    }) : () -> ()
    "tpu.region"() ({
      %run_scoped3A = tpu.sem_alloc : memref<!tpu.dma_semaphore, #tpu.memory_space<semaphore_mem>>
      %dma_start3A = arith.constant 0 : i32
      %dma_start3A_31 = arith.constant 0 : i32
      %dma_start3A_32 = tpu.memref_slice %arg9[%dma_start3A, %dma_start3A_31] : memref<256x128xf32, #tpu.memory_space<vmem>> -> memref<128x128xf32, #tpu.memory_space<vmem>>
      %dma_start3A_33 = arith.constant 0 : i32
      %dma_start3A_34 = tpu.memref_slice %arg6[%arg0, %add3A_26, %dma_start3A_33] : memref<2x10240x128xf32, #tpu.memory_space<hbm>> -> memref<1x128x128xf32, #tpu.memory_space<hbm>>
      %dma_start3A_35 = tpu.memref_squeeze %dma_start3A_34 : memref<1x128x128xf32, #tpu.memory_space<hbm>> -> memref<128x128xf32, #tpu.memory_space<hbm>>
      %dma_start3A_36 = arith.constant 0 : i32
      %dma_start3A_37 = tpu.memref_slice %arg6[%arg0, %add3A_26, %dma_start3A_36] : memref<2x10240x128xf32, #tpu.memory_space<hbm>> -> memref<1x128x128xf32, #tpu.memory_space<hbm>>
      %dma_start3A_38 = tpu.memref_squeeze %dma_start3A_37 : memref<1x128x128xf32, #tpu.memory_space<hbm>> -> memref<128x128xf32, #tpu.memory_space<hbm>>
      %dma_start3A_39 = arith.constant 0 : i32
      %dma_start3A_40 = arith.constant 0 : i32
      %dma_start3A_41 = tpu.memref_slice %arg9[%dma_start3A_39, %dma_start3A_40] : memref<256x128xf32, #tpu.memory_space<vmem>> -> memref<128x128xf32, #tpu.memory_space<vmem>>
      tpu.enqueue_dma source(%dma_start3A_41 : memref<128x128xf32, #tpu.memory_space<vmem>>) target(%dma_start3A_38 : memref<128x128xf32, #tpu.memory_space<hbm>>) target_semaphore(%run_scoped3A : memref<!tpu.dma_semaphore, #tpu.memory_space<semaphore_mem>>)
      %dma_wait3A = arith.constant 0 : i32
      %dma_wait3A_42 = arith.constant 0 : i32
      %dma_wait3A_43 = tpu.memref_slice %arg9[%dma_wait3A, %dma_wait3A_42] : memref<256x128xf32, #tpu.memory_space<vmem>> -> memref<128x128xf32, #tpu.memory_space<vmem>>
      %dma_wait3A_44 = arith.constant 0 : i32
      %dma_wait3A_45 = tpu.memref_slice %arg6[%arg0, %add3A_26, %dma_wait3A_44] : memref<2x10240x128xf32, #tpu.memory_space<hbm>> -> memref<1x128x128xf32, #tpu.memory_space<hbm>>
      %dma_wait3A_46 = tpu.memref_squeeze %dma_wait3A_45 : memref<1x128x128xf32, #tpu.memory_space<hbm>> -> memref<128x128xf32, #tpu.memory_space<hbm>>
      %dma_wait3A_47 = arith.constant 0 : i32
      %dma_wait3A_48 = tpu.memref_slice %arg6[%arg0, %add3A_26, %dma_wait3A_47] : memref<2x10240x128xf32, #tpu.memory_space<hbm>> -> memref<1x128x128xf32, #tpu.memory_space<hbm>>
      %dma_wait3A_49 = tpu.memref_squeeze %dma_wait3A_48 : memref<1x128x128xf32, #tpu.memory_space<hbm>> -> memref<128x128xf32, #tpu.memory_space<hbm>>
      %dma_wait3A_50 = arith.constant 0 : i32
      %dma_wait3A_51 = arith.constant 0 : i32
      %dma_wait3A_52 = tpu.memref_slice %arg9[%dma_wait3A_50, %dma_wait3A_51] : memref<256x128xf32, #tpu.memory_space<vmem>> -> memref<128x128xf32, #tpu.memory_space<vmem>>
      tpu.wait_dma2 semaphore(%run_scoped3A : memref<!tpu.dma_semaphore, #tpu.memory_space<semaphore_mem>>) src(%dma_wait3A_52 : memref<128x128xf32, #tpu.memory_space<vmem>>) dst(%dma_wait3A_49 : memref<128x128xf32, #tpu.memory_space<hbm>>)
      tpu.yield
    }) : () -> ()
    %add3A_27 = arith.constant 384 : i32
    %add3A_28 = arith.addi %mul3A_2, %add3A_27 : i32
    "tpu.region"() ({
      %run_scoped3A = tpu.sem_alloc : memref<!tpu.dma_semaphore, #tpu.memory_space<semaphore_mem>>
      %dma_start3A = arith.constant 0 : i32
      %dma_start3A_31 = arith.constant 0 : i32
      %dma_start3A_32 = tpu.memref_slice %arg9[%dma_start3A, %dma_start3A_31] : memref<256x128xf32, #tpu.memory_space<vmem>> -> memref<128x128xf32, #tpu.memory_space<vmem>>
      %dma_start3A_33 = arith.constant 0 : i32
      %dma_start3A_34 = tpu.memref_slice %arg10[%add3A_28, %dma_start3A_33] : memref<10240x128xf32, #tpu.memory_space<vmem_shared>> -> memref<128x128xf32, #tpu.memory_space<vmem_shared>>
      %dma_start3A_35 = arith.constant 0 : i32
      %dma_start3A_36 = arith.constant 0 : i32
      %dma_start3A_37 = tpu.memref_slice %arg9[%dma_start3A_35, %dma_start3A_36] : memref<256x128xf32, #tpu.memory_space<vmem>> -> memref<128x128xf32, #tpu.memory_space<vmem>>
      %dma_start3A_38 = arith.constant 0 : i32
      %dma_start3A_39 = tpu.memref_slice %arg10[%add3A_28, %dma_start3A_38] : memref<10240x128xf32, #tpu.memory_space<vmem_shared>> -> memref<128x128xf32, #tpu.memory_space<vmem_shared>>
      tpu.enqueue_dma source(%dma_start3A_39 : memref<128x128xf32, #tpu.memory_space<vmem_shared>>) target(%dma_start3A_37 : memref<128x128xf32, #tpu.memory_space<vmem>>) target_semaphore(%run_scoped3A : memref<!tpu.dma_semaphore, #tpu.memory_space<semaphore_mem>>)
      %dma_wait3A = arith.constant 0 : i32
      %dma_wait3A_40 = arith.constant 0 : i32
      %dma_wait3A_41 = tpu.memref_slice %arg9[%dma_wait3A, %dma_wait3A_40] : memref<256x128xf32, #tpu.memory_space<vmem>> -> memref<128x128xf32, #tpu.memory_space<vmem>>
      %dma_wait3A_42 = arith.constant 0 : i32
      %dma_wait3A_43 = tpu.memref_slice %arg10[%add3A_28, %dma_wait3A_42] : memref<10240x128xf32, #tpu.memory_space<vmem_shared>> -> memref<128x128xf32, #tpu.memory_space<vmem_shared>>
      %dma_wait3A_44 = arith.constant 0 : i32
      %dma_wait3A_45 = arith.constant 0 : i32
      %dma_wait3A_46 = tpu.memref_slice %arg9[%dma_wait3A_44, %dma_wait3A_45] : memref<256x128xf32, #tpu.memory_space<vmem>> -> memref<128x128xf32, #tpu.memory_space<vmem>>
      %dma_wait3A_47 = arith.constant 0 : i32
      %dma_wait3A_48 = tpu.memref_slice %arg10[%add3A_28, %dma_wait3A_47] : memref<10240x128xf32, #tpu.memory_space<vmem_shared>> -> memref<128x128xf32, #tpu.memory_space<vmem_shared>>
      tpu.wait_dma2 semaphore(%run_scoped3A : memref<!tpu.dma_semaphore, #tpu.memory_space<semaphore_mem>>) src(%dma_wait3A_48 : memref<128x128xf32, #tpu.memory_space<vmem_shared>>) dst(%dma_wait3A_46 : memref<128x128xf32, #tpu.memory_space<vmem>>)
      tpu.yield
    }) : () -> ()
    "tpu.region"() ({
      %run_scoped3A = tpu.sem_alloc : memref<!tpu.dma_semaphore, #tpu.memory_space<semaphore_mem>>
      %dma_start3A = arith.constant 0 : i32
      %dma_start3A_31 = arith.constant 0 : i32
      %dma_start3A_32 = tpu.memref_slice %arg9[%dma_start3A, %dma_start3A_31] : memref<256x128xf32, #tpu.memory_space<vmem>> -> memref<128x128xf32, #tpu.memory_space<vmem>>
      %dma_start3A_33 = arith.constant 0 : i32
      %dma_start3A_34 = tpu.memref_slice %arg6[%arg0, %add3A_28, %dma_start3A_33] : memref<2x10240x128xf32, #tpu.memory_space<hbm>> -> memref<1x128x128xf32, #tpu.memory_space<hbm>>
      %dma_start3A_35 = tpu.memref_squeeze %dma_start3A_34 : memref<1x128x128xf32, #tpu.memory_space<hbm>> -> memref<128x128xf32, #tpu.memory_space<hbm>>
      %dma_start3A_36 = arith.constant 0 : i32
      %dma_start3A_37 = tpu.memref_slice %arg6[%arg0, %add3A_28, %dma_start3A_36] : memref<2x10240x128xf32, #tpu.memory_space<hbm>> -> memref<1x128x128xf32, #tpu.memory_space<hbm>>
      %dma_start3A_38 = tpu.memref_squeeze %dma_start3A_37 : memref<1x128x128xf32, #tpu.memory_space<hbm>> -> memref<128x128xf32, #tpu.memory_space<hbm>>
      %dma_start3A_39 = arith.constant 0 : i32
      %dma_start3A_40 = arith.constant 0 : i32
      %dma_start3A_41 = tpu.memref_slice %arg9[%dma_start3A_39, %dma_start3A_40] : memref<256x128xf32, #tpu.memory_space<vmem>> -> memref<128x128xf32, #tpu.memory_space<vmem>>
      tpu.enqueue_dma source(%dma_start3A_41 : memref<128x128xf32, #tpu.memory_space<vmem>>) target(%dma_start3A_38 : memref<128x128xf32, #tpu.memory_space<hbm>>) target_semaphore(%run_scoped3A : memref<!tpu.dma_semaphore, #tpu.memory_space<semaphore_mem>>)
      %dma_wait3A = arith.constant 0 : i32
      %dma_wait3A_42 = arith.constant 0 : i32
      %dma_wait3A_43 = tpu.memref_slice %arg9[%dma_wait3A, %dma_wait3A_42] : memref<256x128xf32, #tpu.memory_space<vmem>> -> memref<128x128xf32, #tpu.memory_space<vmem>>
      %dma_wait3A_44 = arith.constant 0 : i32
      %dma_wait3A_45 = tpu.memref_slice %arg6[%arg0, %add3A_28, %dma_wait3A_44] : memref<2x10240x128xf32, #tpu.memory_space<hbm>> -> memref<1x128x128xf32, #tpu.memory_space<hbm>>
      %dma_wait3A_46 = tpu.memref_squeeze %dma_wait3A_45 : memref<1x128x128xf32, #tpu.memory_space<hbm>> -> memref<128x128xf32, #tpu.memory_space<hbm>>
      %dma_wait3A_47 = arith.constant 0 : i32
      %dma_wait3A_48 = tpu.memref_slice %arg6[%arg0, %add3A_28, %dma_wait3A_47] : memref<2x10240x128xf32, #tpu.memory_space<hbm>> -> memref<1x128x128xf32, #tpu.memory_space<hbm>>
      %dma_wait3A_49 = tpu.memref_squeeze %dma_wait3A_48 : memref<1x128x128xf32, #tpu.memory_space<hbm>> -> memref<128x128xf32, #tpu.memory_space<hbm>>
      %dma_wait3A_50 = arith.constant 0 : i32
      %dma_wait3A_51 = arith.constant 0 : i32
      %dma_wait3A_52 = tpu.memref_slice %arg9[%dma_wait3A_50, %dma_wait3A_51] : memref<256x128xf32, #tpu.memory_space<vmem>> -> memref<128x128xf32, #tpu.memory_space<vmem>>
      tpu.wait_dma2 semaphore(%run_scoped3A : memref<!tpu.dma_semaphore, #tpu.memory_space<semaphore_mem>>) src(%dma_wait3A_52 : memref<128x128xf32, #tpu.memory_space<vmem>>) dst(%dma_wait3A_49 : memref<128x128xf32, #tpu.memory_space<hbm>>)
      tpu.yield
    }) : () -> ()
    %add3A_29 = arith.constant 512 : i32
    %add3A_30 = arith.addi %mul3A_2, %add3A_29 : i32
    "tpu.region"() ({
      %run_scoped3A = tpu.sem_alloc : memref<!tpu.dma_semaphore, #tpu.memory_space<semaphore_mem>>
      %dma_start3A = arith.constant 0 : i32
      %dma_start3A_31 = arith.constant 0 : i32
      %dma_start3A_32 = tpu.memref_slice %arg9[%dma_start3A, %dma_start3A_31] : memref<256x128xf32, #tpu.memory_space<vmem>> -> memref<128x128xf32, #tpu.memory_space<vmem>>
      %dma_start3A_33 = arith.constant 0 : i32
      %dma_start3A_34 = tpu.memref_slice %arg10[%add3A_30, %dma_start3A_33] : memref<10240x128xf32, #tpu.memory_space<vmem_shared>> -> memref<128x128xf32, #tpu.memory_space<vmem_shared>>
      %dma_start3A_35 = arith.constant 0 : i32
      %dma_start3A_36 = arith.constant 0 : i32
      %dma_start3A_37 = tpu.memref_slice %arg9[%dma_start3A_35, %dma_start3A_36] : memref<256x128xf32, #tpu.memory_space<vmem>> -> memref<128x128xf32, #tpu.memory_space<vmem>>
      %dma_start3A_38 = arith.constant 0 : i32
      %dma_start3A_39 = tpu.memref_slice %arg10[%add3A_30, %dma_start3A_38] : memref<10240x128xf32, #tpu.memory_space<vmem_shared>> -> memref<128x128xf32, #tpu.memory_space<vmem_shared>>
      tpu.enqueue_dma source(%dma_start3A_39 : memref<128x128xf32, #tpu.memory_space<vmem_shared>>) target(%dma_start3A_37 : memref<128x128xf32, #tpu.memory_space<vmem>>) target_semaphore(%run_scoped3A : memref<!tpu.dma_semaphore, #tpu.memory_space<semaphore_mem>>)
      %dma_wait3A = arith.constant 0 : i32
      %dma_wait3A_40 = arith.constant 0 : i32
      %dma_wait3A_41 = tpu.memref_slice %arg9[%dma_wait3A, %dma_wait3A_40] : memref<256x128xf32, #tpu.memory_space<vmem>> -> memref<128x128xf32, #tpu.memory_space<vmem>>
      %dma_wait3A_42 = arith.constant 0 : i32
      %dma_wait3A_43 = tpu.memref_slice %arg10[%add3A_30, %dma_wait3A_42] : memref<10240x128xf32, #tpu.memory_space<vmem_shared>> -> memref<128x128xf32, #tpu.memory_space<vmem_shared>>
      %dma_wait3A_44 = arith.constant 0 : i32
      %dma_wait3A_45 = arith.constant 0 : i32
      %dma_wait3A_46 = tpu.memref_slice %arg9[%dma_wait3A_44, %dma_wait3A_45] : memref<256x128xf32, #tpu.memory_space<vmem>> -> memref<128x128xf32, #tpu.memory_space<vmem>>
      %dma_wait3A_47 = arith.constant 0 : i32
      %dma_wait3A_48 = tpu.memref_slice %arg10[%add3A_30, %dma_wait3A_47] : memref<10240x128xf32, #tpu.memory_space<vmem_shared>> -> memref<128x128xf32, #tpu.memory_space<vmem_shared>>
      tpu.wait_dma2 semaphore(%run_scoped3A : memref<!tpu.dma_semaphore, #tpu.memory_space<semaphore_mem>>) src(%dma_wait3A_48 : memref<128x128xf32, #tpu.memory_space<vmem_shared>>) dst(%dma_wait3A_46 : memref<128x128xf32, #tpu.memory_space<vmem>>)
      tpu.yield
    }) : () -> ()
    "tpu.region"() ({
      %run_scoped3A = tpu.sem_alloc : memref<!tpu.dma_semaphore, #tpu.memory_space<semaphore_mem>>
      %dma_start3A = arith.constant 0 : i32
      %dma_start3A_31 = arith.constant 0 : i32
      %dma_start3A_32 = tpu.memref_slice %arg9[%dma_start3A, %dma_start3A_31] : memref<256x128xf32, #tpu.memory_space<vmem>> -> memref<128x128xf32, #tpu.memory_space<vmem>>
      %dma_start3A_33 = arith.constant 0 : i32
      %dma_start3A_34 = tpu.memref_slice %arg6[%arg0, %add3A_30, %dma_start3A_33] : memref<2x10240x128xf32, #tpu.memory_space<hbm>> -> memref<1x128x128xf32, #tpu.memory_space<hbm>>
      %dma_start3A_35 = tpu.memref_squeeze %dma_start3A_34 : memref<1x128x128xf32, #tpu.memory_space<hbm>> -> memref<128x128xf32, #tpu.memory_space<hbm>>
      %dma_start3A_36 = arith.constant 0 : i32
      %dma_start3A_37 = tpu.memref_slice %arg6[%arg0, %add3A_30, %dma_start3A_36] : memref<2x10240x128xf32, #tpu.memory_space<hbm>> -> memref<1x128x128xf32, #tpu.memory_space<hbm>>
      %dma_start3A_38 = tpu.memref_squeeze %dma_start3A_37 : memref<1x128x128xf32, #tpu.memory_space<hbm>> -> memref<128x128xf32, #tpu.memory_space<hbm>>
      %dma_start3A_39 = arith.constant 0 : i32
      %dma_start3A_40 = arith.constant 0 : i32
      %dma_start3A_41 = tpu.memref_slice %arg9[%dma_start3A_39, %dma_start3A_40] : memref<256x128xf32, #tpu.memory_space<vmem>> -> memref<128x128xf32, #tpu.memory_space<vmem>>
      tpu.enqueue_dma source(%dma_start3A_41 : memref<128x128xf32, #tpu.memory_space<vmem>>) target(%dma_start3A_38 : memref<128x128xf32, #tpu.memory_space<hbm>>) target_semaphore(%run_scoped3A : memref<!tpu.dma_semaphore, #tpu.memory_space<semaphore_mem>>)
      %dma_wait3A = arith.constant 0 : i32
      %dma_wait3A_42 = arith.constant 0 : i32
      %dma_wait3A_43 = tpu.memref_slice %arg9[%dma_wait3A, %dma_wait3A_42] : memref<256x128xf32, #tpu.memory_space<vmem>> -> memref<128x128xf32, #tpu.memory_space<vmem>>
      %dma_wait3A_44 = arith.constant 0 : i32
      %dma_wait3A_45 = tpu.memref_slice %arg6[%arg0, %add3A_30, %dma_wait3A_44] : memref<2x10240x128xf32, #tpu.memory_space<hbm>> -> memref<1x128x128xf32, #tpu.memory_space<hbm>>
      %dma_wait3A_46 = tpu.memref_squeeze %dma_wait3A_45 : memref<1x128x128xf32, #tpu.memory_space<hbm>> -> memref<128x128xf32, #tpu.memory_space<hbm>>
      %dma_wait3A_47 = arith.constant 0 : i32
      %dma_wait3A_48 = tpu.memref_slice %arg6[%arg0, %add3A_30, %dma_wait3A_47] : memref<2x10240x128xf32, #tpu.memory_space<hbm>> -> memref<1x128x128xf32, #tpu.memory_space<hbm>>
      %dma_wait3A_49 = tpu.memref_squeeze %dma_wait3A_48 : memref<1x128x128xf32, #tpu.memory_space<hbm>> -> memref<128x128xf32, #tpu.memory_space<hbm>>
      %dma_wait3A_50 = arith.constant 0 : i32
      %dma_wait3A_51 = arith.constant 0 : i32
      %dma_wait3A_52 = tpu.memref_slice %arg9[%dma_wait3A_50, %dma_wait3A_51] : memref<256x128xf32, #tpu.memory_space<vmem>> -> memref<128x128xf32, #tpu.memory_space<vmem>>
      tpu.wait_dma2 semaphore(%run_scoped3A : memref<!tpu.dma_semaphore, #tpu.memory_space<semaphore_mem>>) src(%dma_wait3A_52 : memref<128x128xf32, #tpu.memory_space<vmem>>) dst(%dma_wait3A_49 : memref<128x128xf32, #tpu.memory_space<hbm>>)
      tpu.yield
    }) : () -> ()
    return
  }
}

#map = affine_map<(d0, d1) -> (0, 0)>
#map1 = affine_map<(d0, d1) -> (0)>
#map2 = affine_map<(d0, d1) -> (0, 0, 0)>
module attributes {stable_mosaic.version = 14 : i64} {
  func.func @_sc_agg_body(%arg0: i32, %arg1: i32, %arg2: memref<10240x128xf32, #tpu.memory_space<hbm>>, %arg3: memref<327680xi32, #tpu.memory_space<hbm>>, %arg4: memref<327680xi32, #tpu.memory_space<hbm>>, %arg5: memref<128x128xf32, #tpu.memory_space<hbm>>, %arg6: memref<2x10240x128xf32, #tpu.memory_space<hbm>>, %arg7: memref<256xi32, #tpu.memory_space<vmem>>, %arg8: memref<256xi32, #tpu.memory_space<vmem>>, %arg9: memref<256x128xf32, #tpu.memory_space<vmem>>, %arg10: memref<10240x128xf32, #tpu.memory_space<vmem_shared>>, %arg11: memref<!tpu.dma_semaphore, #tpu.memory_space<semaphore_mem>>) attributes {dimension_semantics = [#tpu.dimension_semantics<core_parallel>, #tpu.dimension_semantics<subcore_parallel>], iteration_bounds = array<i64: 2, 16>, scalar_prefetch = 0 : i64, scratch_operands = 5 : i64, tpu.core_type = #tpu.core_type<sc_vector_subcore>, window_params = [{transform_indices = #map}, {transform_indices = #map1}, {transform_indices = #map1}, {transform_indices = #map}, {transform_indices = #map2}]} {
    %mul3A = arith.constant 16 : i32
    %mul3A_0 = arith.muli %arg0, %mul3A : i32
    %add3A = arith.addi %mul3A_0, %arg1 : i32
    %mul3A_1 = arith.constant 640 : i32
    %mul3A_2 = arith.muli %arg1, %mul3A_1 : i32
    "tpu.region"() ({
      %run_scoped3A = tpu.sem_alloc : memref<!tpu.dma_semaphore, #tpu.memory_space<semaphore_mem>>
      %dma_start3A = arith.constant 0 : i32
      %dma_start3A_31 = arith.constant 0 : i32
      %dma_start3A_32 = tpu.memref_slice %arg9[%dma_start3A, %dma_start3A_31] : memref<256x128xf32, #tpu.memory_space<vmem>> -> memref<128x128xf32, #tpu.memory_space<vmem>>
      %dma_start3A_33 = arith.constant 0 : i32
      %dma_start3A_34 = arith.constant 0 : i32
      %dma_start3A_35 = tpu.memref_slice %arg9[%dma_start3A_33, %dma_start3A_34] : memref<256x128xf32, #tpu.memory_space<vmem>> -> memref<128x128xf32, #tpu.memory_space<vmem>>
      tpu.enqueue_dma source(%arg5 : memref<128x128xf32, #tpu.memory_space<hbm>>) target(%dma_start3A_35 : memref<128x128xf32, #tpu.memory_space<vmem>>) target_semaphore(%run_scoped3A : memref<!tpu.dma_semaphore, #tpu.memory_space<semaphore_mem>>)
      %dma_wait3A = arith.constant 0 : i32
      %dma_wait3A_36 = arith.constant 0 : i32
      %dma_wait3A_37 = tpu.memref_slice %arg9[%dma_wait3A, %dma_wait3A_36] : memref<256x128xf32, #tpu.memory_space<vmem>> -> memref<128x128xf32, #tpu.memory_space<vmem>>
      %dma_wait3A_38 = arith.constant 0 : i32
      %dma_wait3A_39 = arith.constant 0 : i32
      %dma_wait3A_40 = tpu.memref_slice %arg9[%dma_wait3A_38, %dma_wait3A_39] : memref<256x128xf32, #tpu.memory_space<vmem>> -> memref<128x128xf32, #tpu.memory_space<vmem>>
      tpu.wait_dma2 semaphore(%run_scoped3A : memref<!tpu.dma_semaphore, #tpu.memory_space<semaphore_mem>>) src(%arg5 : memref<128x128xf32, #tpu.memory_space<hbm>>) dst(%dma_wait3A_40 : memref<128x128xf32, #tpu.memory_space<vmem>>)
      tpu.yield
    }) : () -> ()
    %add3A_3 = arith.constant 0 : i32
    %add3A_4 = arith.addi %mul3A_2, %add3A_3 : i32
    "tpu.region"() ({
      %run_scoped3A = tpu.sem_alloc : memref<!tpu.dma_semaphore, #tpu.memory_space<semaphore_mem>>
      %dma_start3A = arith.constant 0 : i32
      %dma_start3A_31 = arith.constant 0 : i32
      %dma_start3A_32 = tpu.memref_slice %arg9[%dma_start3A, %dma_start3A_31] : memref<256x128xf32, #tpu.memory_space<vmem>> -> memref<128x128xf32, #tpu.memory_space<vmem>>
      %dma_start3A_33 = arith.constant 0 : i32
      %dma_start3A_34 = tpu.memref_slice %arg10[%add3A_4, %dma_start3A_33] : memref<10240x128xf32, #tpu.memory_space<vmem_shared>> -> memref<128x128xf32, #tpu.memory_space<vmem_shared>>
      %dma_start3A_35 = arith.constant 0 : i32
      %dma_start3A_36 = tpu.memref_slice %arg10[%add3A_4, %dma_start3A_35] : memref<10240x128xf32, #tpu.memory_space<vmem_shared>> -> memref<128x128xf32, #tpu.memory_space<vmem_shared>>
      %dma_start3A_37 = arith.constant 0 : i32
      %dma_start3A_38 = arith.constant 0 : i32
      %dma_start3A_39 = tpu.memref_slice %arg9[%dma_start3A_37, %dma_start3A_38] : memref<256x128xf32, #tpu.memory_space<vmem>> -> memref<128x128xf32, #tpu.memory_space<vmem>>
      tpu.enqueue_dma source(%dma_start3A_39 : memref<128x128xf32, #tpu.memory_space<vmem>>) target(%dma_start3A_36 : memref<128x128xf32, #tpu.memory_space<vmem_shared>>) target_semaphore(%run_scoped3A : memref<!tpu.dma_semaphore, #tpu.memory_space<semaphore_mem>>)
      %dma_wait3A = arith.constant 0 : i32
      %dma_wait3A_40 = arith.constant 0 : i32
      %dma_wait3A_41 = tpu.memref_slice %arg9[%dma_wait3A, %dma_wait3A_40] : memref<256x128xf32, #tpu.memory_space<vmem>> -> memref<128x128xf32, #tpu.memory_space<vmem>>
      %dma_wait3A_42 = arith.constant 0 : i32
      %dma_wait3A_43 = tpu.memref_slice %arg10[%add3A_4, %dma_wait3A_42] : memref<10240x128xf32, #tpu.memory_space<vmem_shared>> -> memref<128x128xf32, #tpu.memory_space<vmem_shared>>
      %dma_wait3A_44 = arith.constant 0 : i32
      %dma_wait3A_45 = tpu.memref_slice %arg10[%add3A_4, %dma_wait3A_44] : memref<10240x128xf32, #tpu.memory_space<vmem_shared>> -> memref<128x128xf32, #tpu.memory_space<vmem_shared>>
      %dma_wait3A_46 = arith.constant 0 : i32
      %dma_wait3A_47 = arith.constant 0 : i32
      %dma_wait3A_48 = tpu.memref_slice %arg9[%dma_wait3A_46, %dma_wait3A_47] : memref<256x128xf32, #tpu.memory_space<vmem>> -> memref<128x128xf32, #tpu.memory_space<vmem>>
      tpu.wait_dma2 semaphore(%run_scoped3A : memref<!tpu.dma_semaphore, #tpu.memory_space<semaphore_mem>>) src(%dma_wait3A_48 : memref<128x128xf32, #tpu.memory_space<vmem>>) dst(%dma_wait3A_45 : memref<128x128xf32, #tpu.memory_space<vmem_shared>>)
      tpu.yield
    }) : () -> ()
    %add3A_5 = arith.constant 128 : i32
    %add3A_6 = arith.addi %mul3A_2, %add3A_5 : i32
    "tpu.region"() ({
      %run_scoped3A = tpu.sem_alloc : memref<!tpu.dma_semaphore, #tpu.memory_space<semaphore_mem>>
      %dma_start3A = arith.constant 0 : i32
      %dma_start3A_31 = arith.constant 0 : i32
      %dma_start3A_32 = tpu.memref_slice %arg9[%dma_start3A, %dma_start3A_31] : memref<256x128xf32, #tpu.memory_space<vmem>> -> memref<128x128xf32, #tpu.memory_space<vmem>>
      %dma_start3A_33 = arith.constant 0 : i32
      %dma_start3A_34 = tpu.memref_slice %arg10[%add3A_6, %dma_start3A_33] : memref<10240x128xf32, #tpu.memory_space<vmem_shared>> -> memref<128x128xf32, #tpu.memory_space<vmem_shared>>
      %dma_start3A_35 = arith.constant 0 : i32
      %dma_start3A_36 = tpu.memref_slice %arg10[%add3A_6, %dma_start3A_35] : memref<10240x128xf32, #tpu.memory_space<vmem_shared>> -> memref<128x128xf32, #tpu.memory_space<vmem_shared>>
      %dma_start3A_37 = arith.constant 0 : i32
      %dma_start3A_38 = arith.constant 0 : i32
      %dma_start3A_39 = tpu.memref_slice %arg9[%dma_start3A_37, %dma_start3A_38] : memref<256x128xf32, #tpu.memory_space<vmem>> -> memref<128x128xf32, #tpu.memory_space<vmem>>
      tpu.enqueue_dma source(%dma_start3A_39 : memref<128x128xf32, #tpu.memory_space<vmem>>) target(%dma_start3A_36 : memref<128x128xf32, #tpu.memory_space<vmem_shared>>) target_semaphore(%run_scoped3A : memref<!tpu.dma_semaphore, #tpu.memory_space<semaphore_mem>>)
      %dma_wait3A = arith.constant 0 : i32
      %dma_wait3A_40 = arith.constant 0 : i32
      %dma_wait3A_41 = tpu.memref_slice %arg9[%dma_wait3A, %dma_wait3A_40] : memref<256x128xf32, #tpu.memory_space<vmem>> -> memref<128x128xf32, #tpu.memory_space<vmem>>
      %dma_wait3A_42 = arith.constant 0 : i32
      %dma_wait3A_43 = tpu.memref_slice %arg10[%add3A_6, %dma_wait3A_42] : memref<10240x128xf32, #tpu.memory_space<vmem_shared>> -> memref<128x128xf32, #tpu.memory_space<vmem_shared>>
      %dma_wait3A_44 = arith.constant 0 : i32
      %dma_wait3A_45 = tpu.memref_slice %arg10[%add3A_6, %dma_wait3A_44] : memref<10240x128xf32, #tpu.memory_space<vmem_shared>> -> memref<128x128xf32, #tpu.memory_space<vmem_shared>>
      %dma_wait3A_46 = arith.constant 0 : i32
      %dma_wait3A_47 = arith.constant 0 : i32
      %dma_wait3A_48 = tpu.memref_slice %arg9[%dma_wait3A_46, %dma_wait3A_47] : memref<256x128xf32, #tpu.memory_space<vmem>> -> memref<128x128xf32, #tpu.memory_space<vmem>>
      tpu.wait_dma2 semaphore(%run_scoped3A : memref<!tpu.dma_semaphore, #tpu.memory_space<semaphore_mem>>) src(%dma_wait3A_48 : memref<128x128xf32, #tpu.memory_space<vmem>>) dst(%dma_wait3A_45 : memref<128x128xf32, #tpu.memory_space<vmem_shared>>)
      tpu.yield
    }) : () -> ()
    %add3A_7 = arith.constant 256 : i32
    %add3A_8 = arith.addi %mul3A_2, %add3A_7 : i32
    "tpu.region"() ({
      %run_scoped3A = tpu.sem_alloc : memref<!tpu.dma_semaphore, #tpu.memory_space<semaphore_mem>>
      %dma_start3A = arith.constant 0 : i32
      %dma_start3A_31 = arith.constant 0 : i32
      %dma_start3A_32 = tpu.memref_slice %arg9[%dma_start3A, %dma_start3A_31] : memref<256x128xf32, #tpu.memory_space<vmem>> -> memref<128x128xf32, #tpu.memory_space<vmem>>
      %dma_start3A_33 = arith.constant 0 : i32
      %dma_start3A_34 = tpu.memref_slice %arg10[%add3A_8, %dma_start3A_33] : memref<10240x128xf32, #tpu.memory_space<vmem_shared>> -> memref<128x128xf32, #tpu.memory_space<vmem_shared>>
      %dma_start3A_35 = arith.constant 0 : i32
      %dma_start3A_36 = tpu.memref_slice %arg10[%add3A_8, %dma_start3A_35] : memref<10240x128xf32, #tpu.memory_space<vmem_shared>> -> memref<128x128xf32, #tpu.memory_space<vmem_shared>>
      %dma_start3A_37 = arith.constant 0 : i32
      %dma_start3A_38 = arith.constant 0 : i32
      %dma_start3A_39 = tpu.memref_slice %arg9[%dma_start3A_37, %dma_start3A_38] : memref<256x128xf32, #tpu.memory_space<vmem>> -> memref<128x128xf32, #tpu.memory_space<vmem>>
      tpu.enqueue_dma source(%dma_start3A_39 : memref<128x128xf32, #tpu.memory_space<vmem>>) target(%dma_start3A_36 : memref<128x128xf32, #tpu.memory_space<vmem_shared>>) target_semaphore(%run_scoped3A : memref<!tpu.dma_semaphore, #tpu.memory_space<semaphore_mem>>)
      %dma_wait3A = arith.constant 0 : i32
      %dma_wait3A_40 = arith.constant 0 : i32
      %dma_wait3A_41 = tpu.memref_slice %arg9[%dma_wait3A, %dma_wait3A_40] : memref<256x128xf32, #tpu.memory_space<vmem>> -> memref<128x128xf32, #tpu.memory_space<vmem>>
      %dma_wait3A_42 = arith.constant 0 : i32
      %dma_wait3A_43 = tpu.memref_slice %arg10[%add3A_8, %dma_wait3A_42] : memref<10240x128xf32, #tpu.memory_space<vmem_shared>> -> memref<128x128xf32, #tpu.memory_space<vmem_shared>>
      %dma_wait3A_44 = arith.constant 0 : i32
      %dma_wait3A_45 = tpu.memref_slice %arg10[%add3A_8, %dma_wait3A_44] : memref<10240x128xf32, #tpu.memory_space<vmem_shared>> -> memref<128x128xf32, #tpu.memory_space<vmem_shared>>
      %dma_wait3A_46 = arith.constant 0 : i32
      %dma_wait3A_47 = arith.constant 0 : i32
      %dma_wait3A_48 = tpu.memref_slice %arg9[%dma_wait3A_46, %dma_wait3A_47] : memref<256x128xf32, #tpu.memory_space<vmem>> -> memref<128x128xf32, #tpu.memory_space<vmem>>
      tpu.wait_dma2 semaphore(%run_scoped3A : memref<!tpu.dma_semaphore, #tpu.memory_space<semaphore_mem>>) src(%dma_wait3A_48 : memref<128x128xf32, #tpu.memory_space<vmem>>) dst(%dma_wait3A_45 : memref<128x128xf32, #tpu.memory_space<vmem_shared>>)
      tpu.yield
    }) : () -> ()
    %add3A_9 = arith.constant 384 : i32
    %add3A_10 = arith.addi %mul3A_2, %add3A_9 : i32
    "tpu.region"() ({
      %run_scoped3A = tpu.sem_alloc : memref<!tpu.dma_semaphore, #tpu.memory_space<semaphore_mem>>
      %dma_start3A = arith.constant 0 : i32
      %dma_start3A_31 = arith.constant 0 : i32
      %dma_start3A_32 = tpu.memref_slice %arg9[%dma_start3A, %dma_start3A_31] : memref<256x128xf32, #tpu.memory_space<vmem>> -> memref<128x128xf32, #tpu.memory_space<vmem>>
      %dma_start3A_33 = arith.constant 0 : i32
      %dma_start3A_34 = tpu.memref_slice %arg10[%add3A_10, %dma_start3A_33] : memref<10240x128xf32, #tpu.memory_space<vmem_shared>> -> memref<128x128xf32, #tpu.memory_space<vmem_shared>>
      %dma_start3A_35 = arith.constant 0 : i32
      %dma_start3A_36 = tpu.memref_slice %arg10[%add3A_10, %dma_start3A_35] : memref<10240x128xf32, #tpu.memory_space<vmem_shared>> -> memref<128x128xf32, #tpu.memory_space<vmem_shared>>
      %dma_start3A_37 = arith.constant 0 : i32
      %dma_start3A_38 = arith.constant 0 : i32
      %dma_start3A_39 = tpu.memref_slice %arg9[%dma_start3A_37, %dma_start3A_38] : memref<256x128xf32, #tpu.memory_space<vmem>> -> memref<128x128xf32, #tpu.memory_space<vmem>>
      tpu.enqueue_dma source(%dma_start3A_39 : memref<128x128xf32, #tpu.memory_space<vmem>>) target(%dma_start3A_36 : memref<128x128xf32, #tpu.memory_space<vmem_shared>>) target_semaphore(%run_scoped3A : memref<!tpu.dma_semaphore, #tpu.memory_space<semaphore_mem>>)
      %dma_wait3A = arith.constant 0 : i32
      %dma_wait3A_40 = arith.constant 0 : i32
      %dma_wait3A_41 = tpu.memref_slice %arg9[%dma_wait3A, %dma_wait3A_40] : memref<256x128xf32, #tpu.memory_space<vmem>> -> memref<128x128xf32, #tpu.memory_space<vmem>>
      %dma_wait3A_42 = arith.constant 0 : i32
      %dma_wait3A_43 = tpu.memref_slice %arg10[%add3A_10, %dma_wait3A_42] : memref<10240x128xf32, #tpu.memory_space<vmem_shared>> -> memref<128x128xf32, #tpu.memory_space<vmem_shared>>
      %dma_wait3A_44 = arith.constant 0 : i32
      %dma_wait3A_45 = tpu.memref_slice %arg10[%add3A_10, %dma_wait3A_44] : memref<10240x128xf32, #tpu.memory_space<vmem_shared>> -> memref<128x128xf32, #tpu.memory_space<vmem_shared>>
      %dma_wait3A_46 = arith.constant 0 : i32
      %dma_wait3A_47 = arith.constant 0 : i32
      %dma_wait3A_48 = tpu.memref_slice %arg9[%dma_wait3A_46, %dma_wait3A_47] : memref<256x128xf32, #tpu.memory_space<vmem>> -> memref<128x128xf32, #tpu.memory_space<vmem>>
      tpu.wait_dma2 semaphore(%run_scoped3A : memref<!tpu.dma_semaphore, #tpu.memory_space<semaphore_mem>>) src(%dma_wait3A_48 : memref<128x128xf32, #tpu.memory_space<vmem>>) dst(%dma_wait3A_45 : memref<128x128xf32, #tpu.memory_space<vmem_shared>>)
      tpu.yield
    }) : () -> ()
    %add3A_11 = arith.constant 512 : i32
    %add3A_12 = arith.addi %mul3A_2, %add3A_11 : i32
    "tpu.region"() ({
      %run_scoped3A = tpu.sem_alloc : memref<!tpu.dma_semaphore, #tpu.memory_space<semaphore_mem>>
      %dma_start3A = arith.constant 0 : i32
      %dma_start3A_31 = arith.constant 0 : i32
      %dma_start3A_32 = tpu.memref_slice %arg9[%dma_start3A, %dma_start3A_31] : memref<256x128xf32, #tpu.memory_space<vmem>> -> memref<128x128xf32, #tpu.memory_space<vmem>>
      %dma_start3A_33 = arith.constant 0 : i32
      %dma_start3A_34 = tpu.memref_slice %arg10[%add3A_12, %dma_start3A_33] : memref<10240x128xf32, #tpu.memory_space<vmem_shared>> -> memref<128x128xf32, #tpu.memory_space<vmem_shared>>
      %dma_start3A_35 = arith.constant 0 : i32
      %dma_start3A_36 = tpu.memref_slice %arg10[%add3A_12, %dma_start3A_35] : memref<10240x128xf32, #tpu.memory_space<vmem_shared>> -> memref<128x128xf32, #tpu.memory_space<vmem_shared>>
      %dma_start3A_37 = arith.constant 0 : i32
      %dma_start3A_38 = arith.constant 0 : i32
      %dma_start3A_39 = tpu.memref_slice %arg9[%dma_start3A_37, %dma_start3A_38] : memref<256x128xf32, #tpu.memory_space<vmem>> -> memref<128x128xf32, #tpu.memory_space<vmem>>
      tpu.enqueue_dma source(%dma_start3A_39 : memref<128x128xf32, #tpu.memory_space<vmem>>) target(%dma_start3A_36 : memref<128x128xf32, #tpu.memory_space<vmem_shared>>) target_semaphore(%run_scoped3A : memref<!tpu.dma_semaphore, #tpu.memory_space<semaphore_mem>>)
      %dma_wait3A = arith.constant 0 : i32
      %dma_wait3A_40 = arith.constant 0 : i32
      %dma_wait3A_41 = tpu.memref_slice %arg9[%dma_wait3A, %dma_wait3A_40] : memref<256x128xf32, #tpu.memory_space<vmem>> -> memref<128x128xf32, #tpu.memory_space<vmem>>
      %dma_wait3A_42 = arith.constant 0 : i32
      %dma_wait3A_43 = tpu.memref_slice %arg10[%add3A_12, %dma_wait3A_42] : memref<10240x128xf32, #tpu.memory_space<vmem_shared>> -> memref<128x128xf32, #tpu.memory_space<vmem_shared>>
      %dma_wait3A_44 = arith.constant 0 : i32
      %dma_wait3A_45 = tpu.memref_slice %arg10[%add3A_12, %dma_wait3A_44] : memref<10240x128xf32, #tpu.memory_space<vmem_shared>> -> memref<128x128xf32, #tpu.memory_space<vmem_shared>>
      %dma_wait3A_46 = arith.constant 0 : i32
      %dma_wait3A_47 = arith.constant 0 : i32
      %dma_wait3A_48 = tpu.memref_slice %arg9[%dma_wait3A_46, %dma_wait3A_47] : memref<256x128xf32, #tpu.memory_space<vmem>> -> memref<128x128xf32, #tpu.memory_space<vmem>>
      tpu.wait_dma2 semaphore(%run_scoped3A : memref<!tpu.dma_semaphore, #tpu.memory_space<semaphore_mem>>) src(%dma_wait3A_48 : memref<128x128xf32, #tpu.memory_space<vmem>>) dst(%dma_wait3A_45 : memref<128x128xf32, #tpu.memory_space<vmem_shared>>)
      tpu.yield
    }) : () -> ()
    %barrier3A = arith.constant 0 : index
    tpu.barrier barrier_id(%barrier3A)
    %mul3A_13 = arith.constant 10240 : i32
    %mul3A_14 = arith.muli %add3A, %mul3A_13 : i32
    %scan3A = arith.constant 0 : i32
    %scan3A_15 = arith.constant 0 : i32
    %scan3A_16 = arith.constant 40 : i32
    %scan3A_17 = arith.addi %scan3A_15, %scan3A_16 : i32
    %scan3A_18 = arith.constant 1 : i32
    scf.for %scan3A_31 = %scan3A_15 to %scan3A_17 step %scan3A_18  : i32 {
      %mul3A_32 = arith.constant 256 : i32
      %mul3A_33 = arith.muli %scan3A_31, %mul3A_32 : i32
      %add3A_34 = arith.addi %mul3A_14, %mul3A_33 : i32
      "tpu.region"() ({
        %run_scoped3A = tpu.sem_alloc : memref<!tpu.dma_semaphore, #tpu.memory_space<semaphore_mem>>
        %dma_start3A_39 = tpu.memref_slice %arg3[%add3A_34] : memref<327680xi32, #tpu.memory_space<hbm>> -> memref<256xi32, #tpu.memory_space<hbm>>
        %dma_start3A_40 = tpu.memref_slice %arg3[%add3A_34] : memref<327680xi32, #tpu.memory_space<hbm>> -> memref<256xi32, #tpu.memory_space<hbm>>
        tpu.enqueue_dma source(%dma_start3A_40 : memref<256xi32, #tpu.memory_space<hbm>>) target(%arg7 : memref<256xi32, #tpu.memory_space<vmem>>) target_semaphore(%run_scoped3A : memref<!tpu.dma_semaphore, #tpu.memory_space<semaphore_mem>>)
        %dma_wait3A_41 = tpu.memref_slice %arg3[%add3A_34] : memref<327680xi32, #tpu.memory_space<hbm>> -> memref<256xi32, #tpu.memory_space<hbm>>
        %dma_wait3A_42 = tpu.memref_slice %arg3[%add3A_34] : memref<327680xi32, #tpu.memory_space<hbm>> -> memref<256xi32, #tpu.memory_space<hbm>>
        tpu.wait_dma2 semaphore(%run_scoped3A : memref<!tpu.dma_semaphore, #tpu.memory_space<semaphore_mem>>) src(%dma_wait3A_42 : memref<256xi32, #tpu.memory_space<hbm>>) dst(%arg7 : memref<256xi32, #tpu.memory_space<vmem>>)
        tpu.yield
      }) : () -> ()
      "tpu.region"() ({
        %run_scoped3A = tpu.sem_alloc : memref<!tpu.dma_semaphore, #tpu.memory_space<semaphore_mem>>
        %dma_start3A_39 = tpu.memref_slice %arg4[%add3A_34] : memref<327680xi32, #tpu.memory_space<hbm>> -> memref<256xi32, #tpu.memory_space<hbm>>
        %dma_start3A_40 = tpu.memref_slice %arg4[%add3A_34] : memref<327680xi32, #tpu.memory_space<hbm>> -> memref<256xi32, #tpu.memory_space<hbm>>
        tpu.enqueue_dma source(%dma_start3A_40 : memref<256xi32, #tpu.memory_space<hbm>>) target(%arg8 : memref<256xi32, #tpu.memory_space<vmem>>) target_semaphore(%run_scoped3A : memref<!tpu.dma_semaphore, #tpu.memory_space<semaphore_mem>>)
        %dma_wait3A_41 = tpu.memref_slice %arg4[%add3A_34] : memref<327680xi32, #tpu.memory_space<hbm>> -> memref<256xi32, #tpu.memory_space<hbm>>
        %dma_wait3A_42 = tpu.memref_slice %arg4[%add3A_34] : memref<327680xi32, #tpu.memory_space<hbm>> -> memref<256xi32, #tpu.memory_space<hbm>>
        tpu.wait_dma2 semaphore(%run_scoped3A : memref<!tpu.dma_semaphore, #tpu.memory_space<semaphore_mem>>) src(%dma_wait3A_42 : memref<256xi32, #tpu.memory_space<hbm>>) dst(%arg8 : memref<256xi32, #tpu.memory_space<vmem>>)
        tpu.yield
      }) : () -> ()
      %dma_start3A = arith.constant 0 : i32
      %dma_start3A_35 = arith.constant 0 : i32
      %dma_start3A_36 = tpu.memref_slice %arg2[%dma_start3A, %dma_start3A_35] : memref<10240x128xf32, #tpu.memory_space<hbm>> -> memref<10240x128xf32, #tpu.memory_space<hbm>>
      tpu.enqueue_indirect_dma source(%dma_start3A_36 : memref<10240x128xf32, #tpu.memory_space<hbm>>) target(%arg9 : memref<256x128xf32, #tpu.memory_space<vmem>>) offsets(%arg7 : memref<256xi32, #tpu.memory_space<vmem>>) semaphore(%arg11 : memref<!tpu.dma_semaphore, #tpu.memory_space<semaphore_mem>>)
      %dma_wait3A = arith.constant 0 : i32
      %dma_wait3A_37 = arith.constant 0 : i32
      %dma_wait3A_38 = tpu.memref_slice %arg2[%dma_wait3A, %dma_wait3A_37] : memref<10240x128xf32, #tpu.memory_space<hbm>> -> memref<10240x128xf32, #tpu.memory_space<hbm>>
      tpu.wait_indirect_dma semaphore(%arg11 : memref<!tpu.dma_semaphore, #tpu.memory_space<semaphore_mem>>) src(%dma_wait3A_38 : memref<10240x128xf32, #tpu.memory_space<hbm>>) dst(%arg9 : memref<256x128xf32, #tpu.memory_space<vmem>>)
      "tpu.region"() ({
        %run_scoped3A = tpu.sem_alloc : memref<!tpu.dma_semaphore, #tpu.memory_space<semaphore_mem>>
        %dma_start3A_39 = arith.constant 0 : i32
        %dma_start3A_40 = arith.constant 0 : i32
        %dma_start3A_41 = tpu.memref_slice %arg10[%dma_start3A_39, %dma_start3A_40] : memref<10240x128xf32, #tpu.memory_space<vmem_shared>> -> memref<10240x128xf32, #tpu.memory_space<vmem_shared>>
        tpu.enqueue_indirect_dma source(%arg9 : memref<256x128xf32, #tpu.memory_space<vmem>>) target(%dma_start3A_41 : memref<10240x128xf32, #tpu.memory_space<vmem_shared>>) offsets(%arg8 : memref<256xi32, #tpu.memory_space<vmem>>) semaphore(%run_scoped3A : memref<!tpu.dma_semaphore, #tpu.memory_space<semaphore_mem>>) {add = true}
        %dma_wait3A_42 = arith.constant 0 : i32
        %dma_wait3A_43 = arith.constant 0 : i32
        %dma_wait3A_44 = tpu.memref_slice %arg10[%dma_wait3A_42, %dma_wait3A_43] : memref<10240x128xf32, #tpu.memory_space<vmem_shared>> -> memref<10240x128xf32, #tpu.memory_space<vmem_shared>>
        tpu.wait_indirect_dma semaphore(%run_scoped3A : memref<!tpu.dma_semaphore, #tpu.memory_space<semaphore_mem>>) src(%arg9 : memref<256x128xf32, #tpu.memory_space<vmem>>) dst(%dma_wait3A_44 : memref<10240x128xf32, #tpu.memory_space<vmem_shared>>)
        tpu.yield
      }) : () -> ()
    }
    %scan3A_19 = arith.constant 40 : i32
    %barrier3A_20 = arith.constant 0 : index
    tpu.barrier barrier_id(%barrier3A_20)
    %add3A_21 = arith.constant 0 : i32
    %add3A_22 = arith.addi %mul3A_2, %add3A_21 : i32
    "tpu.region"() ({
      %run_scoped3A = tpu.sem_alloc : memref<!tpu.dma_semaphore, #tpu.memory_space<semaphore_mem>>
      %dma_start3A = arith.constant 0 : i32
      %dma_start3A_31 = arith.constant 0 : i32
      %dma_start3A_32 = tpu.memref_slice %arg9[%dma_start3A, %dma_start3A_31] : memref<256x128xf32, #tpu.memory_space<vmem>> -> memref<128x128xf32, #tpu.memory_space<vmem>>
      %dma_start3A_33 = arith.constant 0 : i32
      %dma_start3A_34 = tpu.memref_slice %arg10[%add3A_22, %dma_start3A_33] : memref<10240x128xf32, #tpu.memory_space<vmem_shared>> -> memref<128x128xf32, #tpu.memory_space<vmem_shared>>
      %dma_start3A_35 = arith.constant 0 : i32
      %dma_start3A_36 = arith.constant 0 : i32
      %dma_start3A_37 = tpu.memref_slice %arg9[%dma_start3A_35, %dma_start3A_36] : memref<256x128xf32, #tpu.memory_space<vmem>> -> memref<128x128xf32, #tpu.memory_space<vmem>>
      %dma_start3A_38 = arith.constant 0 : i32
      %dma_start3A_39 = tpu.memref_slice %arg10[%add3A_22, %dma_start3A_38] : memref<10240x128xf32, #tpu.memory_space<vmem_shared>> -> memref<128x128xf32, #tpu.memory_space<vmem_shared>>
      tpu.enqueue_dma source(%dma_start3A_39 : memref<128x128xf32, #tpu.memory_space<vmem_shared>>) target(%dma_start3A_37 : memref<128x128xf32, #tpu.memory_space<vmem>>) target_semaphore(%run_scoped3A : memref<!tpu.dma_semaphore, #tpu.memory_space<semaphore_mem>>)
      %dma_wait3A = arith.constant 0 : i32
      %dma_wait3A_40 = arith.constant 0 : i32
      %dma_wait3A_41 = tpu.memref_slice %arg9[%dma_wait3A, %dma_wait3A_40] : memref<256x128xf32, #tpu.memory_space<vmem>> -> memref<128x128xf32, #tpu.memory_space<vmem>>
      %dma_wait3A_42 = arith.constant 0 : i32
      %dma_wait3A_43 = tpu.memref_slice %arg10[%add3A_22, %dma_wait3A_42] : memref<10240x128xf32, #tpu.memory_space<vmem_shared>> -> memref<128x128xf32, #tpu.memory_space<vmem_shared>>
      %dma_wait3A_44 = arith.constant 0 : i32
      %dma_wait3A_45 = arith.constant 0 : i32
      %dma_wait3A_46 = tpu.memref_slice %arg9[%dma_wait3A_44, %dma_wait3A_45] : memref<256x128xf32, #tpu.memory_space<vmem>> -> memref<128x128xf32, #tpu.memory_space<vmem>>
      %dma_wait3A_47 = arith.constant 0 : i32
      %dma_wait3A_48 = tpu.memref_slice %arg10[%add3A_22, %dma_wait3A_47] : memref<10240x128xf32, #tpu.memory_space<vmem_shared>> -> memref<128x128xf32, #tpu.memory_space<vmem_shared>>
      tpu.wait_dma2 semaphore(%run_scoped3A : memref<!tpu.dma_semaphore, #tpu.memory_space<semaphore_mem>>) src(%dma_wait3A_48 : memref<128x128xf32, #tpu.memory_space<vmem_shared>>) dst(%dma_wait3A_46 : memref<128x128xf32, #tpu.memory_space<vmem>>)
      tpu.yield
    }) : () -> ()
    "tpu.region"() ({
      %run_scoped3A = tpu.sem_alloc : memref<!tpu.dma_semaphore, #tpu.memory_space<semaphore_mem>>
      %dma_start3A = arith.constant 0 : i32
      %dma_start3A_31 = arith.constant 0 : i32
      %dma_start3A_32 = tpu.memref_slice %arg9[%dma_start3A, %dma_start3A_31] : memref<256x128xf32, #tpu.memory_space<vmem>> -> memref<128x128xf32, #tpu.memory_space<vmem>>
      %dma_start3A_33 = arith.constant 0 : i32
      %dma_start3A_34 = tpu.memref_slice %arg6[%arg0, %add3A_22, %dma_start3A_33] : memref<2x10240x128xf32, #tpu.memory_space<hbm>> -> memref<1x128x128xf32, #tpu.memory_space<hbm>>
      %dma_start3A_35 = tpu.memref_squeeze %dma_start3A_34 : memref<1x128x128xf32, #tpu.memory_space<hbm>> -> memref<128x128xf32, #tpu.memory_space<hbm>>
      %dma_start3A_36 = arith.constant 0 : i32
      %dma_start3A_37 = tpu.memref_slice %arg6[%arg0, %add3A_22, %dma_start3A_36] : memref<2x10240x128xf32, #tpu.memory_space<hbm>> -> memref<1x128x128xf32, #tpu.memory_space<hbm>>
      %dma_start3A_38 = tpu.memref_squeeze %dma_start3A_37 : memref<1x128x128xf32, #tpu.memory_space<hbm>> -> memref<128x128xf32, #tpu.memory_space<hbm>>
      %dma_start3A_39 = arith.constant 0 : i32
      %dma_start3A_40 = arith.constant 0 : i32
      %dma_start3A_41 = tpu.memref_slice %arg9[%dma_start3A_39, %dma_start3A_40] : memref<256x128xf32, #tpu.memory_space<vmem>> -> memref<128x128xf32, #tpu.memory_space<vmem>>
      tpu.enqueue_dma source(%dma_start3A_41 : memref<128x128xf32, #tpu.memory_space<vmem>>) target(%dma_start3A_38 : memref<128x128xf32, #tpu.memory_space<hbm>>) target_semaphore(%run_scoped3A : memref<!tpu.dma_semaphore, #tpu.memory_space<semaphore_mem>>)
      %dma_wait3A = arith.constant 0 : i32
      %dma_wait3A_42 = arith.constant 0 : i32
      %dma_wait3A_43 = tpu.memref_slice %arg9[%dma_wait3A, %dma_wait3A_42] : memref<256x128xf32, #tpu.memory_space<vmem>> -> memref<128x128xf32, #tpu.memory_space<vmem>>
      %dma_wait3A_44 = arith.constant 0 : i32
      %dma_wait3A_45 = tpu.memref_slice %arg6[%arg0, %add3A_22, %dma_wait3A_44] : memref<2x10240x128xf32, #tpu.memory_space<hbm>> -> memref<1x128x128xf32, #tpu.memory_space<hbm>>
      %dma_wait3A_46 = tpu.memref_squeeze %dma_wait3A_45 : memref<1x128x128xf32, #tpu.memory_space<hbm>> -> memref<128x128xf32, #tpu.memory_space<hbm>>
      %dma_wait3A_47 = arith.constant 0 : i32
      %dma_wait3A_48 = tpu.memref_slice %arg6[%arg0, %add3A_22, %dma_wait3A_47] : memref<2x10240x128xf32, #tpu.memory_space<hbm>> -> memref<1x128x128xf32, #tpu.memory_space<hbm>>
      %dma_wait3A_49 = tpu.memref_squeeze %dma_wait3A_48 : memref<1x128x128xf32, #tpu.memory_space<hbm>> -> memref<128x128xf32, #tpu.memory_space<hbm>>
      %dma_wait3A_50 = arith.constant 0 : i32
      %dma_wait3A_51 = arith.constant 0 : i32
      %dma_wait3A_52 = tpu.memref_slice %arg9[%dma_wait3A_50, %dma_wait3A_51] : memref<256x128xf32, #tpu.memory_space<vmem>> -> memref<128x128xf32, #tpu.memory_space<vmem>>
      tpu.wait_dma2 semaphore(%run_scoped3A : memref<!tpu.dma_semaphore, #tpu.memory_space<semaphore_mem>>) src(%dma_wait3A_52 : memref<128x128xf32, #tpu.memory_space<vmem>>) dst(%dma_wait3A_49 : memref<128x128xf32, #tpu.memory_space<hbm>>)
      tpu.yield
    }) : () -> ()
    %add3A_23 = arith.constant 128 : i32
    %add3A_24 = arith.addi %mul3A_2, %add3A_23 : i32
    "tpu.region"() ({
      %run_scoped3A = tpu.sem_alloc : memref<!tpu.dma_semaphore, #tpu.memory_space<semaphore_mem>>
      %dma_start3A = arith.constant 0 : i32
      %dma_start3A_31 = arith.constant 0 : i32
      %dma_start3A_32 = tpu.memref_slice %arg9[%dma_start3A, %dma_start3A_31] : memref<256x128xf32, #tpu.memory_space<vmem>> -> memref<128x128xf32, #tpu.memory_space<vmem>>
      %dma_start3A_33 = arith.constant 0 : i32
      %dma_start3A_34 = tpu.memref_slice %arg10[%add3A_24, %dma_start3A_33] : memref<10240x128xf32, #tpu.memory_space<vmem_shared>> -> memref<128x128xf32, #tpu.memory_space<vmem_shared>>
      %dma_start3A_35 = arith.constant 0 : i32
      %dma_start3A_36 = arith.constant 0 : i32
      %dma_start3A_37 = tpu.memref_slice %arg9[%dma_start3A_35, %dma_start3A_36] : memref<256x128xf32, #tpu.memory_space<vmem>> -> memref<128x128xf32, #tpu.memory_space<vmem>>
      %dma_start3A_38 = arith.constant 0 : i32
      %dma_start3A_39 = tpu.memref_slice %arg10[%add3A_24, %dma_start3A_38] : memref<10240x128xf32, #tpu.memory_space<vmem_shared>> -> memref<128x128xf32, #tpu.memory_space<vmem_shared>>
      tpu.enqueue_dma source(%dma_start3A_39 : memref<128x128xf32, #tpu.memory_space<vmem_shared>>) target(%dma_start3A_37 : memref<128x128xf32, #tpu.memory_space<vmem>>) target_semaphore(%run_scoped3A : memref<!tpu.dma_semaphore, #tpu.memory_space<semaphore_mem>>)
      %dma_wait3A = arith.constant 0 : i32
      %dma_wait3A_40 = arith.constant 0 : i32
      %dma_wait3A_41 = tpu.memref_slice %arg9[%dma_wait3A, %dma_wait3A_40] : memref<256x128xf32, #tpu.memory_space<vmem>> -> memref<128x128xf32, #tpu.memory_space<vmem>>
      %dma_wait3A_42 = arith.constant 0 : i32
      %dma_wait3A_43 = tpu.memref_slice %arg10[%add3A_24, %dma_wait3A_42] : memref<10240x128xf32, #tpu.memory_space<vmem_shared>> -> memref<128x128xf32, #tpu.memory_space<vmem_shared>>
      %dma_wait3A_44 = arith.constant 0 : i32
      %dma_wait3A_45 = arith.constant 0 : i32
      %dma_wait3A_46 = tpu.memref_slice %arg9[%dma_wait3A_44, %dma_wait3A_45] : memref<256x128xf32, #tpu.memory_space<vmem>> -> memref<128x128xf32, #tpu.memory_space<vmem>>
      %dma_wait3A_47 = arith.constant 0 : i32
      %dma_wait3A_48 = tpu.memref_slice %arg10[%add3A_24, %dma_wait3A_47] : memref<10240x128xf32, #tpu.memory_space<vmem_shared>> -> memref<128x128xf32, #tpu.memory_space<vmem_shared>>
      tpu.wait_dma2 semaphore(%run_scoped3A : memref<!tpu.dma_semaphore, #tpu.memory_space<semaphore_mem>>) src(%dma_wait3A_48 : memref<128x128xf32, #tpu.memory_space<vmem_shared>>) dst(%dma_wait3A_46 : memref<128x128xf32, #tpu.memory_space<vmem>>)
      tpu.yield
    }) : () -> ()
    "tpu.region"() ({
      %run_scoped3A = tpu.sem_alloc : memref<!tpu.dma_semaphore, #tpu.memory_space<semaphore_mem>>
      %dma_start3A = arith.constant 0 : i32
      %dma_start3A_31 = arith.constant 0 : i32
      %dma_start3A_32 = tpu.memref_slice %arg9[%dma_start3A, %dma_start3A_31] : memref<256x128xf32, #tpu.memory_space<vmem>> -> memref<128x128xf32, #tpu.memory_space<vmem>>
      %dma_start3A_33 = arith.constant 0 : i32
      %dma_start3A_34 = tpu.memref_slice %arg6[%arg0, %add3A_24, %dma_start3A_33] : memref<2x10240x128xf32, #tpu.memory_space<hbm>> -> memref<1x128x128xf32, #tpu.memory_space<hbm>>
      %dma_start3A_35 = tpu.memref_squeeze %dma_start3A_34 : memref<1x128x128xf32, #tpu.memory_space<hbm>> -> memref<128x128xf32, #tpu.memory_space<hbm>>
      %dma_start3A_36 = arith.constant 0 : i32
      %dma_start3A_37 = tpu.memref_slice %arg6[%arg0, %add3A_24, %dma_start3A_36] : memref<2x10240x128xf32, #tpu.memory_space<hbm>> -> memref<1x128x128xf32, #tpu.memory_space<hbm>>
      %dma_start3A_38 = tpu.memref_squeeze %dma_start3A_37 : memref<1x128x128xf32, #tpu.memory_space<hbm>> -> memref<128x128xf32, #tpu.memory_space<hbm>>
      %dma_start3A_39 = arith.constant 0 : i32
      %dma_start3A_40 = arith.constant 0 : i32
      %dma_start3A_41 = tpu.memref_slice %arg9[%dma_start3A_39, %dma_start3A_40] : memref<256x128xf32, #tpu.memory_space<vmem>> -> memref<128x128xf32, #tpu.memory_space<vmem>>
      tpu.enqueue_dma source(%dma_start3A_41 : memref<128x128xf32, #tpu.memory_space<vmem>>) target(%dma_start3A_38 : memref<128x128xf32, #tpu.memory_space<hbm>>) target_semaphore(%run_scoped3A : memref<!tpu.dma_semaphore, #tpu.memory_space<semaphore_mem>>)
      %dma_wait3A = arith.constant 0 : i32
      %dma_wait3A_42 = arith.constant 0 : i32
      %dma_wait3A_43 = tpu.memref_slice %arg9[%dma_wait3A, %dma_wait3A_42] : memref<256x128xf32, #tpu.memory_space<vmem>> -> memref<128x128xf32, #tpu.memory_space<vmem>>
      %dma_wait3A_44 = arith.constant 0 : i32
      %dma_wait3A_45 = tpu.memref_slice %arg6[%arg0, %add3A_24, %dma_wait3A_44] : memref<2x10240x128xf32, #tpu.memory_space<hbm>> -> memref<1x128x128xf32, #tpu.memory_space<hbm>>
      %dma_wait3A_46 = tpu.memref_squeeze %dma_wait3A_45 : memref<1x128x128xf32, #tpu.memory_space<hbm>> -> memref<128x128xf32, #tpu.memory_space<hbm>>
      %dma_wait3A_47 = arith.constant 0 : i32
      %dma_wait3A_48 = tpu.memref_slice %arg6[%arg0, %add3A_24, %dma_wait3A_47] : memref<2x10240x128xf32, #tpu.memory_space<hbm>> -> memref<1x128x128xf32, #tpu.memory_space<hbm>>
      %dma_wait3A_49 = tpu.memref_squeeze %dma_wait3A_48 : memref<1x128x128xf32, #tpu.memory_space<hbm>> -> memref<128x128xf32, #tpu.memory_space<hbm>>
      %dma_wait3A_50 = arith.constant 0 : i32
      %dma_wait3A_51 = arith.constant 0 : i32
      %dma_wait3A_52 = tpu.memref_slice %arg9[%dma_wait3A_50, %dma_wait3A_51] : memref<256x128xf32, #tpu.memory_space<vmem>> -> memref<128x128xf32, #tpu.memory_space<vmem>>
      tpu.wait_dma2 semaphore(%run_scoped3A : memref<!tpu.dma_semaphore, #tpu.memory_space<semaphore_mem>>) src(%dma_wait3A_52 : memref<128x128xf32, #tpu.memory_space<vmem>>) dst(%dma_wait3A_49 : memref<128x128xf32, #tpu.memory_space<hbm>>)
      tpu.yield
    }) : () -> ()
    %add3A_25 = arith.constant 256 : i32
    %add3A_26 = arith.addi %mul3A_2, %add3A_25 : i32
    "tpu.region"() ({
      %run_scoped3A = tpu.sem_alloc : memref<!tpu.dma_semaphore, #tpu.memory_space<semaphore_mem>>
      %dma_start3A = arith.constant 0 : i32
      %dma_start3A_31 = arith.constant 0 : i32
      %dma_start3A_32 = tpu.memref_slice %arg9[%dma_start3A, %dma_start3A_31] : memref<256x128xf32, #tpu.memory_space<vmem>> -> memref<128x128xf32, #tpu.memory_space<vmem>>
      %dma_start3A_33 = arith.constant 0 : i32
      %dma_start3A_34 = tpu.memref_slice %arg10[%add3A_26, %dma_start3A_33] : memref<10240x128xf32, #tpu.memory_space<vmem_shared>> -> memref<128x128xf32, #tpu.memory_space<vmem_shared>>
      %dma_start3A_35 = arith.constant 0 : i32
      %dma_start3A_36 = arith.constant 0 : i32
      %dma_start3A_37 = tpu.memref_slice %arg9[%dma_start3A_35, %dma_start3A_36] : memref<256x128xf32, #tpu.memory_space<vmem>> -> memref<128x128xf32, #tpu.memory_space<vmem>>
      %dma_start3A_38 = arith.constant 0 : i32
      %dma_start3A_39 = tpu.memref_slice %arg10[%add3A_26, %dma_start3A_38] : memref<10240x128xf32, #tpu.memory_space<vmem_shared>> -> memref<128x128xf32, #tpu.memory_space<vmem_shared>>
      tpu.enqueue_dma source(%dma_start3A_39 : memref<128x128xf32, #tpu.memory_space<vmem_shared>>) target(%dma_start3A_37 : memref<128x128xf32, #tpu.memory_space<vmem>>) target_semaphore(%run_scoped3A : memref<!tpu.dma_semaphore, #tpu.memory_space<semaphore_mem>>)
      %dma_wait3A = arith.constant 0 : i32
      %dma_wait3A_40 = arith.constant 0 : i32
      %dma_wait3A_41 = tpu.memref_slice %arg9[%dma_wait3A, %dma_wait3A_40] : memref<256x128xf32, #tpu.memory_space<vmem>> -> memref<128x128xf32, #tpu.memory_space<vmem>>
      %dma_wait3A_42 = arith.constant 0 : i32
      %dma_wait3A_43 = tpu.memref_slice %arg10[%add3A_26, %dma_wait3A_42] : memref<10240x128xf32, #tpu.memory_space<vmem_shared>> -> memref<128x128xf32, #tpu.memory_space<vmem_shared>>
      %dma_wait3A_44 = arith.constant 0 : i32
      %dma_wait3A_45 = arith.constant 0 : i32
      %dma_wait3A_46 = tpu.memref_slice %arg9[%dma_wait3A_44, %dma_wait3A_45] : memref<256x128xf32, #tpu.memory_space<vmem>> -> memref<128x128xf32, #tpu.memory_space<vmem>>
      %dma_wait3A_47 = arith.constant 0 : i32
      %dma_wait3A_48 = tpu.memref_slice %arg10[%add3A_26, %dma_wait3A_47] : memref<10240x128xf32, #tpu.memory_space<vmem_shared>> -> memref<128x128xf32, #tpu.memory_space<vmem_shared>>
      tpu.wait_dma2 semaphore(%run_scoped3A : memref<!tpu.dma_semaphore, #tpu.memory_space<semaphore_mem>>) src(%dma_wait3A_48 : memref<128x128xf32, #tpu.memory_space<vmem_shared>>) dst(%dma_wait3A_46 : memref<128x128xf32, #tpu.memory_space<vmem>>)
      tpu.yield
    }) : () -> ()
    "tpu.region"() ({
      %run_scoped3A = tpu.sem_alloc : memref<!tpu.dma_semaphore, #tpu.memory_space<semaphore_mem>>
      %dma_start3A = arith.constant 0 : i32
      %dma_start3A_31 = arith.constant 0 : i32
      %dma_start3A_32 = tpu.memref_slice %arg9[%dma_start3A, %dma_start3A_31] : memref<256x128xf32, #tpu.memory_space<vmem>> -> memref<128x128xf32, #tpu.memory_space<vmem>>
      %dma_start3A_33 = arith.constant 0 : i32
      %dma_start3A_34 = tpu.memref_slice %arg6[%arg0, %add3A_26, %dma_start3A_33] : memref<2x10240x128xf32, #tpu.memory_space<hbm>> -> memref<1x128x128xf32, #tpu.memory_space<hbm>>
      %dma_start3A_35 = tpu.memref_squeeze %dma_start3A_34 : memref<1x128x128xf32, #tpu.memory_space<hbm>> -> memref<128x128xf32, #tpu.memory_space<hbm>>
      %dma_start3A_36 = arith.constant 0 : i32
      %dma_start3A_37 = tpu.memref_slice %arg6[%arg0, %add3A_26, %dma_start3A_36] : memref<2x10240x128xf32, #tpu.memory_space<hbm>> -> memref<1x128x128xf32, #tpu.memory_space<hbm>>
      %dma_start3A_38 = tpu.memref_squeeze %dma_start3A_37 : memref<1x128x128xf32, #tpu.memory_space<hbm>> -> memref<128x128xf32, #tpu.memory_space<hbm>>
      %dma_start3A_39 = arith.constant 0 : i32
      %dma_start3A_40 = arith.constant 0 : i32
      %dma_start3A_41 = tpu.memref_slice %arg9[%dma_start3A_39, %dma_start3A_40] : memref<256x128xf32, #tpu.memory_space<vmem>> -> memref<128x128xf32, #tpu.memory_space<vmem>>
      tpu.enqueue_dma source(%dma_start3A_41 : memref<128x128xf32, #tpu.memory_space<vmem>>) target(%dma_start3A_38 : memref<128x128xf32, #tpu.memory_space<hbm>>) target_semaphore(%run_scoped3A : memref<!tpu.dma_semaphore, #tpu.memory_space<semaphore_mem>>)
      %dma_wait3A = arith.constant 0 : i32
      %dma_wait3A_42 = arith.constant 0 : i32
      %dma_wait3A_43 = tpu.memref_slice %arg9[%dma_wait3A, %dma_wait3A_42] : memref<256x128xf32, #tpu.memory_space<vmem>> -> memref<128x128xf32, #tpu.memory_space<vmem>>
      %dma_wait3A_44 = arith.constant 0 : i32
      %dma_wait3A_45 = tpu.memref_slice %arg6[%arg0, %add3A_26, %dma_wait3A_44] : memref<2x10240x128xf32, #tpu.memory_space<hbm>> -> memref<1x128x128xf32, #tpu.memory_space<hbm>>
      %dma_wait3A_46 = tpu.memref_squeeze %dma_wait3A_45 : memref<1x128x128xf32, #tpu.memory_space<hbm>> -> memref<128x128xf32, #tpu.memory_space<hbm>>
      %dma_wait3A_47 = arith.constant 0 : i32
      %dma_wait3A_48 = tpu.memref_slice %arg6[%arg0, %add3A_26, %dma_wait3A_47] : memref<2x10240x128xf32, #tpu.memory_space<hbm>> -> memref<1x128x128xf32, #tpu.memory_space<hbm>>
      %dma_wait3A_49 = tpu.memref_squeeze %dma_wait3A_48 : memref<1x128x128xf32, #tpu.memory_space<hbm>> -> memref<128x128xf32, #tpu.memory_space<hbm>>
      %dma_wait3A_50 = arith.constant 0 : i32
      %dma_wait3A_51 = arith.constant 0 : i32
      %dma_wait3A_52 = tpu.memref_slice %arg9[%dma_wait3A_50, %dma_wait3A_51] : memref<256x128xf32, #tpu.memory_space<vmem>> -> memref<128x128xf32, #tpu.memory_space<vmem>>
      tpu.wait_dma2 semaphore(%run_scoped3A : memref<!tpu.dma_semaphore, #tpu.memory_space<semaphore_mem>>) src(%dma_wait3A_52 : memref<128x128xf32, #tpu.memory_space<vmem>>) dst(%dma_wait3A_49 : memref<128x128xf32, #tpu.memory_space<hbm>>)
      tpu.yield
    }) : () -> ()
    %add3A_27 = arith.constant 384 : i32
    %add3A_28 = arith.addi %mul3A_2, %add3A_27 : i32
    "tpu.region"() ({
      %run_scoped3A = tpu.sem_alloc : memref<!tpu.dma_semaphore, #tpu.memory_space<semaphore_mem>>
      %dma_start3A = arith.constant 0 : i32
      %dma_start3A_31 = arith.constant 0 : i32
      %dma_start3A_32 = tpu.memref_slice %arg9[%dma_start3A, %dma_start3A_31] : memref<256x128xf32, #tpu.memory_space<vmem>> -> memref<128x128xf32, #tpu.memory_space<vmem>>
      %dma_start3A_33 = arith.constant 0 : i32
      %dma_start3A_34 = tpu.memref_slice %arg10[%add3A_28, %dma_start3A_33] : memref<10240x128xf32, #tpu.memory_space<vmem_shared>> -> memref<128x128xf32, #tpu.memory_space<vmem_shared>>
      %dma_start3A_35 = arith.constant 0 : i32
      %dma_start3A_36 = arith.constant 0 : i32
      %dma_start3A_37 = tpu.memref_slice %arg9[%dma_start3A_35, %dma_start3A_36] : memref<256x128xf32, #tpu.memory_space<vmem>> -> memref<128x128xf32, #tpu.memory_space<vmem>>
      %dma_start3A_38 = arith.constant 0 : i32
      %dma_start3A_39 = tpu.memref_slice %arg10[%add3A_28, %dma_start3A_38] : memref<10240x128xf32, #tpu.memory_space<vmem_shared>> -> memref<128x128xf32, #tpu.memory_space<vmem_shared>>
      tpu.enqueue_dma source(%dma_start3A_39 : memref<128x128xf32, #tpu.memory_space<vmem_shared>>) target(%dma_start3A_37 : memref<128x128xf32, #tpu.memory_space<vmem>>) target_semaphore(%run_scoped3A : memref<!tpu.dma_semaphore, #tpu.memory_space<semaphore_mem>>)
      %dma_wait3A = arith.constant 0 : i32
      %dma_wait3A_40 = arith.constant 0 : i32
      %dma_wait3A_41 = tpu.memref_slice %arg9[%dma_wait3A, %dma_wait3A_40] : memref<256x128xf32, #tpu.memory_space<vmem>> -> memref<128x128xf32, #tpu.memory_space<vmem>>
      %dma_wait3A_42 = arith.constant 0 : i32
      %dma_wait3A_43 = tpu.memref_slice %arg10[%add3A_28, %dma_wait3A_42] : memref<10240x128xf32, #tpu.memory_space<vmem_shared>> -> memref<128x128xf32, #tpu.memory_space<vmem_shared>>
      %dma_wait3A_44 = arith.constant 0 : i32
      %dma_wait3A_45 = arith.constant 0 : i32
      %dma_wait3A_46 = tpu.memref_slice %arg9[%dma_wait3A_44, %dma_wait3A_45] : memref<256x128xf32, #tpu.memory_space<vmem>> -> memref<128x128xf32, #tpu.memory_space<vmem>>
      %dma_wait3A_47 = arith.constant 0 : i32
      %dma_wait3A_48 = tpu.memref_slice %arg10[%add3A_28, %dma_wait3A_47] : memref<10240x128xf32, #tpu.memory_space<vmem_shared>> -> memref<128x128xf32, #tpu.memory_space<vmem_shared>>
      tpu.wait_dma2 semaphore(%run_scoped3A : memref<!tpu.dma_semaphore, #tpu.memory_space<semaphore_mem>>) src(%dma_wait3A_48 : memref<128x128xf32, #tpu.memory_space<vmem_shared>>) dst(%dma_wait3A_46 : memref<128x128xf32, #tpu.memory_space<vmem>>)
      tpu.yield
    }) : () -> ()
    "tpu.region"() ({
      %run_scoped3A = tpu.sem_alloc : memref<!tpu.dma_semaphore, #tpu.memory_space<semaphore_mem>>
      %dma_start3A = arith.constant 0 : i32
      %dma_start3A_31 = arith.constant 0 : i32
      %dma_start3A_32 = tpu.memref_slice %arg9[%dma_start3A, %dma_start3A_31] : memref<256x128xf32, #tpu.memory_space<vmem>> -> memref<128x128xf32, #tpu.memory_space<vmem>>
      %dma_start3A_33 = arith.constant 0 : i32
      %dma_start3A_34 = tpu.memref_slice %arg6[%arg0, %add3A_28, %dma_start3A_33] : memref<2x10240x128xf32, #tpu.memory_space<hbm>> -> memref<1x128x128xf32, #tpu.memory_space<hbm>>
      %dma_start3A_35 = tpu.memref_squeeze %dma_start3A_34 : memref<1x128x128xf32, #tpu.memory_space<hbm>> -> memref<128x128xf32, #tpu.memory_space<hbm>>
      %dma_start3A_36 = arith.constant 0 : i32
      %dma_start3A_37 = tpu.memref_slice %arg6[%arg0, %add3A_28, %dma_start3A_36] : memref<2x10240x128xf32, #tpu.memory_space<hbm>> -> memref<1x128x128xf32, #tpu.memory_space<hbm>>
      %dma_start3A_38 = tpu.memref_squeeze %dma_start3A_37 : memref<1x128x128xf32, #tpu.memory_space<hbm>> -> memref<128x128xf32, #tpu.memory_space<hbm>>
      %dma_start3A_39 = arith.constant 0 : i32
      %dma_start3A_40 = arith.constant 0 : i32
      %dma_start3A_41 = tpu.memref_slice %arg9[%dma_start3A_39, %dma_start3A_40] : memref<256x128xf32, #tpu.memory_space<vmem>> -> memref<128x128xf32, #tpu.memory_space<vmem>>
      tpu.enqueue_dma source(%dma_start3A_41 : memref<128x128xf32, #tpu.memory_space<vmem>>) target(%dma_start3A_38 : memref<128x128xf32, #tpu.memory_space<hbm>>) target_semaphore(%run_scoped3A : memref<!tpu.dma_semaphore, #tpu.memory_space<semaphore_mem>>)
      %dma_wait3A = arith.constant 0 : i32
      %dma_wait3A_42 = arith.constant 0 : i32
      %dma_wait3A_43 = tpu.memref_slice %arg9[%dma_wait3A, %dma_wait3A_42] : memref<256x128xf32, #tpu.memory_space<vmem>> -> memref<128x128xf32, #tpu.memory_space<vmem>>
      %dma_wait3A_44 = arith.constant 0 : i32
      %dma_wait3A_45 = tpu.memref_slice %arg6[%arg0, %add3A_28, %dma_wait3A_44] : memref<2x10240x128xf32, #tpu.memory_space<hbm>> -> memref<1x128x128xf32, #tpu.memory_space<hbm>>
      %dma_wait3A_46 = tpu.memref_squeeze %dma_wait3A_45 : memref<1x128x128xf32, #tpu.memory_space<hbm>> -> memref<128x128xf32, #tpu.memory_space<hbm>>
      %dma_wait3A_47 = arith.constant 0 : i32
      %dma_wait3A_48 = tpu.memref_slice %arg6[%arg0, %add3A_28, %dma_wait3A_47] : memref<2x10240x128xf32, #tpu.memory_space<hbm>> -> memref<1x128x128xf32, #tpu.memory_space<hbm>>
      %dma_wait3A_49 = tpu.memref_squeeze %dma_wait3A_48 : memref<1x128x128xf32, #tpu.memory_space<hbm>> -> memref<128x128xf32, #tpu.memory_space<hbm>>
      %dma_wait3A_50 = arith.constant 0 : i32
      %dma_wait3A_51 = arith.constant 0 : i32
      %dma_wait3A_52 = tpu.memref_slice %arg9[%dma_wait3A_50, %dma_wait3A_51] : memref<256x128xf32, #tpu.memory_space<vmem>> -> memref<128x128xf32, #tpu.memory_space<vmem>>
      tpu.wait_dma2 semaphore(%run_scoped3A : memref<!tpu.dma_semaphore, #tpu.memory_space<semaphore_mem>>) src(%dma_wait3A_52 : memref<128x128xf32, #tpu.memory_space<vmem>>) dst(%dma_wait3A_49 : memref<128x128xf32, #tpu.memory_space<hbm>>)
      tpu.yield
    }) : () -> ()
    %add3A_29 = arith.constant 512 : i32
    %add3A_30 = arith.addi %mul3A_2, %add3A_29 : i32
    "tpu.region"() ({
      %run_scoped3A = tpu.sem_alloc : memref<!tpu.dma_semaphore, #tpu.memory_space<semaphore_mem>>
      %dma_start3A = arith.constant 0 : i32
      %dma_start3A_31 = arith.constant 0 : i32
      %dma_start3A_32 = tpu.memref_slice %arg9[%dma_start3A, %dma_start3A_31] : memref<256x128xf32, #tpu.memory_space<vmem>> -> memref<128x128xf32, #tpu.memory_space<vmem>>
      %dma_start3A_33 = arith.constant 0 : i32
      %dma_start3A_34 = tpu.memref_slice %arg10[%add3A_30, %dma_start3A_33] : memref<10240x128xf32, #tpu.memory_space<vmem_shared>> -> memref<128x128xf32, #tpu.memory_space<vmem_shared>>
      %dma_start3A_35 = arith.constant 0 : i32
      %dma_start3A_36 = arith.constant 0 : i32
      %dma_start3A_37 = tpu.memref_slice %arg9[%dma_start3A_35, %dma_start3A_36] : memref<256x128xf32, #tpu.memory_space<vmem>> -> memref<128x128xf32, #tpu.memory_space<vmem>>
      %dma_start3A_38 = arith.constant 0 : i32
      %dma_start3A_39 = tpu.memref_slice %arg10[%add3A_30, %dma_start3A_38] : memref<10240x128xf32, #tpu.memory_space<vmem_shared>> -> memref<128x128xf32, #tpu.memory_space<vmem_shared>>
      tpu.enqueue_dma source(%dma_start3A_39 : memref<128x128xf32, #tpu.memory_space<vmem_shared>>) target(%dma_start3A_37 : memref<128x128xf32, #tpu.memory_space<vmem>>) target_semaphore(%run_scoped3A : memref<!tpu.dma_semaphore, #tpu.memory_space<semaphore_mem>>)
      %dma_wait3A = arith.constant 0 : i32
      %dma_wait3A_40 = arith.constant 0 : i32
      %dma_wait3A_41 = tpu.memref_slice %arg9[%dma_wait3A, %dma_wait3A_40] : memref<256x128xf32, #tpu.memory_space<vmem>> -> memref<128x128xf32, #tpu.memory_space<vmem>>
      %dma_wait3A_42 = arith.constant 0 : i32
      %dma_wait3A_43 = tpu.memref_slice %arg10[%add3A_30, %dma_wait3A_42] : memref<10240x128xf32, #tpu.memory_space<vmem_shared>> -> memref<128x128xf32, #tpu.memory_space<vmem_shared>>
      %dma_wait3A_44 = arith.constant 0 : i32
      %dma_wait3A_45 = arith.constant 0 : i32
      %dma_wait3A_46 = tpu.memref_slice %arg9[%dma_wait3A_44, %dma_wait3A_45] : memref<256x128xf32, #tpu.memory_space<vmem>> -> memref<128x128xf32, #tpu.memory_space<vmem>>
      %dma_wait3A_47 = arith.constant 0 : i32
      %dma_wait3A_48 = tpu.memref_slice %arg10[%add3A_30, %dma_wait3A_47] : memref<10240x128xf32, #tpu.memory_space<vmem_shared>> -> memref<128x128xf32, #tpu.memory_space<vmem_shared>>
      tpu.wait_dma2 semaphore(%run_scoped3A : memref<!tpu.dma_semaphore, #tpu.memory_space<semaphore_mem>>) src(%dma_wait3A_48 : memref<128x128xf32, #tpu.memory_space<vmem_shared>>) dst(%dma_wait3A_46 : memref<128x128xf32, #tpu.memory_space<vmem>>)
      tpu.yield
    }) : () -> ()
    "tpu.region"() ({
      %run_scoped3A = tpu.sem_alloc : memref<!tpu.dma_semaphore, #tpu.memory_space<semaphore_mem>>
      %dma_start3A = arith.constant 0 : i32
      %dma_start3A_31 = arith.constant 0 : i32
      %dma_start3A_32 = tpu.memref_slice %arg9[%dma_start3A, %dma_start3A_31] : memref<256x128xf32, #tpu.memory_space<vmem>> -> memref<128x128xf32, #tpu.memory_space<vmem>>
      %dma_start3A_33 = arith.constant 0 : i32
      %dma_start3A_34 = tpu.memref_slice %arg6[%arg0, %add3A_30, %dma_start3A_33] : memref<2x10240x128xf32, #tpu.memory_space<hbm>> -> memref<1x128x128xf32, #tpu.memory_space<hbm>>
      %dma_start3A_35 = tpu.memref_squeeze %dma_start3A_34 : memref<1x128x128xf32, #tpu.memory_space<hbm>> -> memref<128x128xf32, #tpu.memory_space<hbm>>
      %dma_start3A_36 = arith.constant 0 : i32
      %dma_start3A_37 = tpu.memref_slice %arg6[%arg0, %add3A_30, %dma_start3A_36] : memref<2x10240x128xf32, #tpu.memory_space<hbm>> -> memref<1x128x128xf32, #tpu.memory_space<hbm>>
      %dma_start3A_38 = tpu.memref_squeeze %dma_start3A_37 : memref<1x128x128xf32, #tpu.memory_space<hbm>> -> memref<128x128xf32, #tpu.memory_space<hbm>>
      %dma_start3A_39 = arith.constant 0 : i32
      %dma_start3A_40 = arith.constant 0 : i32
      %dma_start3A_41 = tpu.memref_slice %arg9[%dma_start3A_39, %dma_start3A_40] : memref<256x128xf32, #tpu.memory_space<vmem>> -> memref<128x128xf32, #tpu.memory_space<vmem>>
      tpu.enqueue_dma source(%dma_start3A_41 : memref<128x128xf32, #tpu.memory_space<vmem>>) target(%dma_start3A_38 : memref<128x128xf32, #tpu.memory_space<hbm>>) target_semaphore(%run_scoped3A : memref<!tpu.dma_semaphore, #tpu.memory_space<semaphore_mem>>)
      %dma_wait3A = arith.constant 0 : i32
      %dma_wait3A_42 = arith.constant 0 : i32
      %dma_wait3A_43 = tpu.memref_slice %arg9[%dma_wait3A, %dma_wait3A_42] : memref<256x128xf32, #tpu.memory_space<vmem>> -> memref<128x128xf32, #tpu.memory_space<vmem>>
      %dma_wait3A_44 = arith.constant 0 : i32
      %dma_wait3A_45 = tpu.memref_slice %arg6[%arg0, %add3A_30, %dma_wait3A_44] : memref<2x10240x128xf32, #tpu.memory_space<hbm>> -> memref<1x128x128xf32, #tpu.memory_space<hbm>>
      %dma_wait3A_46 = tpu.memref_squeeze %dma_wait3A_45 : memref<1x128x128xf32, #tpu.memory_space<hbm>> -> memref<128x128xf32, #tpu.memory_space<hbm>>
      %dma_wait3A_47 = arith.constant 0 : i32
      %dma_wait3A_48 = tpu.memref_slice %arg6[%arg0, %add3A_30, %dma_wait3A_47] : memref<2x10240x128xf32, #tpu.memory_space<hbm>> -> memref<1x128x128xf32, #tpu.memory_space<hbm>>
      %dma_wait3A_49 = tpu.memref_squeeze %dma_wait3A_48 : memref<1x128x128xf32, #tpu.memory_space<hbm>> -> memref<128x128xf32, #tpu.memory_space<hbm>>
      %dma_wait3A_50 = arith.constant 0 : i32
      %dma_wait3A_51 = arith.constant 0 : i32
      %dma_wait3A_52 = tpu.memref_slice %arg9[%dma_wait3A_50, %dma_wait3A_51] : memref<256x128xf32, #tpu.memory_space<vmem>> -> memref<128x128xf32, #tpu.memory_space<vmem>>
      tpu.wait_dma2 semaphore(%run_scoped3A : memref<!tpu.dma_semaphore, #tpu.memory_space<semaphore_mem>>) src(%dma_wait3A_52 : memref<128x128xf32, #tpu.memory_space<vmem>>) dst(%dma_wait3A_49 : memref<128x128xf32, #tpu.memory_space<hbm>>)
      tpu.yield
    }) : () -> ()
    return
  }
}

module attributes {stable_mosaic.version = 14 : i64} {
  func.func @_tc_dense_body(%arg0: i32, %arg1: memref<1280x128xf32, #tpu.memory_space<vmem>>, %arg2: memref<1x1280x128xf32, #tpu.memory_space<vmem>>, %arg3: memref<1x1280x128xf32, #tpu.memory_space<vmem>>, %arg4: memref<1x1280x128xf32, #tpu.memory_space<vmem>>, %arg5: memref<1x1280x128xf32, #tpu.memory_space<vmem>>, %arg6: memref<128x128xf32, #tpu.memory_space<vmem>>, %arg7: memref<128x128xf32, #tpu.memory_space<vmem>>, %arg8: memref<1x128xf32, #tpu.memory_space<vmem>>, %arg9: memref<1280x128xf32, #tpu.memory_space<vmem>>) attributes {dimension_semantics = [#tpu.dimension_semantics<arbitrary>], iteration_bounds = array<i64: 8>, scalar_prefetch = 0 : i64, scratch_operands = 0 : i64, tpu.core_type = #tpu.core_type<tc>, window_params = [{transform_indices = @transform_0, window_bounds = array<i64: 1280, 128>}, {transform_indices = @transform_1, window_bounds = array<i64: 1, 1280, 128>}, {transform_indices = @transform_2, window_bounds = array<i64: 1, 1280, 128>}, {transform_indices = @transform_3, window_bounds = array<i64: 1, 1280, 128>}, {transform_indices = @transform_4, window_bounds = array<i64: 1, 1280, 128>}, {pipeline_mode = #tpu.pipeline_mode<synchronous>, transform_indices = @transform_5, window_bounds = array<i64: 128, 128>}, {pipeline_mode = #tpu.pipeline_mode<synchronous>, transform_indices = @transform_6, window_bounds = array<i64: 128, 128>}, {pipeline_mode = #tpu.pipeline_mode<synchronous>, transform_indices = @transform_7, window_bounds = array<i64: 1, 128>}, {transform_indices = @transform_8, window_bounds = array<i64: 1280, 128>}]} {
    %get3A = arith.constant 0 : index
    %get3A_0 = arith.constant 0 : index
    %get3A_1 = arith.constant 0 : index
    %get3A_2 = vector.load %arg2[%get3A, %get3A_0, %get3A_1] : memref<1x1280x128xf32, #tpu.memory_space<vmem>>, vector<1x1280x128xf32>
    %get3A_3 = vector.shape_cast %get3A_2 : vector<1x1280x128xf32> to vector<1280x128xf32>
    %get3A_4 = arith.constant 0 : index
    %get3A_5 = arith.constant 0 : index
    %get3A_6 = arith.constant 0 : index
    %get3A_7 = vector.load %arg3[%get3A_4, %get3A_5, %get3A_6] : memref<1x1280x128xf32, #tpu.memory_space<vmem>>, vector<1x1280x128xf32>
    %get3A_8 = vector.shape_cast %get3A_7 : vector<1x1280x128xf32> to vector<1280x128xf32>
    %add3A = arith.addf %get3A_3, %get3A_8 : vector<1280x128xf32>
    %get3A_9 = arith.constant 0 : index
    %get3A_10 = arith.constant 0 : index
    %get3A_11 = arith.constant 0 : index
    %get3A_12 = vector.load %arg4[%get3A_9, %get3A_10, %get3A_11] : memref<1x1280x128xf32, #tpu.memory_space<vmem>>, vector<1x1280x1xf32>
    %get3A_13 = vector.shape_cast %get3A_12 : vector<1x1280x1xf32> to vector<1280x1xf32>
    %get3A_14 = arith.constant 0 : index
    %get3A_15 = arith.constant 0 : index
    %get3A_16 = arith.constant 0 : index
    %get3A_17 = vector.load %arg5[%get3A_14, %get3A_15, %get3A_16] : memref<1x1280x128xf32, #tpu.memory_space<vmem>>, vector<1x1280x1xf32>
    %get3A_18 = vector.shape_cast %get3A_17 : vector<1x1280x1xf32> to vector<1280x1xf32>
    %add3A_19 = arith.addf %get3A_13, %get3A_18 : vector<1280x1xf32>
    %max3A = arith.constant 1.000000e+00 : f32
    %max3A_20 = vector.broadcast %max3A : f32 to vector<1280x1xf32>
    %max3A_21 = arith.maximumf %add3A_19, %max3A_20 : vector<1280x1xf32>
    %div3A = arith.constant 1.000000e+00 : f32
    %div3A_22 = vector.broadcast %div3A : f32 to vector<1280x1xf32>
    %div3A_23 = arith.divf %div3A_22, %max3A_21 : vector<1280x1xf32>
    %mul3A = vector.broadcast %div3A_23 : vector<1280x1xf32> to vector<1280x128xf32>
    %mul3A_24 = arith.mulf %add3A, %mul3A : vector<1280x128xf32>
    %get3A_25 = arith.constant 0 : index
    %get3A_26 = arith.constant 0 : index
    %get3A_27 = vector.load %arg1[%get3A_25, %get3A_26] : memref<1280x128xf32, #tpu.memory_space<vmem>>, vector<1280x128xf32>
    %get3A_28 = arith.constant 0 : index
    %get3A_29 = arith.constant 0 : index
    %get3A_30 = vector.load %arg6[%get3A_28, %get3A_29] : memref<128x128xf32, #tpu.memory_space<vmem>>, vector<128x128xf32>
    %dot_general3A = arith.constant dense<0.000000e+00> : vector<1280x128xf32>
    %dot_general3A_31 = tpu.matmul %get3A_27, %get3A_30, %dot_general3A {dimension_numbers = #tpu.dot_dimension_numbers<[1], [0], [0], [1], [0, 0, 1, 1], [], []>, transpose_lhs_hint = false} : vector<1280x128xf32>, vector<128x128xf32>, vector<1280x128xf32> -> vector<1280x128xf32>
    %get3A_32 = arith.constant 0 : index
    %get3A_33 = arith.constant 0 : index
    %get3A_34 = vector.load %arg7[%get3A_32, %get3A_33] : memref<128x128xf32, #tpu.memory_space<vmem>>, vector<128x128xf32>
    %dot_general3A_35 = arith.constant dense<0.000000e+00> : vector<1280x128xf32>
    %dot_general3A_36 = tpu.matmul %mul3A_24, %get3A_34, %dot_general3A_35 {dimension_numbers = #tpu.dot_dimension_numbers<[1], [0], [0], [1], [0, 0, 1, 1], [], []>, transpose_lhs_hint = false} : vector<1280x128xf32>, vector<128x128xf32>, vector<1280x128xf32> -> vector<1280x128xf32>
    %add3A_37 = arith.addf %dot_general3A_31, %dot_general3A_36 : vector<1280x128xf32>
    %get3A_38 = arith.constant 0 : index
    %get3A_39 = arith.constant 0 : index
    %get3A_40 = vector.load %arg8[%get3A_38, %get3A_39] : memref<1x128xf32, #tpu.memory_space<vmem>>, vector<1x128xf32>
    %add3A_41 = vector.broadcast %get3A_40 : vector<1x128xf32> to vector<1280x128xf32>
    %add3A_42 = arith.addf %add3A_37, %add3A_41 : vector<1280x128xf32>
    %max3A_43 = arith.constant 0.000000e+00 : f32
    %max3A_44 = vector.broadcast %max3A_43 : f32 to vector<1280x128xf32>
    %max3A_45 = arith.maximumf %add3A_42, %max3A_44 : vector<1280x128xf32>
    %swap3A = arith.constant 0 : index
    %swap3A_46 = arith.constant 0 : index
    %swap3A_47 = vector.load %arg9[%swap3A, %swap3A_46] : memref<1280x128xf32, #tpu.memory_space<vmem>>, vector<1280x128xf32>
    tpu.vector_store %arg9[%swap3A, %swap3A_46], %max3A_45 {strides = array<i32>} : memref<1280x128xf32, #tpu.memory_space<vmem>>, vector<1280x128xf32>,
    return
  }
  func.func @transform_0(%arg0: i32) -> (i32, i32) {
    %c0_i32 = arith.constant 0 : i32
    %c0_i32_0 = arith.constant 0 : i32
    return %arg0, %c0_i32 : i32, i32
  }
  func.func @transform_1(%arg0: i32) -> (i32, i32, i32) {
    %c0_i32 = arith.constant 0 : i32
    %c0_i32_0 = arith.constant 0 : i32
    %c0_i32_1 = arith.constant 0 : i32
    return %c0_i32, %arg0, %c0_i32_0 : i32, i32, i32
  }
  func.func @transform_2(%arg0: i32) -> (i32, i32, i32) {
    %c1_i32 = arith.constant 1 : i32
    %c0_i32 = arith.constant 0 : i32
    %c0_i32_0 = arith.constant 0 : i32
    return %c1_i32, %arg0, %c0_i32 : i32, i32, i32
  }
  func.func @transform_3(%arg0: i32) -> (i32, i32, i32) {
    %c0_i32 = arith.constant 0 : i32
    %c0_i32_0 = arith.constant 0 : i32
    %c0_i32_1 = arith.constant 0 : i32
    return %c0_i32, %arg0, %c0_i32_0 : i32, i32, i32
  }
  func.func @transform_4(%arg0: i32) -> (i32, i32, i32) {
    %c1_i32 = arith.constant 1 : i32
    %c0_i32 = arith.constant 0 : i32
    %c0_i32_0 = arith.constant 0 : i32
    return %c1_i32, %arg0, %c0_i32 : i32, i32, i32
  }
  func.func @transform_5(%arg0: i32) -> (i32, i32) {
    %c0_i32 = arith.constant 0 : i32
    %c0_i32_0 = arith.constant 0 : i32
    %c0_i32_1 = arith.constant 0 : i32
    return %c0_i32, %c0_i32_0 : i32, i32
  }
  func.func @transform_6(%arg0: i32) -> (i32, i32) {
    %c0_i32 = arith.constant 0 : i32
    %c0_i32_0 = arith.constant 0 : i32
    %c0_i32_1 = arith.constant 0 : i32
    return %c0_i32, %c0_i32_0 : i32, i32
  }
  func.func @transform_7(%arg0: i32) -> (i32, i32) {
    %c0_i32 = arith.constant 0 : i32
    %c0_i32_0 = arith.constant 0 : i32
    %c0_i32_1 = arith.constant 0 : i32
    return %c0_i32, %c0_i32_0 : i32, i32
  }
  func.func @transform_8(%arg0: i32) -> (i32, i32) {
    %c0_i32 = arith.constant 0 : i32
    %c0_i32_0 = arith.constant 0 : i32
    return %arg0, %c0_i32 : i32, i32
  }
}

module attributes {stable_mosaic.version = 14 : i64} {
  func.func @_tc_dense_body(%arg0: i32, %arg1: memref<1280x128xf32, #tpu.memory_space<vmem>>, %arg2: memref<1x1280x128xf32, #tpu.memory_space<vmem>>, %arg3: memref<1x1280x128xf32, #tpu.memory_space<vmem>>, %arg4: memref<1x1280x128xf32, #tpu.memory_space<vmem>>, %arg5: memref<1x1280x128xf32, #tpu.memory_space<vmem>>, %arg6: memref<128x128xf32, #tpu.memory_space<vmem>>, %arg7: memref<128x128xf32, #tpu.memory_space<vmem>>, %arg8: memref<1x128xf32, #tpu.memory_space<vmem>>, %arg9: memref<1280x128xf32, #tpu.memory_space<vmem>>) attributes {dimension_semantics = [#tpu.dimension_semantics<arbitrary>], iteration_bounds = array<i64: 8>, scalar_prefetch = 0 : i64, scratch_operands = 0 : i64, tpu.core_type = #tpu.core_type<tc>, window_params = [{transform_indices = @transform_0, window_bounds = array<i64: 1280, 128>}, {transform_indices = @transform_1, window_bounds = array<i64: 1, 1280, 128>}, {transform_indices = @transform_2, window_bounds = array<i64: 1, 1280, 128>}, {transform_indices = @transform_3, window_bounds = array<i64: 1, 1280, 128>}, {transform_indices = @transform_4, window_bounds = array<i64: 1, 1280, 128>}, {pipeline_mode = #tpu.pipeline_mode<synchronous>, transform_indices = @transform_5, window_bounds = array<i64: 128, 128>}, {pipeline_mode = #tpu.pipeline_mode<synchronous>, transform_indices = @transform_6, window_bounds = array<i64: 128, 128>}, {pipeline_mode = #tpu.pipeline_mode<synchronous>, transform_indices = @transform_7, window_bounds = array<i64: 1, 128>}, {transform_indices = @transform_8, window_bounds = array<i64: 1280, 128>}]} {
    %get3A = arith.constant 0 : index
    %get3A_0 = arith.constant 0 : index
    %get3A_1 = arith.constant 0 : index
    %get3A_2 = vector.load %arg2[%get3A, %get3A_0, %get3A_1] : memref<1x1280x128xf32, #tpu.memory_space<vmem>>, vector<1x1280x128xf32>
    %get3A_3 = vector.shape_cast %get3A_2 : vector<1x1280x128xf32> to vector<1280x128xf32>
    %get3A_4 = arith.constant 0 : index
    %get3A_5 = arith.constant 0 : index
    %get3A_6 = arith.constant 0 : index
    %get3A_7 = vector.load %arg3[%get3A_4, %get3A_5, %get3A_6] : memref<1x1280x128xf32, #tpu.memory_space<vmem>>, vector<1x1280x128xf32>
    %get3A_8 = vector.shape_cast %get3A_7 : vector<1x1280x128xf32> to vector<1280x128xf32>
    %add3A = arith.addf %get3A_3, %get3A_8 : vector<1280x128xf32>
    %get3A_9 = arith.constant 0 : index
    %get3A_10 = arith.constant 0 : index
    %get3A_11 = arith.constant 0 : index
    %get3A_12 = vector.load %arg4[%get3A_9, %get3A_10, %get3A_11] : memref<1x1280x128xf32, #tpu.memory_space<vmem>>, vector<1x1280x1xf32>
    %get3A_13 = vector.shape_cast %get3A_12 : vector<1x1280x1xf32> to vector<1280x1xf32>
    %get3A_14 = arith.constant 0 : index
    %get3A_15 = arith.constant 0 : index
    %get3A_16 = arith.constant 0 : index
    %get3A_17 = vector.load %arg5[%get3A_14, %get3A_15, %get3A_16] : memref<1x1280x128xf32, #tpu.memory_space<vmem>>, vector<1x1280x1xf32>
    %get3A_18 = vector.shape_cast %get3A_17 : vector<1x1280x1xf32> to vector<1280x1xf32>
    %add3A_19 = arith.addf %get3A_13, %get3A_18 : vector<1280x1xf32>
    %max3A = arith.constant 1.000000e+00 : f32
    %max3A_20 = vector.broadcast %max3A : f32 to vector<1280x1xf32>
    %max3A_21 = arith.maximumf %add3A_19, %max3A_20 : vector<1280x1xf32>
    %div3A = arith.constant 1.000000e+00 : f32
    %div3A_22 = vector.broadcast %div3A : f32 to vector<1280x1xf32>
    %div3A_23 = arith.divf %div3A_22, %max3A_21 : vector<1280x1xf32>
    %mul3A = vector.broadcast %div3A_23 : vector<1280x1xf32> to vector<1280x128xf32>
    %mul3A_24 = arith.mulf %add3A, %mul3A : vector<1280x128xf32>
    %get3A_25 = arith.constant 0 : index
    %get3A_26 = arith.constant 0 : index
    %get3A_27 = vector.load %arg1[%get3A_25, %get3A_26] : memref<1280x128xf32, #tpu.memory_space<vmem>>, vector<1280x128xf32>
    %get3A_28 = arith.constant 0 : index
    %get3A_29 = arith.constant 0 : index
    %get3A_30 = vector.load %arg6[%get3A_28, %get3A_29] : memref<128x128xf32, #tpu.memory_space<vmem>>, vector<128x128xf32>
    %dot_general3A = arith.constant dense<0.000000e+00> : vector<1280x128xf32>
    %dot_general3A_31 = tpu.matmul %get3A_27, %get3A_30, %dot_general3A {dimension_numbers = #tpu.dot_dimension_numbers<[1], [0], [0], [1], [0, 0, 1, 1], [], []>, transpose_lhs_hint = false} : vector<1280x128xf32>, vector<128x128xf32>, vector<1280x128xf32> -> vector<1280x128xf32>
    %get3A_32 = arith.constant 0 : index
    %get3A_33 = arith.constant 0 : index
    %get3A_34 = vector.load %arg7[%get3A_32, %get3A_33] : memref<128x128xf32, #tpu.memory_space<vmem>>, vector<128x128xf32>
    %dot_general3A_35 = arith.constant dense<0.000000e+00> : vector<1280x128xf32>
    %dot_general3A_36 = tpu.matmul %mul3A_24, %get3A_34, %dot_general3A_35 {dimension_numbers = #tpu.dot_dimension_numbers<[1], [0], [0], [1], [0, 0, 1, 1], [], []>, transpose_lhs_hint = false} : vector<1280x128xf32>, vector<128x128xf32>, vector<1280x128xf32> -> vector<1280x128xf32>
    %add3A_37 = arith.addf %dot_general3A_31, %dot_general3A_36 : vector<1280x128xf32>
    %get3A_38 = arith.constant 0 : index
    %get3A_39 = arith.constant 0 : index
    %get3A_40 = vector.load %arg8[%get3A_38, %get3A_39] : memref<1x128xf32, #tpu.memory_space<vmem>>, vector<1x128xf32>
    %add3A_41 = vector.broadcast %get3A_40 : vector<1x128xf32> to vector<1280x128xf32>
    %add3A_42 = arith.addf %add3A_37, %add3A_41 : vector<1280x128xf32>
    %swap3A = arith.constant 0 : index
    %swap3A_43 = arith.constant 0 : index
    %swap3A_44 = vector.load %arg9[%swap3A, %swap3A_43] : memref<1280x128xf32, #tpu.memory_space<vmem>>, vector<1280x128xf32>
    tpu.vector_store %arg9[%swap3A, %swap3A_43], %add3A_42 {strides = array<i32>} : memref<1280x128xf32, #tpu.memory_space<vmem>>, vector<1280x128xf32>,
    return
  }
  func.func @transform_0(%arg0: i32) -> (i32, i32) {
    %c0_i32 = arith.constant 0 : i32
    %c0_i32_0 = arith.constant 0 : i32
    return %arg0, %c0_i32 : i32, i32
  }
  func.func @transform_1(%arg0: i32) -> (i32, i32, i32) {
    %c0_i32 = arith.constant 0 : i32
    %c0_i32_0 = arith.constant 0 : i32
    %c0_i32_1 = arith.constant 0 : i32
    return %c0_i32, %arg0, %c0_i32_0 : i32, i32, i32
  }
  func.func @transform_2(%arg0: i32) -> (i32, i32, i32) {
    %c1_i32 = arith.constant 1 : i32
    %c0_i32 = arith.constant 0 : i32
    %c0_i32_0 = arith.constant 0 : i32
    return %c1_i32, %arg0, %c0_i32 : i32, i32, i32
  }
  func.func @transform_3(%arg0: i32) -> (i32, i32, i32) {
    %c0_i32 = arith.constant 0 : i32
    %c0_i32_0 = arith.constant 0 : i32
    %c0_i32_1 = arith.constant 0 : i32
    return %c0_i32, %arg0, %c0_i32_0 : i32, i32, i32
  }
  func.func @transform_4(%arg0: i32) -> (i32, i32, i32) {
    %c1_i32 = arith.constant 1 : i32
    %c0_i32 = arith.constant 0 : i32
    %c0_i32_0 = arith.constant 0 : i32
    return %c1_i32, %arg0, %c0_i32 : i32, i32, i32
  }
  func.func @transform_5(%arg0: i32) -> (i32, i32) {
    %c0_i32 = arith.constant 0 : i32
    %c0_i32_0 = arith.constant 0 : i32
    %c0_i32_1 = arith.constant 0 : i32
    return %c0_i32, %c0_i32_0 : i32, i32
  }
  func.func @transform_6(%arg0: i32) -> (i32, i32) {
    %c0_i32 = arith.constant 0 : i32
    %c0_i32_0 = arith.constant 0 : i32
    %c0_i32_1 = arith.constant 0 : i32
    return %c0_i32, %c0_i32_0 : i32, i32
  }
  func.func @transform_7(%arg0: i32) -> (i32, i32) {
    %c0_i32 = arith.constant 0 : i32
    %c0_i32_0 = arith.constant 0 : i32
    %c0_i32_1 = arith.constant 0 : i32
    return %c0_i32, %c0_i32_0 : i32, i32
  }
  func.func @transform_8(%arg0: i32) -> (i32, i32) {
    %c0_i32 = arith.constant 0 : i32
    %c0_i32_0 = arith.constant 0 : i32
    return %arg0, %c0_i32 : i32, i32
  }
}

</mosaic_0001>

<sc_bundles>
// kernel: kernel.12.cloned.1.call-start
scs
__scs_entry_jumppad:
0x0: {  	(pc) =	sbr.rel $0x88, $3  }
0x1: {  	(tag) =	ssettag $0x0;
	lr =	simm.s32 $0x1  }
0x2: {  	[smem:$0x3F96] =	sst lr;
	_ =	strace $0xD0000000  }
0x3: {  	_ = 	snop  }
0x4: {  	_ = 	snop  }
0x5: {  	_ = 	snop  }
0x6: {  	_ = 	snop  }
0x7: {  	_ = 	snop  }
__scs_overlays_trampoline_lowered:
0x8: {  	[smem:$0x3FA5] =	sst s0  }
0x9: {  	[smem:$0x3FA6] =	sst s1  }
0xa: {  	[smem:$0x3FA7] =	sst s2  }
0xb: {  	[smem:$0x3FA8] =	sst s3  }
0xc: {  	[smem:$0x3FA9] =	sst s4  }
0xd: {  	[smem:$0x3FAA] =	sst s5  }
0xe: {  	[smem:$0x3FAB] =	sst s6  }
0xf: {  	[smem:$0x3FAC] =	sst s7  }
0x10: {  	[smem:$0x3FAD] =	sst s8  }
0x11: {  	[smem:$0x3FAE] =	sst s9;
	s0 =	simm.s32 @!p0 $0x0  }
0x12: {  	s1 =	sld [smem:$0x3F94];
	s0 =	simm.s32 @p0 $0x1  }
0x13: {  	[smem:$0x3FAF] =	sst s0;
	s0 =	simm.s32 @!p1 $0x0  }
0x14: {  	s2 =	sld [smem:$0x3F93];
	s0 =	simm.s32 @p1 $0x1  }
0x15: {  	[smem:$0x3FB0] =	sst s0;
	s0 =	simm.s32 @!p2 $0x0  }
0x16: {  	s3 =	sld [smem:$0x3FDB];
	s0 =	simm.s32 @p2 $0x1  }
0x17: {  	s4 =	simm.s32 $0x1BF5;
	[smem:$0x3FB2] =	sst s0  }
0x18: {  	s0 =	sld [smem:$0x3F95];
	_ =	swait.ge [sflag:s4], $0x0  }
0x19: {  	s7 =	sld [smem:$0x3F96]  }
0x1a: {  	s8 =	sadd.s32 $0xFFFFE003, lr  }
0x1b: {  	s9 =	sadd.s32 $0xFFFFFEF7, lr;
	s5 =	simm.s32 $0xFFFFFFFF;
	p2 =	slt.u32 s8, $0xFFFFF086  }
0x1c: {  	p1 =	slt.u32 s9, $0xF7A;
	s5 =	simm.s32 @!p2 $0x0  }
0x1d: {  	s5 =	simm.s32 @p1 $0x1;
	p0 =	seq.s32 s7, s2  }
0x1e: {  	s7 =	smul.u32 @!p0 $0xF7A, s2;
	p2 =	seq.s32 @!p0 s5, $0x0  }
0x1f: {  	s9 =	smul.u32 $0xF7A, s1;
	s8 =	simm.s32 @!p0 $0x1BF5;
	p2 =	por !p2, p0  }
0x20: {  	[sflag:s8] =	ssyncset.s32 @!p0 $0xFFFFF086;
	s6 =	sadd.s32 @!p0 s3, s7;
	s7 =	simm.s32 @!p0 $0x108  }
0x21: {  	s3 =	sadd.s32 s3, s9;
	s6 =	sadd.s32 @!p0 $0x88, s6;
	s7 =	simm.s32 @p2 $0x1082  }
0x22: {  	[simem:s7], [sflag:s8] =	dma.local @!p0 [hbm:s6], $0xF7A  }
0x23: {  	s9 =	sor.u32 $0xD0000000, s2;
	s6 =	simm.s32 $0x108;
	_ =	swait.ge @!p0 [sflag:s8], $0x0  }
0x24: {  	s3 =	sadd.s32 $0x88, s3;
	s6 =	simm.s32 @!p1 $0x1082;
	[sflag:s4] =	ssyncset.s32 $0xFFFFF086  }
0x25: {  	[simem:s6], [sflag:s4] =	dma.local [hbm:s3], $0xF7A  }
0x26: {  	[smem:$0x3F96] =	sst s1;
	(tag) =	ssettag s2;
	_ =	strace s9  }
0x27: {  	s1 =	sld [smem:$0x3FA6]  }
0x28: {  	s2 =	sld [smem:$0x3FA7]  }
0x29: {  	s4 =	sld [smem:$0x3FA9]  }
0x2a: {  	p0 =	seq.s32 s5, $0x0;
	s5 =	sld [smem:$0x3FAA]  }
0x2b: {  	s6 =	sld [smem:$0x3FAB]  }
0x2c: {  	s7 =	sld [smem:$0x3FAC]  }
0x2d: {  	s3 =	simm.s32 $0x108;
	s8 =	sld [smem:$0x3FAD]  }
0x2e: {  	s3 =	simm.s32 @!p0 $0x1082;
	s9 =	sld [smem:$0x3FAE]  }
0x2f: {  	lr =	sadd.s32 s0, s3;
	s0 =	sld [smem:$0x3FA5]  }
0x30: {  	s3 =	sld [smem:$0x3FA8]  }
0x31: {  	[smem:$0x3FB1] =	sst s10  }
0x32: {  	s10 =	sld [smem:$0x3FAF];
	_ =	sdelay $0x3  }
0x33: {  	p0 =	seq.s32 s10, $0x1;
	s10 =	sld [smem:$0x3FB1];
	_ =	sdelay $0x3  }
0x34: {  	[smem:$0x3FB1] =	sst s10  }
0x35: {  	s10 =	sld [smem:$0x3FB0];
	_ =	sdelay $0x3  }
0x36: {  	p1 =	seq.s32 s10, $0x1;
	s10 =	sld [smem:$0x3FB1];
	_ =	sdelay $0x3  }
0x37: {  	[smem:$0x3FB1] =	sst s10  }
0x38: {  	s10 =	sld [smem:$0x3FB2]  }
0x39: {  	_ = 	snop;
	(pc) =	sbr.ind lr, $3  }
0x3a: {  	_ = 	snop  }
0x3b: {  	_ = 	snop  }
0x3c: {  	p2 =	seq.s32 s10, $0x1;
	s10 =	sld [smem:$0x3FB1]  }
0x3d: {  	_ =	shalt  }
0x3e: {  	_ =	shalt  }
0x3f: {  	_ =	shalt  }
0x40: {  	_ =	shalt  }
0x41: {  	_ =	shalt  }
0x42: {  	_ =	shalt  }
0x43: {  	_ =	shalt  }
0x44: {  	_ =	shalt  }
0x45: {  	_ =	shalt  }
0x46: {  	_ =	shalt  }
0x47: {  	_ =	shalt  }
0x48: {  	_ =	shalt  }
0x49: {  	_ =	shalt  }
0x4a: {  	_ =	shalt  }
0x4b: {  	_ =	shalt  }
0x4c: {  	_ =	shalt  }
0x4d: {  	_ =	shalt  }
0x4e: {  	_ =	shalt  }
0x4f: {  	_ =	shalt  }
0x50: {  	_ =	shalt  }
0x51: {  	_ =	shalt  }
0x52: {  	_ =	shalt  }
0x53: {  	_ =	shalt  }
0x54: {  	_ =	shalt  }
0x55: {  	_ =	shalt  }
0x56: {  	_ =	shalt  }
0x57: {  	_ =	shalt  }
0x58: {  	_ =	shalt  }
0x59: {  	_ =	shalt  }
0x5a: {  	_ =	shalt  }
0x5b: {  	_ =	shalt  }
0x5c: {  	_ =	shalt  }
0x5d: {  	_ =	shalt  }
0x5e: {  	_ =	shalt  }
0x5f: {  	_ =	shalt  }
0x60: {  	_ =	shalt  }
0x61: {  	_ =	shalt  }
0x62: {  	_ =	shalt  }
0x63: {  	_ =	shalt  }
0x64: {  	_ =	shalt  }
0x65: {  	_ =	shalt  }
0x66: {  	_ =	shalt  }
0x67: {  	_ =	shalt  }
0x68: {  	_ =	shalt  }
0x69: {  	_ =	shalt  }
0x6a: {  	_ =	shalt  }
0x6b: {  	_ =	shalt  }
0x6c: {  	_ =	shalt  }
0x6d: {  	_ =	shalt  }
0x6e: {  	_ =	shalt  }
0x6f: {  	_ =	shalt  }
0x70: {  	_ =	shalt  }
0x71: {  	_ =	shalt  }
0x72: {  	_ =	shalt  }
0x73: {  	_ =	shalt  }
0x74: {  	_ =	shalt  }
0x75: {  	_ =	shalt  }
0x76: {  	_ =	shalt  }
0x77: {  	_ =	shalt  }
0x78: {  	_ =	shalt  }
0x79: {  	_ =	shalt  }
0x7a: {  	_ =	shalt  }
0x7b: {  	_ =	shalt  }
0x7c: {  	_ =	shalt  }
0x7d: {  	_ =	shalt  }
0x7e: {  	_ =	shalt  }
0x7f: {  	_ =	shalt  }
0x80: {  	_ =	shalt  }
0x81: {  	_ =	shalt  }
0x82: {  	_ =	shalt  }
0x83: {  	_ =	shalt  }
0x84: {  	_ =	shalt  }
0x85: {  	_ =	shalt  }
0x86: {  	_ =	shalt  }
0x87: {  	_ =	shalt  }
.Lfunc_end0:
.L_simem_size_0:
called_computation.1_lowered:
.L_overlay_start_0:
0x88: {  	s2 =	sld [smem:$0x3FD9]  }
0x89: {  	s3 =	sld [smem:$0x3FFE];
	_ =	sdelay $0x1  }
0x8a: {  	s1 =	srdreg.scid  }
0x8b: {  	s0 =	sand.u32 $0x1, s1  }
0x8c: {  	s17 =	sshll.u32 s0, $0xA;
	s2 =	sadd.s32 s3, s2  }
0x8d: {  	s2 =	sadd.s32 s2, s17  }
0x8e: {  	[smem:$0x3FBD] =	sst s2  }
0x8f: {  	_ = 	snop  }
0x90: {  	s18 =	sld [smem:$0x3FD0];
	(tm) =	ssettm $0x1  }
0x91: {  	s19 =	sld [smem:$0x3FFB];
	_ =	sdelay $0x3  }
0x92: {  	_ =	strace s19  }
0x93: {  	s2 =	sld [smem:$0x3FFC];
	_ =	sdelay $0x3  }
0x94: {  	_ =	strace s2  }
0x95: {  	s2 =	sld [smem:$0x3FFD];
	_ =	sdelay $0x3  }
0x96: {  	_ =	strace s2  }
0x97: {  	_ =	strace $0x8FFFFFFF  }
0x98: {  	s20 =	sld [smem:$0x3FDB];
	_ =	sdelay $0x1  }
0x99: {  	s4 =	simm.s32 $_scs_section_size  }
0x9a: {  	s5 =	simm.s32 $_size__tile_overlayer_lowered;
	s6 =	simm.s32 $_tile_overlayer_lowered  }
0x9b: {  	s7 =	simm.s32 $0x1BFF;
	s21 =	sshll.u32 s6, $0x1;
	s4 =	sadd.s32 s4, s20  }
0x9c: {  	s22 =	simm.s32 $0x0;
	s5 =	sshll.u32 s5, $0x1;
	s6 =	sadd.s32 s21, s4  }
0x9d: {  	[timem:s22], [sflag:s7] =	dma.local [hbm:s6], s5  }
0x9e: {  	_ =	swait.ge [sflag:s7], s5  }
0x9f: {  	s5 =	ssub.s32 $0x0, s5;
	[sflag:s7] =	ssyncset.done $0x0  }
0xa0: {  	[sflag:s7] =	ssyncadd.s32 s5;
	_ =	sdelay $0x1  }
0xa1: {  	s23 =	simm.s32 $0x1B8B  }
0xa2: {  	_ =	swait.ge [sflag:s23], $0x1  }
0xa3: {  	[sflag:s23] =	ssyncset.done $0x0  }
0xa4: {  	[sflag:s23] =	ssyncadd.s32 $0xFFFFFFFF  }
0xa5: {  	s5 =	sld [smem:$0x0]  }
0xa6: {  	s6 =	sand.u32 $0xFFFFFFFE, s1  }
0xa7: {  	p0 =	sne.s32 s1, s6  }
0xa8: {  	s6 =	sshll.u32 @p0 s6, $0xE  }
0xa9: {  	s6 =	sadd.s32 @p0 $0x11B8D, s6;
	s7 =	sshll.u32 @p0 s5, $0x11  }
0xaa: {  	s6 =	sor.u32 @p0 s7, s6  }
0xab: {  	[sflag:s6] =	ssyncadd.remote.s32 @p0 $0x1;
	_ =	sdelay $0x1  }
0xac: {  	s6 =	simm.s32 @p0 $0x1B8D  }
0xad: {  	_ =	swait.eq @p0 [sflag:s6], $0x1  }
0xae: {  	[sflag:s6] =	ssyncadd.s32 @p0 $0xFFFFFFFF  }
0xaf: {  	s7 =	sshll.u32 @!p0 s1, $0xE  }
0xb0: {  	s7 =	sor.u32 @!p0 $0x4000, s7;
	s6 =	simm.s32 @!p0 $0x1B8D  }
0xb1: {  	s5 =	sshll.u32 @!p0 s5, $0x11;
	s7 =	sadd.s32 @!p0 $0x11B8D, s7;
	_ =	swait.eq @!p0 [sflag:s6], $0x1  }
0xb2: {  	s5 =	sor.u32 @!p0 s5, s7;
	[sflag:s6] =	ssyncadd.s32 @!p0 $0xFFFFFFFF  }
0xb3: {  	s25 =	simm.s32 $0x1B8E;
	s24 =	sld [smem:$0x3FFE];
	[sflag:s5] =	ssyncadd.remote.s32 @!p0 $0x1  }
0xb4: {  	s26 =	simm.s32 $execute0_lowered;
	[smem:$0x3FD2] =	sst s25  }
0xb5: {  	s6 =	sshll.u32 s26, $0x1;
	_ =	strace $0x80000049;
	[dreg:$0x1] =	wrdreg $0xFFFFFFFF  }
0xb6: {  	s28 =	simm.s32 $_size_execute0_lowered;
	s4 =	sadd.s32 s4, s6;
	[dreg:$0x0] =	wrdreg $0x0  }
0xb7: {  	s6 =	sshll.u32 s28, $0x1;
	[dreg:$0x2] =	wrdreg s4  }
0xb8: {  	[dreg:$0x3] =	wrdreg s6  }
0xb9: {  	[dreg:$0x4] =	wrdreg $0xC0  }
0xba: {  	_ =	task [dreg:s22], $0x5FFFF  }
0xbb: {  	[dreg:$0x1] =	wrdreg $0xFFFFFFFF  }
0xbc: {  	[dreg:$0x0] =	wrdreg $0x60  }
0xbd: {  	[dreg:$0x2] =	wrdreg s24  }
0xbe: {  	[dreg:$0x3] =	wrdreg s18  }
0xbf: {  	[dreg:$0x4] =	wrdreg $0x82000  }
0xc0: {  	[dreg:$0x5] =	wrdreg $0xA  }
0xc1: {  	_ =	task.clear_ibuf [dreg:s22], $0x6FFFF;
	_ =	strace $0x90000049  }
0xc2: {  	s29 =	simm.s32 $0xA;
	_ =	strace $0x8000004B  }
0xc3: {  	_ =	swait.ge [sflag:s29], $0x1  }
0xc4: {  	[sflag:s29] =	ssyncadd.s32 $0xFFFFFFFF  }
0xc5: {  	_ =	strace $0x9000004B  }
0xc6: {  	_ =	sfence  }
0xc7: {  	s30 =	sld [smem:$0x0];
	_ =	sdelay $0x2  }
0xc8: {  	s31 =	sshll.u32 s1, $0xD;
	s1 =	sshrl.u32 s1, $0x2  }
0xc9: {  	s4 =	sand.u32 $0x4000, s31;
	s1 =	sadd.s32 s1, s30  }
0xca: {  	s0 =	sor.u32 s4, s0;
	s1 =	sshll.u32 s1, $0x11  }
0xcb: {  	s0 =	sor.u32 s1, s0  }
0xcc: {  	s0 =	sadd.s32 $0x8F2B, s0  }
0xcd: {  	[sflag:s0] =	ssyncadd.remote.s32 $0x1  }
0xce: {  	_ =	sfence.sel $0xFFFF  }
0xcf: {  	[dreg:$0x0] =	wrdreg $0xFFFFFFFF;
	(pc) =	sbr.abs _section_cstart, $3  }
0xd0: {  	[dreg:$0x1] =	wrdreg $0xFFFFFFFF  }
0xd1: {  	_ =	task.clear_ibuf [dreg:s22], $0x2FFFF;
	_ =	strace $0x9FFFFFFF  }
0xd2: {  	(tm) =	ssettm $0x7FFFFFFF  }
0xd3: {  	_ =	shalt  }
tec
execute0_lowered:
.L_overlay_start_1:
0x0: {  	(tag) =	ssettag $0x1  }
0x1: {  	s6 =	rddreg [dreg:$0x0]  }
0x2: {  	s18 =	rddreg [dreg:$0x1]  }
0x3: {  	s0 =	srdreg.scid;
	s2 =	rddreg [dreg:$0x2]  }
0x4: {  	s1 =	rddreg [dreg:$0x3];
	s7 =	sand.u32 $0x1, s0  }
0x5: {  	s3 =	simm.s32 $0x0;
	s0 =	stileid.u32;
	s4 =	smul.u32 $0x28000, s7  }
0x6: {  	s22 =	simm.s32 $0x1;
	s23 =	simm.s32 $0x0;
	s5 =	smul.u32 $0x2800, s0  }
0x7: {  	[smem:$0x7FF] =	sst s3;
	s15 =	sadd.s32 $0xADA00, s6;
	s9 =	smul.u32 $0x50000, s0  }
0x8: {  	_ =	strace $0x8000004A;
	s8 =	ssub.s32 $0x2, s7;
	s11 =	smul.u32 $0x14000, s0  }
0x9: {  	s13 =	smul.u32 $0x140000, s7;
	s10 =	sshrl.u32 s8, $0x1;
	s5 =	sadd.s32 s5, s4  }
0xa: {  	s4 =	sadd.s32 $0x85A00, s6;
	s16 =	ssub.s32 s8, s10;
	s26 =	sshrl.u32 s9, $0x2  }
0xb: {  	s28 =	sadd.s32 $0x4000, s11;
	s14 =	sadd.s32 $0x8000, s11;
	s20 =	sadd.s32 $0xC000, s11  }
0xc: {  	s12 =	sadd.s32 s11, s13;
	s21 =	sadd.s32 $0x10000, s11;
	s19 =	sshrl.u32 s5, $0x3  }
0xd: {  	s5 =	sadd.s32 $0xD200, s6;
	s7 =	sadd.s32 s28, s2;
	s8 =	sadd.s32 s14, s2  }
0xe: {  	s9 =	sadd.s32 s20, s2;
	s29 =	sshrl.u32 s12, $0x3;
	s30 =	sadd.s32 s13, s28  }
0xf: {  	s10 =	sadd.s32 s21, s2;
	s14 =	sadd.s32 s13, s14;
	s20 =	sadd.s32 s13, s20  }
0x10: {  	s21 =	sadd.s32 s13, s21;
	s16 =	smax.u32 s16, $0x1;
	s17 =	sadd.s32 s19, s6  }
0x11: {  	s6 =	sadd.s32 s26, s2;
	s11 =	sadd.s32 s15, s29;
	s12 =	sshrl.u32 s30, $0x3  }
0x12: {  	s14 =	sshrl.u32 s14, $0x3;
	s20 =	sshrl.u32 s20, $0x3;
	s31 =	sshrl.u32 s21, $0x3  }
0x13: {  	s18 =	sadd.s32 s19, s18;
	s19 =	simm.s32 $0x200;
	s21 =	simm.s32 $0x100  }
0x14: {  	s12 =	sadd.s32 s15, s12;
	s13 =	sadd.s32 s15, s14;
	s14 =	sadd.s32 s15, s20  }
0x15: {  	s15 =	sadd.s32 s15, s31;
	s17 =	sadd.s32 $0x3200, s17;
	s20 =	simm.s32 $0x2  }
.LBB2_1:
0x16: {  	[tilespmem:s19], [sflag:$0x2] =	stream.linear.gather [hbm4b:s5+s3], $0x4000, $0x38;
	[tilespmem:$0x1C200] =	vst v63  }
0x17: {  	_ =	swait.ge [sflag:s20], $0x4000  }
0x18: {  	[sflag:s20] =	ssyncset.done $0x0  }
0x19: {  	[sflag:s20] =	ssyncadd.s32 $0xFFFFC000  }
0x1a: {  	[spmem:s6] =	stream.linear.scatter [tilespmem:s19], [sflag:$0x2], $0x4000, $0x38;
	[tilespmem:$0x1C200] =	vst v63  }
0x1b: {  	_ =	swait.ge [sflag:s20], $0x4000  }
0x1c: {  	[sflag:s20] =	ssyncset.done $0x0  }
0x1d: {  	[sflag:s20] =	ssyncadd.s32 $0xFFFFC000  }
0x1e: {  	[spmem:s7] =	stream.linear.scatter [tilespmem:s19], [sflag:$0x2], $0x4000, $0x38;
	[tilespmem:$0x1C200] =	vst v63  }
0x1f: {  	_ =	swait.ge [sflag:s20], $0x4000  }
0x20: {  	[sflag:s20] =	ssyncset.done $0x0  }
0x21: {  	[sflag:s20] =	ssyncadd.s32 $0xFFFFC000  }
0x22: {  	[spmem:s8] =	stream.linear.scatter [tilespmem:s19], [sflag:$0x2], $0x4000, $0x38;
	[tilespmem:$0x1C200] =	vst v63  }
0x23: {  	_ =	swait.ge [sflag:s20], $0x4000  }
0x24: {  	[sflag:s20] =	ssyncset.done $0x0  }
0x25: {  	[sflag:s20] =	ssyncadd.s32 $0xFFFFC000  }
0x26: {  	[spmem:s9] =	stream.linear.scatter [tilespmem:s19], [sflag:$0x2], $0x4000, $0x38;
	[tilespmem:$0x1C200] =	vst v63  }
0x27: {  	_ =	swait.ge [sflag:s20], $0x4000  }
0x28: {  	[sflag:s20] =	ssyncset.done $0x0  }
0x29: {  	[sflag:s20] =	ssyncadd.s32 $0xFFFFC000  }
0x2a: {  	[spmem:s10] =	stream.linear.scatter [tilespmem:s19], [sflag:$0x2], $0x4000, $0x38;
	[tilespmem:$0x1C200] =	vst v63  }
0x2b: {  	_ =	swait.ge [sflag:s20], $0x4000  }
0x2c: {  	[sflag:s20] =	ssyncset.done $0x0  }
0x2d: {  	[sflag:s20] =	ssyncadd.s32 $0xFFFFC000  }
0x2e: {  	s24 =	sadd.s32 $0x0, s18;
	[bflag:$0x0] =	sbarrier.arrive $0xFFFF  }
0x2f: {  	[tilespmem:s3], [sflag:$0x2] =	stream.linear.gather [hbm4b:s24+s3], $0x100, $0x38;
	[tilespmem:$0x1C200] =	vst v63  }
0x30: {  	_ =	swait.ge [sflag:s20], $0x100  }
0x31: {  	[sflag:s20] =	ssyncset.done $0x0  }
0x32: {  	s31 =	sadd.s32 $0x0, s17;
	[sflag:s20] =	ssyncadd.s32 $0xFFFFFF00  }
0x33: {  	[tilespmem:s21], [sflag:$0x2] =	stream.linear.gather [hbm4b:s31+s3], $0x100, $0x38;
	[tilespmem:$0x1C200] =	vst v63  }
0x34: {  	_ =	swait.ge [sflag:s20], $0x100  }
0x35: {  	[sflag:s20] =	ssyncset.done $0x0  }
0x36: {  	[sflag:s20] =	ssyncadd.s32 $0xFFFFFF00  }
0x37: {  	[tilespmem:s19], [sflag:$0x1] =	stream.indirect.gather [hbm4b:s4+s21], $0x80, s3, s21, $0xb8;
	[tilespmem:$0x1C200] =	vst v63  }
0x38: {  	_ =	swait.ge [sflag:s22], $0x8000  }
0x39: {  	[sflag:s22] =	ssyncset.done $0x0  }
0x3a: {  	[sflag:s22] =	ssyncadd.s32 $0xFFFF8000  }
0x3b: {  	[spmem:s2] =	stream.indirect.scatter.add.f32 [tilespmem:s19], [sflag:$0x2], $0x80, s21, s21, $0xb8;
	[tilespmem:$0x1C200] =	vst v63  }
0x3c: {  	_ =	swait.ge [sflag:s20], $0x8000  }
0x3d: {  	s25 =	simm.s32 $0x40;
	s24 =	simm.s32 $0x20;
	[sflag:s20] =	ssyncset.done $0x0  }
.LBB2_2:
0x3e: {  	s26 =	sadd.s32 s24, s18  }
0x3f: {  	[sflag:s20] =	ssyncadd.s32 $0xFFFF8000;
	s28 =	smov.u32 s25;
	s29 =	sadd.s32 $0x20, s25  }
0x40: {  	[tilespmem:s3], [sflag:$0x2] =	stream.linear.gather [hbm4b:s26+s3], $0x100, $0x38;
	[tilespmem:$0x1C200] =	vst v63  }
0x41: {  	p0 =	sne.s32 s25, $0x4E0;
	_ =	swait.ge [sflag:s20], $0x100  }
0x42: {  	[sflag:s20] =	ssyncset.done $0x0  }
0x43: {  	s25 =	sadd.s32 s24, s17;
	s24 =	smov.u32 s28;
	[sflag:s20] =	ssyncadd.s32 $0xFFFFFF00  }
0x44: {  	[tilespmem:s21], [sflag:$0x2] =	stream.linear.gather [hbm4b:s25+s3], $0x100, $0x38;
	[tilespmem:$0x1C200] =	vst v63  }
0x45: {  	_ =	swait.ge [sflag:s20], $0x100  }
0x46: {  	[sflag:s20] =	ssyncset.done $0x0  }
0x47: {  	[sflag:s20] =	ssyncadd.s32 $0xFFFFFF00  }
0x48: {  	[tilespmem:s19], [sflag:$0x1] =	stream.indirect.gather [hbm4b:s4+s21], $0x80, s3, s21, $0xb8;
	[tilespmem:$0x1C200] =	vst v63  }
0x49: {  	_ =	swait.ge [sflag:s22], $0x8000  }
.Ltmp0:
0x4a: {  	[sflag:s22] =	ssyncset.done $0x0;
	(pc) =	sbr.rel @p0 .LBB2_2-.Ltmp0, $4  }
0x4b: {  	[sflag:s22] =	ssyncadd.s32 $0xFFFF8000  }
0x4c: {  	[spmem:s2] =	stream.indirect.scatter.add.f32 [tilespmem:s19], [sflag:$0x2], $0x80, s21, s21, $0xb8;
	[tilespmem:$0x1C200] =	vst v63  }
0x4d: {  	_ =	swait.ge [sflag:s20], $0x8000  }
0x4e: {  	s25 =	smov.u32 s29;
	[sflag:s20] =	ssyncset.done $0x0  }
0x4f: {  	s25 =	sadd.s32 s24, s18;
	[sflag:s20] =	ssyncadd.s32 $0xFFFF8000  }
0x50: {  	[tilespmem:s3], [sflag:$0x2] =	stream.linear.gather [hbm4b:s25+s3], $0x100, $0x38;
	[tilespmem:$0x1C200] =	vst v63  }
0x51: {  	_ =	swait.ge [sflag:s20], $0x100  }
0x52: {  	[sflag:s20] =	ssyncset.done $0x0  }
0x53: {  	s31 =	sadd.s32 s24, s17;
	[sflag:s20] =	ssyncadd.s32 $0xFFFFFF00  }
0x54: {  	[tilespmem:s21], [sflag:$0x2] =	stream.linear.gather [hbm4b:s31+s3], $0x100, $0x38;
	[tilespmem:$0x1C200] =	vst v63  }
0x55: {  	_ =	swait.ge [sflag:s20], $0x100  }
0x56: {  	[sflag:s20] =	ssyncset.done $0x0  }
0x57: {  	[sflag:s20] =	ssyncadd.s32 $0xFFFFFF00  }
0x58: {  	[tilespmem:s19], [sflag:$0x1] =	stream.indirect.gather [hbm4b:s4+s21], $0x80, s3, s21, $0xb8;
	[tilespmem:$0x1C200] =	vst v63  }
0x59: {  	_ =	swait.ge [sflag:s22], $0x8000  }
0x5a: {  	[sflag:s22] =	ssyncset.done $0x0  }
0x5b: {  	[sflag:s22] =	ssyncadd.s32 $0xFFFF8000  }
0x5c: {  	[spmem:s2] =	stream.indirect.scatter.add.f32 [tilespmem:s19], [sflag:$0x2], $0x80, s21, s21, $0xb8;
	[tilespmem:$0x1C200] =	vst v63  }
0x5d: {  	_ =	swait.ge [sflag:s20], $0x8000  }
0x5e: {  	[sflag:s20] =	ssyncset.done $0x0  }
0x5f: {  	[sflag:s20] =	ssyncadd.s32 $0xFFFF8000  }
0x60: {  	[bflag:$0x0] =	sbarrier.arrive $0xFFFF  }
0x61: {  	[tilespmem:s19], [sflag:$0x2] =	stream.linear.gather [spmem:s6], $0x4000, $0x38;
	[tilespmem:$0x1C200] =	vst v63  }
0x62: {  	_ =	swait.ge [sflag:s20], $0x4000  }
0x63: {  	[sflag:s20] =	ssyncset.done $0x0  }
0x64: {  	[sflag:s20] =	ssyncadd.s32 $0xFFFFC000  }
0x65: {  	[hbm4b:s11+s3] =	stream.linear.scatter [tilespmem:s19], [sflag:$0x2], $0x4000, $0x38;
	[tilespmem:$0x1C200] =	vst v63  }
0x66: {  	_ =	swait.ge [sflag:s20], $0x4000  }
0x67: {  	[sflag:s20] =	ssyncset.done $0x0  }
0x68: {  	[sflag:s20] =	ssyncadd.s32 $0xFFFFC000  }
0x69: {  	[tilespmem:s19], [sflag:$0x2] =	stream.linear.gather [spmem:s7], $0x4000, $0x38;
	[tilespmem:$0x1C200] =	vst v63  }
0x6a: {  	_ =	swait.ge [sflag:s20], $0x4000  }
0x6b: {  	[sflag:s20] =	ssyncset.done $0x0  }
0x6c: {  	[sflag:s20] =	ssyncadd.s32 $0xFFFFC000  }
0x6d: {  	[hbm4b:s12+s3] =	stream.linear.scatter [tilespmem:s19], [sflag:$0x2], $0x4000, $0x38;
	[tilespmem:$0x1C200] =	vst v63  }
0x6e: {  	_ =	swait.ge [sflag:s20], $0x4000  }
0x6f: {  	[sflag:s20] =	ssyncset.done $0x0  }
0x70: {  	[sflag:s20] =	ssyncadd.s32 $0xFFFFC000  }
0x71: {  	[tilespmem:s19], [sflag:$0x2] =	stream.linear.gather [spmem:s8], $0x4000, $0x38;
	[tilespmem:$0x1C200] =	vst v63  }
0x72: {  	_ =	swait.ge [sflag:s20], $0x4000  }
0x73: {  	[sflag:s20] =	ssyncset.done $0x0  }
0x74: {  	[sflag:s20] =	ssyncadd.s32 $0xFFFFC000  }
0x75: {  	[hbm4b:s13+s3] =	stream.linear.scatter [tilespmem:s19], [sflag:$0x2], $0x4000, $0x38;
	[tilespmem:$0x1C200] =	vst v63  }
0x76: {  	_ =	swait.ge [sflag:s20], $0x4000  }
0x77: {  	[sflag:s20] =	ssyncset.done $0x0  }
0x78: {  	[sflag:s20] =	ssyncadd.s32 $0xFFFFC000  }
0x79: {  	[tilespmem:s19], [sflag:$0x2] =	stream.linear.gather [spmem:s9], $0x4000, $0x38;
	[tilespmem:$0x1C200] =	vst v63  }
0x7a: {  	_ =	swait.ge [sflag:s20], $0x4000  }
0x7b: {  	[sflag:s20] =	ssyncset.done $0x0  }
0x7c: {  	[sflag:s20] =	ssyncadd.s32 $0xFFFFC000  }
0x7d: {  	[hbm4b:s14+s3] =	stream.linear.scatter [tilespmem:s19], [sflag:$0x2], $0x4000, $0x38;
	[tilespmem:$0x1C200] =	vst v63  }
0x7e: {  	_ =	swait.ge [sflag:s20], $0x4000  }
0x7f: {  	[sflag:s20] =	ssyncset.done $0x0  }
0x80: {  	[sflag:s20] =	ssyncadd.s32 $0xFFFFC000  }
0x81: {  	[tilespmem:s19], [sflag:$0x2] =	stream.linear.gather [spmem:s10], $0x4000, $0x38;
	[tilespmem:$0x1C200] =	vst v63  }
0x82: {  	s23 =	sadd.s32 $0x1, s23;
	_ =	swait.ge [sflag:s20], $0x4000  }
0x83: {  	p0 =	sne.s32 s23, s16;
	[sflag:s20] =	ssyncset.done $0x0  }
.Ltmp1:
0x84: {  	[sflag:s20] =	ssyncadd.s32 $0xFFFFC000;
	(pc) =	sbr.rel @p0 .LBB2_1-.Ltmp1, $4  }
0x85: {  	[hbm4b:s15+s3] =	stream.linear.scatter [tilespmem:s19], [sflag:$0x2], $0x4000, $0x38;
	[tilespmem:$0x1C200] =	vst v63  }
0x86: {  	_ =	swait.ge [sflag:s20], $0x4000  }
0x87: {  	[sflag:s20] =	ssyncset.done $0x0  }
0x88: {  	[sflag:s20] =	ssyncadd.s32 $0xFFFFC000  }
0x89: {  	_ =	sfence.sel $0x180000  }
0x8a: {  	[bflag:$0x0] =	sbarrier.arrive $0xFFFF  }
0x8b: {  	p0 =	sne.s32 s0, $0x0;
	_ =	strace $0x9000004A  }
0x8c: {  	s0 =	sadd.s32 @!p0 $0x100000, s1;
	[bflag:$0x2] =	sbarrier.arrive $0xFFFF  }
0x8d: {  	[sflag:s0] =	ssyncadd.tile.s32 @!p0 $0x1;
	_ =	shalt  }
.Lfunc_end2:
_tile_overlayer_lowered:
.L_overlay_start_2:
0x8e: {  	(tag) =	ssettag $0x2  }
0x8f: {  	s0 =	rddreg [dreg:$0x0];
	s2 =	stileid.u32  }
0x90: {  	s1 =	rddreg [dreg:$0x1];
	p0 =	sne.s32 s2, $0x0  }
0x91: {  	s3 =	rddreg [dreg:$0x2];
	[bflag:$0x3] =	sbarrier.arrive $0xFFFF;
	s2 =	simm.s32 @!p0 $0x1C02  }
0x92: {  	[timem:s3], [sflag:s2] =	dma.local @!p0 [hbm:s0], s1  }
0x93: {  	s0 =	simm.s32 @!p0 $0x2  }
0x94: {  	_ =	swait.ge @!p0 [sflag:s0], s1  }
0x95: {  	s1 =	ssub.s32 @!p0 $0x0, s1;
	[sflag:s0] =	ssyncset.done @!p0 $0x0  }
0x96: {  	[sflag:s0] =	ssyncadd.s32 @!p0 s1  }
0x97: {  	[bflag:$0x3] =	sbarrier.arrive $0xFFFF  }
0x98: {  	_ =	shalt  }

// kernel: kernel.15.cloned.1.call-start
scs
__scs_entry_jumppad:
0x0: {  	(pc) =	sbr.rel $0x88, $3  }
0x1: {  	(tag) =	ssettag $0x0;
	lr =	simm.s32 $0x1  }
0x2: {  	[smem:$0x3F96] =	sst lr;
	_ =	strace $0xD0000000  }
0x3: {  	_ = 	snop  }
0x4: {  	_ = 	snop  }
0x5: {  	_ = 	snop  }
0x6: {  	_ = 	snop  }
0x7: {  	_ = 	snop  }
__scs_overlays_trampoline_lowered:
0x8: {  	[smem:$0x3FA5] =	sst s0  }
0x9: {  	[smem:$0x3FA6] =	sst s1  }
0xa: {  	[smem:$0x3FA7] =	sst s2  }
0xb: {  	[smem:$0x3FA8] =	sst s3  }
0xc: {  	[smem:$0x3FA9] =	sst s4  }
0xd: {  	[smem:$0x3FAA] =	sst s5  }
0xe: {  	[smem:$0x3FAB] =	sst s6  }
0xf: {  	[smem:$0x3FAC] =	sst s7  }
0x10: {  	[smem:$0x3FAD] =	sst s8  }
0x11: {  	[smem:$0x3FAE] =	sst s9;
	s0 =	simm.s32 @!p0 $0x0  }
0x12: {  	s1 =	sld [smem:$0x3F94];
	s0 =	simm.s32 @p0 $0x1  }
0x13: {  	[smem:$0x3FAF] =	sst s0;
	s0 =	simm.s32 @!p1 $0x0  }
0x14: {  	s2 =	sld [smem:$0x3F93];
	s0 =	simm.s32 @p1 $0x1  }
0x15: {  	[smem:$0x3FB0] =	sst s0;
	s0 =	simm.s32 @!p2 $0x0  }
0x16: {  	s3 =	sld [smem:$0x3FDB];
	s0 =	simm.s32 @p2 $0x1  }
0x17: {  	s4 =	simm.s32 $0x1BF5;
	[smem:$0x3FB2] =	sst s0  }
0x18: {  	s0 =	sld [smem:$0x3F95];
	_ =	swait.ge [sflag:s4], $0x0  }
0x19: {  	s7 =	sld [smem:$0x3F96]  }
0x1a: {  	s8 =	sadd.s32 $0xFFFFE003, lr  }
0x1b: {  	s9 =	sadd.s32 $0xFFFFFEF7, lr;
	s5 =	simm.s32 $0xFFFFFFFF;
	p2 =	slt.u32 s8, $0xFFFFF086  }
0x1c: {  	p1 =	slt.u32 s9, $0xF7A;
	s5 =	simm.s32 @!p2 $0x0  }
0x1d: {  	s5 =	simm.s32 @p1 $0x1;
	p0 =	seq.s32 s7, s2  }
0x1e: {  	s7 =	smul.u32 @!p0 $0xF7A, s2;
	p2 =	seq.s32 @!p0 s5, $0x0  }
0x1f: {  	s9 =	smul.u32 $0xF7A, s1;
	s8 =	simm.s32 @!p0 $0x1BF5;
	p2 =	por !p2, p0  }
0x20: {  	[sflag:s8] =	ssyncset.s32 @!p0 $0xFFFFF086;
	s6 =	sadd.s32 @!p0 s3, s7;
	s7 =	simm.s32 @!p0 $0x108  }
0x21: {  	s3 =	sadd.s32 s3, s9;
	s6 =	sadd.s32 @!p0 $0x88, s6;
	s7 =	simm.s32 @p2 $0x1082  }
0x22: {  	[simem:s7], [sflag:s8] =	dma.local @!p0 [hbm:s6], $0xF7A  }
0x23: {  	s9 =	sor.u32 $0xD0000000, s2;
	s6 =	simm.s32 $0x108;
	_ =	swait.ge @!p0 [sflag:s8], $0x0  }
0x24: {  	s3 =	sadd.s32 $0x88, s3;
	s6 =	simm.s32 @!p1 $0x1082;
	[sflag:s4] =	ssyncset.s32 $0xFFFFF086  }
0x25: {  	[simem:s6], [sflag:s4] =	dma.local [hbm:s3], $0xF7A  }
0x26: {  	[smem:$0x3F96] =	sst s1;
	(tag) =	ssettag s2;
	_ =	strace s9  }
0x27: {  	s1 =	sld [smem:$0x3FA6]  }
0x28: {  	s2 =	sld [smem:$0x3FA7]  }
0x29: {  	s4 =	sld [smem:$0x3FA9]  }
0x2a: {  	p0 =	seq.s32 s5, $0x0;
	s5 =	sld [smem:$0x3FAA]  }
0x2b: {  	s6 =	sld [smem:$0x3FAB]  }
0x2c: {  	s7 =	sld [smem:$0x3FAC]  }
0x2d: {  	s3 =	simm.s32 $0x108;
	s8 =	sld [smem:$0x3FAD]  }
0x2e: {  	s3 =	simm.s32 @!p0 $0x1082;
	s9 =	sld [smem:$0x3FAE]  }
0x2f: {  	lr =	sadd.s32 s0, s3;
	s0 =	sld [smem:$0x3FA5]  }
0x30: {  	s3 =	sld [smem:$0x3FA8]  }
0x31: {  	[smem:$0x3FB1] =	sst s10  }
0x32: {  	s10 =	sld [smem:$0x3FAF];
	_ =	sdelay $0x3  }
0x33: {  	p0 =	seq.s32 s10, $0x1;
	s10 =	sld [smem:$0x3FB1];
	_ =	sdelay $0x3  }
0x34: {  	[smem:$0x3FB1] =	sst s10  }
0x35: {  	s10 =	sld [smem:$0x3FB0];
	_ =	sdelay $0x3  }
0x36: {  	p1 =	seq.s32 s10, $0x1;
	s10 =	sld [smem:$0x3FB1];
	_ =	sdelay $0x3  }
0x37: {  	[smem:$0x3FB1] =	sst s10  }
0x38: {  	s10 =	sld [smem:$0x3FB2]  }
0x39: {  	_ = 	snop;
	(pc) =	sbr.ind lr, $3  }
0x3a: {  	_ = 	snop  }
0x3b: {  	_ = 	snop  }
0x3c: {  	p2 =	seq.s32 s10, $0x1;
	s10 =	sld [smem:$0x3FB1]  }
0x3d: {  	_ =	shalt  }
0x3e: {  	_ =	shalt  }
0x3f: {  	_ =	shalt  }
0x40: {  	_ =	shalt  }
0x41: {  	_ =	shalt  }
0x42: {  	_ =	shalt  }
0x43: {  	_ =	shalt  }
0x44: {  	_ =	shalt  }
0x45: {  	_ =	shalt  }
0x46: {  	_ =	shalt  }
0x47: {  	_ =	shalt  }
0x48: {  	_ =	shalt  }
0x49: {  	_ =	shalt  }
0x4a: {  	_ =	shalt  }
0x4b: {  	_ =	shalt  }
0x4c: {  	_ =	shalt  }
0x4d: {  	_ =	shalt  }
0x4e: {  	_ =	shalt  }
0x4f: {  	_ =	shalt  }
0x50: {  	_ =	shalt  }
0x51: {  	_ =	shalt  }
0x52: {  	_ =	shalt  }
0x53: {  	_ =	shalt  }
0x54: {  	_ =	shalt  }
0x55: {  	_ =	shalt  }
0x56: {  	_ =	shalt  }
0x57: {  	_ =	shalt  }
0x58: {  	_ =	shalt  }
0x59: {  	_ =	shalt  }
0x5a: {  	_ =	shalt  }
0x5b: {  	_ =	shalt  }
0x5c: {  	_ =	shalt  }
0x5d: {  	_ =	shalt  }
0x5e: {  	_ =	shalt  }
0x5f: {  	_ =	shalt  }
0x60: {  	_ =	shalt  }
0x61: {  	_ =	shalt  }
0x62: {  	_ =	shalt  }
0x63: {  	_ =	shalt  }
0x64: {  	_ =	shalt  }
0x65: {  	_ =	shalt  }
0x66: {  	_ =	shalt  }
0x67: {  	_ =	shalt  }
0x68: {  	_ =	shalt  }
0x69: {  	_ =	shalt  }
0x6a: {  	_ =	shalt  }
0x6b: {  	_ =	shalt  }
0x6c: {  	_ =	shalt  }
0x6d: {  	_ =	shalt  }
0x6e: {  	_ =	shalt  }
0x6f: {  	_ =	shalt  }
0x70: {  	_ =	shalt  }
0x71: {  	_ =	shalt  }
0x72: {  	_ =	shalt  }
0x73: {  	_ =	shalt  }
0x74: {  	_ =	shalt  }
0x75: {  	_ =	shalt  }
0x76: {  	_ =	shalt  }
0x77: {  	_ =	shalt  }
0x78: {  	_ =	shalt  }
0x79: {  	_ =	shalt  }
0x7a: {  	_ =	shalt  }
0x7b: {  	_ =	shalt  }
0x7c: {  	_ =	shalt  }
0x7d: {  	_ =	shalt  }
0x7e: {  	_ =	shalt  }
0x7f: {  	_ =	shalt  }
0x80: {  	_ =	shalt  }
0x81: {  	_ =	shalt  }
0x82: {  	_ =	shalt  }
0x83: {  	_ =	shalt  }
0x84: {  	_ =	shalt  }
0x85: {  	_ =	shalt  }
0x86: {  	_ =	shalt  }
0x87: {  	_ =	shalt  }
.Lfunc_end0:
.L_simem_size_0:
called_computation.2_lowered:
.L_overlay_start_0:
0x88: {  	s2 =	sld [smem:$0x3FD9]  }
0x89: {  	s3 =	sld [smem:$0x3FFE];
	_ =	sdelay $0x1  }
0x8a: {  	s1 =	srdreg.scid  }
0x8b: {  	s0 =	sand.u32 $0x1, s1  }
0x8c: {  	s17 =	sshll.u32 s0, $0xA;
	s2 =	sadd.s32 s3, s2  }
0x8d: {  	s2 =	sadd.s32 s2, s17  }
0x8e: {  	[smem:$0x3FBD] =	sst s2  }
0x8f: {  	_ = 	snop  }
0x90: {  	s2 =	sld [smem:$0x3FD0];
	(tm) =	ssettm $0x1  }
0x91: {  	s18 =	sld [smem:$0x3FFB];
	_ =	sdelay $0x3  }
0x92: {  	_ =	strace s18  }
0x93: {  	s3 =	sld [smem:$0x3FFC];
	_ =	sdelay $0x3  }
0x94: {  	_ =	strace s3  }
0x95: {  	s3 =	sld [smem:$0x3FFD];
	_ =	sdelay $0x3  }
0x96: {  	_ =	strace s3  }
0x97: {  	_ =	strace $0x8FFFFFFF  }
0x98: {  	s19 =	sld [smem:$0x3FDB];
	_ =	sdelay $0x1  }
0x99: {  	s4 =	simm.s32 $_scs_section_size  }
0x9a: {  	s5 =	simm.s32 $_size__tile_overlayer_lowered;
	s6 =	simm.s32 $_tile_overlayer_lowered  }
0x9b: {  	s22 =	simm.s32 $0x1BFF;
	s21 =	sshll.u32 s6, $0x1;
	s3 =	sadd.s32 s4, s19  }
0x9c: {  	s7 =	simm.s32 $0x0;
	s20 =	sshll.u32 s5, $0x1;
	s5 =	sadd.s32 s21, s3  }
0x9d: {  	[timem:s7], [sflag:s22] =	dma.local [hbm:s5], s20  }
0x9e: {  	_ =	swait.ge [sflag:s22], s20  }
0x9f: {  	s4 =	ssub.s32 $0x0, s20;
	[sflag:s22] =	ssyncset.done $0x0  }
0xa0: {  	[sflag:s22] =	ssyncadd.s32 s4;
	_ =	sdelay $0x1  }
0xa1: {  	s23 =	simm.s32 $0x1B8B  }
0xa2: {  	_ =	swait.ge [sflag:s23], $0x1  }
0xa3: {  	[sflag:s23] =	ssyncset.done $0x0  }
0xa4: {  	s25 =	simm.s32 $0x1B8E;
	s24 =	sld [smem:$0x3FFE];
	[sflag:s23] =	ssyncadd.s32 $0xFFFFFFFF  }
0xa5: {  	s26 =	simm.s32 $execute0_lowered;
	[smem:$0x3FD2] =	sst s25  }
0xa6: {  	s5 =	sshll.u32 s26, $0x1;
	_ =	strace $0x8000004C;
	[dreg:$0x1] =	wrdreg $0xFFFFFFFF  }
0xa7: {  	s28 =	simm.s32 $_size_execute0_lowered;
	s3 =	sadd.s32 s3, s5;
	[dreg:$0x0] =	wrdreg $0x0  }
0xa8: {  	s5 =	sshll.u32 s28, $0x1;
	[dreg:$0x2] =	wrdreg s3  }
0xa9: {  	[dreg:$0x3] =	wrdreg s5  }
0xaa: {  	[dreg:$0x4] =	wrdreg $0xC0  }
0xab: {  	_ =	task [dreg:s7], $0x5FFFF  }
0xac: {  	[dreg:$0x1] =	wrdreg $0xFFFFFFFF  }
0xad: {  	[dreg:$0x0] =	wrdreg $0x60  }
0xae: {  	[dreg:$0x2] =	wrdreg s24  }
0xaf: {  	[dreg:$0x3] =	wrdreg s2  }
0xb0: {  	[dreg:$0x4] =	wrdreg $0x82000  }
0xb1: {  	[dreg:$0x5] =	wrdreg $0x9  }
0xb2: {  	_ =	task.clear_ibuf [dreg:s7], $0x6FFFF;
	_ =	strace $0x9000004C  }
0xb3: {  	s29 =	simm.s32 $0x9;
	_ =	strace $0x8000004E  }
0xb4: {  	_ =	swait.ge [sflag:s29], $0x1  }
0xb5: {  	[sflag:s29] =	ssyncadd.s32 $0xFFFFFFFF  }
0xb6: {  	_ =	strace $0x9000004E  }
0xb7: {  	_ =	sfence  }
0xb8: {  	s30 =	sld [smem:$0x0];
	_ =	sdelay $0x2  }
0xb9: {  	s31 =	sshll.u32 s1, $0xD;
	s1 =	sshrl.u32 s1, $0x2  }
0xba: {  	s3 =	sand.u32 $0x4000, s31;
	s1 =	sadd.s32 s1, s30  }
0xbb: {  	s0 =	sor.u32 s3, s0;
	s1 =	sshll.u32 s1, $0x11  }
0xbc: {  	s0 =	sor.u32 s1, s0  }
0xbd: {  	s0 =	sadd.s32 $0x8F2B, s0  }
0xbe: {  	[sflag:s0] =	ssyncadd.remote.s32 $0x1  }
0xbf: {  	_ =	sfence.sel $0xFFFF  }
0xc0: {  	[dreg:$0x0] =	wrdreg $0xFFFFFFFF;
	(pc) =	sbr.abs _section_cstart, $3  }
0xc1: {  	[dreg:$0x1] =	wrdreg $0xFFFFFFFF  }
0xc2: {  	_ =	task.clear_ibuf [dreg:s7], $0x2FFFF;
	_ =	strace $0x9FFFFFFF  }
0xc3: {  	(tm) =	ssettm $0x7FFFFFFF  }
tec
execute0_lowered:
.L_overlay_start_1:
0x0: {  	(tag) =	ssettag $0x1  }
0x1: {  	s6 =	rddreg [dreg:$0x0]  }
0x2: {  	s18 =	rddreg [dreg:$0x1]  }
0x3: {  	s0 =	srdreg.scid;
	s2 =	rddreg [dreg:$0x2]  }
0x4: {  	s1 =	rddreg [dreg:$0x3];
	s7 =	sand.u32 $0x1, s0  }
0x5: {  	s3 =	simm.s32 $0x0;
	s0 =	stileid.u32;
	s4 =	smul.u32 $0x28000, s7  }
0x6: {  	s22 =	simm.s32 $0x1;
	s23 =	simm.s32 $0x0;
	s5 =	smul.u32 $0x2800, s0  }
0x7: {  	[smem:$0x7FF] =	sst s3;
	s15 =	sadd.s32 $0x85A00, s6;
	s9 =	smul.u32 $0x50000, s0  }
0x8: {  	_ =	strace $0x8000004D;
	s8 =	ssub.s32 $0x2, s7;
	s11 =	smul.u32 $0x14000, s0  }
0x9: {  	s13 =	smul.u32 $0x140000, s7;
	s10 =	sshrl.u32 s8, $0x1;
	s5 =	sadd.s32 s5, s4  }
0xa: {  	s4 =	sadd.s32 $0xDA00, s6;
	s16 =	ssub.s32 s8, s10;
	s26 =	sshrl.u32 s9, $0x2  }
0xb: {  	s28 =	sadd.s32 $0x4000, s11;
	s14 =	sadd.s32 $0x8000, s11;
	s20 =	sadd.s32 $0xC000, s11  }
0xc: {  	s12 =	sadd.s32 s11, s13;
	s21 =	sadd.s32 $0x10000, s11;
	s19 =	sshrl.u32 s5, $0x3  }
0xd: {  	s5 =	sadd.s32 $0xD200, s6;
	s7 =	sadd.s32 s28, s2;
	s8 =	sadd.s32 s14, s2  }
0xe: {  	s9 =	sadd.s32 s20, s2;
	s29 =	sshrl.u32 s12, $0x3;
	s30 =	sadd.s32 s13, s28  }
0xf: {  	s10 =	sadd.s32 s21, s2;
	s14 =	sadd.s32 s13, s14;
	s20 =	sadd.s32 s13, s20  }
0x10: {  	s21 =	sadd.s32 s13, s21;
	s16 =	smax.u32 s16, $0x1;
	s17 =	sadd.s32 s19, s6  }
0x11: {  	s6 =	sadd.s32 s26, s2;
	s11 =	sadd.s32 s15, s29;
	s12 =	sshrl.u32 s30, $0x3  }
0x12: {  	s14 =	sshrl.u32 s14, $0x3;
	s20 =	sshrl.u32 s20, $0x3;
	s31 =	sshrl.u32 s21, $0x3  }
0x13: {  	s18 =	sadd.s32 s19, s18;
	s19 =	simm.s32 $0x200;
	s21 =	simm.s32 $0x100  }
0x14: {  	s12 =	sadd.s32 s15, s12;
	s13 =	sadd.s32 s15, s14;
	s14 =	sadd.s32 s15, s20  }
0x15: {  	s15 =	sadd.s32 s15, s31;
	s17 =	sadd.s32 $0x3200, s17;
	s20 =	simm.s32 $0x2  }
.LBB2_1:
0x16: {  	[tilespmem:s19], [sflag:$0x2] =	stream.linear.gather [hbm4b:s5+s3], $0x4000, $0x38;
	[tilespmem:$0x1C200] =	vst v63  }
0x17: {  	_ =	swait.ge [sflag:s20], $0x4000  }
0x18: {  	[sflag:s20] =	ssyncset.done $0x0  }
0x19: {  	[sflag:s20] =	ssyncadd.s32 $0xFFFFC000  }
0x1a: {  	[spmem:s6] =	stream.linear.scatter [tilespmem:s19], [sflag:$0x2], $0x4000, $0x38;
	[tilespmem:$0x1C200] =	vst v63  }
0x1b: {  	_ =	swait.ge [sflag:s20], $0x4000  }
0x1c: {  	[sflag:s20] =	ssyncset.done $0x0  }
0x1d: {  	[sflag:s20] =	ssyncadd.s32 $0xFFFFC000  }
0x1e: {  	[spmem:s7] =	stream.linear.scatter [tilespmem:s19], [sflag:$0x2], $0x4000, $0x38;
	[tilespmem:$0x1C200] =	vst v63  }
0x1f: {  	_ =	swait.ge [sflag:s20], $0x4000  }
0x20: {  	[sflag:s20] =	ssyncset.done $0x0  }
0x21: {  	[sflag:s20] =	ssyncadd.s32 $0xFFFFC000  }
0x22: {  	[spmem:s8] =	stream.linear.scatter [tilespmem:s19], [sflag:$0x2], $0x4000, $0x38;
	[tilespmem:$0x1C200] =	vst v63  }
0x23: {  	_ =	swait.ge [sflag:s20], $0x4000  }
0x24: {  	[sflag:s20] =	ssyncset.done $0x0  }
0x25: {  	[sflag:s20] =	ssyncadd.s32 $0xFFFFC000  }
0x26: {  	[spmem:s9] =	stream.linear.scatter [tilespmem:s19], [sflag:$0x2], $0x4000, $0x38;
	[tilespmem:$0x1C200] =	vst v63  }
0x27: {  	_ =	swait.ge [sflag:s20], $0x4000  }
0x28: {  	[sflag:s20] =	ssyncset.done $0x0  }
0x29: {  	[sflag:s20] =	ssyncadd.s32 $0xFFFFC000  }
0x2a: {  	[spmem:s10] =	stream.linear.scatter [tilespmem:s19], [sflag:$0x2], $0x4000, $0x38;
	[tilespmem:$0x1C200] =	vst v63  }
0x2b: {  	_ =	swait.ge [sflag:s20], $0x4000  }
0x2c: {  	[sflag:s20] =	ssyncset.done $0x0  }
0x2d: {  	[sflag:s20] =	ssyncadd.s32 $0xFFFFC000  }
0x2e: {  	s24 =	sadd.s32 $0x0, s18;
	[bflag:$0x0] =	sbarrier.arrive $0xFFFF  }
0x2f: {  	[tilespmem:s3], [sflag:$0x2] =	stream.linear.gather [hbm4b:s24+s3], $0x100, $0x38;
	[tilespmem:$0x1C200] =	vst v63  }
0x30: {  	_ =	swait.ge [sflag:s20], $0x100  }
0x31: {  	[sflag:s20] =	ssyncset.done $0x0  }
0x32: {  	s31 =	sadd.s32 $0x0, s17;
	[sflag:s20] =	ssyncadd.s32 $0xFFFFFF00  }
0x33: {  	[tilespmem:s21], [sflag:$0x2] =	stream.linear.gather [hbm4b:s31+s3], $0x100, $0x38;
	[tilespmem:$0x1C200] =	vst v63  }
0x34: {  	_ =	swait.ge [sflag:s20], $0x100  }
0x35: {  	[sflag:s20] =	ssyncset.done $0x0  }
0x36: {  	[sflag:s20] =	ssyncadd.s32 $0xFFFFFF00  }
0x37: {  	[tilespmem:s19], [sflag:$0x1] =	stream.indirect.gather [hbm4b:s4+s21], $0x80, s3, s21, $0xb8;
	[tilespmem:$0x1C200] =	vst v63  }
0x38: {  	_ =	swait.ge [sflag:s22], $0x8000  }
0x39: {  	[sflag:s22] =	ssyncset.done $0x0  }
0x3a: {  	[sflag:s22] =	ssyncadd.s32 $0xFFFF8000  }
0x3b: {  	[spmem:s2] =	stream.indirect.scatter.add.f32 [tilespmem:s19], [sflag:$0x2], $0x80, s21, s21, $0xb8;
	[tilespmem:$0x1C200] =	vst v63  }
0x3c: {  	_ =	swait.ge [sflag:s20], $0x8000  }
0x3d: {  	s25 =	simm.s32 $0x40;
	s24 =	simm.s32 $0x20;
	[sflag:s20] =	ssyncset.done $0x0  }
.LBB2_2:
0x3e: {  	s26 =	sadd.s32 s24, s18  }
0x3f: {  	[sflag:s20] =	ssyncadd.s32 $0xFFFF8000;
	s28 =	smov.u32 s25;
	s29 =	sadd.s32 $0x20, s25  }
0x40: {  	[tilespmem:s3], [sflag:$0x2] =	stream.linear.gather [hbm4b:s26+s3], $0x100, $0x38;
	[tilespmem:$0x1C200] =	vst v63  }
0x41: {  	p0 =	sne.s32 s25, $0x4E0;
	_ =	swait.ge [sflag:s20], $0x100  }
0x42: {  	[sflag:s20] =	ssyncset.done $0x0  }
0x43: {  	s25 =	sadd.s32 s24, s17;
	s24 =	smov.u32 s28;
	[sflag:s20] =	ssyncadd.s32 $0xFFFFFF00  }
0x44: {  	[tilespmem:s21], [sflag:$0x2] =	stream.linear.gather [hbm4b:s25+s3], $0x100, $0x38;
	[tilespmem:$0x1C200] =	vst v63  }
0x45: {  	_ =	swait.ge [sflag:s20], $0x100  }
0x46: {  	[sflag:s20] =	ssyncset.done $0x0  }
0x47: {  	[sflag:s20] =	ssyncadd.s32 $0xFFFFFF00  }
0x48: {  	[tilespmem:s19], [sflag:$0x1] =	stream.indirect.gather [hbm4b:s4+s21], $0x80, s3, s21, $0xb8;
	[tilespmem:$0x1C200] =	vst v63  }
0x49: {  	_ =	swait.ge [sflag:s22], $0x8000  }
.Ltmp0:
0x4a: {  	[sflag:s22] =	ssyncset.done $0x0;
	(pc) =	sbr.rel @p0 .LBB2_2-.Ltmp0, $4  }
0x4b: {  	[sflag:s22] =	ssyncadd.s32 $0xFFFF8000  }
0x4c: {  	[spmem:s2] =	stream.indirect.scatter.add.f32 [tilespmem:s19], [sflag:$0x2], $0x80, s21, s21, $0xb8;
	[tilespmem:$0x1C200] =	vst v63  }
0x4d: {  	_ =	swait.ge [sflag:s20], $0x8000  }
0x4e: {  	s25 =	smov.u32 s29;
	[sflag:s20] =	ssyncset.done $0x0  }
0x4f: {  	s25 =	sadd.s32 s24, s18;
	[sflag:s20] =	ssyncadd.s32 $0xFFFF8000  }
0x50: {  	[tilespmem:s3], [sflag:$0x2] =	stream.linear.gather [hbm4b:s25+s3], $0x100, $0x38;
	[tilespmem:$0x1C200] =	vst v63  }
0x51: {  	_ =	swait.ge [sflag:s20], $0x100  }
0x52: {  	[sflag:s20] =	ssyncset.done $0x0  }
0x53: {  	s31 =	sadd.s32 s24, s17;
	[sflag:s20] =	ssyncadd.s32 $0xFFFFFF00  }
0x54: {  	[tilespmem:s21], [sflag:$0x2] =	stream.linear.gather [hbm4b:s31+s3], $0x100, $0x38;
	[tilespmem:$0x1C200] =	vst v63  }
0x55: {  	_ =	swait.ge [sflag:s20], $0x100  }
0x56: {  	[sflag:s20] =	ssyncset.done $0x0  }
0x57: {  	[sflag:s20] =	ssyncadd.s32 $0xFFFFFF00  }
0x58: {  	[tilespmem:s19], [sflag:$0x1] =	stream.indirect.gather [hbm4b:s4+s21], $0x80, s3, s21, $0xb8;
	[tilespmem:$0x1C200] =	vst v63  }
0x59: {  	_ =	swait.ge [sflag:s22], $0x8000  }
0x5a: {  	[sflag:s22] =	ssyncset.done $0x0  }
0x5b: {  	[sflag:s22] =	ssyncadd.s32 $0xFFFF8000  }
0x5c: {  	[spmem:s2] =	stream.indirect.scatter.add.f32 [tilespmem:s19], [sflag:$0x2], $0x80, s21, s21, $0xb8;
	[tilespmem:$0x1C200] =	vst v63  }
0x5d: {  	_ =	swait.ge [sflag:s20], $0x8000  }
0x5e: {  	[sflag:s20] =	ssyncset.done $0x0  }
0x5f: {  	[sflag:s20] =	ssyncadd.s32 $0xFFFF8000  }
0x60: {  	[bflag:$0x0] =	sbarrier.arrive $0xFFFF  }
0x61: {  	[tilespmem:s19], [sflag:$0x2] =	stream.linear.gather [spmem:s6], $0x4000, $0x38;
	[tilespmem:$0x1C200] =	vst v63  }
0x62: {  	_ =	swait.ge [sflag:s20], $0x4000  }
0x63: {  	[sflag:s20] =	ssyncset.done $0x0  }
0x64: {  	[sflag:s20] =	ssyncadd.s32 $0xFFFFC000  }
0x65: {  	[hbm4b:s11+s3] =	stream.linear.scatter [tilespmem:s19], [sflag:$0x2], $0x4000, $0x38;
	[tilespmem:$0x1C200] =	vst v63  }
0x66: {  	_ =	swait.ge [sflag:s20], $0x4000  }
0x67: {  	[sflag:s20] =	ssyncset.done $0x0  }
0x68: {  	[sflag:s20] =	ssyncadd.s32 $0xFFFFC000  }
0x69: {  	[tilespmem:s19], [sflag:$0x2] =	stream.linear.gather [spmem:s7], $0x4000, $0x38;
	[tilespmem:$0x1C200] =	vst v63  }
0x6a: {  	_ =	swait.ge [sflag:s20], $0x4000  }
0x6b: {  	[sflag:s20] =	ssyncset.done $0x0  }
0x6c: {  	[sflag:s20] =	ssyncadd.s32 $0xFFFFC000  }
0x6d: {  	[hbm4b:s12+s3] =	stream.linear.scatter [tilespmem:s19], [sflag:$0x2], $0x4000, $0x38;
	[tilespmem:$0x1C200] =	vst v63  }
0x6e: {  	_ =	swait.ge [sflag:s20], $0x4000  }
0x6f: {  	[sflag:s20] =	ssyncset.done $0x0  }
0x70: {  	[sflag:s20] =	ssyncadd.s32 $0xFFFFC000  }
0x71: {  	[tilespmem:s19], [sflag:$0x2] =	stream.linear.gather [spmem:s8], $0x4000, $0x38;
	[tilespmem:$0x1C200] =	vst v63  }
0x72: {  	_ =	swait.ge [sflag:s20], $0x4000  }
0x73: {  	[sflag:s20] =	ssyncset.done $0x0  }
0x74: {  	[sflag:s20] =	ssyncadd.s32 $0xFFFFC000  }
0x75: {  	[hbm4b:s13+s3] =	stream.linear.scatter [tilespmem:s19], [sflag:$0x2], $0x4000, $0x38;
	[tilespmem:$0x1C200] =	vst v63  }
0x76: {  	_ =	swait.ge [sflag:s20], $0x4000  }
0x77: {  	[sflag:s20] =	ssyncset.done $0x0  }
0x78: {  	[sflag:s20] =	ssyncadd.s32 $0xFFFFC000  }
0x79: {  	[tilespmem:s19], [sflag:$0x2] =	stream.linear.gather [spmem:s9], $0x4000, $0x38;
	[tilespmem:$0x1C200] =	vst v63  }
0x7a: {  	_ =	swait.ge [sflag:s20], $0x4000  }
0x7b: {  	[sflag:s20] =	ssyncset.done $0x0  }
0x7c: {  	[sflag:s20] =	ssyncadd.s32 $0xFFFFC000  }
0x7d: {  	[hbm4b:s14+s3] =	stream.linear.scatter [tilespmem:s19], [sflag:$0x2], $0x4000, $0x38;
	[tilespmem:$0x1C200] =	vst v63  }
0x7e: {  	_ =	swait.ge [sflag:s20], $0x4000  }
0x7f: {  	[sflag:s20] =	ssyncset.done $0x0  }
0x80: {  	[sflag:s20] =	ssyncadd.s32 $0xFFFFC000  }
0x81: {  	[tilespmem:s19], [sflag:$0x2] =	stream.linear.gather [spmem:s10], $0x4000, $0x38;
	[tilespmem:$0x1C200] =	vst v63  }
0x82: {  	s23 =	sadd.s32 $0x1, s23;
	_ =	swait.ge [sflag:s20], $0x4000  }
0x83: {  	p0 =	sne.s32 s23, s16;
	[sflag:s20] =	ssyncset.done $0x0  }
.Ltmp1:
0x84: {  	[sflag:s20] =	ssyncadd.s32 $0xFFFFC000;
	(pc) =	sbr.rel @p0 .LBB2_1-.Ltmp1, $4  }
0x85: {  	[hbm4b:s15+s3] =	stream.linear.scatter [tilespmem:s19], [sflag:$0x2], $0x4000, $0x38;
	[tilespmem:$0x1C200] =	vst v63  }
0x86: {  	_ =	swait.ge [sflag:s20], $0x4000  }
0x87: {  	[sflag:s20] =	ssyncset.done $0x0  }
0x88: {  	[sflag:s20] =	ssyncadd.s32 $0xFFFFC000  }
0x89: {  	_ =	sfence.sel $0x180000  }
0x8a: {  	[bflag:$0x0] =	sbarrier.arrive $0xFFFF  }
0x8b: {  	p0 =	sne.s32 s0, $0x0;
	_ =	strace $0x9000004D  }
0x8c: {  	s0 =	sadd.s32 @!p0 $0x100000, s1;
	[bflag:$0x2] =	sbarrier.arrive $0xFFFF  }
0x8d: {  	[sflag:s0] =	ssyncadd.tile.s32 @!p0 $0x1;
	_ =	shalt  }
.Lfunc_end2:
_tile_overlayer_lowered:
.L_overlay_start_2:
0x8e: {  	(tag) =	ssettag $0x2  }
0x8f: {  	s0 =	rddreg [dreg:$0x0];
	s2 =	stileid.u32  }
0x90: {  	s1 =	rddreg [dreg:$0x1];
	p0 =	sne.s32 s2, $0x0  }
0x91: {  	s3 =	rddreg [dreg:$0x2];
	[bflag:$0x3] =	sbarrier.arrive $0xFFFF;
	s2 =	simm.s32 @!p0 $0x1C02  }
0x92: {  	[timem:s3], [sflag:s2] =	dma.local @!p0 [hbm:s0], s1  }
0x93: {  	s0 =	simm.s32 @!p0 $0x2  }
0x94: {  	_ =	swait.ge @!p0 [sflag:s0], s1  }
0x95: {  	s1 =	ssub.s32 @!p0 $0x0, s1;
	[sflag:s0] =	ssyncset.done @!p0 $0x0  }
0x96: {  	[sflag:s0] =	ssyncadd.s32 @!p0 s1  }
0x97: {  	[bflag:$0x3] =	sbarrier.arrive $0xFFFF  }
0x98: {  	_ =	shalt  }

// kernel: kernel.18.cloned.1.call-start
scs
__scs_entry_jumppad:
0x0: {  	(pc) =	sbr.rel $0x88, $3  }
0x1: {  	(tag) =	ssettag $0x0;
	lr =	simm.s32 $0x1  }
0x2: {  	[smem:$0x3F96] =	sst lr;
	_ =	strace $0xD0000000  }
0x3: {  	_ = 	snop  }
0x4: {  	_ = 	snop  }
0x5: {  	_ = 	snop  }
0x6: {  	_ = 	snop  }
0x7: {  	_ = 	snop  }
__scs_overlays_trampoline_lowered:
0x8: {  	[smem:$0x3FA5] =	sst s0  }
0x9: {  	[smem:$0x3FA6] =	sst s1  }
0xa: {  	[smem:$0x3FA7] =	sst s2  }
0xb: {  	[smem:$0x3FA8] =	sst s3  }
0xc: {  	[smem:$0x3FA9] =	sst s4  }
0xd: {  	[smem:$0x3FAA] =	sst s5  }
0xe: {  	[smem:$0x3FAB] =	sst s6  }
0xf: {  	[smem:$0x3FAC] =	sst s7  }
0x10: {  	[smem:$0x3FAD] =	sst s8  }
0x11: {  	[smem:$0x3FAE] =	sst s9;
	s0 =	simm.s32 @!p0 $0x0  }
0x12: {  	s1 =	sld [smem:$0x3F94];
	s0 =	simm.s32 @p0 $0x1  }
0x13: {  	[smem:$0x3FAF] =	sst s0;
	s0 =	simm.s32 @!p1 $0x0  }
0x14: {  	s2 =	sld [smem:$0x3F93];
	s0 =	simm.s32 @p1 $0x1  }
0x15: {  	[smem:$0x3FB0] =	sst s0;
	s0 =	simm.s32 @!p2 $0x0  }
0x16: {  	s3 =	sld [smem:$0x3FDB];
	s0 =	simm.s32 @p2 $0x1  }
0x17: {  	s4 =	simm.s32 $0x1BF5;
	[smem:$0x3FB2] =	sst s0  }
0x18: {  	s0 =	sld [smem:$0x3F95];
	_ =	swait.ge [sflag:s4], $0x0  }
0x19: {  	s7 =	sld [smem:$0x3F96]  }
0x1a: {  	s8 =	sadd.s32 $0xFFFFE003, lr  }
0x1b: {  	s9 =	sadd.s32 $0xFFFFFEF7, lr;
	s5 =	simm.s32 $0xFFFFFFFF;
	p2 =	slt.u32 s8, $0xFFFFF086  }
0x1c: {  	p1 =	slt.u32 s9, $0xF7A;
	s5 =	simm.s32 @!p2 $0x0  }
0x1d: {  	s5 =	simm.s32 @p1 $0x1;
	p0 =	seq.s32 s7, s2  }
0x1e: {  	s7 =	smul.u32 @!p0 $0xF7A, s2;
	p2 =	seq.s32 @!p0 s5, $0x0  }
0x1f: {  	s9 =	smul.u32 $0xF7A, s1;
	s8 =	simm.s32 @!p0 $0x1BF5;
	p2 =	por !p2, p0  }
0x20: {  	[sflag:s8] =	ssyncset.s32 @!p0 $0xFFFFF086;
	s6 =	sadd.s32 @!p0 s3, s7;
	s7 =	simm.s32 @!p0 $0x108  }
0x21: {  	s3 =	sadd.s32 s3, s9;
	s6 =	sadd.s32 @!p0 $0x88, s6;
	s7 =	simm.s32 @p2 $0x1082  }
0x22: {  	[simem:s7], [sflag:s8] =	dma.local @!p0 [hbm:s6], $0xF7A  }
0x23: {  	s9 =	sor.u32 $0xD0000000, s2;
	s6 =	simm.s32 $0x108;
	_ =	swait.ge @!p0 [sflag:s8], $0x0  }
0x24: {  	s3 =	sadd.s32 $0x88, s3;
	s6 =	simm.s32 @!p1 $0x1082;
	[sflag:s4] =	ssyncset.s32 $0xFFFFF086  }
0x25: {  	[simem:s6], [sflag:s4] =	dma.local [hbm:s3], $0xF7A  }
0x26: {  	[smem:$0x3F96] =	sst s1;
	(tag) =	ssettag s2;
	_ =	strace s9  }
0x27: {  	s1 =	sld [smem:$0x3FA6]  }
0x28: {  	s2 =	sld [smem:$0x3FA7]  }
0x29: {  	s4 =	sld [smem:$0x3FA9]  }
0x2a: {  	p0 =	seq.s32 s5, $0x0;
	s5 =	sld [smem:$0x3FAA]  }
0x2b: {  	s6 =	sld [smem:$0x3FAB]  }
0x2c: {  	s7 =	sld [smem:$0x3FAC]  }
0x2d: {  	s3 =	simm.s32 $0x108;
	s8 =	sld [smem:$0x3FAD]  }
0x2e: {  	s3 =	simm.s32 @!p0 $0x1082;
	s9 =	sld [smem:$0x3FAE]  }
0x2f: {  	lr =	sadd.s32 s0, s3;
	s0 =	sld [smem:$0x3FA5]  }
0x30: {  	s3 =	sld [smem:$0x3FA8]  }
0x31: {  	[smem:$0x3FB1] =	sst s10  }
0x32: {  	s10 =	sld [smem:$0x3FAF];
	_ =	sdelay $0x3  }
0x33: {  	p0 =	seq.s32 s10, $0x1;
	s10 =	sld [smem:$0x3FB1];
	_ =	sdelay $0x3  }
0x34: {  	[smem:$0x3FB1] =	sst s10  }
0x35: {  	s10 =	sld [smem:$0x3FB0];
	_ =	sdelay $0x3  }
0x36: {  	p1 =	seq.s32 s10, $0x1;
	s10 =	sld [smem:$0x3FB1];
	_ =	sdelay $0x3  }
0x37: {  	[smem:$0x3FB1] =	sst s10  }
0x38: {  	s10 =	sld [smem:$0x3FB2]  }
0x39: {  	_ = 	snop;
	(pc) =	sbr.ind lr, $3  }
0x3a: {  	_ = 	snop  }
0x3b: {  	_ = 	snop  }
0x3c: {  	p2 =	seq.s32 s10, $0x1;
	s10 =	sld [smem:$0x3FB1]  }
0x3d: {  	_ =	shalt  }
0x3e: {  	_ =	shalt  }
0x3f: {  	_ =	shalt  }
0x40: {  	_ =	shalt  }
0x41: {  	_ =	shalt  }
0x42: {  	_ =	shalt  }
0x43: {  	_ =	shalt  }
0x44: {  	_ =	shalt  }
0x45: {  	_ =	shalt  }
0x46: {  	_ =	shalt  }
0x47: {  	_ =	shalt  }
0x48: {  	_ =	shalt  }
0x49: {  	_ =	shalt  }
0x4a: {  	_ =	shalt  }
0x4b: {  	_ =	shalt  }
0x4c: {  	_ =	shalt  }
0x4d: {  	_ =	shalt  }
0x4e: {  	_ =	shalt  }
0x4f: {  	_ =	shalt  }
0x50: {  	_ =	shalt  }
0x51: {  	_ =	shalt  }
0x52: {  	_ =	shalt  }
0x53: {  	_ =	shalt  }
0x54: {  	_ =	shalt  }
0x55: {  	_ =	shalt  }
0x56: {  	_ =	shalt  }
0x57: {  	_ =	shalt  }
0x58: {  	_ =	shalt  }
0x59: {  	_ =	shalt  }
0x5a: {  	_ =	shalt  }
0x5b: {  	_ =	shalt  }
0x5c: {  	_ =	shalt  }
0x5d: {  	_ =	shalt  }
0x5e: {  	_ =	shalt  }
0x5f: {  	_ =	shalt  }
0x60: {  	_ =	shalt  }
0x61: {  	_ =	shalt  }
0x62: {  	_ =	shalt  }
0x63: {  	_ =	shalt  }
0x64: {  	_ =	shalt  }
0x65: {  	_ =	shalt  }
0x66: {  	_ =	shalt  }
0x67: {  	_ =	shalt  }
0x68: {  	_ =	shalt  }
0x69: {  	_ =	shalt  }
0x6a: {  	_ =	shalt  }
0x6b: {  	_ =	shalt  }
0x6c: {  	_ =	shalt  }
0x6d: {  	_ =	shalt  }
0x6e: {  	_ =	shalt  }
0x6f: {  	_ =	shalt  }
0x70: {  	_ =	shalt  }
0x71: {  	_ =	shalt  }
0x72: {  	_ =	shalt  }
0x73: {  	_ =	shalt  }
0x74: {  	_ =	shalt  }
0x75: {  	_ =	shalt  }
0x76: {  	_ =	shalt  }
0x77: {  	_ =	shalt  }
0x78: {  	_ =	shalt  }
0x79: {  	_ =	shalt  }
0x7a: {  	_ =	shalt  }
0x7b: {  	_ =	shalt  }
0x7c: {  	_ =	shalt  }
0x7d: {  	_ =	shalt  }
0x7e: {  	_ =	shalt  }
0x7f: {  	_ =	shalt  }
0x80: {  	_ =	shalt  }
0x81: {  	_ =	shalt  }
0x82: {  	_ =	shalt  }
0x83: {  	_ =	shalt  }
0x84: {  	_ =	shalt  }
0x85: {  	_ =	shalt  }
0x86: {  	_ =	shalt  }
0x87: {  	_ =	shalt  }
.Lfunc_end0:
.L_simem_size_0:
called_computation.3_lowered:
.L_overlay_start_0:
0x88: {  	s2 =	sld [smem:$0x3FD9]  }
0x89: {  	s3 =	sld [smem:$0x3FFE];
	_ =	sdelay $0x1  }
0x8a: {  	s1 =	srdreg.scid  }
0x8b: {  	s0 =	sand.u32 $0x1, s1  }
0x8c: {  	s17 =	sshll.u32 s0, $0xA;
	s2 =	sadd.s32 s3, s2  }
0x8d: {  	s2 =	sadd.s32 s2, s17  }
0x8e: {  	[smem:$0x3FBD] =	sst s2  }
0x8f: {  	_ = 	snop  }
0x90: {  	s2 =	sld [smem:$0x3FD0];
	(tm) =	ssettm $0x1  }
0x91: {  	s18 =	sld [smem:$0x3FFB];
	_ =	sdelay $0x3  }
0x92: {  	_ =	strace s18  }
0x93: {  	s3 =	sld [smem:$0x3FFC];
	_ =	sdelay $0x3  }
0x94: {  	_ =	strace s3  }
0x95: {  	s3 =	sld [smem:$0x3FFD];
	_ =	sdelay $0x3  }
0x96: {  	_ =	strace s3  }
0x97: {  	_ =	strace $0x8FFFFFFF  }
0x98: {  	s19 =	sld [smem:$0x3FDB];
	_ =	sdelay $0x1  }
0x99: {  	s4 =	simm.s32 $_scs_section_size  }
0x9a: {  	s5 =	simm.s32 $_size__tile_overlayer_lowered;
	s6 =	simm.s32 $_tile_overlayer_lowered  }
0x9b: {  	s22 =	simm.s32 $0x1BFF;
	s21 =	sshll.u32 s6, $0x1;
	s3 =	sadd.s32 s4, s19  }
0x9c: {  	s7 =	simm.s32 $0x0;
	s20 =	sshll.u32 s5, $0x1;
	s5 =	sadd.s32 s21, s3  }
0x9d: {  	[timem:s7], [sflag:s22] =	dma.local [hbm:s5], s20  }
0x9e: {  	_ =	swait.ge [sflag:s22], s20  }
0x9f: {  	s4 =	ssub.s32 $0x0, s20;
	[sflag:s22] =	ssyncset.done $0x0  }
0xa0: {  	[sflag:s22] =	ssyncadd.s32 s4;
	_ =	sdelay $0x1  }
0xa1: {  	s23 =	simm.s32 $0x1B8B  }
0xa2: {  	_ =	swait.ge [sflag:s23], $0x1  }
0xa3: {  	[sflag:s23] =	ssyncset.done $0x0  }
0xa4: {  	s25 =	simm.s32 $0x1B8E;
	s24 =	sld [smem:$0x3FFE];
	[sflag:s23] =	ssyncadd.s32 $0xFFFFFFFF  }
0xa5: {  	s26 =	simm.s32 $execute0_lowered;
	[smem:$0x3FD2] =	sst s25  }
0xa6: {  	s5 =	sshll.u32 s26, $0x1;
	_ =	strace $0x8000004F;
	[dreg:$0x1] =	wrdreg $0xFFFFFFFF  }
0xa7: {  	s28 =	simm.s32 $_size_execute0_lowered;
	s3 =	sadd.s32 s3, s5;
	[dreg:$0x0] =	wrdreg $0x0  }
0xa8: {  	s5 =	sshll.u32 s28, $0x1;
	[dreg:$0x2] =	wrdreg s3  }
0xa9: {  	[dreg:$0x3] =	wrdreg s5  }
0xaa: {  	[dreg:$0x4] =	wrdreg $0xC0  }
0xab: {  	_ =	task [dreg:s7], $0x5FFFF  }
0xac: {  	[dreg:$0x1] =	wrdreg $0xFFFFFFFF  }
0xad: {  	[dreg:$0x0] =	wrdreg $0x60  }
0xae: {  	[dreg:$0x2] =	wrdreg s24  }
0xaf: {  	[dreg:$0x3] =	wrdreg s2  }
0xb0: {  	[dreg:$0x4] =	wrdreg $0x82000  }
0xb1: {  	[dreg:$0x5] =	wrdreg $0x9  }
0xb2: {  	_ =	task.clear_ibuf [dreg:s7], $0x6FFFF;
	_ =	strace $0x9000004F  }
0xb3: {  	s29 =	simm.s32 $0x9;
	_ =	strace $0x80000051  }
0xb4: {  	_ =	swait.ge [sflag:s29], $0x1  }
0xb5: {  	[sflag:s29] =	ssyncadd.s32 $0xFFFFFFFF  }
0xb6: {  	_ =	strace $0x90000051  }
0xb7: {  	_ =	sfence  }
0xb8: {  	s30 =	sld [smem:$0x0];
	_ =	sdelay $0x2  }
0xb9: {  	s31 =	sshll.u32 s1, $0xD;
	s1 =	sshrl.u32 s1, $0x2  }
0xba: {  	s3 =	sand.u32 $0x4000, s31;
	s1 =	sadd.s32 s1, s30  }
0xbb: {  	s0 =	sor.u32 s3, s0;
	s1 =	sshll.u32 s1, $0x11  }
0xbc: {  	s0 =	sor.u32 s1, s0  }
0xbd: {  	s0 =	sadd.s32 $0x8F2B, s0  }
0xbe: {  	[sflag:s0] =	ssyncadd.remote.s32 $0x1  }
0xbf: {  	_ =	sfence.sel $0xFFFF  }
0xc0: {  	[dreg:$0x0] =	wrdreg $0xFFFFFFFF;
	(pc) =	sbr.abs _section_cstart, $3  }
0xc1: {  	[dreg:$0x1] =	wrdreg $0xFFFFFFFF  }
0xc2: {  	_ =	task.clear_ibuf [dreg:s7], $0x2FFFF;
	_ =	strace $0x9FFFFFFF  }
0xc3: {  	(tm) =	ssettm $0x7FFFFFFF  }
tec
execute0_lowered:
.L_overlay_start_1:
0x0: {  	(tag) =	ssettag $0x1  }
0x1: {  	s6 =	rddreg [dreg:$0x0]  }
0x2: {  	s18 =	rddreg [dreg:$0x1]  }
0x3: {  	s0 =	srdreg.scid;
	s2 =	rddreg [dreg:$0x2]  }
0x4: {  	s1 =	rddreg [dreg:$0x3];
	s7 =	sand.u32 $0x1, s0  }
0x5: {  	s3 =	simm.s32 $0x0;
	s0 =	stileid.u32;
	s4 =	smul.u32 $0x28000, s7  }
0x6: {  	s22 =	simm.s32 $0x1;
	s23 =	simm.s32 $0x0;
	s5 =	smul.u32 $0x2800, s0  }
0x7: {  	[smem:$0x7FF] =	sst s3;
	s15 =	sadd.s32 $0x85A00, s6;
	s9 =	smul.u32 $0x50000, s0  }
0x8: {  	_ =	strace $0x80000050;
	s8 =	ssub.s32 $0x2, s7;
	s11 =	smul.u32 $0x14000, s0  }
0x9: {  	s13 =	smul.u32 $0x140000, s7;
	s10 =	sshrl.u32 s8, $0x1;
	s5 =	sadd.s32 s5, s4  }
0xa: {  	s4 =	sadd.s32 $0xDA00, s6;
	s16 =	ssub.s32 s8, s10;
	s26 =	sshrl.u32 s9, $0x2  }
0xb: {  	s28 =	sadd.s32 $0x4000, s11;
	s14 =	sadd.s32 $0x8000, s11;
	s20 =	sadd.s32 $0xC000, s11  }
0xc: {  	s12 =	sadd.s32 s11, s13;
	s21 =	sadd.s32 $0x10000, s11;
	s19 =	sshrl.u32 s5, $0x3  }
0xd: {  	s5 =	sadd.s32 $0xD200, s6;
	s7 =	sadd.s32 s28, s2;
	s8 =	sadd.s32 s14, s2  }
0xe: {  	s9 =	sadd.s32 s20, s2;
	s29 =	sshrl.u32 s12, $0x3;
	s30 =	sadd.s32 s13, s28  }
0xf: {  	s10 =	sadd.s32 s21, s2;
	s14 =	sadd.s32 s13, s14;
	s20 =	sadd.s32 s13, s20  }
0x10: {  	s21 =	sadd.s32 s13, s21;
	s16 =	smax.u32 s16, $0x1;
	s17 =	sadd.s32 s19, s6  }
0x11: {  	s6 =	sadd.s32 s26, s2;
	s11 =	sadd.s32 s15, s29;
	s12 =	sshrl.u32 s30, $0x3  }
0x12: {  	s14 =	sshrl.u32 s14, $0x3;
	s20 =	sshrl.u32 s20, $0x3;
	s31 =	sshrl.u32 s21, $0x3  }
0x13: {  	s18 =	sadd.s32 s19, s18;
	s19 =	simm.s32 $0x200;
	s21 =	simm.s32 $0x100  }
0x14: {  	s12 =	sadd.s32 s15, s12;
	s13 =	sadd.s32 s15, s14;
	s14 =	sadd.s32 s15, s20  }
0x15: {  	s15 =	sadd.s32 s15, s31;
	s17 =	sadd.s32 $0x3200, s17;
	s20 =	simm.s32 $0x2  }
.LBB2_1:
0x16: {  	[tilespmem:s19], [sflag:$0x2] =	stream.linear.gather [hbm4b:s5+s3], $0x4000, $0x38;
	[tilespmem:$0x1C200] =	vst v63  }
0x17: {  	_ =	swait.ge [sflag:s20], $0x4000  }
0x18: {  	[sflag:s20] =	ssyncset.done $0x0  }
0x19: {  	[sflag:s20] =	ssyncadd.s32 $0xFFFFC000  }
0x1a: {  	[spmem:s6] =	stream.linear.scatter [tilespmem:s19], [sflag:$0x2], $0x4000, $0x38;
	[tilespmem:$0x1C200] =	vst v63  }
0x1b: {  	_ =	swait.ge [sflag:s20], $0x4000  }
0x1c: {  	[sflag:s20] =	ssyncset.done $0x0  }
0x1d: {  	[sflag:s20] =	ssyncadd.s32 $0xFFFFC000  }
0x1e: {  	[spmem:s7] =	stream.linear.scatter [tilespmem:s19], [sflag:$0x2], $0x4000, $0x38;
	[tilespmem:$0x1C200] =	vst v63  }
0x1f: {  	_ =	swait.ge [sflag:s20], $0x4000  }
0x20: {  	[sflag:s20] =	ssyncset.done $0x0  }
0x21: {  	[sflag:s20] =	ssyncadd.s32 $0xFFFFC000  }
0x22: {  	[spmem:s8] =	stream.linear.scatter [tilespmem:s19], [sflag:$0x2], $0x4000, $0x38;
	[tilespmem:$0x1C200] =	vst v63  }
0x23: {  	_ =	swait.ge [sflag:s20], $0x4000  }
0x24: {  	[sflag:s20] =	ssyncset.done $0x0  }
0x25: {  	[sflag:s20] =	ssyncadd.s32 $0xFFFFC000  }
0x26: {  	[spmem:s9] =	stream.linear.scatter [tilespmem:s19], [sflag:$0x2], $0x4000, $0x38;
	[tilespmem:$0x1C200] =	vst v63  }
0x27: {  	_ =	swait.ge [sflag:s20], $0x4000  }
0x28: {  	[sflag:s20] =	ssyncset.done $0x0  }
0x29: {  	[sflag:s20] =	ssyncadd.s32 $0xFFFFC000  }
0x2a: {  	[spmem:s10] =	stream.linear.scatter [tilespmem:s19], [sflag:$0x2], $0x4000, $0x38;
	[tilespmem:$0x1C200] =	vst v63  }
0x2b: {  	_ =	swait.ge [sflag:s20], $0x4000  }
0x2c: {  	[sflag:s20] =	ssyncset.done $0x0  }
0x2d: {  	[sflag:s20] =	ssyncadd.s32 $0xFFFFC000  }
0x2e: {  	s24 =	sadd.s32 $0x0, s18;
	[bflag:$0x0] =	sbarrier.arrive $0xFFFF  }
0x2f: {  	[tilespmem:s3], [sflag:$0x2] =	stream.linear.gather [hbm4b:s24+s3], $0x100, $0x38;
	[tilespmem:$0x1C200] =	vst v63  }
0x30: {  	_ =	swait.ge [sflag:s20], $0x100  }
0x31: {  	[sflag:s20] =	ssyncset.done $0x0  }
0x32: {  	s31 =	sadd.s32 $0x0, s17;
	[sflag:s20] =	ssyncadd.s32 $0xFFFFFF00  }
0x33: {  	[tilespmem:s21], [sflag:$0x2] =	stream.linear.gather [hbm4b:s31+s3], $0x100, $0x38;
	[tilespmem:$0x1C200] =	vst v63  }
0x34: {  	_ =	swait.ge [sflag:s20], $0x100  }
0x35: {  	[sflag:s20] =	ssyncset.done $0x0  }
0x36: {  	[sflag:s20] =	ssyncadd.s32 $0xFFFFFF00  }
0x37: {  	[tilespmem:s19], [sflag:$0x1] =	stream.indirect.gather [hbm4b:s4+s21], $0x80, s3, s21, $0xb8;
	[tilespmem:$0x1C200] =	vst v63  }
0x38: {  	_ =	swait.ge [sflag:s22], $0x8000  }
0x39: {  	[sflag:s22] =	ssyncset.done $0x0  }
0x3a: {  	[sflag:s22] =	ssyncadd.s32 $0xFFFF8000  }
0x3b: {  	[spmem:s2] =	stream.indirect.scatter.add.f32 [tilespmem:s19], [sflag:$0x2], $0x80, s21, s21, $0xb8;
	[tilespmem:$0x1C200] =	vst v63  }
0x3c: {  	_ =	swait.ge [sflag:s20], $0x8000  }
0x3d: {  	s25 =	simm.s32 $0x40;
	s24 =	simm.s32 $0x20;
	[sflag:s20] =	ssyncset.done $0x0  }
.LBB2_2:
0x3e: {  	s26 =	sadd.s32 s24, s18  }
0x3f: {  	[sflag:s20] =	ssyncadd.s32 $0xFFFF8000;
	s28 =	smov.u32 s25;
	s29 =	sadd.s32 $0x20, s25  }
0x40: {  	[tilespmem:s3], [sflag:$0x2] =	stream.linear.gather [hbm4b:s26+s3], $0x100, $0x38;
	[tilespmem:$0x1C200] =	vst v63  }
0x41: {  	p0 =	sne.s32 s25, $0x4E0;
	_ =	swait.ge [sflag:s20], $0x100  }
0x42: {  	[sflag:s20] =	ssyncset.done $0x0  }
0x43: {  	s25 =	sadd.s32 s24, s17;
	s24 =	smov.u32 s28;
	[sflag:s20] =	ssyncadd.s32 $0xFFFFFF00  }
0x44: {  	[tilespmem:s21], [sflag:$0x2] =	stream.linear.gather [hbm4b:s25+s3], $0x100, $0x38;
	[tilespmem:$0x1C200] =	vst v63  }
0x45: {  	_ =	swait.ge [sflag:s20], $0x100  }
0x46: {  	[sflag:s20] =	ssyncset.done $0x0  }
0x47: {  	[sflag:s20] =	ssyncadd.s32 $0xFFFFFF00  }
0x48: {  	[tilespmem:s19], [sflag:$0x1] =	stream.indirect.gather [hbm4b:s4+s21], $0x80, s3, s21, $0xb8;
	[tilespmem:$0x1C200] =	vst v63  }
0x49: {  	_ =	swait.ge [sflag:s22], $0x8000  }
.Ltmp0:
0x4a: {  	[sflag:s22] =	ssyncset.done $0x0;
	(pc) =	sbr.rel @p0 .LBB2_2-.Ltmp0, $4  }
0x4b: {  	[sflag:s22] =	ssyncadd.s32 $0xFFFF8000  }
0x4c: {  	[spmem:s2] =	stream.indirect.scatter.add.f32 [tilespmem:s19], [sflag:$0x2], $0x80, s21, s21, $0xb8;
	[tilespmem:$0x1C200] =	vst v63  }
0x4d: {  	_ =	swait.ge [sflag:s20], $0x8000  }
0x4e: {  	s25 =	smov.u32 s29;
	[sflag:s20] =	ssyncset.done $0x0  }
0x4f: {  	s25 =	sadd.s32 s24, s18;
	[sflag:s20] =	ssyncadd.s32 $0xFFFF8000  }
0x50: {  	[tilespmem:s3], [sflag:$0x2] =	stream.linear.gather [hbm4b:s25+s3], $0x100, $0x38;
	[tilespmem:$0x1C200] =	vst v63  }
0x51: {  	_ =	swait.ge [sflag:s20], $0x100  }
0x52: {  	[sflag:s20] =	ssyncset.done $0x0  }
0x53: {  	s31 =	sadd.s32 s24, s17;
	[sflag:s20] =	ssyncadd.s32 $0xFFFFFF00  }
0x54: {  	[tilespmem:s21], [sflag:$0x2] =	stream.linear.gather [hbm4b:s31+s3], $0x100, $0x38;
	[tilespmem:$0x1C200] =	vst v63  }
0x55: {  	_ =	swait.ge [sflag:s20], $0x100  }
0x56: {  	[sflag:s20] =	ssyncset.done $0x0  }
0x57: {  	[sflag:s20] =	ssyncadd.s32 $0xFFFFFF00  }
0x58: {  	[tilespmem:s19], [sflag:$0x1] =	stream.indirect.gather [hbm4b:s4+s21], $0x80, s3, s21, $0xb8;
	[tilespmem:$0x1C200] =	vst v63  }
0x59: {  	_ =	swait.ge [sflag:s22], $0x8000  }
0x5a: {  	[sflag:s22] =	ssyncset.done $0x0  }
0x5b: {  	[sflag:s22] =	ssyncadd.s32 $0xFFFF8000  }
0x5c: {  	[spmem:s2] =	stream.indirect.scatter.add.f32 [tilespmem:s19], [sflag:$0x2], $0x80, s21, s21, $0xb8;
	[tilespmem:$0x1C200] =	vst v63  }
0x5d: {  	_ =	swait.ge [sflag:s20], $0x8000  }
0x5e: {  	[sflag:s20] =	ssyncset.done $0x0  }
0x5f: {  	[sflag:s20] =	ssyncadd.s32 $0xFFFF8000  }
0x60: {  	[bflag:$0x0] =	sbarrier.arrive $0xFFFF  }
0x61: {  	[tilespmem:s19], [sflag:$0x2] =	stream.linear.gather [spmem:s6], $0x4000, $0x38;
	[tilespmem:$0x1C200] =	vst v63  }
0x62: {  	_ =	swait.ge [sflag:s20], $0x4000  }
0x63: {  	[sflag:s20] =	ssyncset.done $0x0  }
0x64: {  	[sflag:s20] =	ssyncadd.s32 $0xFFFFC000  }
0x65: {  	[hbm4b:s11+s3] =	stream.linear.scatter [tilespmem:s19], [sflag:$0x2], $0x4000, $0x38;
	[tilespmem:$0x1C200] =	vst v63  }
0x66: {  	_ =	swait.ge [sflag:s20], $0x4000  }
0x67: {  	[sflag:s20] =	ssyncset.done $0x0  }
0x68: {  	[sflag:s20] =	ssyncadd.s32 $0xFFFFC000  }
0x69: {  	[tilespmem:s19], [sflag:$0x2] =	stream.linear.gather [spmem:s7], $0x4000, $0x38;
	[tilespmem:$0x1C200] =	vst v63  }
0x6a: {  	_ =	swait.ge [sflag:s20], $0x4000  }
0x6b: {  	[sflag:s20] =	ssyncset.done $0x0  }
0x6c: {  	[sflag:s20] =	ssyncadd.s32 $0xFFFFC000  }
0x6d: {  	[hbm4b:s12+s3] =	stream.linear.scatter [tilespmem:s19], [sflag:$0x2], $0x4000, $0x38;
	[tilespmem:$0x1C200] =	vst v63  }
0x6e: {  	_ =	swait.ge [sflag:s20], $0x4000  }
0x6f: {  	[sflag:s20] =	ssyncset.done $0x0  }
0x70: {  	[sflag:s20] =	ssyncadd.s32 $0xFFFFC000  }
0x71: {  	[tilespmem:s19], [sflag:$0x2] =	stream.linear.gather [spmem:s8], $0x4000, $0x38;
	[tilespmem:$0x1C200] =	vst v63  }
0x72: {  	_ =	swait.ge [sflag:s20], $0x4000  }
0x73: {  	[sflag:s20] =	ssyncset.done $0x0  }
0x74: {  	[sflag:s20] =	ssyncadd.s32 $0xFFFFC000  }
0x75: {  	[hbm4b:s13+s3] =	stream.linear.scatter [tilespmem:s19], [sflag:$0x2], $0x4000, $0x38;
	[tilespmem:$0x1C200] =	vst v63  }
0x76: {  	_ =	swait.ge [sflag:s20], $0x4000  }
0x77: {  	[sflag:s20] =	ssyncset.done $0x0  }
0x78: {  	[sflag:s20] =	ssyncadd.s32 $0xFFFFC000  }
0x79: {  	[tilespmem:s19], [sflag:$0x2] =	stream.linear.gather [spmem:s9], $0x4000, $0x38;
	[tilespmem:$0x1C200] =	vst v63  }
0x7a: {  	_ =	swait.ge [sflag:s20], $0x4000  }
0x7b: {  	[sflag:s20] =	ssyncset.done $0x0  }
0x7c: {  	[sflag:s20] =	ssyncadd.s32 $0xFFFFC000  }
0x7d: {  	[hbm4b:s14+s3] =	stream.linear.scatter [tilespmem:s19], [sflag:$0x2], $0x4000, $0x38;
	[tilespmem:$0x1C200] =	vst v63  }
0x7e: {  	_ =	swait.ge [sflag:s20], $0x4000  }
0x7f: {  	[sflag:s20] =	ssyncset.done $0x0  }
0x80: {  	[sflag:s20] =	ssyncadd.s32 $0xFFFFC000  }
0x81: {  	[tilespmem:s19], [sflag:$0x2] =	stream.linear.gather [spmem:s10], $0x4000, $0x38;
	[tilespmem:$0x1C200] =	vst v63  }
0x82: {  	s23 =	sadd.s32 $0x1, s23;
	_ =	swait.ge [sflag:s20], $0x4000  }
0x83: {  	p0 =	sne.s32 s23, s16;
	[sflag:s20] =	ssyncset.done $0x0  }
.Ltmp1:
0x84: {  	[sflag:s20] =	ssyncadd.s32 $0xFFFFC000;
	(pc) =	sbr.rel @p0 .LBB2_1-.Ltmp1, $4  }
0x85: {  	[hbm4b:s15+s3] =	stream.linear.scatter [tilespmem:s19], [sflag:$0x2], $0x4000, $0x38;
	[tilespmem:$0x1C200] =	vst v63  }
0x86: {  	_ =	swait.ge [sflag:s20], $0x4000  }
0x87: {  	[sflag:s20] =	ssyncset.done $0x0  }
0x88: {  	[sflag:s20] =	ssyncadd.s32 $0xFFFFC000  }
0x89: {  	_ =	sfence.sel $0x180000  }
0x8a: {  	[bflag:$0x0] =	sbarrier.arrive $0xFFFF  }
0x8b: {  	p0 =	sne.s32 s0, $0x0;
	_ =	strace $0x90000050  }
0x8c: {  	s0 =	sadd.s32 @!p0 $0x100000, s1;
	[bflag:$0x2] =	sbarrier.arrive $0xFFFF  }
0x8d: {  	[sflag:s0] =	ssyncadd.tile.s32 @!p0 $0x1;
	_ =	shalt  }
.Lfunc_end2:
_tile_overlayer_lowered:
.L_overlay_start_2:
0x8e: {  	(tag) =	ssettag $0x2  }
0x8f: {  	s0 =	rddreg [dreg:$0x0];
	s2 =	stileid.u32  }
0x90: {  	s1 =	rddreg [dreg:$0x1];
	p0 =	sne.s32 s2, $0x0  }
0x91: {  	s3 =	rddreg [dreg:$0x2];
	[bflag:$0x3] =	sbarrier.arrive $0xFFFF;
	s2 =	simm.s32 @!p0 $0x1C02  }
0x92: {  	[timem:s3], [sflag:s2] =	dma.local @!p0 [hbm:s0], s1  }
0x93: {  	s0 =	simm.s32 @!p0 $0x2  }
0x94: {  	_ =	swait.ge @!p0 [sflag:s0], s1  }
0x95: {  	s1 =	ssub.s32 @!p0 $0x0, s1;
	[sflag:s0] =	ssyncset.done @!p0 $0x0  }
0x96: {  	[sflag:s0] =	ssyncadd.s32 @!p0 s1  }
0x97: {  	[bflag:$0x3] =	sbarrier.arrive $0xFFFF  }
0x98: {  	_ =	shalt  }

// kernel: kernel.9.cloned.1.call-start
scs
__scs_entry_jumppad:
0x0: {  	(pc) =	sbr.rel $0x88, $3  }
0x1: {  	(tag) =	ssettag $0x0;
	lr =	simm.s32 $0x1  }
0x2: {  	[smem:$0x3F96] =	sst lr;
	_ =	strace $0xD0000000  }
0x3: {  	_ = 	snop  }
0x4: {  	_ = 	snop  }
0x5: {  	_ = 	snop  }
0x6: {  	_ = 	snop  }
0x7: {  	_ = 	snop  }
__scs_overlays_trampoline_lowered:
0x8: {  	[smem:$0x3FA5] =	sst s0  }
0x9: {  	[smem:$0x3FA6] =	sst s1  }
0xa: {  	[smem:$0x3FA7] =	sst s2  }
0xb: {  	[smem:$0x3FA8] =	sst s3  }
0xc: {  	[smem:$0x3FA9] =	sst s4  }
0xd: {  	[smem:$0x3FAA] =	sst s5  }
0xe: {  	[smem:$0x3FAB] =	sst s6  }
0xf: {  	[smem:$0x3FAC] =	sst s7  }
0x10: {  	[smem:$0x3FAD] =	sst s8  }
0x11: {  	[smem:$0x3FAE] =	sst s9;
	s0 =	simm.s32 @!p0 $0x0  }
0x12: {  	s1 =	sld [smem:$0x3F94];
	s0 =	simm.s32 @p0 $0x1  }
0x13: {  	[smem:$0x3FAF] =	sst s0;
	s0 =	simm.s32 @!p1 $0x0  }
0x14: {  	s2 =	sld [smem:$0x3F93];
	s0 =	simm.s32 @p1 $0x1  }
0x15: {  	[smem:$0x3FB0] =	sst s0;
	s0 =	simm.s32 @!p2 $0x0  }
0x16: {  	s3 =	sld [smem:$0x3FDB];
	s0 =	simm.s32 @p2 $0x1  }
0x17: {  	s4 =	simm.s32 $0x1BF5;
	[smem:$0x3FB2] =	sst s0  }
0x18: {  	s0 =	sld [smem:$0x3F95];
	_ =	swait.ge [sflag:s4], $0x0  }
0x19: {  	s7 =	sld [smem:$0x3F96]  }
0x1a: {  	s8 =	sadd.s32 $0xFFFFE003, lr  }
0x1b: {  	s9 =	sadd.s32 $0xFFFFFEF7, lr;
	s5 =	simm.s32 $0xFFFFFFFF;
	p2 =	slt.u32 s8, $0xFFFFF086  }
0x1c: {  	p1 =	slt.u32 s9, $0xF7A;
	s5 =	simm.s32 @!p2 $0x0  }
0x1d: {  	s5 =	simm.s32 @p1 $0x1;
	p0 =	seq.s32 s7, s2  }
0x1e: {  	s7 =	smul.u32 @!p0 $0xF7A, s2;
	p2 =	seq.s32 @!p0 s5, $0x0  }
0x1f: {  	s9 =	smul.u32 $0xF7A, s1;
	s8 =	simm.s32 @!p0 $0x1BF5;
	p2 =	por !p2, p0  }
0x20: {  	[sflag:s8] =	ssyncset.s32 @!p0 $0xFFFFF086;
	s6 =	sadd.s32 @!p0 s3, s7;
	s7 =	simm.s32 @!p0 $0x108  }
0x21: {  	s3 =	sadd.s32 s3, s9;
	s6 =	sadd.s32 @!p0 $0x88, s6;
	s7 =	simm.s32 @p2 $0x1082  }
0x22: {  	[simem:s7], [sflag:s8] =	dma.local @!p0 [hbm:s6], $0xF7A  }
0x23: {  	s9 =	sor.u32 $0xD0000000, s2;
	s6 =	simm.s32 $0x108;
	_ =	swait.ge @!p0 [sflag:s8], $0x0  }
0x24: {  	s3 =	sadd.s32 $0x88, s3;
	s6 =	simm.s32 @!p1 $0x1082;
	[sflag:s4] =	ssyncset.s32 $0xFFFFF086  }
0x25: {  	[simem:s6], [sflag:s4] =	dma.local [hbm:s3], $0xF7A  }
0x26: {  	[smem:$0x3F96] =	sst s1;
	(tag) =	ssettag s2;
	_ =	strace s9  }
0x27: {  	s1 =	sld [smem:$0x3FA6]  }
0x28: {  	s2 =	sld [smem:$0x3FA7]  }
0x29: {  	s4 =	sld [smem:$0x3FA9]  }
0x2a: {  	p0 =	seq.s32 s5, $0x0;
	s5 =	sld [smem:$0x3FAA]  }
0x2b: {  	s6 =	sld [smem:$0x3FAB]  }
0x2c: {  	s7 =	sld [smem:$0x3FAC]  }
0x2d: {  	s3 =	simm.s32 $0x108;
	s8 =	sld [smem:$0x3FAD]  }
0x2e: {  	s3 =	simm.s32 @!p0 $0x1082;
	s9 =	sld [smem:$0x3FAE]  }
0x2f: {  	lr =	sadd.s32 s0, s3;
	s0 =	sld [smem:$0x3FA5]  }
0x30: {  	s3 =	sld [smem:$0x3FA8]  }
0x31: {  	[smem:$0x3FB1] =	sst s10  }
0x32: {  	s10 =	sld [smem:$0x3FAF];
	_ =	sdelay $0x3  }
0x33: {  	p0 =	seq.s32 s10, $0x1;
	s10 =	sld [smem:$0x3FB1];
	_ =	sdelay $0x3  }
0x34: {  	[smem:$0x3FB1] =	sst s10  }
0x35: {  	s10 =	sld [smem:$0x3FB0];
	_ =	sdelay $0x3  }
0x36: {  	p1 =	seq.s32 s10, $0x1;
	s10 =	sld [smem:$0x3FB1];
	_ =	sdelay $0x3  }
0x37: {  	[smem:$0x3FB1] =	sst s10  }
0x38: {  	s10 =	sld [smem:$0x3FB2]  }
0x39: {  	_ = 	snop;
	(pc) =	sbr.ind lr, $3  }
0x3a: {  	_ = 	snop  }
0x3b: {  	_ = 	snop  }
0x3c: {  	p2 =	seq.s32 s10, $0x1;
	s10 =	sld [smem:$0x3FB1]  }
0x3d: {  	_ =	shalt  }
0x3e: {  	_ =	shalt  }
0x3f: {  	_ =	shalt  }
0x40: {  	_ =	shalt  }
0x41: {  	_ =	shalt  }
0x42: {  	_ =	shalt  }
0x43: {  	_ =	shalt  }
0x44: {  	_ =	shalt  }
0x45: {  	_ =	shalt  }
0x46: {  	_ =	shalt  }
0x47: {  	_ =	shalt  }
0x48: {  	_ =	shalt  }
0x49: {  	_ =	shalt  }
0x4a: {  	_ =	shalt  }
0x4b: {  	_ =	shalt  }
0x4c: {  	_ =	shalt  }
0x4d: {  	_ =	shalt  }
0x4e: {  	_ =	shalt  }
0x4f: {  	_ =	shalt  }
0x50: {  	_ =	shalt  }
0x51: {  	_ =	shalt  }
0x52: {  	_ =	shalt  }
0x53: {  	_ =	shalt  }
0x54: {  	_ =	shalt  }
0x55: {  	_ =	shalt  }
0x56: {  	_ =	shalt  }
0x57: {  	_ =	shalt  }
0x58: {  	_ =	shalt  }
0x59: {  	_ =	shalt  }
0x5a: {  	_ =	shalt  }
0x5b: {  	_ =	shalt  }
0x5c: {  	_ =	shalt  }
0x5d: {  	_ =	shalt  }
0x5e: {  	_ =	shalt  }
0x5f: {  	_ =	shalt  }
0x60: {  	_ =	shalt  }
0x61: {  	_ =	shalt  }
0x62: {  	_ =	shalt  }
0x63: {  	_ =	shalt  }
0x64: {  	_ =	shalt  }
0x65: {  	_ =	shalt  }
0x66: {  	_ =	shalt  }
0x67: {  	_ =	shalt  }
0x68: {  	_ =	shalt  }
0x69: {  	_ =	shalt  }
0x6a: {  	_ =	shalt  }
0x6b: {  	_ =	shalt  }
0x6c: {  	_ =	shalt  }
0x6d: {  	_ =	shalt  }
0x6e: {  	_ =	shalt  }
0x6f: {  	_ =	shalt  }
0x70: {  	_ =	shalt  }
0x71: {  	_ =	shalt  }
0x72: {  	_ =	shalt  }
0x73: {  	_ =	shalt  }
0x74: {  	_ =	shalt  }
0x75: {  	_ =	shalt  }
0x76: {  	_ =	shalt  }
0x77: {  	_ =	shalt  }
0x78: {  	_ =	shalt  }
0x79: {  	_ =	shalt  }
0x7a: {  	_ =	shalt  }
0x7b: {  	_ =	shalt  }
0x7c: {  	_ =	shalt  }
0x7d: {  	_ =	shalt  }
0x7e: {  	_ =	shalt  }
0x7f: {  	_ =	shalt  }
0x80: {  	_ =	shalt  }
0x81: {  	_ =	shalt  }
0x82: {  	_ =	shalt  }
0x83: {  	_ =	shalt  }
0x84: {  	_ =	shalt  }
0x85: {  	_ =	shalt  }
0x86: {  	_ =	shalt  }
0x87: {  	_ =	shalt  }
.Lfunc_end0:
.L_simem_size_0:
called_computation_lowered:
.L_overlay_start_0:
0x88: {  	s2 =	sld [smem:$0x3FD9]  }
0x89: {  	s3 =	sld [smem:$0x3FFE];
	_ =	sdelay $0x1  }
0x8a: {  	s1 =	srdreg.scid  }
0x8b: {  	s0 =	sand.u32 $0x1, s1  }
0x8c: {  	s17 =	sshll.u32 s0, $0xA;
	s2 =	sadd.s32 s3, s2  }
0x8d: {  	s2 =	sadd.s32 s2, s17  }
0x8e: {  	[smem:$0x3FBD] =	sst s2  }
0x8f: {  	_ = 	snop  }
0x90: {  	s2 =	sld [smem:$0x3FD0];
	(tm) =	ssettm $0x1  }
0x91: {  	s18 =	sld [smem:$0x3FFB];
	_ =	sdelay $0x3  }
0x92: {  	_ =	strace s18  }
0x93: {  	s3 =	sld [smem:$0x3FFC];
	_ =	sdelay $0x3  }
0x94: {  	_ =	strace s3  }
0x95: {  	s3 =	sld [smem:$0x3FFD];
	_ =	sdelay $0x3  }
0x96: {  	_ =	strace s3  }
0x97: {  	_ =	strace $0x8FFFFFFF  }
0x98: {  	s19 =	sld [smem:$0x3FDB];
	_ =	sdelay $0x1  }
0x99: {  	s4 =	simm.s32 $_scs_section_size  }
0x9a: {  	s5 =	simm.s32 $_size__tile_overlayer_lowered;
	s6 =	simm.s32 $_tile_overlayer_lowered  }
0x9b: {  	s22 =	simm.s32 $0x1BFF;
	s21 =	sshll.u32 s6, $0x1;
	s3 =	sadd.s32 s4, s19  }
0x9c: {  	s7 =	simm.s32 $0x0;
	s20 =	sshll.u32 s5, $0x1;
	s5 =	sadd.s32 s21, s3  }
0x9d: {  	[timem:s7], [sflag:s22] =	dma.local [hbm:s5], s20  }
0x9e: {  	_ =	swait.ge [sflag:s22], s20  }
0x9f: {  	s4 =	ssub.s32 $0x0, s20;
	[sflag:s22] =	ssyncset.done $0x0  }
0xa0: {  	[sflag:s22] =	ssyncadd.s32 s4;
	_ =	sdelay $0x1  }
0xa1: {  	s23 =	simm.s32 $0x1B8B  }
0xa2: {  	_ =	swait.ge [sflag:s23], $0x1  }
0xa3: {  	[sflag:s23] =	ssyncset.done $0x0  }
0xa4: {  	s25 =	simm.s32 $0x1B8E;
	s24 =	sld [smem:$0x3FFE];
	[sflag:s23] =	ssyncadd.s32 $0xFFFFFFFF  }
0xa5: {  	s26 =	simm.s32 $execute0_lowered;
	[smem:$0x3FD2] =	sst s25  }
0xa6: {  	s5 =	sshll.u32 s26, $0x1;
	_ =	strace $0x80000046;
	[dreg:$0x1] =	wrdreg $0xFFFFFFFF  }
0xa7: {  	s28 =	simm.s32 $_size_execute0_lowered;
	s3 =	sadd.s32 s3, s5;
	[dreg:$0x0] =	wrdreg $0x0  }
0xa8: {  	s5 =	sshll.u32 s28, $0x1;
	[dreg:$0x2] =	wrdreg s3  }
0xa9: {  	[dreg:$0x3] =	wrdreg s5  }
0xaa: {  	[dreg:$0x4] =	wrdreg $0xC0  }
0xab: {  	_ =	task [dreg:s7], $0x5FFFF  }
0xac: {  	[dreg:$0x1] =	wrdreg $0xFFFFFFFF  }
0xad: {  	[dreg:$0x0] =	wrdreg $0x60  }
0xae: {  	[dreg:$0x2] =	wrdreg s24  }
0xaf: {  	[dreg:$0x3] =	wrdreg s2  }
0xb0: {  	[dreg:$0x4] =	wrdreg $0x82000  }
0xb1: {  	[dreg:$0x5] =	wrdreg $0x9  }
0xb2: {  	_ =	task.clear_ibuf [dreg:s7], $0x6FFFF;
	_ =	strace $0x90000046  }
0xb3: {  	s29 =	simm.s32 $0x9;
	_ =	strace $0x80000048  }
0xb4: {  	_ =	swait.ge [sflag:s29], $0x1  }
0xb5: {  	[sflag:s29] =	ssyncadd.s32 $0xFFFFFFFF  }
0xb6: {  	_ =	strace $0x90000048  }
0xb7: {  	_ =	sfence  }
0xb8: {  	s30 =	sld [smem:$0x0];
	_ =	sdelay $0x2  }
0xb9: {  	s31 =	sshll.u32 s1, $0xD;
	s1 =	sshrl.u32 s1, $0x2  }
0xba: {  	s3 =	sand.u32 $0x4000, s31;
	s1 =	sadd.s32 s1, s30  }
0xbb: {  	s0 =	sor.u32 s3, s0;
	s1 =	sshll.u32 s1, $0x11  }
0xbc: {  	s0 =	sor.u32 s1, s0  }
0xbd: {  	s0 =	sadd.s32 $0x8F2B, s0  }
0xbe: {  	[sflag:s0] =	ssyncadd.remote.s32 $0x1  }
0xbf: {  	_ =	sfence.sel $0xFFFF  }
0xc0: {  	[dreg:$0x0] =	wrdreg $0xFFFFFFFF;
	(pc) =	sbr.abs _section_cstart, $3  }
0xc1: {  	[dreg:$0x1] =	wrdreg $0xFFFFFFFF  }
0xc2: {  	_ =	task.clear_ibuf [dreg:s7], $0x2FFFF;
	_ =	strace $0x9FFFFFFF  }
0xc3: {  	(tm) =	ssettm $0x7FFFFFFF  }
tec
execute0_lowered:
.L_overlay_start_1:
0x0: {  	(tag) =	ssettag $0x1  }
0x1: {  	s6 =	rddreg [dreg:$0x0]  }
0x2: {  	s18 =	rddreg [dreg:$0x1]  }
0x3: {  	s0 =	srdreg.scid;
	s2 =	rddreg [dreg:$0x2]  }
0x4: {  	s1 =	rddreg [dreg:$0x3];
	s7 =	sand.u32 $0x1, s0  }
0x5: {  	s3 =	simm.s32 $0x0;
	s0 =	stileid.u32;
	s4 =	smul.u32 $0x28000, s7  }
0x6: {  	s22 =	simm.s32 $0x1;
	s23 =	simm.s32 $0x0;
	s5 =	smul.u32 $0x2800, s0  }
0x7: {  	[smem:$0x7FF] =	sst s3;
	s15 =	sadd.s32 $0x35A00, s6;
	s9 =	smul.u32 $0x50000, s0  }
0x8: {  	_ =	strace $0x80000047;
	s8 =	ssub.s32 $0x2, s7;
	s11 =	smul.u32 $0x14000, s0  }
0x9: {  	s13 =	smul.u32 $0x140000, s7;
	s10 =	sshrl.u32 s8, $0x1;
	s5 =	sadd.s32 s5, s4  }
0xa: {  	s4 =	sadd.s32 $0xDA00, s6;
	s16 =	ssub.s32 s8, s10;
	s26 =	sshrl.u32 s9, $0x2  }
0xb: {  	s28 =	sadd.s32 $0x4000, s11;
	s14 =	sadd.s32 $0x8000, s11;
	s20 =	sadd.s32 $0xC000, s11  }
0xc: {  	s12 =	sadd.s32 s11, s13;
	s21 =	sadd.s32 $0x10000, s11;
	s19 =	sshrl.u32 s5, $0x3  }
0xd: {  	s5 =	sadd.s32 $0xD200, s6;
	s7 =	sadd.s32 s28, s2;
	s8 =	sadd.s32 s14, s2  }
0xe: {  	s9 =	sadd.s32 s20, s2;
	s29 =	sshrl.u32 s12, $0x3;
	s30 =	sadd.s32 s13, s28  }
0xf: {  	s10 =	sadd.s32 s21, s2;
	s14 =	sadd.s32 s13, s14;
	s20 =	sadd.s32 s13, s20  }
0x10: {  	s21 =	sadd.s32 s13, s21;
	s16 =	smax.u32 s16, $0x1;
	s17 =	sadd.s32 s19, s6  }
0x11: {  	s6 =	sadd.s32 s26, s2;
	s11 =	sadd.s32 s15, s29;
	s12 =	sshrl.u32 s30, $0x3  }
0x12: {  	s14 =	sshrl.u32 s14, $0x3;
	s20 =	sshrl.u32 s20, $0x3;
	s31 =	sshrl.u32 s21, $0x3  }
0x13: {  	s18 =	sadd.s32 s19, s18;
	s19 =	simm.s32 $0x200;
	s21 =	simm.s32 $0x100  }
0x14: {  	s12 =	sadd.s32 s15, s12;
	s13 =	sadd.s32 s15, s14;
	s14 =	sadd.s32 s15, s20  }
0x15: {  	s15 =	sadd.s32 s15, s31;
	s17 =	sadd.s32 $0x3200, s17;
	s20 =	simm.s32 $0x2  }
.LBB2_1:
0x16: {  	[tilespmem:s19], [sflag:$0x2] =	stream.linear.gather [hbm4b:s5+s3], $0x4000, $0x38;
	[tilespmem:$0x1C200] =	vst v63  }
0x17: {  	_ =	swait.ge [sflag:s20], $0x4000  }
0x18: {  	[sflag:s20] =	ssyncset.done $0x0  }
0x19: {  	[sflag:s20] =	ssyncadd.s32 $0xFFFFC000  }
0x1a: {  	[spmem:s6] =	stream.linear.scatter [tilespmem:s19], [sflag:$0x2], $0x4000, $0x38;
	[tilespmem:$0x1C200] =	vst v63  }
0x1b: {  	_ =	swait.ge [sflag:s20], $0x4000  }
0x1c: {  	[sflag:s20] =	ssyncset.done $0x0  }
0x1d: {  	[sflag:s20] =	ssyncadd.s32 $0xFFFFC000  }
0x1e: {  	[spmem:s7] =	stream.linear.scatter [tilespmem:s19], [sflag:$0x2], $0x4000, $0x38;
	[tilespmem:$0x1C200] =	vst v63  }
0x1f: {  	_ =	swait.ge [sflag:s20], $0x4000  }
0x20: {  	[sflag:s20] =	ssyncset.done $0x0  }
0x21: {  	[sflag:s20] =	ssyncadd.s32 $0xFFFFC000  }
0x22: {  	[spmem:s8] =	stream.linear.scatter [tilespmem:s19], [sflag:$0x2], $0x4000, $0x38;
	[tilespmem:$0x1C200] =	vst v63  }
0x23: {  	_ =	swait.ge [sflag:s20], $0x4000  }
0x24: {  	[sflag:s20] =	ssyncset.done $0x0  }
0x25: {  	[sflag:s20] =	ssyncadd.s32 $0xFFFFC000  }
0x26: {  	[spmem:s9] =	stream.linear.scatter [tilespmem:s19], [sflag:$0x2], $0x4000, $0x38;
	[tilespmem:$0x1C200] =	vst v63  }
0x27: {  	_ =	swait.ge [sflag:s20], $0x4000  }
0x28: {  	[sflag:s20] =	ssyncset.done $0x0  }
0x29: {  	[sflag:s20] =	ssyncadd.s32 $0xFFFFC000  }
0x2a: {  	[spmem:s10] =	stream.linear.scatter [tilespmem:s19], [sflag:$0x2], $0x4000, $0x38;
	[tilespmem:$0x1C200] =	vst v63  }
0x2b: {  	_ =	swait.ge [sflag:s20], $0x4000  }
0x2c: {  	[sflag:s20] =	ssyncset.done $0x0  }
0x2d: {  	[sflag:s20] =	ssyncadd.s32 $0xFFFFC000  }
0x2e: {  	s24 =	sadd.s32 $0x0, s18;
	[bflag:$0x0] =	sbarrier.arrive $0xFFFF  }
0x2f: {  	[tilespmem:s3], [sflag:$0x2] =	stream.linear.gather [hbm4b:s24+s3], $0x100, $0x38;
	[tilespmem:$0x1C200] =	vst v63  }
0x30: {  	_ =	swait.ge [sflag:s20], $0x100  }
0x31: {  	[sflag:s20] =	ssyncset.done $0x0  }
0x32: {  	s31 =	sadd.s32 $0x0, s17;
	[sflag:s20] =	ssyncadd.s32 $0xFFFFFF00  }
0x33: {  	[tilespmem:s21], [sflag:$0x2] =	stream.linear.gather [hbm4b:s31+s3], $0x100, $0x38;
	[tilespmem:$0x1C200] =	vst v63  }
0x34: {  	_ =	swait.ge [sflag:s20], $0x100  }
0x35: {  	[sflag:s20] =	ssyncset.done $0x0  }
0x36: {  	[sflag:s20] =	ssyncadd.s32 $0xFFFFFF00  }
0x37: {  	[tilespmem:s19], [sflag:$0x1] =	stream.indirect.gather [hbm4b:s4+s21], $0x80, s3, s21, $0xb8;
	[tilespmem:$0x1C200] =	vst v63  }
0x38: {  	_ =	swait.ge [sflag:s22], $0x8000  }
0x39: {  	[sflag:s22] =	ssyncset.done $0x0  }
0x3a: {  	[sflag:s22] =	ssyncadd.s32 $0xFFFF8000  }
0x3b: {  	[spmem:s2] =	stream.indirect.scatter.add.f32 [tilespmem:s19], [sflag:$0x2], $0x80, s21, s21, $0xb8;
	[tilespmem:$0x1C200] =	vst v63  }
0x3c: {  	_ =	swait.ge [sflag:s20], $0x8000  }
0x3d: {  	s25 =	simm.s32 $0x40;
	s24 =	simm.s32 $0x20;
	[sflag:s20] =	ssyncset.done $0x0  }
.LBB2_2:
0x3e: {  	s26 =	sadd.s32 s24, s18  }
0x3f: {  	[sflag:s20] =	ssyncadd.s32 $0xFFFF8000;
	s28 =	smov.u32 s25;
	s29 =	sadd.s32 $0x20, s25  }
0x40: {  	[tilespmem:s3], [sflag:$0x2] =	stream.linear.gather [hbm4b:s26+s3], $0x100, $0x38;
	[tilespmem:$0x1C200] =	vst v63  }
0x41: {  	p0 =	sne.s32 s25, $0x4E0;
	_ =	swait.ge [sflag:s20], $0x100  }
0x42: {  	[sflag:s20] =	ssyncset.done $0x0  }
0x43: {  	s25 =	sadd.s32 s24, s17;
	s24 =	smov.u32 s28;
	[sflag:s20] =	ssyncadd.s32 $0xFFFFFF00  }
0x44: {  	[tilespmem:s21], [sflag:$0x2] =	stream.linear.gather [hbm4b:s25+s3], $0x100, $0x38;
	[tilespmem:$0x1C200] =	vst v63  }
0x45: {  	_ =	swait.ge [sflag:s20], $0x100  }
0x46: {  	[sflag:s20] =	ssyncset.done $0x0  }
0x47: {  	[sflag:s20] =	ssyncadd.s32 $0xFFFFFF00  }
0x48: {  	[tilespmem:s19], [sflag:$0x1] =	stream.indirect.gather [hbm4b:s4+s21], $0x80, s3, s21, $0xb8;
	[tilespmem:$0x1C200] =	vst v63  }
0x49: {  	_ =	swait.ge [sflag:s22], $0x8000  }
.Ltmp0:
0x4a: {  	[sflag:s22] =	ssyncset.done $0x0;
	(pc) =	sbr.rel @p0 .LBB2_2-.Ltmp0, $4  }
0x4b: {  	[sflag:s22] =	ssyncadd.s32 $0xFFFF8000  }
0x4c: {  	[spmem:s2] =	stream.indirect.scatter.add.f32 [tilespmem:s19], [sflag:$0x2], $0x80, s21, s21, $0xb8;
	[tilespmem:$0x1C200] =	vst v63  }
0x4d: {  	_ =	swait.ge [sflag:s20], $0x8000  }
0x4e: {  	s25 =	smov.u32 s29;
	[sflag:s20] =	ssyncset.done $0x0  }
0x4f: {  	s25 =	sadd.s32 s24, s18;
	[sflag:s20] =	ssyncadd.s32 $0xFFFF8000  }
0x50: {  	[tilespmem:s3], [sflag:$0x2] =	stream.linear.gather [hbm4b:s25+s3], $0x100, $0x38;
	[tilespmem:$0x1C200] =	vst v63  }
0x51: {  	_ =	swait.ge [sflag:s20], $0x100  }
0x52: {  	[sflag:s20] =	ssyncset.done $0x0  }
0x53: {  	s31 =	sadd.s32 s24, s17;
	[sflag:s20] =	ssyncadd.s32 $0xFFFFFF00  }
0x54: {  	[tilespmem:s21], [sflag:$0x2] =	stream.linear.gather [hbm4b:s31+s3], $0x100, $0x38;
	[tilespmem:$0x1C200] =	vst v63  }
0x55: {  	_ =	swait.ge [sflag:s20], $0x100  }
0x56: {  	[sflag:s20] =	ssyncset.done $0x0  }
0x57: {  	[sflag:s20] =	ssyncadd.s32 $0xFFFFFF00  }
0x58: {  	[tilespmem:s19], [sflag:$0x1] =	stream.indirect.gather [hbm4b:s4+s21], $0x80, s3, s21, $0xb8;
	[tilespmem:$0x1C200] =	vst v63  }
0x59: {  	_ =	swait.ge [sflag:s22], $0x8000  }
0x5a: {  	[sflag:s22] =	ssyncset.done $0x0  }
0x5b: {  	[sflag:s22] =	ssyncadd.s32 $0xFFFF8000  }
0x5c: {  	[spmem:s2] =	stream.indirect.scatter.add.f32 [tilespmem:s19], [sflag:$0x2], $0x80, s21, s21, $0xb8;
	[tilespmem:$0x1C200] =	vst v63  }
0x5d: {  	_ =	swait.ge [sflag:s20], $0x8000  }
0x5e: {  	[sflag:s20] =	ssyncset.done $0x0  }
0x5f: {  	[sflag:s20] =	ssyncadd.s32 $0xFFFF8000  }
0x60: {  	[bflag:$0x0] =	sbarrier.arrive $0xFFFF  }
0x61: {  	[tilespmem:s19], [sflag:$0x2] =	stream.linear.gather [spmem:s6], $0x4000, $0x38;
	[tilespmem:$0x1C200] =	vst v63  }
0x62: {  	_ =	swait.ge [sflag:s20], $0x4000  }
0x63: {  	[sflag:s20] =	ssyncset.done $0x0  }
0x64: {  	[sflag:s20] =	ssyncadd.s32 $0xFFFFC000  }
0x65: {  	[hbm4b:s11+s3] =	stream.linear.scatter [tilespmem:s19], [sflag:$0x2], $0x4000, $0x38;
	[tilespmem:$0x1C200] =	vst v63  }
0x66: {  	_ =	swait.ge [sflag:s20], $0x4000  }
0x67: {  	[sflag:s20] =	ssyncset.done $0x0  }
0x68: {  	[sflag:s20] =	ssyncadd.s32 $0xFFFFC000  }
0x69: {  	[tilespmem:s19], [sflag:$0x2] =	stream.linear.gather [spmem:s7], $0x4000, $0x38;
	[tilespmem:$0x1C200] =	vst v63  }
0x6a: {  	_ =	swait.ge [sflag:s20], $0x4000  }
0x6b: {  	[sflag:s20] =	ssyncset.done $0x0  }
0x6c: {  	[sflag:s20] =	ssyncadd.s32 $0xFFFFC000  }
0x6d: {  	[hbm4b:s12+s3] =	stream.linear.scatter [tilespmem:s19], [sflag:$0x2], $0x4000, $0x38;
	[tilespmem:$0x1C200] =	vst v63  }
0x6e: {  	_ =	swait.ge [sflag:s20], $0x4000  }
0x6f: {  	[sflag:s20] =	ssyncset.done $0x0  }
0x70: {  	[sflag:s20] =	ssyncadd.s32 $0xFFFFC000  }
0x71: {  	[tilespmem:s19], [sflag:$0x2] =	stream.linear.gather [spmem:s8], $0x4000, $0x38;
	[tilespmem:$0x1C200] =	vst v63  }
0x72: {  	_ =	swait.ge [sflag:s20], $0x4000  }
0x73: {  	[sflag:s20] =	ssyncset.done $0x0  }
0x74: {  	[sflag:s20] =	ssyncadd.s32 $0xFFFFC000  }
0x75: {  	[hbm4b:s13+s3] =	stream.linear.scatter [tilespmem:s19], [sflag:$0x2], $0x4000, $0x38;
	[tilespmem:$0x1C200] =	vst v63  }
0x76: {  	_ =	swait.ge [sflag:s20], $0x4000  }
0x77: {  	[sflag:s20] =	ssyncset.done $0x0  }
0x78: {  	[sflag:s20] =	ssyncadd.s32 $0xFFFFC000  }
0x79: {  	[tilespmem:s19], [sflag:$0x2] =	stream.linear.gather [spmem:s9], $0x4000, $0x38;
	[tilespmem:$0x1C200] =	vst v63  }
0x7a: {  	_ =	swait.ge [sflag:s20], $0x4000  }
0x7b: {  	[sflag:s20] =	ssyncset.done $0x0  }
0x7c: {  	[sflag:s20] =	ssyncadd.s32 $0xFFFFC000  }
0x7d: {  	[hbm4b:s14+s3] =	stream.linear.scatter [tilespmem:s19], [sflag:$0x2], $0x4000, $0x38;
	[tilespmem:$0x1C200] =	vst v63  }
0x7e: {  	_ =	swait.ge [sflag:s20], $0x4000  }
0x7f: {  	[sflag:s20] =	ssyncset.done $0x0  }
0x80: {  	[sflag:s20] =	ssyncadd.s32 $0xFFFFC000  }
0x81: {  	[tilespmem:s19], [sflag:$0x2] =	stream.linear.gather [spmem:s10], $0x4000, $0x38;
	[tilespmem:$0x1C200] =	vst v63  }
0x82: {  	s23 =	sadd.s32 $0x1, s23;
	_ =	swait.ge [sflag:s20], $0x4000  }
0x83: {  	p0 =	sne.s32 s23, s16;
	[sflag:s20] =	ssyncset.done $0x0  }
.Ltmp1:
0x84: {  	[sflag:s20] =	ssyncadd.s32 $0xFFFFC000;
	(pc) =	sbr.rel @p0 .LBB2_1-.Ltmp1, $4  }
0x85: {  	[hbm4b:s15+s3] =	stream.linear.scatter [tilespmem:s19], [sflag:$0x2], $0x4000, $0x38;
	[tilespmem:$0x1C200] =	vst v63  }
0x86: {  	_ =	swait.ge [sflag:s20], $0x4000  }
0x87: {  	[sflag:s20] =	ssyncset.done $0x0  }
0x88: {  	[sflag:s20] =	ssyncadd.s32 $0xFFFFC000  }
0x89: {  	_ =	sfence.sel $0x180000  }
0x8a: {  	[bflag:$0x0] =	sbarrier.arrive $0xFFFF  }
0x8b: {  	p0 =	sne.s32 s0, $0x0;
	_ =	strace $0x90000047  }
0x8c: {  	s0 =	sadd.s32 @!p0 $0x100000, s1;
	[bflag:$0x2] =	sbarrier.arrive $0xFFFF  }
0x8d: {  	[sflag:s0] =	ssyncadd.tile.s32 @!p0 $0x1;
	_ =	shalt  }
.Lfunc_end2:
_tile_overlayer_lowered:
.L_overlay_start_2:
0x8e: {  	(tag) =	ssettag $0x2  }
0x8f: {  	s0 =	rddreg [dreg:$0x0];
	s2 =	stileid.u32  }
0x90: {  	s1 =	rddreg [dreg:$0x1];
	p0 =	sne.s32 s2, $0x0  }
0x91: {  	s3 =	rddreg [dreg:$0x2];
	[bflag:$0x3] =	sbarrier.arrive $0xFFFF;
	s2 =	simm.s32 @!p0 $0x1C02  }
0x92: {  	[timem:s3], [sflag:s2] =	dma.local @!p0 [hbm:s0], s1  }
0x93: {  	s0 =	simm.s32 @!p0 $0x2  }
0x94: {  	_ =	swait.ge @!p0 [sflag:s0], s1  }
0x95: {  	s1 =	ssub.s32 @!p0 $0x0, s1;
	[sflag:s0] =	ssyncset.done @!p0 $0x0  }
0x96: {  	[sflag:s0] =	ssyncadd.s32 @!p0 s1  }
0x97: {  	[bflag:$0x3] =	sbarrier.arrive $0xFFFF  }
0x98: {  	_ =	shalt  }

</sc_bundles>
